<compile_context>
chip_gen: v7x
topology: tpu7x:2x2x1
jax: 0.10.2.dev20260603
libtpu: 0.0.44.dev20260713+nightly
codegen_flags: <defaults>
</compile_context>

<pallas_src>
import functools

import jax
import jax.numpy as jnp
from jax import lax
from jax.experimental import pallas as pl
from jax.experimental.pallas import tpu as pltpu
from jax.experimental.pallas import tpu_sc as plsc

N = 10000
E = 320000
D = 128
DE = 16
G = 512
T = 10

NC = 2
NS = 16
NW = NC * NS
CH = 32
NCHT = 313
EPW = NCHT * CH
EPAD = NW * EPW
NP = 10240
RPT = NP // NS
LANES = 16


_EB = E // 20


def _encode_body(attr_t_ref, we_ref, out_ref):
    out_ref[...] = lax.dot_general(
        attr_t_ref[...], we_ref[...],
        dimension_numbers=(((0,), (0,)), ((), ())),
        preferred_element_type=jnp.float32)


def _encode(edge_attr_t, W_e):
    return pl.pallas_call(
        _encode_body,
        grid=(E // _EB,),
        in_specs=[
            pl.BlockSpec((DE, _EB), lambda i: (0, i)),
            pl.BlockSpec((DE, D), lambda i: (0, 0)),
        ],
        out_specs=pl.BlockSpec((_EB, D), lambda i: (i, 0)),
        out_shape=jax.ShapeDtypeStruct((EPAD, D), jnp.float32),
    )(edge_attr_t, W_e)


def _edge_sc_body(x_hbm, src_hbm, dst_hbm, m_hbm, out_hbm,
                  srcA, dstA, srcB, dstB, xA, mA, oA, xB, mB, oB, acc_sh,
                  iA, iB, gmA, gmB, sA, sB):
    c = lax.axis_index("c")
    s = lax.axis_index("s")
    wid = s * NC + c
    ebase = wid * EPW

    def start_idx(ci, srcr, dstr, q, sem):
        pltpu.async_copy(src_hbm.at[pl.ds(ebase + ci * CH, CH)],
                         srcr.at[q], sem)
        pltpu.async_copy(dst_hbm.at[pl.ds(ebase + ci * CH, CH)],
                         dstr.at[q], sem)

    def wait_idx(ci, srcr, dstr, q, sem):
        pltpu.make_async_copy(src_hbm.at[pl.ds(ebase + ci * CH, CH)],
                              srcr.at[q], sem).wait()
        pltpu.make_async_copy(dst_hbm.at[pl.ds(ebase + ci * CH, CH)],
                              dstr.at[q], sem).wait()

    def start_gm(ci, srcr, q, xbuf, mbuf, sem):
        pltpu.async_copy(x_hbm.at[srcr.at[q]], xbuf, sem)
        pltpu.async_copy(m_hbm.at[pl.ds(ebase + ci * CH, CH), :], mbuf, sem)

    def wait_gm(ci, srcr, q, xbuf, mbuf, sem):
        pltpu.make_async_copy(x_hbm.at[srcr.at[q]], xbuf, sem).wait()
        pltpu.make_async_copy(m_hbm.at[pl.ds(ebase + ci * CH, CH), :],
                              mbuf, sem).wait()

    def compute(xbuf, mbuf, obuf):
        @plsc.parallel_loop(0, CH, 1, unroll=4)
        def _(e):
            for j in range(D // LANES):
                sl = pl.ds(j * LANES, LANES)
                obuf[e, sl] = jnp.maximum(xbuf[e, sl] + mbuf[e, sl], 0.0)

    def start_scatter(dstr, q, obuf, ssem):
        pltpu.async_copy(obuf, acc_sh.at[dstr.at[q]], ssem, add=True)

    def wait_scatter(dstr, q, obuf, ssem):
        pltpu.make_async_copy(obuf, acc_sh.at[dstr.at[q]], ssem).wait()

    start_idx(0, srcA, dstA, 0, iA)
    start_idx(1, srcB, dstB, 0, iB)

    def zrow(i, _):
        for j in range(D // LANES):
            oA[i, pl.ds(j * LANES, LANES)] = jnp.zeros((LANES,), jnp.float32)
        return 0
    lax.fori_loop(0, CH, zrow, 0)

    def zcp(i, _):
        pltpu.sync_copy(oA, acc_sh.at[pl.ds(s * RPT + i * CH, CH), :])
        return 0
    lax.fori_loop(0, RPT // CH, zcp, 0)

    wait_idx(0, srcA, dstA, 0, iA)
    start_gm(0, srcA, 0, xA, mA, gmA)
    wait_idx(1, srcB, dstB, 0, iB)
    start_gm(1, srcB, 0, xB, mB, gmB)
    start_idx(2, srcA, dstA, 1, iA)
    start_idx(3, srcB, dstB, 1, iB)
    plsc.subcore_barrier()

    def halfstep(pi, ci, srcr, dstr, xb, mb, ob, isem, gsem, ssem, first):
        q = pi % 3
        if not first:
            wait_scatter(dstr, (pi - 1) % 3, ob, ssem)
        wait_gm(ci, srcr, q, xb, mb, gsem)
        compute(xb, mb, ob)
        start_scatter(dstr, q, ob, ssem)

        @pl.when(ci + 2 < NCHT)
        def _():
            wait_idx(ci + 2, srcr, dstr, (pi + 1) % 3, isem)
            start_gm(ci + 2, srcr, (pi + 1) % 3, xb, mb, gsem)

        @pl.when(ci + 4 < NCHT)
        def _():
            start_idx(ci + 4, srcr, dstr, (pi + 2) % 3, isem)

    halfstep(0, 0, srcA, dstA, xA, mA, oA, iA, gmA, sA, True)
    halfstep(0, 1, srcB, dstB, xB, mB, oB, iB, gmB, sB, True)

    def pair(pi, _):
        halfstep(pi, 2 * pi, srcA, dstA, xA, mA, oA, iA, gmA, sA, False)
        halfstep(pi, 2 * pi + 1, srcB, dstB, xB, mB, oB, iB, gmB, sB, False)
        return 0
    lax.fori_loop(1, NCHT // 2, pair, 0)

    pe = NCHT // 2
    halfstep(pe, 2 * pe, srcA, dstA, xA, mA, oA, iA, gmA, sA, False)
    wait_scatter(dstA, pe % 3, oA, sA)
    wait_scatter(dstB, (pe - 1) % 3, oB, sB)
    plsc.subcore_barrier()

    def wout(i, _):
        r0 = s * RPT + i * CH
        pltpu.sync_copy(acc_sh.at[pl.ds(r0, CH), :], oA)
        pltpu.sync_copy(oA, out_hbm.at[c, pl.ds(r0, CH), :])
        return 0
    lax.fori_loop(0, RPT // CH, wout, 0)


def _edge_sc(x, src, dst, M):
    mesh = plsc.VectorSubcoreMesh(core_axis_name="c", subcore_axis_name="s",
                                  num_cores=NC, num_subcores=NS)
    return pl.kernel(
        _edge_sc_body,
        out_type=jax.ShapeDtypeStruct((NC, NP, D), jnp.float32),
        mesh=mesh,
        scratch_types=[
            pltpu.VMEM((3, CH), jnp.int32),
            pltpu.VMEM((3, CH), jnp.int32),
            pltpu.VMEM((3, CH), jnp.int32),
            pltpu.VMEM((3, CH), jnp.int32),
            pltpu.VMEM((CH, D), jnp.float32),
            pltpu.VMEM((CH, D), jnp.float32),
            pltpu.VMEM((CH, D), jnp.float32),
            pltpu.VMEM((CH, D), jnp.float32),
            pltpu.VMEM((CH, D), jnp.float32),
            pltpu.VMEM((CH, D), jnp.float32),
            pltpu.VMEM_SHARED((NP, D), jnp.float32),
            pltpu.SemaphoreType.DMA,
            pltpu.SemaphoreType.DMA,
            pltpu.SemaphoreType.DMA,
            pltpu.SemaphoreType.DMA,
            pltpu.SemaphoreType.DMA,
            pltpu.SemaphoreType.DMA,
        ],
    )(x, src, dst, M)


_R = 2000


def _finish_body(agg_ref, x_ref, b_ref, w1_ref, b1_ref, wh_ref, bh_ref,
                 out_ref, sums_ref, counts_ref):
    i = pl.program_id(0)

    @pl.when(i == 0)
    def _():
        sums_ref[...] = jnp.zeros_like(sums_ref)
        counts_ref[...] = jnp.zeros_like(counts_ref)

    z = agg_ref[0] + agg_ref[1] + x_ref[...]
    h = jnp.maximum(
        jnp.dot(z, w1_ref[...], preferred_element_type=jnp.float32)
        + b1_ref[...], 0.0)
    bids = b_ref[0, 0, :]
    gi = lax.broadcasted_iota(jnp.int32, (G, _R), 0)
    oh = (gi == bids[None, :]).astype(jnp.float32)
    sums_ref[...] += jnp.dot(oh, h, preferred_element_type=jnp.float32)
    counts_ref[...] += jnp.sum(oh, axis=1)[None, :]

    @pl.when(i == pl.num_programs(0) - 1)
    def _():
        pooled = sums_ref[...] / jnp.maximum(counts_ref[0, :], 1.0)[:, None]
        out_ref[...] = (jnp.dot(pooled, wh_ref[...],
                                preferred_element_type=jnp.float32)
                        + bh_ref[...])


def _finish(agg2, x, batch3d, W1, b1, W_head, b_head):
    nblk = N // _R
    return pl.pallas_call(
        _finish_body,
        grid=(nblk,),
        in_specs=[
            pl.BlockSpec((NC, _R, D), lambda i: (0, i, 0)),
            pl.BlockSpec((_R, D), lambda i: (i, 0)),
            pl.BlockSpec((1, 1, _R), lambda i: (i, 0, 0)),
            pl.BlockSpec((D, D), lambda i: (0, 0)),
            pl.BlockSpec((1, D), lambda i: (0, 0)),
            pl.BlockSpec((D, T), lambda i: (0, 0)),
            pl.BlockSpec((1, T), lambda i: (0, 0)),
        ],
        out_specs=pl.BlockSpec((G, T), lambda i: (0, 0)),
        out_shape=jax.ShapeDtypeStruct((G, T), jnp.float32),
        scratch_shapes=[
            pltpu.VMEM((G, D), jnp.float32),
            pltpu.VMEM((1, G), jnp.float32),
        ],
    )(agg2, x, batch3d, W1, b1, W_head, b_head)


def kernel(x, edge_index, edge_attr, batch_assignments, W_e, W1, b1,
           W_head, b_head):
    pad = EPAD - E
    src = jnp.concatenate([edge_index[0], jnp.zeros((pad,), jnp.int32)])
    dst = jnp.concatenate([edge_index[1],
                           jnp.full((pad,), NP - 1, jnp.int32)])
    M = _encode(edge_attr.T, W_e)
    agg2 = _edge_sc(x, src, dst, M)
    batch3d = batch_assignments.reshape(N // _R, 1, _R)
    out = _finish(agg2, x, batch3d, W1, b1.reshape(1, D),
                  W_head, b_head.reshape(1, T))
    return out

# --- scband reference (transcript-rebuilt; emitter-appended) ---
"""Pipeline reference for scband-graph-pred-59931973648903 (READ-ONLY COPY).

The authoritative reference and input builder live on the scoring server;
editing this copy changes nothing except your own understanding.
"""

import jax, jax.numpy as jnp
import numpy as np

N = 10000   # nodes
E = 320000  # edges
D = 128     # emb_dim / d_feat
DE = 16     # edge feature dim
G = 512     # graphs in batch
T = 10      # num_tasks


def setup_inputs(seed: int = 0) -> dict:
    key = jax.random.key(seed)
    ks = jax.random.split(key, 10)
    x = jax.random.normal(ks[0], (N, D), dtype=jnp.float32)
    edge_index = jax.random.randint(ks[1], (2, E), 0, N, dtype=jnp.int32)
    edge_attr = jax.random.normal(ks[2], (E, DE), dtype=jnp.float32)
    batch_assignments = jnp.sort(jax.random.randint(ks[3], (N,), 0, G, dtype=jnp.int32))
    # learned parameters (GINE-style message-passing layer + downstream head)
    W_e = jax.random.normal(ks[4], (DE, D), dtype=jnp.float32) * 0.05   # edge encoder
    W1 = jax.random.normal(ks[5], (D, D), dtype=jnp.float32) * 0.05    # node update
    b1 = jnp.zeros((D,), dtype=jnp.float32)
    W_head = jax.random.normal(ks[6], (D, T), dtype=jnp.float32) * 0.05  # downstream_head
    b_head = jnp.zeros((T,), dtype=jnp.float32)
    return {
        "x": x,
        "edge_index": edge_index,
        "edge_attr": edge_attr,
        "batch_assignments": batch_assignments,
        "W_e": W_e,
        "W1": W1,
        "b1": b1,
        "W_head": W_head,
        "b_head": b_head,
    }


def reference(x, edge_index, edge_attr, batch_assignments, W_e, W1, b1, W_head, b_head):
    src = edge_index[0]
    dst = edge_index[1]
    # GNN layer: gather source node features, add encoded edge attrs (GINE-style)
    msg = jax.nn.relu(jnp.take(x, src, axis=0) + edge_attr @ W_e)
    agg = jax.ops.segment_sum(msg, dst, num_segments=N)
    h = jax.nn.relu((agg + x) @ W1 + b1)
    # global_mean_pool over batch_assignments
    sums = jax.ops.segment_sum(h, batch_assignments, num_segments=G)
    counts = jax.ops.segment_sum(jnp.ones((N, 1), dtype=jnp.float32), batch_assignments, num_segments=G)
    pooled = sums / jnp.maximum(counts, 1.0)
    # downstream_head (JK='last' -> Linear(emb_dim, num_tasks))
    out = pooled @ W_head + b_head
    return out

if __name__ == "__main__":
    import jax
    _d = setup_inputs()
    print(jax.jit(kernel)(*tuple(_d.values())))

</pallas_src>

<mosaic_0001>
#map = affine_map<(d0, d1) -> (0, 0)>
#map1 = affine_map<(d0, d1) -> (0)>
#map2 = affine_map<(d0, d1) -> (0, 0, 0)>
module attributes {stable_mosaic.version = 14 : i64} {
  func.func @_edge_sc_body(%arg0: i32, %arg1: i32, %arg2: memref<10000x128xf32, #tpu.memory_space<hbm>>, %arg3: memref<320512xi32, #tpu.memory_space<hbm>>, %arg4: memref<320512xi32, #tpu.memory_space<hbm>>, %arg5: memref<320512x128xf32, #tpu.memory_space<hbm>>, %arg6: memref<2x10240x128xf32, #tpu.memory_space<hbm>>, %arg7: memref<3x32xi32, #tpu.memory_space<vmem>>, %arg8: memref<3x32xi32, #tpu.memory_space<vmem>>, %arg9: memref<3x32xi32, #tpu.memory_space<vmem>>, %arg10: memref<3x32xi32, #tpu.memory_space<vmem>>, %arg11: memref<32x128xf32, #tpu.memory_space<vmem>>, %arg12: memref<32x128xf32, #tpu.memory_space<vmem>>, %arg13: memref<32x128xf32, #tpu.memory_space<vmem>>, %arg14: memref<32x128xf32, #tpu.memory_space<vmem>>, %arg15: memref<32x128xf32, #tpu.memory_space<vmem>>, %arg16: memref<32x128xf32, #tpu.memory_space<vmem>>, %arg17: memref<10240x128xf32, #tpu.memory_space<vmem_shared>>, %arg18: memref<!tpu.dma_semaphore, #tpu.memory_space<semaphore_mem>>, %arg19: memref<!tpu.dma_semaphore, #tpu.memory_space<semaphore_mem>>, %arg20: memref<!tpu.dma_semaphore, #tpu.memory_space<semaphore_mem>>, %arg21: memref<!tpu.dma_semaphore, #tpu.memory_space<semaphore_mem>>, %arg22: memref<!tpu.dma_semaphore, #tpu.memory_space<semaphore_mem>>, %arg23: memref<!tpu.dma_semaphore, #tpu.memory_space<semaphore_mem>>) attributes {dimension_semantics = [#tpu.dimension_semantics<core_parallel>, #tpu.dimension_semantics<subcore_parallel>], iteration_bounds = array<i64: 2, 16>, scalar_prefetch = 0 : i64, scratch_operands = 17 : i64, tpu.core_type = #tpu.core_type<sc_vector_subcore>, window_params = [{transform_indices = #map}, {transform_indices = #map1}, {transform_indices = #map1}, {transform_indices = #map}, {transform_indices = #map2}]} {
    %mul3A = arith.constant 2 : i32
    %mul3A_0 = arith.muli %arg1, %mul3A : i32
    %add3A = arith.addi %mul3A_0, %arg0 : i32
    %mul3A_1 = arith.constant 10016 : i32
    %mul3A_2 = arith.muli %add3A, %mul3A_1 : i32
    %add3A_3 = arith.constant 0 : i32
    %add3A_4 = arith.addi %mul3A_2, %add3A_3 : i32
    %dma_start3A = arith.constant 0 : i32
    %dma_start3A_5 = arith.constant 0 : i32
    %dma_start3A_6 = tpu.memref_slice %arg7[%dma_start3A, %dma_start3A_5] : memref<3x32xi32, #tpu.memory_space<vmem>> -> memref<1x32xi32, #tpu.memory_space<vmem>>
    %dma_start3A_7 = tpu.memref_squeeze %dma_start3A_6 : memref<1x32xi32, #tpu.memory_space<vmem>> -> memref<32xi32, #tpu.memory_space<vmem>>
    %dma_start3A_8 = tpu.memref_slice %arg3[%add3A_4] : memref<320512xi32, #tpu.memory_space<hbm>> -> memref<32xi32, #tpu.memory_space<hbm>>
    %dma_start3A_9 = arith.constant 0 : i32
    %dma_start3A_10 = tpu.memref_slice %arg7[%dma_start3A, %dma_start3A_9] : memref<3x32xi32, #tpu.memory_space<vmem>> -> memref<1x32xi32, #tpu.memory_space<vmem>>
    %dma_start3A_11 = tpu.memref_squeeze %dma_start3A_10 : memref<1x32xi32, #tpu.memory_space<vmem>> -> memref<32xi32, #tpu.memory_space<vmem>>
    %dma_start3A_12 = tpu.memref_slice %arg3[%add3A_4] : memref<320512xi32, #tpu.memory_space<hbm>> -> memref<32xi32, #tpu.memory_space<hbm>>
    tpu.enqueue_dma source(%dma_start3A_12 : memref<32xi32, #tpu.memory_space<hbm>>) target(%dma_start3A_11 : memref<32xi32, #tpu.memory_space<vmem>>) target_semaphore(%arg18 : memref<!tpu.dma_semaphore, #tpu.memory_space<semaphore_mem>>)
    %add3A_13 = arith.constant 0 : i32
    %add3A_14 = arith.addi %mul3A_2, %add3A_13 : i32
    %dma_start3A_15 = arith.constant 0 : i32
    %dma_start3A_16 = arith.constant 0 : i32
    %dma_start3A_17 = tpu.memref_slice %arg8[%dma_start3A_15, %dma_start3A_16] : memref<3x32xi32, #tpu.memory_space<vmem>> -> memref<1x32xi32, #tpu.memory_space<vmem>>
    %dma_start3A_18 = tpu.memref_squeeze %dma_start3A_17 : memref<1x32xi32, #tpu.memory_space<vmem>> -> memref<32xi32, #tpu.memory_space<vmem>>
    %dma_start3A_19 = tpu.memref_slice %arg4[%add3A_14] : memref<320512xi32, #tpu.memory_space<hbm>> -> memref<32xi32, #tpu.memory_space<hbm>>
    %dma_start3A_20 = arith.constant 0 : i32
    %dma_start3A_21 = tpu.memref_slice %arg8[%dma_start3A_15, %dma_start3A_20] : memref<3x32xi32, #tpu.memory_space<vmem>> -> memref<1x32xi32, #tpu.memory_space<vmem>>
    %dma_start3A_22 = tpu.memref_squeeze %dma_start3A_21 : memref<1x32xi32, #tpu.memory_space<vmem>> -> memref<32xi32, #tpu.memory_space<vmem>>
    %dma_start3A_23 = tpu.memref_slice %arg4[%add3A_14] : memref<320512xi32, #tpu.memory_space<hbm>> -> memref<32xi32, #tpu.memory_space<hbm>>
    tpu.enqueue_dma source(%dma_start3A_23 : memref<32xi32, #tpu.memory_space<hbm>>) target(%dma_start3A_22 : memref<32xi32, #tpu.memory_space<vmem>>) target_semaphore(%arg18 : memref<!tpu.dma_semaphore, #tpu.memory_space<semaphore_mem>>)
    %add3A_24 = arith.constant 32 : i32
    %add3A_25 = arith.addi %mul3A_2, %add3A_24 : i32
    %dma_start3A_26 = arith.constant 0 : i32
    %dma_start3A_27 = arith.constant 0 : i32
    %dma_start3A_28 = tpu.memref_slice %arg9[%dma_start3A_26, %dma_start3A_27] : memref<3x32xi32, #tpu.memory_space<vmem>> -> memref<1x32xi32, #tpu.memory_space<vmem>>
    %dma_start3A_29 = tpu.memref_squeeze %dma_start3A_28 : memref<1x32xi32, #tpu.memory_space<vmem>> -> memref<32xi32, #tpu.memory_space<vmem>>
    %dma_start3A_30 = tpu.memref_slice %arg3[%add3A_25] : memref<320512xi32, #tpu.memory_space<hbm>> -> memref<32xi32, #tpu.memory_space<hbm>>
    %dma_start3A_31 = arith.constant 0 : i32
    %dma_start3A_32 = tpu.memref_slice %arg9[%dma_start3A_26, %dma_start3A_31] : memref<3x32xi32, #tpu.memory_space<vmem>> -> memref<1x32xi32, #tpu.memory_space<vmem>>
    %dma_start3A_33 = tpu.memref_squeeze %dma_start3A_32 : memref<1x32xi32, #tpu.memory_space<vmem>> -> memref<32xi32, #tpu.memory_space<vmem>>
    %dma_start3A_34 = tpu.memref_slice %arg3[%add3A_25] : memref<320512xi32, #tpu.memory_space<hbm>> -> memref<32xi32, #tpu.memory_space<hbm>>
    tpu.enqueue_dma source(%dma_start3A_34 : memref<32xi32, #tpu.memory_space<hbm>>) target(%dma_start3A_33 : memref<32xi32, #tpu.memory_space<vmem>>) target_semaphore(%arg19 : memref<!tpu.dma_semaphore, #tpu.memory_space<semaphore_mem>>)
    %add3A_35 = arith.constant 32 : i32
    %add3A_36 = arith.addi %mul3A_2, %add3A_35 : i32
    %dma_start3A_37 = arith.constant 0 : i32
    %dma_start3A_38 = arith.constant 0 : i32
    %dma_start3A_39 = tpu.memref_slice %arg10[%dma_start3A_37, %dma_start3A_38] : memref<3x32xi32, #tpu.memory_space<vmem>> -> memref<1x32xi32, #tpu.memory_space<vmem>>
    %dma_start3A_40 = tpu.memref_squeeze %dma_start3A_39 : memref<1x32xi32, #tpu.memory_space<vmem>> -> memref<32xi32, #tpu.memory_space<vmem>>
    %dma_start3A_41 = tpu.memref_slice %arg4[%add3A_36] : memref<320512xi32, #tpu.memory_space<hbm>> -> memref<32xi32, #tpu.memory_space<hbm>>
    %dma_start3A_42 = arith.constant 0 : i32
    %dma_start3A_43 = tpu.memref_slice %arg10[%dma_start3A_37, %dma_start3A_42] : memref<3x32xi32, #tpu.memory_space<vmem>> -> memref<1x32xi32, #tpu.memory_space<vmem>>
    %dma_start3A_44 = tpu.memref_squeeze %dma_start3A_43 : memref<1x32xi32, #tpu.memory_space<vmem>> -> memref<32xi32, #tpu.memory_space<vmem>>
    %dma_start3A_45 = tpu.memref_slice %arg4[%add3A_36] : memref<320512xi32, #tpu.memory_space<hbm>> -> memref<32xi32, #tpu.memory_space<hbm>>
    tpu.enqueue_dma source(%dma_start3A_45 : memref<32xi32, #tpu.memory_space<hbm>>) target(%dma_start3A_44 : memref<32xi32, #tpu.memory_space<vmem>>) target_semaphore(%arg19 : memref<!tpu.dma_semaphore, #tpu.memory_space<semaphore_mem>>)
    %scan3A = arith.constant 0 : i32
    %scan3A_46 = arith.constant 0 : i32
    %scan3A_47 = arith.constant 32 : i32
    %scan3A_48 = arith.addi %scan3A_46, %scan3A_47 : i32
    %scan3A_49 = arith.constant 1 : i32
    %scan3A_50 = scf.for %scan3A_390 = %scan3A_46 to %scan3A_48 step %scan3A_49 iter_args(%scan3A_391 = %scan3A) -> (i32)  : i32 {
      %broadcast_in_dim3A = arith.constant 0.000000e+00 : f32
      %broadcast_in_dim3A_392 = vector.broadcast %broadcast_in_dim3A : f32 to vector<16xf32>
      %swap3A = arith.index_cast %scan3A_390 : i32 to index
      %swap3A_393 = arith.constant 0 : index
      %swap3A_394 = tpu.vector_load %arg13[%swap3A, %swap3A_393] {strides = array<i32>} : memref<32x128xf32, #tpu.memory_space<vmem>>, vector<1x16xf32>,
      %swap3A_395 = vector.shape_cast %swap3A_394 : vector<1x16xf32> to vector<16xf32>
      %swap3A_396 = vector.shape_cast %broadcast_in_dim3A_392 : vector<16xf32> to vector<1x16xf32>
      tpu.vector_store %arg13[%swap3A, %swap3A_393], %swap3A_396 {strides = array<i32>} : memref<32x128xf32, #tpu.memory_space<vmem>>, vector<1x16xf32>,
      %broadcast_in_dim3A_397 = arith.constant 0.000000e+00 : f32
      %broadcast_in_dim3A_398 = vector.broadcast %broadcast_in_dim3A_397 : f32 to vector<16xf32>
      %swap3A_399 = arith.index_cast %scan3A_390 : i32 to index
      %swap3A_400 = arith.constant 16 : index
      %swap3A_401 = tpu.vector_load %arg13[%swap3A_399, %swap3A_400] {strides = array<i32>} : memref<32x128xf32, #tpu.memory_space<vmem>>, vector<1x16xf32>,
      %swap3A_402 = vector.shape_cast %swap3A_401 : vector<1x16xf32> to vector<16xf32>
      %swap3A_403 = vector.shape_cast %broadcast_in_dim3A_398 : vector<16xf32> to vector<1x16xf32>
      tpu.vector_store %arg13[%swap3A_399, %swap3A_400], %swap3A_403 {strides = array<i32>} : memref<32x128xf32, #tpu.memory_space<vmem>>, vector<1x16xf32>,
      %broadcast_in_dim3A_404 = arith.constant 0.000000e+00 : f32
      %broadcast_in_dim3A_405 = vector.broadcast %broadcast_in_dim3A_404 : f32 to vector<16xf32>
      %swap3A_406 = arith.index_cast %scan3A_390 : i32 to index
      %swap3A_407 = arith.constant 32 : index
      %swap3A_408 = tpu.vector_load %arg13[%swap3A_406, %swap3A_407] {strides = array<i32>} : memref<32x128xf32, #tpu.memory_space<vmem>>, vector<1x16xf32>,
      %swap3A_409 = vector.shape_cast %swap3A_408 : vector<1x16xf32> to vector<16xf32>
      %swap3A_410 = vector.shape_cast %broadcast_in_dim3A_405 : vector<16xf32> to vector<1x16xf32>
      tpu.vector_store %arg13[%swap3A_406, %swap3A_407], %swap3A_410 {strides = array<i32>} : memref<32x128xf32, #tpu.memory_space<vmem>>, vector<1x16xf32>,
      %broadcast_in_dim3A_411 = arith.constant 0.000000e+00 : f32
      %broadcast_in_dim3A_412 = vector.broadcast %broadcast_in_dim3A_411 : f32 to vector<16xf32>
      %swap3A_413 = arith.index_cast %scan3A_390 : i32 to index
      %swap3A_414 = arith.constant 48 : index
      %swap3A_415 = tpu.vector_load %arg13[%swap3A_413, %swap3A_414] {strides = array<i32>} : memref<32x128xf32, #tpu.memory_space<vmem>>, vector<1x16xf32>,
      %swap3A_416 = vector.shape_cast %swap3A_415 : vector<1x16xf32> to vector<16xf32>
      %swap3A_417 = vector.shape_cast %broadcast_in_dim3A_412 : vector<16xf32> to vector<1x16xf32>
      tpu.vector_store %arg13[%swap3A_413, %swap3A_414], %swap3A_417 {strides = array<i32>} : memref<32x128xf32, #tpu.memory_space<vmem>>, vector<1x16xf32>,
      %broadcast_in_dim3A_418 = arith.constant 0.000000e+00 : f32
      %broadcast_in_dim3A_419 = vector.broadcast %broadcast_in_dim3A_418 : f32 to vector<16xf32>
      %swap3A_420 = arith.index_cast %scan3A_390 : i32 to index
      %swap3A_421 = arith.constant 64 : index
      %swap3A_422 = tpu.vector_load %arg13[%swap3A_420, %swap3A_421] {strides = array<i32>} : memref<32x128xf32, #tpu.memory_space<vmem>>, vector<1x16xf32>,
      %swap3A_423 = vector.shape_cast %swap3A_422 : vector<1x16xf32> to vector<16xf32>
      %swap3A_424 = vector.shape_cast %broadcast_in_dim3A_419 : vector<16xf32> to vector<1x16xf32>
      tpu.vector_store %arg13[%swap3A_420, %swap3A_421], %swap3A_424 {strides = array<i32>} : memref<32x128xf32, #tpu.memory_space<vmem>>, vector<1x16xf32>,
      %broadcast_in_dim3A_425 = arith.constant 0.000000e+00 : f32
      %broadcast_in_dim3A_426 = vector.broadcast %broadcast_in_dim3A_425 : f32 to vector<16xf32>
      %swap3A_427 = arith.index_cast %scan3A_390 : i32 to index
      %swap3A_428 = arith.constant 80 : index
      %swap3A_429 = tpu.vector_load %arg13[%swap3A_427, %swap3A_428] {strides = array<i32>} : memref<32x128xf32, #tpu.memory_space<vmem>>, vector<1x16xf32>,
      %swap3A_430 = vector.shape_cast %swap3A_429 : vector<1x16xf32> to vector<16xf32>
      %swap3A_431 = vector.shape_cast %broadcast_in_dim3A_426 : vector<16xf32> to vector<1x16xf32>
      tpu.vector_store %arg13[%swap3A_427, %swap3A_428], %swap3A_431 {strides = array<i32>} : memref<32x128xf32, #tpu.memory_space<vmem>>, vector<1x16xf32>,
      %broadcast_in_dim3A_432 = arith.constant 0.000000e+00 : f32
      %broadcast_in_dim3A_433 = vector.broadcast %broadcast_in_dim3A_432 : f32 to vector<16xf32>
      %swap3A_434 = arith.index_cast %scan3A_390 : i32 to index
      %swap3A_435 = arith.constant 96 : index
      %swap3A_436 = tpu.vector_load %arg13[%swap3A_434, %swap3A_435] {strides = array<i32>} : memref<32x128xf32, #tpu.memory_space<vmem>>, vector<1x16xf32>,
      %swap3A_437 = vector.shape_cast %swap3A_436 : vector<1x16xf32> to vector<16xf32>
      %swap3A_438 = vector.shape_cast %broadcast_in_dim3A_433 : vector<16xf32> to vector<1x16xf32>
      tpu.vector_store %arg13[%swap3A_434, %swap3A_435], %swap3A_438 {strides = array<i32>} : memref<32x128xf32, #tpu.memory_space<vmem>>, vector<1x16xf32>,
      %broadcast_in_dim3A_439 = arith.constant 0.000000e+00 : f32
      %broadcast_in_dim3A_440 = vector.broadcast %broadcast_in_dim3A_439 : f32 to vector<16xf32>
      %swap3A_441 = arith.index_cast %scan3A_390 : i32 to index
      %swap3A_442 = arith.constant 112 : index
      %swap3A_443 = tpu.vector_load %arg13[%swap3A_441, %swap3A_442] {strides = array<i32>} : memref<32x128xf32, #tpu.memory_space<vmem>>, vector<1x16xf32>,
      %swap3A_444 = vector.shape_cast %swap3A_443 : vector<1x16xf32> to vector<16xf32>
      %swap3A_445 = vector.shape_cast %broadcast_in_dim3A_440 : vector<16xf32> to vector<1x16xf32>
      tpu.vector_store %arg13[%swap3A_441, %swap3A_442], %swap3A_445 {strides = array<i32>} : memref<32x128xf32, #tpu.memory_space<vmem>>, vector<1x16xf32>,
      %scan3A_446 = arith.constant 0 : i32
      scf.yield %scan3A_446 : i32
    }
    %scan3A_51 = arith.constant 32 : i32
    %scan3A_52 = arith.constant 0 : i32
    %scan3A_53 = arith.constant 0 : i32
    %scan3A_54 = arith.constant 20 : i32
    %scan3A_55 = arith.addi %scan3A_53, %scan3A_54 : i32
    %scan3A_56 = arith.constant 1 : i32
    %scan3A_57 = scf.for %scan3A_390 = %scan3A_53 to %scan3A_55 step %scan3A_56 iter_args(%scan3A_391 = %scan3A_52) -> (i32)  : i32 {
      %mul3A_392 = arith.constant 640 : i32
      %mul3A_393 = arith.muli %arg1, %mul3A_392 : i32
      %mul3A_394 = arith.constant 32 : i32
      %mul3A_395 = arith.muli %scan3A_390, %mul3A_394 : i32
      %add3A_396 = arith.addi %mul3A_393, %mul3A_395 : i32
      "tpu.region"() ({
        %run_scoped3A = tpu.sem_alloc : memref<!tpu.dma_semaphore, #tpu.memory_space<semaphore_mem>>
        %dma_start3A_398 = arith.constant 0 : i32
        %dma_start3A_399 = tpu.memref_slice %arg17[%add3A_396, %dma_start3A_398] : memref<10240x128xf32, #tpu.memory_space<vmem_shared>> -> memref<32x128xf32, #tpu.memory_space<vmem_shared>>
        %dma_start3A_400 = arith.constant 0 : i32
        %dma_start3A_401 = tpu.memref_slice %arg17[%add3A_396, %dma_start3A_400] : memref<10240x128xf32, #tpu.memory_space<vmem_shared>> -> memref<32x128xf32, #tpu.memory_space<vmem_shared>>
        tpu.enqueue_dma source(%arg13 : memref<32x128xf32, #tpu.memory_space<vmem>>) target(%dma_start3A_401 : memref<32x128xf32, #tpu.memory_space<vmem_shared>>) target_semaphore(%run_scoped3A : memref<!tpu.dma_semaphore, #tpu.memory_space<semaphore_mem>>)
        %dma_wait3A_402 = arith.constant 0 : i32
        %dma_wait3A_403 = tpu.memref_slice %arg17[%add3A_396, %dma_wait3A_402] : memref<10240x128xf32, #tpu.memory_space<vmem_shared>> -> memref<32x128xf32, #tpu.memory_space<vmem_shared>>
        %dma_wait3A_404 = arith.constant 0 : i32
        %dma_wait3A_405 = tpu.memref_slice %arg17[%add3A_396, %dma_wait3A_404] : memref<10240x128xf32, #tpu.memory_space<vmem_shared>> -> memref<32x128xf32, #tpu.memory_space<vmem_shared>>
        tpu.wait_dma2 semaphore(%run_scoped3A : memref<!tpu.dma_semaphore, #tpu.memory_space<semaphore_mem>>) src(%arg13 : memref<32x128xf32, #tpu.memory_space<vmem>>) dst(%dma_wait3A_405 : memref<32x128xf32, #tpu.memory_space<vmem_shared>>)
        tpu.yield
      }) : () -> ()
      %scan3A_397 = arith.constant 0 : i32
      scf.yield %scan3A_397 : i32
    }
    %scan3A_58 = arith.constant 20 : i32
    %add3A_59 = arith.constant 0 : i32
    %add3A_60 = arith.addi %mul3A_2, %add3A_59 : i32
    %dma_wait3A = arith.constant 0 : i32
    %dma_wait3A_61 = arith.constant 0 : i32
    %dma_wait3A_62 = tpu.memref_slice %arg7[%dma_wait3A, %dma_wait3A_61] : memref<3x32xi32, #tpu.memory_space<vmem>> -> memref<1x32xi32, #tpu.memory_space<vmem>>
    %dma_wait3A_63 = tpu.memref_squeeze %dma_wait3A_62 : memref<1x32xi32, #tpu.memory_space<vmem>> -> memref<32xi32, #tpu.memory_space<vmem>>
    %dma_wait3A_64 = tpu.memref_slice %arg3[%add3A_60] : memref<320512xi32, #tpu.memory_space<hbm>> -> memref<32xi32, #tpu.memory_space<hbm>>
    %dma_wait3A_65 = arith.constant 0 : i32
    %dma_wait3A_66 = tpu.memref_slice %arg7[%dma_wait3A, %dma_wait3A_65] : memref<3x32xi32, #tpu.memory_space<vmem>> -> memref<1x32xi32, #tpu.memory_space<vmem>>
    %dma_wait3A_67 = tpu.memref_squeeze %dma_wait3A_66 : memref<1x32xi32, #tpu.memory_space<vmem>> -> memref<32xi32, #tpu.memory_space<vmem>>
    %dma_wait3A_68 = tpu.memref_slice %arg3[%add3A_60] : memref<320512xi32, #tpu.memory_space<hbm>> -> memref<32xi32, #tpu.memory_space<hbm>>
    tpu.wait_dma2 semaphore(%arg18 : memref<!tpu.dma_semaphore, #tpu.memory_space<semaphore_mem>>) src(%dma_wait3A_68 : memref<32xi32, #tpu.memory_space<hbm>>) dst(%dma_wait3A_67 : memref<32xi32, #tpu.memory_space<vmem>>)
    %add3A_69 = arith.constant 0 : i32
    %add3A_70 = arith.addi %mul3A_2, %add3A_69 : i32
    %dma_wait3A_71 = arith.constant 0 : i32
    %dma_wait3A_72 = arith.constant 0 : i32
    %dma_wait3A_73 = tpu.memref_slice %arg8[%dma_wait3A_71, %dma_wait3A_72] : memref<3x32xi32, #tpu.memory_space<vmem>> -> memref<1x32xi32, #tpu.memory_space<vmem>>
    %dma_wait3A_74 = tpu.memref_squeeze %dma_wait3A_73 : memref<1x32xi32, #tpu.memory_space<vmem>> -> memref<32xi32, #tpu.memory_space<vmem>>
    %dma_wait3A_75 = tpu.memref_slice %arg4[%add3A_70] : memref<320512xi32, #tpu.memory_space<hbm>> -> memref<32xi32, #tpu.memory_space<hbm>>
    %dma_wait3A_76 = arith.constant 0 : i32
    %dma_wait3A_77 = tpu.memref_slice %arg8[%dma_wait3A_71, %dma_wait3A_76] : memref<3x32xi32, #tpu.memory_space<vmem>> -> memref<1x32xi32, #tpu.memory_space<vmem>>
    %dma_wait3A_78 = tpu.memref_squeeze %dma_wait3A_77 : memref<1x32xi32, #tpu.memory_space<vmem>> -> memref<32xi32, #tpu.memory_space<vmem>>
    %dma_wait3A_79 = tpu.memref_slice %arg4[%add3A_70] : memref<320512xi32, #tpu.memory_space<hbm>> -> memref<32xi32, #tpu.memory_space<hbm>>
    tpu.wait_dma2 semaphore(%arg18 : memref<!tpu.dma_semaphore, #tpu.memory_space<semaphore_mem>>) src(%dma_wait3A_79 : memref<32xi32, #tpu.memory_space<hbm>>) dst(%dma_wait3A_78 : memref<32xi32, #tpu.memory_space<vmem>>)
    %dma_start3A_80 = arith.constant 0 : i32
    %dma_start3A_81 = arith.constant 0 : i32
    %dma_start3A_82 = tpu.memref_slice %arg7[%dma_start3A_80, %dma_start3A_81] : memref<3x32xi32, #tpu.memory_space<vmem>> -> memref<1x32xi32, #tpu.memory_space<vmem>>
    %dma_start3A_83 = tpu.memref_squeeze %dma_start3A_82 : memref<1x32xi32, #tpu.memory_space<vmem>> -> memref<32xi32, #tpu.memory_space<vmem>>
    %dma_start3A_84 = arith.constant 0 : i32
    %dma_start3A_85 = arith.constant 0 : i32
    %dma_start3A_86 = tpu.memref_slice %arg2[%dma_start3A_84, %dma_start3A_85] : memref<10000x128xf32, #tpu.memory_space<hbm>> -> memref<10000x128xf32, #tpu.memory_space<hbm>>
    tpu.enqueue_indirect_dma source(%dma_start3A_86 : memref<10000x128xf32, #tpu.memory_space<hbm>>) target(%arg11 : memref<32x128xf32, #tpu.memory_space<vmem>>) offsets(%dma_start3A_83 : memref<32xi32, #tpu.memory_space<vmem>>) semaphore(%arg20 : memref<!tpu.dma_semaphore, #tpu.memory_space<semaphore_mem>>)
    %add3A_87 = arith.constant 0 : i32
    %add3A_88 = arith.addi %mul3A_2, %add3A_87 : i32
    %dma_start3A_89 = arith.constant 0 : i32
    %dma_start3A_90 = tpu.memref_slice %arg5[%add3A_88, %dma_start3A_89] : memref<320512x128xf32, #tpu.memory_space<hbm>> -> memref<32x128xf32, #tpu.memory_space<hbm>>
    %dma_start3A_91 = arith.constant 0 : i32
    %dma_start3A_92 = tpu.memref_slice %arg5[%add3A_88, %dma_start3A_91] : memref<320512x128xf32, #tpu.memory_space<hbm>> -> memref<32x128xf32, #tpu.memory_space<hbm>>
    tpu.enqueue_dma source(%dma_start3A_92 : memref<32x128xf32, #tpu.memory_space<hbm>>) target(%arg12 : memref<32x128xf32, #tpu.memory_space<vmem>>) target_semaphore(%arg20 : memref<!tpu.dma_semaphore, #tpu.memory_space<semaphore_mem>>)
    %add3A_93 = arith.constant 32 : i32
    %add3A_94 = arith.addi %mul3A_2, %add3A_93 : i32
    %dma_wait3A_95 = arith.constant 0 : i32
    %dma_wait3A_96 = arith.constant 0 : i32
    %dma_wait3A_97 = tpu.memref_slice %arg9[%dma_wait3A_95, %dma_wait3A_96] : memref<3x32xi32, #tpu.memory_space<vmem>> -> memref<1x32xi32, #tpu.memory_space<vmem>>
    %dma_wait3A_98 = tpu.memref_squeeze %dma_wait3A_97 : memref<1x32xi32, #tpu.memory_space<vmem>> -> memref<32xi32, #tpu.memory_space<vmem>>
    %dma_wait3A_99 = tpu.memref_slice %arg3[%add3A_94] : memref<320512xi32, #tpu.memory_space<hbm>> -> memref<32xi32, #tpu.memory_space<hbm>>
    %dma_wait3A_100 = arith.constant 0 : i32
    %dma_wait3A_101 = tpu.memref_slice %arg9[%dma_wait3A_95, %dma_wait3A_100] : memref<3x32xi32, #tpu.memory_space<vmem>> -> memref<1x32xi32, #tpu.memory_space<vmem>>
    %dma_wait3A_102 = tpu.memref_squeeze %dma_wait3A_101 : memref<1x32xi32, #tpu.memory_space<vmem>> -> memref<32xi32, #tpu.memory_space<vmem>>
    %dma_wait3A_103 = tpu.memref_slice %arg3[%add3A_94] : memref<320512xi32, #tpu.memory_space<hbm>> -> memref<32xi32, #tpu.memory_space<hbm>>
    tpu.wait_dma2 semaphore(%arg19 : memref<!tpu.dma_semaphore, #tpu.memory_space<semaphore_mem>>) src(%dma_wait3A_103 : memref<32xi32, #tpu.memory_space<hbm>>) dst(%dma_wait3A_102 : memref<32xi32, #tpu.memory_space<vmem>>)
    %add3A_104 = arith.constant 32 : i32
    %add3A_105 = arith.addi %mul3A_2, %add3A_104 : i32
    %dma_wait3A_106 = arith.constant 0 : i32
    %dma_wait3A_107 = arith.constant 0 : i32
    %dma_wait3A_108 = tpu.memref_slice %arg10[%dma_wait3A_106, %dma_wait3A_107] : memref<3x32xi32, #tpu.memory_space<vmem>> -> memref<1x32xi32, #tpu.memory_space<vmem>>
    %dma_wait3A_109 = tpu.memref_squeeze %dma_wait3A_108 : memref<1x32xi32, #tpu.memory_space<vmem>> -> memref<32xi32, #tpu.memory_space<vmem>>
    %dma_wait3A_110 = tpu.memref_slice %arg4[%add3A_105] : memref<320512xi32, #tpu.memory_space<hbm>> -> memref<32xi32, #tpu.memory_space<hbm>>
    %dma_wait3A_111 = arith.constant 0 : i32
    %dma_wait3A_112 = tpu.memref_slice %arg10[%dma_wait3A_106, %dma_wait3A_111] : memref<3x32xi32, #tpu.memory_space<vmem>> -> memref<1x32xi32, #tpu.memory_space<vmem>>
    %dma_wait3A_113 = tpu.memref_squeeze %dma_wait3A_112 : memref<1x32xi32, #tpu.memory_space<vmem>> -> memref<32xi32, #tpu.memory_space<vmem>>
    %dma_wait3A_114 = tpu.memref_slice %arg4[%add3A_105] : memref<320512xi32, #tpu.memory_space<hbm>> -> memref<32xi32, #tpu.memory_space<hbm>>
    tpu.wait_dma2 semaphore(%arg19 : memref<!tpu.dma_semaphore, #tpu.memory_space<semaphore_mem>>) src(%dma_wait3A_114 : memref<32xi32, #tpu.memory_space<hbm>>) dst(%dma_wait3A_113 : memref<32xi32, #tpu.memory_space<vmem>>)
    %dma_start3A_115 = arith.constant 0 : i32
    %dma_start3A_116 = arith.constant 0 : i32
    %dma_start3A_117 = tpu.memref_slice %arg9[%dma_start3A_115, %dma_start3A_116] : memref<3x32xi32, #tpu.memory_space<vmem>> -> memref<1x32xi32, #tpu.memory_space<vmem>>
    %dma_start3A_118 = tpu.memref_squeeze %dma_start3A_117 : memref<1x32xi32, #tpu.memory_space<vmem>> -> memref<32xi32, #tpu.memory_space<vmem>>
    %dma_start3A_119 = arith.constant 0 : i32
    %dma_start3A_120 = arith.constant 0 : i32
    %dma_start3A_121 = tpu.memref_slice %arg2[%dma_start3A_119, %dma_start3A_120] : memref<10000x128xf32, #tpu.memory_space<hbm>> -> memref<10000x128xf32, #tpu.memory_space<hbm>>
    tpu.enqueue_indirect_dma source(%dma_start3A_121 : memref<10000x128xf32, #tpu.memory_space<hbm>>) target(%arg14 : memref<32x128xf32, #tpu.memory_space<vmem>>) offsets(%dma_start3A_118 : memref<32xi32, #tpu.memory_space<vmem>>) semaphore(%arg21 : memref<!tpu.dma_semaphore, #tpu.memory_space<semaphore_mem>>)
    %add3A_122 = arith.constant 32 : i32
    %add3A_123 = arith.addi %mul3A_2, %add3A_122 : i32
    %dma_start3A_124 = arith.constant 0 : i32
    %dma_start3A_125 = tpu.memref_slice %arg5[%add3A_123, %dma_start3A_124] : memref<320512x128xf32, #tpu.memory_space<hbm>> -> memref<32x128xf32, #tpu.memory_space<hbm>>
    %dma_start3A_126 = arith.constant 0 : i32
    %dma_start3A_127 = tpu.memref_slice %arg5[%add3A_123, %dma_start3A_126] : memref<320512x128xf32, #tpu.memory_space<hbm>> -> memref<32x128xf32, #tpu.memory_space<hbm>>
    tpu.enqueue_dma source(%dma_start3A_127 : memref<32x128xf32, #tpu.memory_space<hbm>>) target(%arg15 : memref<32x128xf32, #tpu.memory_space<vmem>>) target_semaphore(%arg21 : memref<!tpu.dma_semaphore, #tpu.memory_space<semaphore_mem>>)
    %add3A_128 = arith.constant 64 : i32
    %add3A_129 = arith.addi %mul3A_2, %add3A_128 : i32
    %dma_start3A_130 = arith.constant 1 : i32
    %dma_start3A_131 = arith.constant 0 : i32
    %dma_start3A_132 = tpu.memref_slice %arg7[%dma_start3A_130, %dma_start3A_131] : memref<3x32xi32, #tpu.memory_space<vmem>> -> memref<1x32xi32, #tpu.memory_space<vmem>>
    %dma_start3A_133 = tpu.memref_squeeze %dma_start3A_132 : memref<1x32xi32, #tpu.memory_space<vmem>> -> memref<32xi32, #tpu.memory_space<vmem>>
    %dma_start3A_134 = tpu.memref_slice %arg3[%add3A_129] : memref<320512xi32, #tpu.memory_space<hbm>> -> memref<32xi32, #tpu.memory_space<hbm>>
    %dma_start3A_135 = arith.constant 0 : i32
    %dma_start3A_136 = tpu.memref_slice %arg7[%dma_start3A_130, %dma_start3A_135] : memref<3x32xi32, #tpu.memory_space<vmem>> -> memref<1x32xi32, #tpu.memory_space<vmem>>
    %dma_start3A_137 = tpu.memref_squeeze %dma_start3A_136 : memref<1x32xi32, #tpu.memory_space<vmem>> -> memref<32xi32, #tpu.memory_space<vmem>>
    %dma_start3A_138 = tpu.memref_slice %arg3[%add3A_129] : memref<320512xi32, #tpu.memory_space<hbm>> -> memref<32xi32, #tpu.memory_space<hbm>>
    tpu.enqueue_dma source(%dma_start3A_138 : memref<32xi32, #tpu.memory_space<hbm>>) target(%dma_start3A_137 : memref<32xi32, #tpu.memory_space<vmem>>) target_semaphore(%arg18 : memref<!tpu.dma_semaphore, #tpu.memory_space<semaphore_mem>>)
    %add3A_139 = arith.constant 64 : i32
    %add3A_140 = arith.addi %mul3A_2, %add3A_139 : i32
    %dma_start3A_141 = arith.constant 1 : i32
    %dma_start3A_142 = arith.constant 0 : i32
    %dma_start3A_143 = tpu.memref_slice %arg8[%dma_start3A_141, %dma_start3A_142] : memref<3x32xi32, #tpu.memory_space<vmem>> -> memref<1x32xi32, #tpu.memory_space<vmem>>
    %dma_start3A_144 = tpu.memref_squeeze %dma_start3A_143 : memref<1x32xi32, #tpu.memory_space<vmem>> -> memref<32xi32, #tpu.memory_space<vmem>>
    %dma_start3A_145 = tpu.memref_slice %arg4[%add3A_140] : memref<320512xi32, #tpu.memory_space<hbm>> -> memref<32xi32, #tpu.memory_space<hbm>>
    %dma_start3A_146 = arith.constant 0 : i32
    %dma_start3A_147 = tpu.memref_slice %arg8[%dma_start3A_141, %dma_start3A_146] : memref<3x32xi32, #tpu.memory_space<vmem>> -> memref<1x32xi32, #tpu.memory_space<vmem>>
    %dma_start3A_148 = tpu.memref_squeeze %dma_start3A_147 : memref<1x32xi32, #tpu.memory_space<vmem>> -> memref<32xi32, #tpu.memory_space<vmem>>
    %dma_start3A_149 = tpu.memref_slice %arg4[%add3A_140] : memref<320512xi32, #tpu.memory_space<hbm>> -> memref<32xi32, #tpu.memory_space<hbm>>
    tpu.enqueue_dma source(%dma_start3A_149 : memref<32xi32, #tpu.memory_space<hbm>>) target(%dma_start3A_148 : memref<32xi32, #tpu.memory_space<vmem>>) target_semaphore(%arg18 : memref<!tpu.dma_semaphore, #tpu.memory_space<semaphore_mem>>)
    %add3A_150 = arith.constant 96 : i32
    %add3A_151 = arith.addi %mul3A_2, %add3A_150 : i32
    %dma_start3A_152 = arith.constant 1 : i32
    %dma_start3A_153 = arith.constant 0 : i32
    %dma_start3A_154 = tpu.memref_slice %arg9[%dma_start3A_152, %dma_start3A_153] : memref<3x32xi32, #tpu.memory_space<vmem>> -> memref<1x32xi32, #tpu.memory_space<vmem>>
    %dma_start3A_155 = tpu.memref_squeeze %dma_start3A_154 : memref<1x32xi32, #tpu.memory_space<vmem>> -> memref<32xi32, #tpu.memory_space<vmem>>
    %dma_start3A_156 = tpu.memref_slice %arg3[%add3A_151] : memref<320512xi32, #tpu.memory_space<hbm>> -> memref<32xi32, #tpu.memory_space<hbm>>
    %dma_start3A_157 = arith.constant 0 : i32
    %dma_start3A_158 = tpu.memref_slice %arg9[%dma_start3A_152, %dma_start3A_157] : memref<3x32xi32, #tpu.memory_space<vmem>> -> memref<1x32xi32, #tpu.memory_space<vmem>>
    %dma_start3A_159 = tpu.memref_squeeze %dma_start3A_158 : memref<1x32xi32, #tpu.memory_space<vmem>> -> memref<32xi32, #tpu.memory_space<vmem>>
    %dma_start3A_160 = tpu.memref_slice %arg3[%add3A_151] : memref<320512xi32, #tpu.memory_space<hbm>> -> memref<32xi32, #tpu.memory_space<hbm>>
    tpu.enqueue_dma source(%dma_start3A_160 : memref<32xi32, #tpu.memory_space<hbm>>) target(%dma_start3A_159 : memref<32xi32, #tpu.memory_space<vmem>>) target_semaphore(%arg19 : memref<!tpu.dma_semaphore, #tpu.memory_space<semaphore_mem>>)
    %add3A_161 = arith.constant 96 : i32
    %add3A_162 = arith.addi %mul3A_2, %add3A_161 : i32
    %dma_start3A_163 = arith.constant 1 : i32
    %dma_start3A_164 = arith.constant 0 : i32
    %dma_start3A_165 = tpu.memref_slice %arg10[%dma_start3A_163, %dma_start3A_164] : memref<3x32xi32, #tpu.memory_space<vmem>> -> memref<1x32xi32, #tpu.memory_space<vmem>>
    %dma_start3A_166 = tpu.memref_squeeze %dma_start3A_165 : memref<1x32xi32, #tpu.memory_space<vmem>> -> memref<32xi32, #tpu.memory_space<vmem>>
    %dma_start3A_167 = tpu.memref_slice %arg4[%add3A_162] : memref<320512xi32, #tpu.memory_space<hbm>> -> memref<32xi32, #tpu.memory_space<hbm>>
    %dma_start3A_168 = arith.constant 0 : i32
    %dma_start3A_169 = tpu.memref_slice %arg10[%dma_start3A_163, %dma_start3A_168] : memref<3x32xi32, #tpu.memory_space<vmem>> -> memref<1x32xi32, #tpu.memory_space<vmem>>
    %dma_start3A_170 = tpu.memref_squeeze %dma_start3A_169 : memref<1x32xi32, #tpu.memory_space<vmem>> -> memref<32xi32, #tpu.memory_space<vmem>>
    %dma_start3A_171 = tpu.memref_slice %arg4[%add3A_162] : memref<320512xi32, #tpu.memory_space<hbm>> -> memref<32xi32, #tpu.memory_space<hbm>>
    tpu.enqueue_dma source(%dma_start3A_171 : memref<32xi32, #tpu.memory_space<hbm>>) target(%dma_start3A_170 : memref<32xi32, #tpu.memory_space<vmem>>) target_semaphore(%arg19 : memref<!tpu.dma_semaphore, #tpu.memory_space<semaphore_mem>>)
    %barrier3A = arith.constant 0 : index
    tpu.barrier barrier_id(%barrier3A)
    %dma_wait3A_172 = arith.constant 0 : i32
    %dma_wait3A_173 = arith.constant 0 : i32
    %dma_wait3A_174 = tpu.memref_slice %arg7[%dma_wait3A_172, %dma_wait3A_173] : memref<3x32xi32, #tpu.memory_space<vmem>> -> memref<1x32xi32, #tpu.memory_space<vmem>>
    %dma_wait3A_175 = tpu.memref_squeeze %dma_wait3A_174 : memref<1x32xi32, #tpu.memory_space<vmem>> -> memref<32xi32, #tpu.memory_space<vmem>>
    %dma_wait3A_176 = arith.constant 0 : i32
    %dma_wait3A_177 = arith.constant 0 : i32
    %dma_wait3A_178 = tpu.memref_slice %arg2[%dma_wait3A_176, %dma_wait3A_177] : memref<10000x128xf32, #tpu.memory_space<hbm>> -> memref<10000x128xf32, #tpu.memory_space<hbm>>
    tpu.wait_indirect_dma semaphore(%arg20 : memref<!tpu.dma_semaphore, #tpu.memory_space<semaphore_mem>>) src(%dma_wait3A_178 : memref<10000x128xf32, #tpu.memory_space<hbm>>) dst(%arg11 : memref<32x128xf32, #tpu.memory_space<vmem>>)
    %add3A_179 = arith.constant 0 : i32
    %add3A_180 = arith.addi %mul3A_2, %add3A_179 : i32
    %dma_wait3A_181 = arith.constant 0 : i32
    %dma_wait3A_182 = tpu.memref_slice %arg5[%add3A_180, %dma_wait3A_181] : memref<320512x128xf32, #tpu.memory_space<hbm>> -> memref<32x128xf32, #tpu.memory_space<hbm>>
    %dma_wait3A_183 = arith.constant 0 : i32
    %dma_wait3A_184 = tpu.memref_slice %arg5[%add3A_180, %dma_wait3A_183] : memref<320512x128xf32, #tpu.memory_space<hbm>> -> memref<32x128xf32, #tpu.memory_space<hbm>>
    tpu.wait_dma2 semaphore(%arg20 : memref<!tpu.dma_semaphore, #tpu.memory_space<semaphore_mem>>) src(%dma_wait3A_184 : memref<32x128xf32, #tpu.memory_space<hbm>>) dst(%arg12 : memref<32x128xf32, #tpu.memory_space<vmem>>)
    %parallel_loop3A = arith.constant 0 : i32
    %parallel_loop3A_185 = arith.constant 32 : i32
    %parallel_loop3A_186 = arith.constant 1 : i32
    scf.for %parallel_loop3A_390 = %parallel_loop3A to %parallel_loop3A_185 step %parallel_loop3A_186  : i32 {
      %parallel_loop3A_391 = arith.index_cast %parallel_loop3A_390 : i32 to index
      %parallel_loop3A_392 = arith.constant 0 : index
      %parallel_loop3A_393 = tpu.vector_load %arg11[%parallel_loop3A_391, %parallel_loop3A_392] {strides = array<i32>} : memref<32x128xf32, #tpu.memory_space<vmem>>, vector<1x16xf32>,
      %parallel_loop3A_394 = vector.shape_cast %parallel_loop3A_393 : vector<1x16xf32> to vector<16xf32>
      %parallel_loop3A_395 = arith.index_cast %parallel_loop3A_390 : i32 to index
      %parallel_loop3A_396 = arith.constant 0 : index
      %parallel_loop3A_397 = tpu.vector_load %arg12[%parallel_loop3A_395, %parallel_loop3A_396] {strides = array<i32>} : memref<32x128xf32, #tpu.memory_space<vmem>>, vector<1x16xf32>,
      %parallel_loop3A_398 = vector.shape_cast %parallel_loop3A_397 : vector<1x16xf32> to vector<16xf32>
      %parallel_loop3A_399 = arith.addf %parallel_loop3A_394, %parallel_loop3A_398 : vector<16xf32>
      %parallel_loop3A_400 = arith.constant 0.000000e+00 : f32
      %parallel_loop3A_401 = vector.broadcast %parallel_loop3A_400 : f32 to vector<16xf32>
      %parallel_loop3A_402 = arith.maximumf %parallel_loop3A_399, %parallel_loop3A_401 : vector<16xf32>
      %parallel_loop3A_403 = arith.index_cast %parallel_loop3A_390 : i32 to index
      %parallel_loop3A_404 = arith.constant 0 : index
      %parallel_loop3A_405 = tpu.vector_load %arg13[%parallel_loop3A_403, %parallel_loop3A_404] {strides = array<i32>} : memref<32x128xf32, #tpu.memory_space<vmem>>, vector<1x16xf32>,
      %parallel_loop3A_406 = vector.shape_cast %parallel_loop3A_405 : vector<1x16xf32> to vector<16xf32>
      %parallel_loop3A_407 = vector.shape_cast %parallel_loop3A_402 : vector<16xf32> to vector<1x16xf32>
      tpu.vector_store %arg13[%parallel_loop3A_403, %parallel_loop3A_404], %parallel_loop3A_407 {strides = array<i32>} : memref<32x128xf32, #tpu.memory_space<vmem>>, vector<1x16xf32>,
      %parallel_loop3A_408 = arith.index_cast %parallel_loop3A_390 : i32 to index
      %parallel_loop3A_409 = arith.constant 16 : index
      %parallel_loop3A_410 = tpu.vector_load %arg11[%parallel_loop3A_408, %parallel_loop3A_409] {strides = array<i32>} : memref<32x128xf32, #tpu.memory_space<vmem>>, vector<1x16xf32>,
      %parallel_loop3A_411 = vector.shape_cast %parallel_loop3A_410 : vector<1x16xf32> to vector<16xf32>
      %parallel_loop3A_412 = arith.index_cast %parallel_loop3A_390 : i32 to index
      %parallel_loop3A_413 = arith.constant 16 : index
      %parallel_loop3A_414 = tpu.vector_load %arg12[%parallel_loop3A_412, %parallel_loop3A_413] {strides = array<i32>} : memref<32x128xf32, #tpu.memory_space<vmem>>, vector<1x16xf32>,
      %parallel_loop3A_415 = vector.shape_cast %parallel_loop3A_414 : vector<1x16xf32> to vector<16xf32>
      %parallel_loop3A_416 = arith.addf %parallel_loop3A_411, %parallel_loop3A_415 : vector<16xf32>
      %parallel_loop3A_417 = arith.constant 0.000000e+00 : f32
      %parallel_loop3A_418 = vector.broadcast %parallel_loop3A_417 : f32 to vector<16xf32>
      %parallel_loop3A_419 = arith.maximumf %parallel_loop3A_416, %parallel_loop3A_418 : vector<16xf32>
      %parallel_loop3A_420 = arith.index_cast %parallel_loop3A_390 : i32 to index
      %parallel_loop3A_421 = arith.constant 16 : index
      %parallel_loop3A_422 = tpu.vector_load %arg13[%parallel_loop3A_420, %parallel_loop3A_421] {strides = array<i32>} : memref<32x128xf32, #tpu.memory_space<vmem>>, vector<1x16xf32>,
      %parallel_loop3A_423 = vector.shape_cast %parallel_loop3A_422 : vector<1x16xf32> to vector<16xf32>
      %parallel_loop3A_424 = vector.shape_cast %parallel_loop3A_419 : vector<16xf32> to vector<1x16xf32>
      tpu.vector_store %arg13[%parallel_loop3A_420, %parallel_loop3A_421], %parallel_loop3A_424 {strides = array<i32>} : memref<32x128xf32, #tpu.memory_space<vmem>>, vector<1x16xf32>,
      %parallel_loop3A_425 = arith.index_cast %parallel_loop3A_390 : i32 to index
      %parallel_loop3A_426 = arith.constant 32 : index
      %parallel_loop3A_427 = tpu.vector_load %arg11[%parallel_loop3A_425, %parallel_loop3A_426] {strides = array<i32>} : memref<32x128xf32, #tpu.memory_space<vmem>>, vector<1x16xf32>,
      %parallel_loop3A_428 = vector.shape_cast %parallel_loop3A_427 : vector<1x16xf32> to vector<16xf32>
      %parallel_loop3A_429 = arith.index_cast %parallel_loop3A_390 : i32 to index
      %parallel_loop3A_430 = arith.constant 32 : index
      %parallel_loop3A_431 = tpu.vector_load %arg12[%parallel_loop3A_429, %parallel_loop3A_430] {strides = array<i32>} : memref<32x128xf32, #tpu.memory_space<vmem>>, vector<1x16xf32>,
      %parallel_loop3A_432 = vector.shape_cast %parallel_loop3A_431 : vector<1x16xf32> to vector<16xf32>
      %parallel_loop3A_433 = arith.addf %parallel_loop3A_428, %parallel_loop3A_432 : vector<16xf32>
      %parallel_loop3A_434 = arith.constant 0.000000e+00 : f32
      %parallel_loop3A_435 = vector.broadcast %parallel_loop3A_434 : f32 to vector<16xf32>
      %parallel_loop3A_436 = arith.maximumf %parallel_loop3A_433, %parallel_loop3A_435 : vector<16xf32>
      %parallel_loop3A_437 = arith.index_cast %parallel_loop3A_390 : i32 to index
      %parallel_loop3A_438 = arith.constant 32 : index
      %parallel_loop3A_439 = tpu.vector_load %arg13[%parallel_loop3A_437, %parallel_loop3A_438] {strides = array<i32>} : memref<32x128xf32, #tpu.memory_space<vmem>>, vector<1x16xf32>,
      %parallel_loop3A_440 = vector.shape_cast %parallel_loop3A_439 : vector<1x16xf32> to vector<16xf32>
      %parallel_loop3A_441 = vector.shape_cast %parallel_loop3A_436 : vector<16xf32> to vector<1x16xf32>
      tpu.vector_store %arg13[%parallel_loop3A_437, %parallel_loop3A_438], %parallel_loop3A_441 {strides = array<i32>} : memref<32x128xf32, #tpu.memory_space<vmem>>, vector<1x16xf32>,
      %parallel_loop3A_442 = arith.index_cast %parallel_loop3A_390 : i32 to index
      %parallel_loop3A_443 = arith.constant 48 : index
      %parallel_loop3A_444 = tpu.vector_load %arg11[%parallel_loop3A_442, %parallel_loop3A_443] {strides = array<i32>} : memref<32x128xf32, #tpu.memory_space<vmem>>, vector<1x16xf32>,
      %parallel_loop3A_445 = vector.shape_cast %parallel_loop3A_444 : vector<1x16xf32> to vector<16xf32>
      %parallel_loop3A_446 = arith.index_cast %parallel_loop3A_390 : i32 to index
      %parallel_loop3A_447 = arith.constant 48 : index
      %parallel_loop3A_448 = tpu.vector_load %arg12[%parallel_loop3A_446, %parallel_loop3A_447] {strides = array<i32>} : memref<32x128xf32, #tpu.memory_space<vmem>>, vector<1x16xf32>,
      %parallel_loop3A_449 = vector.shape_cast %parallel_loop3A_448 : vector<1x16xf32> to vector<16xf32>
      %parallel_loop3A_450 = arith.addf %parallel_loop3A_445, %parallel_loop3A_449 : vector<16xf32>
      %parallel_loop3A_451 = arith.constant 0.000000e+00 : f32
      %parallel_loop3A_452 = vector.broadcast %parallel_loop3A_451 : f32 to vector<16xf32>
      %parallel_loop3A_453 = arith.maximumf %parallel_loop3A_450, %parallel_loop3A_452 : vector<16xf32>
      %parallel_loop3A_454 = arith.index_cast %parallel_loop3A_390 : i32 to index
      %parallel_loop3A_455 = arith.constant 48 : index
      %parallel_loop3A_456 = tpu.vector_load %arg13[%parallel_loop3A_454, %parallel_loop3A_455] {strides = array<i32>} : memref<32x128xf32, #tpu.memory_space<vmem>>, vector<1x16xf32>,
      %parallel_loop3A_457 = vector.shape_cast %parallel_loop3A_456 : vector<1x16xf32> to vector<16xf32>
      %parallel_loop3A_458 = vector.shape_cast %parallel_loop3A_453 : vector<16xf32> to vector<1x16xf32>
      tpu.vector_store %arg13[%parallel_loop3A_454, %parallel_loop3A_455], %parallel_loop3A_458 {strides = array<i32>} : memref<32x128xf32, #tpu.memory_space<vmem>>, vector<1x16xf32>,
      %parallel_loop3A_459 = arith.index_cast %parallel_loop3A_390 : i32 to index
      %parallel_loop3A_460 = arith.constant 64 : index
      %parallel_loop3A_461 = tpu.vector_load %arg11[%parallel_loop3A_459, %parallel_loop3A_460] {strides = array<i32>} : memref<32x128xf32, #tpu.memory_space<vmem>>, vector<1x16xf32>,
      %parallel_loop3A_462 = vector.shape_cast %parallel_loop3A_461 : vector<1x16xf32> to vector<16xf32>
      %parallel_loop3A_463 = arith.index_cast %parallel_loop3A_390 : i32 to index
      %parallel_loop3A_464 = arith.constant 64 : index
      %parallel_loop3A_465 = tpu.vector_load %arg12[%parallel_loop3A_463, %parallel_loop3A_464] {strides = array<i32>} : memref<32x128xf32, #tpu.memory_space<vmem>>, vector<1x16xf32>,
      %parallel_loop3A_466 = vector.shape_cast %parallel_loop3A_465 : vector<1x16xf32> to vector<16xf32>
      %parallel_loop3A_467 = arith.addf %parallel_loop3A_462, %parallel_loop3A_466 : vector<16xf32>
      %parallel_loop3A_468 = arith.constant 0.000000e+00 : f32
      %parallel_loop3A_469 = vector.broadcast %parallel_loop3A_468 : f32 to vector<16xf32>
      %parallel_loop3A_470 = arith.maximumf %parallel_loop3A_467, %parallel_loop3A_469 : vector<16xf32>
      %parallel_loop3A_471 = arith.index_cast %parallel_loop3A_390 : i32 to index
      %parallel_loop3A_472 = arith.constant 64 : index
      %parallel_loop3A_473 = tpu.vector_load %arg13[%parallel_loop3A_471, %parallel_loop3A_472] {strides = array<i32>} : memref<32x128xf32, #tpu.memory_space<vmem>>, vector<1x16xf32>,
      %parallel_loop3A_474 = vector.shape_cast %parallel_loop3A_473 : vector<1x16xf32> to vector<16xf32>
      %parallel_loop3A_475 = vector.shape_cast %parallel_loop3A_470 : vector<16xf32> to vector<1x16xf32>
      tpu.vector_store %arg13[%parallel_loop3A_471, %parallel_loop3A_472], %parallel_loop3A_475 {strides = array<i32>} : memref<32x128xf32, #tpu.memory_space<vmem>>, vector<1x16xf32>,
      %parallel_loop3A_476 = arith.index_cast %parallel_loop3A_390 : i32 to index
      %parallel_loop3A_477 = arith.constant 80 : index
      %parallel_loop3A_478 = tpu.vector_load %arg11[%parallel_loop3A_476, %parallel_loop3A_477] {strides = array<i32>} : memref<32x128xf32, #tpu.memory_space<vmem>>, vector<1x16xf32>,
      %parallel_loop3A_479 = vector.shape_cast %parallel_loop3A_478 : vector<1x16xf32> to vector<16xf32>
      %parallel_loop3A_480 = arith.index_cast %parallel_loop3A_390 : i32 to index
      %parallel_loop3A_481 = arith.constant 80 : index
      %parallel_loop3A_482 = tpu.vector_load %arg12[%parallel_loop3A_480, %parallel_loop3A_481] {strides = array<i32>} : memref<32x128xf32, #tpu.memory_space<vmem>>, vector<1x16xf32>,
      %parallel_loop3A_483 = vector.shape_cast %parallel_loop3A_482 : vector<1x16xf32> to vector<16xf32>
      %parallel_loop3A_484 = arith.addf %parallel_loop3A_479, %parallel_loop3A_483 : vector<16xf32>
      %parallel_loop3A_485 = arith.constant 0.000000e+00 : f32
      %parallel_loop3A_486 = vector.broadcast %parallel_loop3A_485 : f32 to vector<16xf32>
      %parallel_loop3A_487 = arith.maximumf %parallel_loop3A_484, %parallel_loop3A_486 : vector<16xf32>
      %parallel_loop3A_488 = arith.index_cast %parallel_loop3A_390 : i32 to index
      %parallel_loop3A_489 = arith.constant 80 : index
      %parallel_loop3A_490 = tpu.vector_load %arg13[%parallel_loop3A_488, %parallel_loop3A_489] {strides = array<i32>} : memref<32x128xf32, #tpu.memory_space<vmem>>, vector<1x16xf32>,
      %parallel_loop3A_491 = vector.shape_cast %parallel_loop3A_490 : vector<1x16xf32> to vector<16xf32>
      %parallel_loop3A_492 = vector.shape_cast %parallel_loop3A_487 : vector<16xf32> to vector<1x16xf32>
      tpu.vector_store %arg13[%parallel_loop3A_488, %parallel_loop3A_489], %parallel_loop3A_492 {strides = array<i32>} : memref<32x128xf32, #tpu.memory_space<vmem>>, vector<1x16xf32>,
      %parallel_loop3A_493 = arith.index_cast %parallel_loop3A_390 : i32 to index
      %parallel_loop3A_494 = arith.constant 96 : index
      %parallel_loop3A_495 = tpu.vector_load %arg11[%parallel_loop3A_493, %parallel_loop3A_494] {strides = array<i32>} : memref<32x128xf32, #tpu.memory_space<vmem>>, vector<1x16xf32>,
      %parallel_loop3A_496 = vector.shape_cast %parallel_loop3A_495 : vector<1x16xf32> to vector<16xf32>
      %parallel_loop3A_497 = arith.index_cast %parallel_loop3A_390 : i32 to index
      %parallel_loop3A_498 = arith.constant 96 : index
      %parallel_loop3A_499 = tpu.vector_load %arg12[%parallel_loop3A_497, %parallel_loop3A_498] {strides = array<i32>} : memref<32x128xf32, #tpu.memory_space<vmem>>, vector<1x16xf32>,
      %parallel_loop3A_500 = vector.shape_cast %parallel_loop3A_499 : vector<1x16xf32> to vector<16xf32>
      %parallel_loop3A_501 = arith.addf %parallel_loop3A_496, %parallel_loop3A_500 : vector<16xf32>
      %parallel_loop3A_502 = arith.constant 0.000000e+00 : f32
      %parallel_loop3A_503 = vector.broadcast %parallel_loop3A_502 : f32 to vector<16xf32>
      %parallel_loop3A_504 = arith.maximumf %parallel_loop3A_501, %parallel_loop3A_503 : vector<16xf32>
      %parallel_loop3A_505 = arith.index_cast %parallel_loop3A_390 : i32 to index
      %parallel_loop3A_506 = arith.constant 96 : index
      %parallel_loop3A_507 = tpu.vector_load %arg13[%parallel_loop3A_505, %parallel_loop3A_506] {strides = array<i32>} : memref<32x128xf32, #tpu.memory_space<vmem>>, vector<1x16xf32>,
      %parallel_loop3A_508 = vector.shape_cast %parallel_loop3A_507 : vector<1x16xf32> to vector<16xf32>
      %parallel_loop3A_509 = vector.shape_cast %parallel_loop3A_504 : vector<16xf32> to vector<1x16xf32>
      tpu.vector_store %arg13[%parallel_loop3A_505, %parallel_loop3A_506], %parallel_loop3A_509 {strides = array<i32>} : memref<32x128xf32, #tpu.memory_space<vmem>>, vector<1x16xf32>,
      %parallel_loop3A_510 = arith.index_cast %parallel_loop3A_390 : i32 to index
      %parallel_loop3A_511 = arith.constant 112 : index
      %parallel_loop3A_512 = tpu.vector_load %arg11[%parallel_loop3A_510, %parallel_loop3A_511] {strides = array<i32>} : memref<32x128xf32, #tpu.memory_space<vmem>>, vector<1x16xf32>,
      %parallel_loop3A_513 = vector.shape_cast %parallel_loop3A_512 : vector<1x16xf32> to vector<16xf32>
      %parallel_loop3A_514 = arith.index_cast %parallel_loop3A_390 : i32 to index
      %parallel_loop3A_515 = arith.constant 112 : index
      %parallel_loop3A_516 = tpu.vector_load %arg12[%parallel_loop3A_514, %parallel_loop3A_515] {strides = array<i32>} : memref<32x128xf32, #tpu.memory_space<vmem>>, vector<1x16xf32>,
      %parallel_loop3A_517 = vector.shape_cast %parallel_loop3A_516 : vector<1x16xf32> to vector<16xf32>
      %parallel_loop3A_518 = arith.addf %parallel_loop3A_513, %parallel_loop3A_517 : vector<16xf32>
      %parallel_loop3A_519 = arith.constant 0.000000e+00 : f32
      %parallel_loop3A_520 = vector.broadcast %parallel_loop3A_519 : f32 to vector<16xf32>
      %parallel_loop3A_521 = arith.maximumf %parallel_loop3A_518, %parallel_loop3A_520 : vector<16xf32>
      %parallel_loop3A_522 = arith.index_cast %parallel_loop3A_390 : i32 to index
      %parallel_loop3A_523 = arith.constant 112 : index
      %parallel_loop3A_524 = tpu.vector_load %arg13[%parallel_loop3A_522, %parallel_loop3A_523] {strides = array<i32>} : memref<32x128xf32, #tpu.memory_space<vmem>>, vector<1x16xf32>,
      %parallel_loop3A_525 = vector.shape_cast %parallel_loop3A_524 : vector<1x16xf32> to vector<16xf32>
      %parallel_loop3A_526 = vector.shape_cast %parallel_loop3A_521 : vector<16xf32> to vector<1x16xf32>
      tpu.vector_store %arg13[%parallel_loop3A_522, %parallel_loop3A_523], %parallel_loop3A_526 {strides = array<i32>} : memref<32x128xf32, #tpu.memory_space<vmem>>, vector<1x16xf32>,
    } {sc.loop_unroll_factor = 4 : i64, sc.parallel_access}
    %dma_start3A_187 = arith.constant 0 : i32
    %dma_start3A_188 = arith.constant 0 : i32
    %dma_start3A_189 = tpu.memref_slice %arg8[%dma_start3A_187, %dma_start3A_188] : memref<3x32xi32, #tpu.memory_space<vmem>> -> memref<1x32xi32, #tpu.memory_space<vmem>>
    %dma_start3A_190 = tpu.memref_squeeze %dma_start3A_189 : memref<1x32xi32, #tpu.memory_space<vmem>> -> memref<32xi32, #tpu.memory_space<vmem>>
    %dma_start3A_191 = arith.constant 0 : i32
    %dma_start3A_192 = arith.constant 0 : i32
    %dma_start3A_193 = tpu.memref_slice %arg17[%dma_start3A_191, %dma_start3A_192] : memref<10240x128xf32, #tpu.memory_space<vmem_shared>> -> memref<10240x128xf32, #tpu.memory_space<vmem_shared>>
    tpu.enqueue_indirect_dma source(%arg13 : memref<32x128xf32, #tpu.memory_space<vmem>>) target(%dma_start3A_193 : memref<10240x128xf32, #tpu.memory_space<vmem_shared>>) offsets(%dma_start3A_190 : memref<32xi32, #tpu.memory_space<vmem>>) semaphore(%arg22 : memref<!tpu.dma_semaphore, #tpu.memory_space<semaphore_mem>>) {add = true}
    %add3A_194 = arith.constant 64 : i32
    %add3A_195 = arith.addi %mul3A_2, %add3A_194 : i32
    %dma_wait3A_196 = arith.constant 1 : i32
    %dma_wait3A_197 = arith.constant 0 : i32
    %dma_wait3A_198 = tpu.memref_slice %arg7[%dma_wait3A_196, %dma_wait3A_197] : memref<3x32xi32, #tpu.memory_space<vmem>> -> memref<1x32xi32, #tpu.memory_space<vmem>>
    %dma_wait3A_199 = tpu.memref_squeeze %dma_wait3A_198 : memref<1x32xi32, #tpu.memory_space<vmem>> -> memref<32xi32, #tpu.memory_space<vmem>>
    %dma_wait3A_200 = tpu.memref_slice %arg3[%add3A_195] : memref<320512xi32, #tpu.memory_space<hbm>> -> memref<32xi32, #tpu.memory_space<hbm>>
    %dma_wait3A_201 = arith.constant 0 : i32
    %dma_wait3A_202 = tpu.memref_slice %arg7[%dma_wait3A_196, %dma_wait3A_201] : memref<3x32xi32, #tpu.memory_space<vmem>> -> memref<1x32xi32, #tpu.memory_space<vmem>>
    %dma_wait3A_203 = tpu.memref_squeeze %dma_wait3A_202 : memref<1x32xi32, #tpu.memory_space<vmem>> -> memref<32xi32, #tpu.memory_space<vmem>>
    %dma_wait3A_204 = tpu.memref_slice %arg3[%add3A_195] : memref<320512xi32, #tpu.memory_space<hbm>> -> memref<32xi32, #tpu.memory_space<hbm>>
    tpu.wait_dma2 semaphore(%arg18 : memref<!tpu.dma_semaphore, #tpu.memory_space<semaphore_mem>>) src(%dma_wait3A_204 : memref<32xi32, #tpu.memory_space<hbm>>) dst(%dma_wait3A_203 : memref<32xi32, #tpu.memory_space<vmem>>)
    %add3A_205 = arith.constant 64 : i32
    %add3A_206 = arith.addi %mul3A_2, %add3A_205 : i32
    %dma_wait3A_207 = arith.constant 1 : i32
    %dma_wait3A_208 = arith.constant 0 : i32
    %dma_wait3A_209 = tpu.memref_slice %arg8[%dma_wait3A_207, %dma_wait3A_208] : memref<3x32xi32, #tpu.memory_space<vmem>> -> memref<1x32xi32, #tpu.memory_space<vmem>>
    %dma_wait3A_210 = tpu.memref_squeeze %dma_wait3A_209 : memref<1x32xi32, #tpu.memory_space<vmem>> -> memref<32xi32, #tpu.memory_space<vmem>>
    %dma_wait3A_211 = tpu.memref_slice %arg4[%add3A_206] : memref<320512xi32, #tpu.memory_space<hbm>> -> memref<32xi32, #tpu.memory_space<hbm>>
    %dma_wait3A_212 = arith.constant 0 : i32
    %dma_wait3A_213 = tpu.memref_slice %arg8[%dma_wait3A_207, %dma_wait3A_212] : memref<3x32xi32, #tpu.memory_space<vmem>> -> memref<1x32xi32, #tpu.memory_space<vmem>>
    %dma_wait3A_214 = tpu.memref_squeeze %dma_wait3A_213 : memref<1x32xi32, #tpu.memory_space<vmem>> -> memref<32xi32, #tpu.memory_space<vmem>>
    %dma_wait3A_215 = tpu.memref_slice %arg4[%add3A_206] : memref<320512xi32, #tpu.memory_space<hbm>> -> memref<32xi32, #tpu.memory_space<hbm>>
    tpu.wait_dma2 semaphore(%arg18 : memref<!tpu.dma_semaphore, #tpu.memory_space<semaphore_mem>>) src(%dma_wait3A_215 : memref<32xi32, #tpu.memory_space<hbm>>) dst(%dma_wait3A_214 : memref<32xi32, #tpu.memory_space<vmem>>)
    %dma_start3A_216 = arith.constant 1 : i32
    %dma_start3A_217 = arith.constant 0 : i32
    %dma_start3A_218 = tpu.memref_slice %arg7[%dma_start3A_216, %dma_start3A_217] : memref<3x32xi32, #tpu.memory_space<vmem>> -> memref<1x32xi32, #tpu.memory_space<vmem>>
    %dma_start3A_219 = tpu.memref_squeeze %dma_start3A_218 : memref<1x32xi32, #tpu.memory_space<vmem>> -> memref<32xi32, #tpu.memory_space<vmem>>
    %dma_start3A_220 = arith.constant 0 : i32
    %dma_start3A_221 = arith.constant 0 : i32
    %dma_start3A_222 = tpu.memref_slice %arg2[%dma_start3A_220, %dma_start3A_221] : memref<10000x128xf32, #tpu.memory_space<hbm>> -> memref<10000x128xf32, #tpu.memory_space<hbm>>
    tpu.enqueue_indirect_dma source(%dma_start3A_222 : memref<10000x128xf32, #tpu.memory_space<hbm>>) target(%arg11 : memref<32x128xf32, #tpu.memory_space<vmem>>) offsets(%dma_start3A_219 : memref<32xi32, #tpu.memory_space<vmem>>) semaphore(%arg20 : memref<!tpu.dma_semaphore, #tpu.memory_space<semaphore_mem>>)
    %add3A_223 = arith.constant 64 : i32
    %add3A_224 = arith.addi %mul3A_2, %add3A_223 : i32
    %dma_start3A_225 = arith.constant 0 : i32
    %dma_start3A_226 = tpu.memref_slice %arg5[%add3A_224, %dma_start3A_225] : memref<320512x128xf32, #tpu.memory_space<hbm>> -> memref<32x128xf32, #tpu.memory_space<hbm>>
    %dma_start3A_227 = arith.constant 0 : i32
    %dma_start3A_228 = tpu.memref_slice %arg5[%add3A_224, %dma_start3A_227] : memref<320512x128xf32, #tpu.memory_space<hbm>> -> memref<32x128xf32, #tpu.memory_space<hbm>>
    tpu.enqueue_dma source(%dma_start3A_228 : memref<32x128xf32, #tpu.memory_space<hbm>>) target(%arg12 : memref<32x128xf32, #tpu.memory_space<vmem>>) target_semaphore(%arg20 : memref<!tpu.dma_semaphore, #tpu.memory_space<semaphore_mem>>)
    %add3A_229 = arith.constant 128 : i32
    %add3A_230 = arith.addi %mul3A_2, %add3A_229 : i32
    %dma_start3A_231 = arith.constant 2 : i32
    %dma_start3A_232 = arith.constant 0 : i32
    %dma_start3A_233 = tpu.memref_slice %arg7[%dma_start3A_231, %dma_start3A_232] : memref<3x32xi32, #tpu.memory_space<vmem>> -> memref<1x32xi32, #tpu.memory_space<vmem>>
    %dma_start3A_234 = tpu.memref_squeeze %dma_start3A_233 : memref<1x32xi32, #tpu.memory_space<vmem>> -> memref<32xi32, #tpu.memory_space<vmem>>
    %dma_start3A_235 = tpu.memref_slice %arg3[%add3A_230] : memref<320512xi32, #tpu.memory_space<hbm>> -> memref<32xi32, #tpu.memory_space<hbm>>
    %dma_start3A_236 = arith.constant 0 : i32
    %dma_start3A_237 = tpu.memref_slice %arg7[%dma_start3A_231, %dma_start3A_236] : memref<3x32xi32, #tpu.memory_space<vmem>> -> memref<1x32xi32, #tpu.memory_space<vmem>>
    %dma_start3A_238 = tpu.memref_squeeze %dma_start3A_237 : memref<1x32xi32, #tpu.memory_space<vmem>> -> memref<32xi32, #tpu.memory_space<vmem>>
    %dma_start3A_239 = tpu.memref_slice %arg3[%add3A_230] : memref<320512xi32, #tpu.memory_space<hbm>> -> memref<32xi32, #tpu.memory_space<hbm>>
    tpu.enqueue_dma source(%dma_start3A_239 : memref<32xi32, #tpu.memory_space<hbm>>) target(%dma_start3A_238 : memref<32xi32, #tpu.memory_space<vmem>>) target_semaphore(%arg18 : memref<!tpu.dma_semaphore, #tpu.memory_space<semaphore_mem>>)
    %add3A_240 = arith.constant 128 : i32
    %add3A_241 = arith.addi %mul3A_2, %add3A_240 : i32
    %dma_start3A_242 = arith.constant 2 : i32
    %dma_start3A_243 = arith.constant 0 : i32
    %dma_start3A_244 = tpu.memref_slice %arg8[%dma_start3A_242, %dma_start3A_243] : memref<3x32xi32, #tpu.memory_space<vmem>> -> memref<1x32xi32, #tpu.memory_space<vmem>>
    %dma_start3A_245 = tpu.memref_squeeze %dma_start3A_244 : memref<1x32xi32, #tpu.memory_space<vmem>> -> memref<32xi32, #tpu.memory_space<vmem>>
    %dma_start3A_246 = tpu.memref_slice %arg4[%add3A_241] : memref<320512xi32, #tpu.memory_space<hbm>> -> memref<32xi32, #tpu.memory_space<hbm>>
    %dma_start3A_247 = arith.constant 0 : i32
    %dma_start3A_248 = tpu.memref_slice %arg8[%dma_start3A_242, %dma_start3A_247] : memref<3x32xi32, #tpu.memory_space<vmem>> -> memref<1x32xi32, #tpu.memory_space<vmem>>
    %dma_start3A_249 = tpu.memref_squeeze %dma_start3A_248 : memref<1x32xi32, #tpu.memory_space<vmem>> -> memref<32xi32, #tpu.memory_space<vmem>>
    %dma_start3A_250 = tpu.memref_slice %arg4[%add3A_241] : memref<320512xi32, #tpu.memory_space<hbm>> -> memref<32xi32, #tpu.memory_space<hbm>>
    tpu.enqueue_dma source(%dma_start3A_250 : memref<32xi32, #tpu.memory_space<hbm>>) target(%dma_start3A_249 : memref<32xi32, #tpu.memory_space<vmem>>) target_semaphore(%arg18 : memref<!tpu.dma_semaphore, #tpu.memory_space<semaphore_mem>>)
    %dma_wait3A_251 = arith.constant 0 : i32
    %dma_wait3A_252 = arith.constant 0 : i32
    %dma_wait3A_253 = tpu.memref_slice %arg9[%dma_wait3A_251, %dma_wait3A_252] : memref<3x32xi32, #tpu.memory_space<vmem>> -> memref<1x32xi32, #tpu.memory_space<vmem>>
    %dma_wait3A_254 = tpu.memref_squeeze %dma_wait3A_253 : memref<1x32xi32, #tpu.memory_space<vmem>> -> memref<32xi32, #tpu.memory_space<vmem>>
    %dma_wait3A_255 = arith.constant 0 : i32
    %dma_wait3A_256 = arith.constant 0 : i32
    %dma_wait3A_257 = tpu.memref_slice %arg2[%dma_wait3A_255, %dma_wait3A_256] : memref<10000x128xf32, #tpu.memory_space<hbm>> -> memref<10000x128xf32, #tpu.memory_space<hbm>>
    tpu.wait_indirect_dma semaphore(%arg21 : memref<!tpu.dma_semaphore, #tpu.memory_space<semaphore_mem>>) src(%dma_wait3A_257 : memref<10000x128xf32, #tpu.memory_space<hbm>>) dst(%arg14 : memref<32x128xf32, #tpu.memory_space<vmem>>)
    %add3A_258 = arith.constant 32 : i32
    %add3A_259 = arith.addi %mul3A_2, %add3A_258 : i32
    %dma_wait3A_260 = arith.constant 0 : i32
    %dma_wait3A_261 = tpu.memref_slice %arg5[%add3A_259, %dma_wait3A_260] : memref<320512x128xf32, #tpu.memory_space<hbm>> -> memref<32x128xf32, #tpu.memory_space<hbm>>
    %dma_wait3A_262 = arith.constant 0 : i32
    %dma_wait3A_263 = tpu.memref_slice %arg5[%add3A_259, %dma_wait3A_262] : memref<320512x128xf32, #tpu.memory_space<hbm>> -> memref<32x128xf32, #tpu.memory_space<hbm>>
    tpu.wait_dma2 semaphore(%arg21 : memref<!tpu.dma_semaphore, #tpu.memory_space<semaphore_mem>>) src(%dma_wait3A_263 : memref<32x128xf32, #tpu.memory_space<hbm>>) dst(%arg15 : memref<32x128xf32, #tpu.memory_space<vmem>>)
    %parallel_loop3A_264 = arith.constant 0 : i32
    %parallel_loop3A_265 = arith.constant 32 : i32
    %parallel_loop3A_266 = arith.constant 1 : i32
    scf.for %parallel_loop3A_390 = %parallel_loop3A_264 to %parallel_loop3A_265 step %parallel_loop3A_266  : i32 {
      %parallel_loop3A_391 = arith.index_cast %parallel_loop3A_390 : i32 to index
      %parallel_loop3A_392 = arith.constant 0 : index
      %parallel_loop3A_393 = tpu.vector_load %arg14[%parallel_loop3A_391, %parallel_loop3A_392] {strides = array<i32>} : memref<32x128xf32, #tpu.memory_space<vmem>>, vector<1x16xf32>,
      %parallel_loop3A_394 = vector.shape_cast %parallel_loop3A_393 : vector<1x16xf32> to vector<16xf32>
      %parallel_loop3A_395 = arith.index_cast %parallel_loop3A_390 : i32 to index
      %parallel_loop3A_396 = arith.constant 0 : index
      %parallel_loop3A_397 = tpu.vector_load %arg15[%parallel_loop3A_395, %parallel_loop3A_396] {strides = array<i32>} : memref<32x128xf32, #tpu.memory_space<vmem>>, vector<1x16xf32>,
      %parallel_loop3A_398 = vector.shape_cast %parallel_loop3A_397 : vector<1x16xf32> to vector<16xf32>
      %parallel_loop3A_399 = arith.addf %parallel_loop3A_394, %parallel_loop3A_398 : vector<16xf32>
      %parallel_loop3A_400 = arith.constant 0.000000e+00 : f32
      %parallel_loop3A_401 = vector.broadcast %parallel_loop3A_400 : f32 to vector<16xf32>
      %parallel_loop3A_402 = arith.maximumf %parallel_loop3A_399, %parallel_loop3A_401 : vector<16xf32>
      %parallel_loop3A_403 = arith.index_cast %parallel_loop3A_390 : i32 to index
      %parallel_loop3A_404 = arith.constant 0 : index
      %parallel_loop3A_405 = tpu.vector_load %arg16[%parallel_loop3A_403, %parallel_loop3A_404] {strides = array<i32>} : memref<32x128xf32, #tpu.memory_space<vmem>>, vector<1x16xf32>,
      %parallel_loop3A_406 = vector.shape_cast %parallel_loop3A_405 : vector<1x16xf32> to vector<16xf32>
      %parallel_loop3A_407 = vector.shape_cast %parallel_loop3A_402 : vector<16xf32> to vector<1x16xf32>
      tpu.vector_store %arg16[%parallel_loop3A_403, %parallel_loop3A_404], %parallel_loop3A_407 {strides = array<i32>} : memref<32x128xf32, #tpu.memory_space<vmem>>, vector<1x16xf32>,
      %parallel_loop3A_408 = arith.index_cast %parallel_loop3A_390 : i32 to index
      %parallel_loop3A_409 = arith.constant 16 : index
      %parallel_loop3A_410 = tpu.vector_load %arg14[%parallel_loop3A_408, %parallel_loop3A_409] {strides = array<i32>} : memref<32x128xf32, #tpu.memory_space<vmem>>, vector<1x16xf32>,
      %parallel_loop3A_411 = vector.shape_cast %parallel_loop3A_410 : vector<1x16xf32> to vector<16xf32>
      %parallel_loop3A_412 = arith.index_cast %parallel_loop3A_390 : i32 to index
      %parallel_loop3A_413 = arith.constant 16 : index
      %parallel_loop3A_414 = tpu.vector_load %arg15[%parallel_loop3A_412, %parallel_loop3A_413] {strides = array<i32>} : memref<32x128xf32, #tpu.memory_space<vmem>>, vector<1x16xf32>,
      %parallel_loop3A_415 = vector.shape_cast %parallel_loop3A_414 : vector<1x16xf32> to vector<16xf32>
      %parallel_loop3A_416 = arith.addf %parallel_loop3A_411, %parallel_loop3A_415 : vector<16xf32>
      %parallel_loop3A_417 = arith.constant 0.000000e+00 : f32
      %parallel_loop3A_418 = vector.broadcast %parallel_loop3A_417 : f32 to vector<16xf32>
      %parallel_loop3A_419 = arith.maximumf %parallel_loop3A_416, %parallel_loop3A_418 : vector<16xf32>
      %parallel_loop3A_420 = arith.index_cast %parallel_loop3A_390 : i32 to index
      %parallel_loop3A_421 = arith.constant 16 : index
      %parallel_loop3A_422 = tpu.vector_load %arg16[%parallel_loop3A_420, %parallel_loop3A_421] {strides = array<i32>} : memref<32x128xf32, #tpu.memory_space<vmem>>, vector<1x16xf32>,
      %parallel_loop3A_423 = vector.shape_cast %parallel_loop3A_422 : vector<1x16xf32> to vector<16xf32>
      %parallel_loop3A_424 = vector.shape_cast %parallel_loop3A_419 : vector<16xf32> to vector<1x16xf32>
      tpu.vector_store %arg16[%parallel_loop3A_420, %parallel_loop3A_421], %parallel_loop3A_424 {strides = array<i32>} : memref<32x128xf32, #tpu.memory_space<vmem>>, vector<1x16xf32>,
      %parallel_loop3A_425 = arith.index_cast %parallel_loop3A_390 : i32 to index
      %parallel_loop3A_426 = arith.constant 32 : index
      %parallel_loop3A_427 = tpu.vector_load %arg14[%parallel_loop3A_425, %parallel_loop3A_426] {strides = array<i32>} : memref<32x128xf32, #tpu.memory_space<vmem>>, vector<1x16xf32>,
      %parallel_loop3A_428 = vector.shape_cast %parallel_loop3A_427 : vector<1x16xf32> to vector<16xf32>
      %parallel_loop3A_429 = arith.index_cast %parallel_loop3A_390 : i32 to index
      %parallel_loop3A_430 = arith.constant 32 : index
      %parallel_loop3A_431 = tpu.vector_load %arg15[%parallel_loop3A_429, %parallel_loop3A_430] {strides = array<i32>} : memref<32x128xf32, #tpu.memory_space<vmem>>, vector<1x16xf32>,
      %parallel_loop3A_432 = vector.shape_cast %parallel_loop3A_431 : vector<1x16xf32> to vector<16xf32>
      %parallel_loop3A_433 = arith.addf %parallel_loop3A_428, %parallel_loop3A_432 : vector<16xf32>
      %parallel_loop3A_434 = arith.constant 0.000000e+00 : f32
      %parallel_loop3A_435 = vector.broadcast %parallel_loop3A_434 : f32 to vector<16xf32>
      %parallel_loop3A_436 = arith.maximumf %parallel_loop3A_433, %parallel_loop3A_435 : vector<16xf32>
      %parallel_loop3A_437 = arith.index_cast %parallel_loop3A_390 : i32 to index
      %parallel_loop3A_438 = arith.constant 32 : index
      %parallel_loop3A_439 = tpu.vector_load %arg16[%parallel_loop3A_437, %parallel_loop3A_438] {strides = array<i32>} : memref<32x128xf32, #tpu.memory_space<vmem>>, vector<1x16xf32>,
      %parallel_loop3A_440 = vector.shape_cast %parallel_loop3A_439 : vector<1x16xf32> to vector<16xf32>
      %parallel_loop3A_441 = vector.shape_cast %parallel_loop3A_436 : vector<16xf32> to vector<1x16xf32>
      tpu.vector_store %arg16[%parallel_loop3A_437, %parallel_loop3A_438], %parallel_loop3A_441 {strides = array<i32>} : memref<32x128xf32, #tpu.memory_space<vmem>>, vector<1x16xf32>,
      %parallel_loop3A_442 = arith.index_cast %parallel_loop3A_390 : i32 to index
      %parallel_loop3A_443 = arith.constant 48 : index
      %parallel_loop3A_444 = tpu.vector_load %arg14[%parallel_loop3A_442, %parallel_loop3A_443] {strides = array<i32>} : memref<32x128xf32, #tpu.memory_space<vmem>>, vector<1x16xf32>,
      %parallel_loop3A_445 = vector.shape_cast %parallel_loop3A_444 : vector<1x16xf32> to vector<16xf32>
      %parallel_loop3A_446 = arith.index_cast %parallel_loop3A_390 : i32 to index
      %parallel_loop3A_447 = arith.constant 48 : index
      %parallel_loop3A_448 = tpu.vector_load %arg15[%parallel_loop3A_446, %parallel_loop3A_447] {strides = array<i32>} : memref<32x128xf32, #tpu.memory_space<vmem>>, vector<1x16xf32>,
      %parallel_loop3A_449 = vector.shape_cast %parallel_loop3A_448 : vector<1x16xf32> to vector<16xf32>
      %parallel_loop3A_450 = arith.addf %parallel_loop3A_445, %parallel_loop3A_449 : vector<16xf32>
      %parallel_loop3A_451 = arith.constant 0.000000e+00 : f32
      %parallel_loop3A_452 = vector.broadcast %parallel_loop3A_451 : f32 to vector<16xf32>
      %parallel_loop3A_453 = arith.maximumf %parallel_loop3A_450, %parallel_loop3A_452 : vector<16xf32>
      %parallel_loop3A_454 = arith.index_cast %parallel_loop3A_390 : i32 to index
      %parallel_loop3A_455 = arith.constant 48 : index
      %parallel_loop3A_456 = tpu.vector_load %arg16[%parallel_loop3A_454, %parallel_loop3A_455] {strides = array<i32>} : memref<32x128xf32, #tpu.memory_space<vmem>>, vector<1x16xf32>,
      %parallel_loop3A_457 = vector.shape_cast %parallel_loop3A_456 : vector<1x16xf32> to vector<16xf32>
      %parallel_loop3A_458 = vector.shape_cast %parallel_loop3A_453 : vector<16xf32> to vector<1x16xf32>
      tpu.vector_store %arg16[%parallel_loop3A_454, %parallel_loop3A_455], %parallel_loop3A_458 {strides = array<i32>} : memref<32x128xf32, #tpu.memory_space<vmem>>, vector<1x16xf32>,
      %parallel_loop3A_459 = arith.index_cast %parallel_loop3A_390 : i32 to index
      %parallel_loop3A_460 = arith.constant 64 : index
      %parallel_loop3A_461 = tpu.vector_load %arg14[%parallel_loop3A_459, %parallel_loop3A_460] {strides = array<i32>} : memref<32x128xf32, #tpu.memory_space<vmem>>, vector<1x16xf32>,
      %parallel_loop3A_462 = vector.shape_cast %parallel_loop3A_461 : vector<1x16xf32> to vector<16xf32>
      %parallel_loop3A_463 = arith.index_cast %parallel_loop3A_390 : i32 to index
      %parallel_loop3A_464 = arith.constant 64 : index
      %parallel_loop3A_465 = tpu.vector_load %arg15[%parallel_loop3A_463, %parallel_loop3A_464] {strides = array<i32>} : memref<32x128xf32, #tpu.memory_space<vmem>>, vector<1x16xf32>,
      %parallel_loop3A_466 = vector.shape_cast %parallel_loop3A_465 : vector<1x16xf32> to vector<16xf32>
      %parallel_loop3A_467 = arith.addf %parallel_loop3A_462, %parallel_loop3A_466 : vector<16xf32>
      %parallel_loop3A_468 = arith.constant 0.000000e+00 : f32
      %parallel_loop3A_469 = vector.broadcast %parallel_loop3A_468 : f32 to vector<16xf32>
      %parallel_loop3A_470 = arith.maximumf %parallel_loop3A_467, %parallel_loop3A_469 : vector<16xf32>
      %parallel_loop3A_471 = arith.index_cast %parallel_loop3A_390 : i32 to index
      %parallel_loop3A_472 = arith.constant 64 : index
      %parallel_loop3A_473 = tpu.vector_load %arg16[%parallel_loop3A_471, %parallel_loop3A_472] {strides = array<i32>} : memref<32x128xf32, #tpu.memory_space<vmem>>, vector<1x16xf32>,
      %parallel_loop3A_474 = vector.shape_cast %parallel_loop3A_473 : vector<1x16xf32> to vector<16xf32>
      %parallel_loop3A_475 = vector.shape_cast %parallel_loop3A_470 : vector<16xf32> to vector<1x16xf32>
      tpu.vector_store %arg16[%parallel_loop3A_471, %parallel_loop3A_472], %parallel_loop3A_475 {strides = array<i32>} : memref<32x128xf32, #tpu.memory_space<vmem>>, vector<1x16xf32>,
      %parallel_loop3A_476 = arith.index_cast %parallel_loop3A_390 : i32 to index
      %parallel_loop3A_477 = arith.constant 80 : index
      %parallel_loop3A_478 = tpu.vector_load %arg14[%parallel_loop3A_476, %parallel_loop3A_477] {strides = array<i32>} : memref<32x128xf32, #tpu.memory_space<vmem>>, vector<1x16xf32>,
      %parallel_loop3A_479 = vector.shape_cast %parallel_loop3A_478 : vector<1x16xf32> to vector<16xf32>
      %parallel_loop3A_480 = arith.index_cast %parallel_loop3A_390 : i32 to index
      %parallel_loop3A_481 = arith.constant 80 : index
      %parallel_loop3A_482 = tpu.vector_load %arg15[%parallel_loop3A_480, %parallel_loop3A_481] {strides = array<i32>} : memref<32x128xf32, #tpu.memory_space<vmem>>, vector<1x16xf32>,
      %parallel_loop3A_483 = vector.shape_cast %parallel_loop3A_482 : vector<1x16xf32> to vector<16xf32>
      %parallel_loop3A_484 = arith.addf %parallel_loop3A_479, %parallel_loop3A_483 : vector<16xf32>
      %parallel_loop3A_485 = arith.constant 0.000000e+00 : f32
      %parallel_loop3A_486 = vector.broadcast %parallel_loop3A_485 : f32 to vector<16xf32>
      %parallel_loop3A_487 = arith.maximumf %parallel_loop3A_484, %parallel_loop3A_486 : vector<16xf32>
      %parallel_loop3A_488 = arith.index_cast %parallel_loop3A_390 : i32 to index
      %parallel_loop3A_489 = arith.constant 80 : index
      %parallel_loop3A_490 = tpu.vector_load %arg16[%parallel_loop3A_488, %parallel_loop3A_489] {strides = array<i32>} : memref<32x128xf32, #tpu.memory_space<vmem>>, vector<1x16xf32>,
      %parallel_loop3A_491 = vector.shape_cast %parallel_loop3A_490 : vector<1x16xf32> to vector<16xf32>
      %parallel_loop3A_492 = vector.shape_cast %parallel_loop3A_487 : vector<16xf32> to vector<1x16xf32>
      tpu.vector_store %arg16[%parallel_loop3A_488, %parallel_loop3A_489], %parallel_loop3A_492 {strides = array<i32>} : memref<32x128xf32, #tpu.memory_space<vmem>>, vector<1x16xf32>,
      %parallel_loop3A_493 = arith.index_cast %parallel_loop3A_390 : i32 to index
      %parallel_loop3A_494 = arith.constant 96 : index
      %parallel_loop3A_495 = tpu.vector_load %arg14[%parallel_loop3A_493, %parallel_loop3A_494] {strides = array<i32>} : memref<32x128xf32, #tpu.memory_space<vmem>>, vector<1x16xf32>,
      %parallel_loop3A_496 = vector.shape_cast %parallel_loop3A_495 : vector<1x16xf32> to vector<16xf32>
      %parallel_loop3A_497 = arith.index_cast %parallel_loop3A_390 : i32 to index
      %parallel_loop3A_498 = arith.constant 96 : index
      %parallel_loop3A_499 = tpu.vector_load %arg15[%parallel_loop3A_497, %parallel_loop3A_498] {strides = array<i32>} : memref<32x128xf32, #tpu.memory_space<vmem>>, vector<1x16xf32>,
      %parallel_loop3A_500 = vector.shape_cast %parallel_loop3A_499 : vector<1x16xf32> to vector<16xf32>
      %parallel_loop3A_501 = arith.addf %parallel_loop3A_496, %parallel_loop3A_500 : vector<16xf32>
      %parallel_loop3A_502 = arith.constant 0.000000e+00 : f32
      %parallel_loop3A_503 = vector.broadcast %parallel_loop3A_502 : f32 to vector<16xf32>
      %parallel_loop3A_504 = arith.maximumf %parallel_loop3A_501, %parallel_loop3A_503 : vector<16xf32>
      %parallel_loop3A_505 = arith.index_cast %parallel_loop3A_390 : i32 to index
      %parallel_loop3A_506 = arith.constant 96 : index
      %parallel_loop3A_507 = tpu.vector_load %arg16[%parallel_loop3A_505, %parallel_loop3A_506] {strides = array<i32>} : memref<32x128xf32, #tpu.memory_space<vmem>>, vector<1x16xf32>,
      %parallel_loop3A_508 = vector.shape_cast %parallel_loop3A_507 : vector<1x16xf32> to vector<16xf32>
      %parallel_loop3A_509 = vector.shape_cast %parallel_loop3A_504 : vector<16xf32> to vector<1x16xf32>
      tpu.vector_store %arg16[%parallel_loop3A_505, %parallel_loop3A_506], %parallel_loop3A_509 {strides = array<i32>} : memref<32x128xf32, #tpu.memory_space<vmem>>, vector<1x16xf32>,
      %parallel_loop3A_510 = arith.index_cast %parallel_loop3A_390 : i32 to index
      %parallel_loop3A_511 = arith.constant 112 : index
      %parallel_loop3A_512 = tpu.vector_load %arg14[%parallel_loop3A_510, %parallel_loop3A_511] {strides = array<i32>} : memref<32x128xf32, #tpu.memory_space<vmem>>, vector<1x16xf32>,
      %parallel_loop3A_513 = vector.shape_cast %parallel_loop3A_512 : vector<1x16xf32> to vector<16xf32>
      %parallel_loop3A_514 = arith.index_cast %parallel_loop3A_390 : i32 to index
      %parallel_loop3A_515 = arith.constant 112 : index
      %parallel_loop3A_516 = tpu.vector_load %arg15[%parallel_loop3A_514, %parallel_loop3A_515] {strides = array<i32>} : memref<32x128xf32, #tpu.memory_space<vmem>>, vector<1x16xf32>,
      %parallel_loop3A_517 = vector.shape_cast %parallel_loop3A_516 : vector<1x16xf32> to vector<16xf32>
      %parallel_loop3A_518 = arith.addf %parallel_loop3A_513, %parallel_loop3A_517 : vector<16xf32>
      %parallel_loop3A_519 = arith.constant 0.000000e+00 : f32
      %parallel_loop3A_520 = vector.broadcast %parallel_loop3A_519 : f32 to vector<16xf32>
      %parallel_loop3A_521 = arith.maximumf %parallel_loop3A_518, %parallel_loop3A_520 : vector<16xf32>
      %parallel_loop3A_522 = arith.index_cast %parallel_loop3A_390 : i32 to index
      %parallel_loop3A_523 = arith.constant 112 : index
      %parallel_loop3A_524 = tpu.vector_load %arg16[%parallel_loop3A_522, %parallel_loop3A_523] {strides = array<i32>} : memref<32x128xf32, #tpu.memory_space<vmem>>, vector<1x16xf32>,
      %parallel_loop3A_525 = vector.shape_cast %parallel_loop3A_524 : vector<1x16xf32> to vector<16xf32>
      %parallel_loop3A_526 = vector.shape_cast %parallel_loop3A_521 : vector<16xf32> to vector<1x16xf32>
      tpu.vector_store %arg16[%parallel_loop3A_522, %parallel_loop3A_523], %parallel_loop3A_526 {strides = array<i32>} : memref<32x128xf32, #tpu.memory_space<vmem>>, vector<1x16xf32>,
    } {sc.loop_unroll_factor = 4 : i64, sc.parallel_access}
    %dma_start3A_267 = arith.constant 0 : i32
    %dma_start3A_268 = arith.constant 0 : i32
    %dma_start3A_269 = tpu.memref_slice %arg10[%dma_start3A_267, %dma_start3A_268] : memref<3x32xi32, #tpu.memory_space<vmem>> -> memref<1x32xi32, #tpu.memory_space<vmem>>
    %dma_start3A_270 = tpu.memref_squeeze %dma_start3A_269 : memref<1x32xi32, #tpu.memory_space<vmem>> -> memref<32xi32, #tpu.memory_space<vmem>>
    %dma_start3A_271 = arith.constant 0 : i32
    %dma_start3A_272 = arith.constant 0 : i32
    %dma_start3A_273 = tpu.memref_slice %arg17[%dma_start3A_271, %dma_start3A_272] : memref<10240x128xf32, #tpu.memory_space<vmem_shared>> -> memref<10240x128xf32, #tpu.memory_space<vmem_shared>>
    tpu.enqueue_indirect_dma source(%arg16 : memref<32x128xf32, #tpu.memory_space<vmem>>) target(%dma_start3A_273 : memref<10240x128xf32, #tpu.memory_space<vmem_shared>>) offsets(%dma_start3A_270 : memref<32xi32, #tpu.memory_space<vmem>>) semaphore(%arg23 : memref<!tpu.dma_semaphore, #tpu.memory_space<semaphore_mem>>) {add = true}
    %add3A_274 = arith.constant 96 : i32
    %add3A_275 = arith.addi %mul3A_2, %add3A_274 : i32
    %dma_wait3A_276 = arith.constant 1 : i32
    %dma_wait3A_277 = arith.constant 0 : i32
    %dma_wait3A_278 = tpu.memref_slice %arg9[%dma_wait3A_276, %dma_wait3A_277] : memref<3x32xi32, #tpu.memory_space<vmem>> -> memref<1x32xi32, #tpu.memory_space<vmem>>
    %dma_wait3A_279 = tpu.memref_squeeze %dma_wait3A_278 : memref<1x32xi32, #tpu.memory_space<vmem>> -> memref<32xi32, #tpu.memory_space<vmem>>
    %dma_wait3A_280 = tpu.memref_slice %arg3[%add3A_275] : memref<320512xi32, #tpu.memory_space<hbm>> -> memref<32xi32, #tpu.memory_space<hbm>>
    %dma_wait3A_281 = arith.constant 0 : i32
    %dma_wait3A_282 = tpu.memref_slice %arg9[%dma_wait3A_276, %dma_wait3A_281] : memref<3x32xi32, #tpu.memory_space<vmem>> -> memref<1x32xi32, #tpu.memory_space<vmem>>
    %dma_wait3A_283 = tpu.memref_squeeze %dma_wait3A_282 : memref<1x32xi32, #tpu.memory_space<vmem>> -> memref<32xi32, #tpu.memory_space<vmem>>
    %dma_wait3A_284 = tpu.memref_slice %arg3[%add3A_275] : memref<320512xi32, #tpu.memory_space<hbm>> -> memref<32xi32, #tpu.memory_space<hbm>>
    tpu.wait_dma2 semaphore(%arg19 : memref<!tpu.dma_semaphore, #tpu.memory_space<semaphore_mem>>) src(%dma_wait3A_284 : memref<32xi32, #tpu.memory_space<hbm>>) dst(%dma_wait3A_283 : memref<32xi32, #tpu.memory_space<vmem>>)
    %add3A_285 = arith.constant 96 : i32
    %add3A_286 = arith.addi %mul3A_2, %add3A_285 : i32
    %dma_wait3A_287 = arith.constant 1 : i32
    %dma_wait3A_288 = arith.constant 0 : i32
    %dma_wait3A_289 = tpu.memref_slice %arg10[%dma_wait3A_287, %dma_wait3A_288] : memref<3x32xi32, #tpu.memory_space<vmem>> -> memref<1x32xi32, #tpu.memory_space<vmem>>
    %dma_wait3A_290 = tpu.memref_squeeze %dma_wait3A_289 : memref<1x32xi32, #tpu.memory_space<vmem>> -> memref<32xi32, #tpu.memory_space<vmem>>
    %dma_wait3A_291 = tpu.memref_slice %arg4[%add3A_286] : memref<320512xi32, #tpu.memory_space<hbm>> -> memref<32xi32, #tpu.memory_space<hbm>>
    %dma_wait3A_292 = arith.constant 0 : i32
    %dma_wait3A_293 = tpu.memref_slice %arg10[%dma_wait3A_287, %dma_wait3A_292] : memref<3x32xi32, #tpu.memory_space<vmem>> -> memref<1x32xi32, #tpu.memory_space<vmem>>
    %dma_wait3A_294 = tpu.memref_squeeze %dma_wait3A_293 : memref<1x32xi32, #tpu.memory_space<vmem>> -> memref<32xi32, #tpu.memory_space<vmem>>
    %dma_wait3A_295 = tpu.memref_slice %arg4[%add3A_286] : memref<320512xi32, #tpu.memory_space<hbm>> -> memref<32xi32, #tpu.memory_space<hbm>>
    tpu.wait_dma2 semaphore(%arg19 : memref<!tpu.dma_semaphore, #tpu.memory_space<semaphore_mem>>) src(%dma_wait3A_295 : memref<32xi32, #tpu.memory_space<hbm>>) dst(%dma_wait3A_294 : memref<32xi32, #tpu.memory_space<vmem>>)
    %dma_start3A_296 = arith.constant 1 : i32
    %dma_start3A_297 = arith.constant 0 : i32
    %dma_start3A_298 = tpu.memref_slice %arg9[%dma_start3A_296, %dma_start3A_297] : memref<3x32xi32, #tpu.memory_space<vmem>> -> memref<1x32xi32, #tpu.memory_space<vmem>>
    %dma_start3A_299 = tpu.memref_squeeze %dma_start3A_298 : memref<1x32xi32, #tpu.memory_space<vmem>> -> memref<32xi32, #tpu.memory_space<vmem>>
    %dma_start3A_300 = arith.constant 0 : i32
    %dma_start3A_301 = arith.constant 0 : i32
    %dma_start3A_302 = tpu.memref_slice %arg2[%dma_start3A_300, %dma_start3A_301] : memref<10000x128xf32, #tpu.memory_space<hbm>> -> memref<10000x128xf32, #tpu.memory_space<hbm>>
    tpu.enqueue_indirect_dma source(%dma_start3A_302 : memref<10000x128xf32, #tpu.memory_space<hbm>>) target(%arg14 : memref<32x128xf32, #tpu.memory_space<vmem>>) offsets(%dma_start3A_299 : memref<32xi32, #tpu.memory_space<vmem>>) semaphore(%arg21 : memref<!tpu.dma_semaphore, #tpu.memory_space<semaphore_mem>>)
    %add3A_303 = arith.constant 96 : i32
    %add3A_304 = arith.addi %mul3A_2, %add3A_303 : i32
    %dma_start3A_305 = arith.constant 0 : i32
    %dma_start3A_306 = tpu.memref_slice %arg5[%add3A_304, %dma_start3A_305] : memref<320512x128xf32, #tpu.memory_space<hbm>> -> memref<32x128xf32, #tpu.memory_space<hbm>>
    %dma_start3A_307 = arith.constant 0 : i32
    %dma_start3A_308 = tpu.memref_slice %arg5[%add3A_304, %dma_start3A_307] : memref<320512x128xf32, #tpu.memory_space<hbm>> -> memref<32x128xf32, #tpu.memory_space<hbm>>
    tpu.enqueue_dma source(%dma_start3A_308 : memref<32x128xf32, #tpu.memory_space<hbm>>) target(%arg15 : memref<32x128xf32, #tpu.memory_space<vmem>>) target_semaphore(%arg21 : memref<!tpu.dma_semaphore, #tpu.memory_space<semaphore_mem>>)
    %add3A_309 = arith.constant 160 : i32
    %add3A_310 = arith.addi %mul3A_2, %add3A_309 : i32
    %dma_start3A_311 = arith.constant 2 : i32
    %dma_start3A_312 = arith.constant 0 : i32
    %dma_start3A_313 = tpu.memref_slice %arg9[%dma_start3A_311, %dma_start3A_312] : memref<3x32xi32, #tpu.memory_space<vmem>> -> memref<1x32xi32, #tpu.memory_space<vmem>>
    %dma_start3A_314 = tpu.memref_squeeze %dma_start3A_313 : memref<1x32xi32, #tpu.memory_space<vmem>> -> memref<32xi32, #tpu.memory_space<vmem>>
    %dma_start3A_315 = tpu.memref_slice %arg3[%add3A_310] : memref<320512xi32, #tpu.memory_space<hbm>> -> memref<32xi32, #tpu.memory_space<hbm>>
    %dma_start3A_316 = arith.constant 0 : i32
    %dma_start3A_317 = tpu.memref_slice %arg9[%dma_start3A_311, %dma_start3A_316] : memref<3x32xi32, #tpu.memory_space<vmem>> -> memref<1x32xi32, #tpu.memory_space<vmem>>
    %dma_start3A_318 = tpu.memref_squeeze %dma_start3A_317 : memref<1x32xi32, #tpu.memory_space<vmem>> -> memref<32xi32, #tpu.memory_space<vmem>>
    %dma_start3A_319 = tpu.memref_slice %arg3[%add3A_310] : memref<320512xi32, #tpu.memory_space<hbm>> -> memref<32xi32, #tpu.memory_space<hbm>>
    tpu.enqueue_dma source(%dma_start3A_319 : memref<32xi32, #tpu.memory_space<hbm>>) target(%dma_start3A_318 : memref<32xi32, #tpu.memory_space<vmem>>) target_semaphore(%arg19 : memref<!tpu.dma_semaphore, #tpu.memory_space<semaphore_mem>>)
    %add3A_320 = arith.constant 160 : i32
    %add3A_321 = arith.addi %mul3A_2, %add3A_320 : i32
    %dma_start3A_322 = arith.constant 2 : i32
    %dma_start3A_323 = arith.constant 0 : i32
    %dma_start3A_324 = tpu.memref_slice %arg10[%dma_start3A_322, %dma_start3A_323] : memref<3x32xi32, #tpu.memory_space<vmem>> -> memref<1x32xi32, #tpu.memory_space<vmem>>
    %dma_start3A_325 = tpu.memref_squeeze %dma_start3A_324 : memref<1x32xi32, #tpu.memory_space<vmem>> -> memref<32xi32, #tpu.memory_space<vmem>>
    %dma_start3A_326 = tpu.memref_slice %arg4[%add3A_321] : memref<320512xi32, #tpu.memory_space<hbm>> -> memref<32xi32, #tpu.memory_space<hbm>>
    %dma_start3A_327 = arith.constant 0 : i32
    %dma_start3A_328 = tpu.memref_slice %arg10[%dma_start3A_322, %dma_start3A_327] : memref<3x32xi32, #tpu.memory_space<vmem>> -> memref<1x32xi32, #tpu.memory_space<vmem>>
    %dma_start3A_329 = tpu.memref_squeeze %dma_start3A_328 : memref<1x32xi32, #tpu.memory_space<vmem>> -> memref<32xi32, #tpu.memory_space<vmem>>
    %dma_start3A_330 = tpu.memref_slice %arg4[%add3A_321] : memref<320512xi32, #tpu.memory_space<hbm>> -> memref<32xi32, #tpu.memory_space<hbm>>
    tpu.enqueue_dma source(%dma_start3A_330 : memref<32xi32, #tpu.memory_space<hbm>>) target(%dma_start3A_329 : memref<32xi32, #tpu.memory_space<vmem>>) target_semaphore(%arg19 : memref<!tpu.dma_semaphore, #tpu.memory_space<semaphore_mem>>)
    %scan3A_331 = arith.constant 0 : i32
    %scan3A_332 = arith.constant 1 : i32
    %scan3A_333 = arith.constant 155 : i32
    %scan3A_334 = arith.addi %scan3A_332, %scan3A_333 : i32
    %scan3A_335 = arith.constant 1 : i32
    %scan3A_336 = scf.for %scan3A_390 = %scan3A_332 to %scan3A_334 step %scan3A_335 iter_args(%scan3A_391 = %scan3A_331) -> (i32)  : i32 {
      %mul3A_392 = arith.constant 2 : i32
      %mul3A_393 = arith.muli %mul3A_392, %scan3A_390 : i32
      %jit3A = arith.constant 3 : i32
      %eq3A = arith.constant 0 : i32
      %eq3A_394 = arith.cmpi eq, %jit3A, %eq3A : i32
      %jit3A_395 = arith.constant 1 : i32
      %select_n3A = arith.select %eq3A_394, %jit3A_395, %jit3A : i32
      %rem3A = arith.remsi %scan3A_390, %select_n3A : i32
      %ne3A = arith.constant 0 : i32
      %ne3A_396 = arith.cmpi ne, %rem3A, %ne3A : i32
      %lt3A = arith.constant 0 : i32
      %lt3A_397 = arith.cmpi slt, %rem3A, %lt3A : i32
      %lt3A_398 = arith.constant 0 : i32
      %lt3A_399 = arith.cmpi slt, %select_n3A, %lt3A_398 : i32
      %ne3A_400 = arith.xori %lt3A_397, %lt3A_399 : i1
      %and3A = arith.andi %ne3A_400, %ne3A_396 : i1
      %add3A_401 = arith.addi %rem3A, %select_n3A : i32
      %select_n3A_402 = arith.select %and3A, %add3A_401, %rem3A : i32
      %sub3A = arith.constant 1 : i32
      %sub3A_403 = arith.subi %scan3A_390, %sub3A : i32
      %jit3A_404 = arith.constant 3 : i32
      %eq3A_405 = arith.constant 0 : i32
      %eq3A_406 = arith.cmpi eq, %jit3A_404, %eq3A_405 : i32
      %jit3A_407 = arith.constant 1 : i32
      %select_n3A_408 = arith.select %eq3A_406, %jit3A_407, %jit3A_404 : i32
      %rem3A_409 = arith.remsi %sub3A_403, %select_n3A_408 : i32
      %ne3A_410 = arith.constant 0 : i32
      %ne3A_411 = arith.cmpi ne, %rem3A_409, %ne3A_410 : i32
      %lt3A_412 = arith.constant 0 : i32
      %lt3A_413 = arith.cmpi slt, %rem3A_409, %lt3A_412 : i32
      %lt3A_414 = arith.constant 0 : i32
      %lt3A_415 = arith.cmpi slt, %select_n3A_408, %lt3A_414 : i32
      %ne3A_416 = arith.xori %lt3A_413, %lt3A_415 : i1
      %and3A_417 = arith.andi %ne3A_416, %ne3A_411 : i1
      %add3A_418 = arith.addi %rem3A_409, %select_n3A_408 : i32
      %select_n3A_419 = arith.select %and3A_417, %add3A_418, %rem3A_409 : i32
      %dma_wait3A_420 = arith.constant 0 : i32
      %dma_wait3A_421 = tpu.memref_slice %arg8[%select_n3A_419, %dma_wait3A_420] : memref<3x32xi32, #tpu.memory_space<vmem>> -> memref<1x32xi32, #tpu.memory_space<vmem>>
      %dma_wait3A_422 = tpu.memref_squeeze %dma_wait3A_421 : memref<1x32xi32, #tpu.memory_space<vmem>> -> memref<32xi32, #tpu.memory_space<vmem>>
      %dma_wait3A_423 = arith.constant 0 : i32
      %dma_wait3A_424 = arith.constant 0 : i32
      %dma_wait3A_425 = tpu.memref_slice %arg17[%dma_wait3A_423, %dma_wait3A_424] : memref<10240x128xf32, #tpu.memory_space<vmem_shared>> -> memref<10240x128xf32, #tpu.memory_space<vmem_shared>>
      tpu.wait_indirect_dma semaphore(%arg22 : memref<!tpu.dma_semaphore, #tpu.memory_space<semaphore_mem>>) src(%arg13 : memref<32x128xf32, #tpu.memory_space<vmem>>) dst(%dma_wait3A_425 : memref<10240x128xf32, #tpu.memory_space<vmem_shared>>)
      %dma_wait3A_426 = arith.constant 0 : i32
      %dma_wait3A_427 = tpu.memref_slice %arg7[%select_n3A_402, %dma_wait3A_426] : memref<3x32xi32, #tpu.memory_space<vmem>> -> memref<1x32xi32, #tpu.memory_space<vmem>>
      %dma_wait3A_428 = tpu.memref_squeeze %dma_wait3A_427 : memref<1x32xi32, #tpu.memory_space<vmem>> -> memref<32xi32, #tpu.memory_space<vmem>>
      %dma_wait3A_429 = arith.constant 0 : i32
      %dma_wait3A_430 = arith.constant 0 : i32
      %dma_wait3A_431 = tpu.memref_slice %arg2[%dma_wait3A_429, %dma_wait3A_430] : memref<10000x128xf32, #tpu.memory_space<hbm>> -> memref<10000x128xf32, #tpu.memory_space<hbm>>
      tpu.wait_indirect_dma semaphore(%arg20 : memref<!tpu.dma_semaphore, #tpu.memory_space<semaphore_mem>>) src(%dma_wait3A_431 : memref<10000x128xf32, #tpu.memory_space<hbm>>) dst(%arg11 : memref<32x128xf32, #tpu.memory_space<vmem>>)
      %mul3A_432 = arith.constant 32 : i32
      %mul3A_433 = arith.muli %mul3A_393, %mul3A_432 : i32
      %add3A_434 = arith.addi %mul3A_2, %mul3A_433 : i32
      %dma_wait3A_435 = arith.constant 0 : i32
      %dma_wait3A_436 = tpu.memref_slice %arg5[%add3A_434, %dma_wait3A_435] : memref<320512x128xf32, #tpu.memory_space<hbm>> -> memref<32x128xf32, #tpu.memory_space<hbm>>
      %dma_wait3A_437 = arith.constant 0 : i32
      %dma_wait3A_438 = tpu.memref_slice %arg5[%add3A_434, %dma_wait3A_437] : memref<320512x128xf32, #tpu.memory_space<hbm>> -> memref<32x128xf32, #tpu.memory_space<hbm>>
      tpu.wait_dma2 semaphore(%arg20 : memref<!tpu.dma_semaphore, #tpu.memory_space<semaphore_mem>>) src(%dma_wait3A_438 : memref<32x128xf32, #tpu.memory_space<hbm>>) dst(%arg12 : memref<32x128xf32, #tpu.memory_space<vmem>>)
      %parallel_loop3A_439 = arith.constant 0 : i32
      %parallel_loop3A_440 = arith.constant 32 : i32
      %parallel_loop3A_441 = arith.constant 1 : i32
      scf.for %parallel_loop3A_541 = %parallel_loop3A_439 to %parallel_loop3A_440 step %parallel_loop3A_441  : i32 {
        %parallel_loop3A_542 = arith.index_cast %parallel_loop3A_541 : i32 to index
        %parallel_loop3A_543 = arith.constant 0 : index
        %parallel_loop3A_544 = tpu.vector_load %arg11[%parallel_loop3A_542, %parallel_loop3A_543] {strides = array<i32>} : memref<32x128xf32, #tpu.memory_space<vmem>>, vector<1x16xf32>,
        %parallel_loop3A_545 = vector.shape_cast %parallel_loop3A_544 : vector<1x16xf32> to vector<16xf32>
        %parallel_loop3A_546 = arith.index_cast %parallel_loop3A_541 : i32 to index
        %parallel_loop3A_547 = arith.constant 0 : index
        %parallel_loop3A_548 = tpu.vector_load %arg12[%parallel_loop3A_546, %parallel_loop3A_547] {strides = array<i32>} : memref<32x128xf32, #tpu.memory_space<vmem>>, vector<1x16xf32>,
        %parallel_loop3A_549 = vector.shape_cast %parallel_loop3A_548 : vector<1x16xf32> to vector<16xf32>
        %parallel_loop3A_550 = arith.addf %parallel_loop3A_545, %parallel_loop3A_549 : vector<16xf32>
        %parallel_loop3A_551 = arith.constant 0.000000e+00 : f32
        %parallel_loop3A_552 = vector.broadcast %parallel_loop3A_551 : f32 to vector<16xf32>
        %parallel_loop3A_553 = arith.maximumf %parallel_loop3A_550, %parallel_loop3A_552 : vector<16xf32>
        %parallel_loop3A_554 = arith.index_cast %parallel_loop3A_541 : i32 to index
        %parallel_loop3A_555 = arith.constant 0 : index
        %parallel_loop3A_556 = tpu.vector_load %arg13[%parallel_loop3A_554, %parallel_loop3A_555] {strides = array<i32>} : memref<32x128xf32, #tpu.memory_space<vmem>>, vector<1x16xf32>,
        %parallel_loop3A_557 = vector.shape_cast %parallel_loop3A_556 : vector<1x16xf32> to vector<16xf32>
        %parallel_loop3A_558 = vector.shape_cast %parallel_loop3A_553 : vector<16xf32> to vector<1x16xf32>
        tpu.vector_store %arg13[%parallel_loop3A_554, %parallel_loop3A_555], %parallel_loop3A_558 {strides = array<i32>} : memref<32x128xf32, #tpu.memory_space<vmem>>, vector<1x16xf32>,
        %parallel_loop3A_559 = arith.index_cast %parallel_loop3A_541 : i32 to index
        %parallel_loop3A_560 = arith.constant 16 : index
        %parallel_loop3A_561 = tpu.vector_load %arg11[%parallel_loop3A_559, %parallel_loop3A_560] {strides = array<i32>} : memref<32x128xf32, #tpu.memory_space<vmem>>, vector<1x16xf32>,
        %parallel_loop3A_562 = vector.shape_cast %parallel_loop3A_561 : vector<1x16xf32> to vector<16xf32>
        %parallel_loop3A_563 = arith.index_cast %parallel_loop3A_541 : i32 to index
        %parallel_loop3A_564 = arith.constant 16 : index
        %parallel_loop3A_565 = tpu.vector_load %arg12[%parallel_loop3A_563, %parallel_loop3A_564] {strides = array<i32>} : memref<32x128xf32, #tpu.memory_space<vmem>>, vector<1x16xf32>,
        %parallel_loop3A_566 = vector.shape_cast %parallel_loop3A_565 : vector<1x16xf32> to vector<16xf32>
        %parallel_loop3A_567 = arith.addf %parallel_loop3A_562, %parallel_loop3A_566 : vector<16xf32>
        %parallel_loop3A_568 = arith.constant 0.000000e+00 : f32
        %parallel_loop3A_569 = vector.broadcast %parallel_loop3A_568 : f32 to vector<16xf32>
        %parallel_loop3A_570 = arith.maximumf %parallel_loop3A_567, %parallel_loop3A_569 : vector<16xf32>
        %parallel_loop3A_571 = arith.index_cast %parallel_loop3A_541 : i32 to index
        %parallel_loop3A_572 = arith.constant 16 : index
        %parallel_loop3A_573 = tpu.vector_load %arg13[%parallel_loop3A_571, %parallel_loop3A_572] {strides = array<i32>} : memref<32x128xf32, #tpu.memory_space<vmem>>, vector<1x16xf32>,
        %parallel_loop3A_574 = vector.shape_cast %parallel_loop3A_573 : vector<1x16xf32> to vector<16xf32>
        %parallel_loop3A_575 = vector.shape_cast %parallel_loop3A_570 : vector<16xf32> to vector<1x16xf32>
        tpu.vector_store %arg13[%parallel_loop3A_571, %parallel_loop3A_572], %parallel_loop3A_575 {strides = array<i32>} : memref<32x128xf32, #tpu.memory_space<vmem>>, vector<1x16xf32>,
        %parallel_loop3A_576 = arith.index_cast %parallel_loop3A_541 : i32 to index
        %parallel_loop3A_577 = arith.constant 32 : index
        %parallel_loop3A_578 = tpu.vector_load %arg11[%parallel_loop3A_576, %parallel_loop3A_577] {strides = array<i32>} : memref<32x128xf32, #tpu.memory_space<vmem>>, vector<1x16xf32>,
        %parallel_loop3A_579 = vector.shape_cast %parallel_loop3A_578 : vector<1x16xf32> to vector<16xf32>
        %parallel_loop3A_580 = arith.index_cast %parallel_loop3A_541 : i32 to index
        %parallel_loop3A_581 = arith.constant 32 : index
        %parallel_loop3A_582 = tpu.vector_load %arg12[%parallel_loop3A_580, %parallel_loop3A_581] {strides = array<i32>} : memref<32x128xf32, #tpu.memory_space<vmem>>, vector<1x16xf32>,
        %parallel_loop3A_583 = vector.shape_cast %parallel_loop3A_582 : vector<1x16xf32> to vector<16xf32>
        %parallel_loop3A_584 = arith.addf %parallel_loop3A_579, %parallel_loop3A_583 : vector<16xf32>
        %parallel_loop3A_585 = arith.constant 0.000000e+00 : f32
        %parallel_loop3A_586 = vector.broadcast %parallel_loop3A_585 : f32 to vector<16xf32>
        %parallel_loop3A_587 = arith.maximumf %parallel_loop3A_584, %parallel_loop3A_586 : vector<16xf32>
        %parallel_loop3A_588 = arith.index_cast %parallel_loop3A_541 : i32 to index
        %parallel_loop3A_589 = arith.constant 32 : index
        %parallel_loop3A_590 = tpu.vector_load %arg13[%parallel_loop3A_588, %parallel_loop3A_589] {strides = array<i32>} : memref<32x128xf32, #tpu.memory_space<vmem>>, vector<1x16xf32>,
        %parallel_loop3A_591 = vector.shape_cast %parallel_loop3A_590 : vector<1x16xf32> to vector<16xf32>
        %parallel_loop3A_592 = vector.shape_cast %parallel_loop3A_587 : vector<16xf32> to vector<1x16xf32>
        tpu.vector_store %arg13[%parallel_loop3A_588, %parallel_loop3A_589], %parallel_loop3A_592 {strides = array<i32>} : memref<32x128xf32, #tpu.memory_space<vmem>>, vector<1x16xf32>,
        %parallel_loop3A_593 = arith.index_cast %parallel_loop3A_541 : i32 to index
        %parallel_loop3A_594 = arith.constant 48 : index
        %parallel_loop3A_595 = tpu.vector_load %arg11[%parallel_loop3A_593, %parallel_loop3A_594] {strides = array<i32>} : memref<32x128xf32, #tpu.memory_space<vmem>>, vector<1x16xf32>,
        %parallel_loop3A_596 = vector.shape_cast %parallel_loop3A_595 : vector<1x16xf32> to vector<16xf32>
        %parallel_loop3A_597 = arith.index_cast %parallel_loop3A_541 : i32 to index
        %parallel_loop3A_598 = arith.constant 48 : index
        %parallel_loop3A_599 = tpu.vector_load %arg12[%parallel_loop3A_597, %parallel_loop3A_598] {strides = array<i32>} : memref<32x128xf32, #tpu.memory_space<vmem>>, vector<1x16xf32>,
        %parallel_loop3A_600 = vector.shape_cast %parallel_loop3A_599 : vector<1x16xf32> to vector<16xf32>
        %parallel_loop3A_601 = arith.addf %parallel_loop3A_596, %parallel_loop3A_600 : vector<16xf32>
        %parallel_loop3A_602 = arith.constant 0.000000e+00 : f32
        %parallel_loop3A_603 = vector.broadcast %parallel_loop3A_602 : f32 to vector<16xf32>
        %parallel_loop3A_604 = arith.maximumf %parallel_loop3A_601, %parallel_loop3A_603 : vector<16xf32>
        %parallel_loop3A_605 = arith.index_cast %parallel_loop3A_541 : i32 to index
        %parallel_loop3A_606 = arith.constant 48 : index
        %parallel_loop3A_607 = tpu.vector_load %arg13[%parallel_loop3A_605, %parallel_loop3A_606] {strides = array<i32>} : memref<32x128xf32, #tpu.memory_space<vmem>>, vector<1x16xf32>,
        %parallel_loop3A_608 = vector.shape_cast %parallel_loop3A_607 : vector<1x16xf32> to vector<16xf32>
        %parallel_loop3A_609 = vector.shape_cast %parallel_loop3A_604 : vector<16xf32> to vector<1x16xf32>
        tpu.vector_store %arg13[%parallel_loop3A_605, %parallel_loop3A_606], %parallel_loop3A_609 {strides = array<i32>} : memref<32x128xf32, #tpu.memory_space<vmem>>, vector<1x16xf32>,
        %parallel_loop3A_610 = arith.index_cast %parallel_loop3A_541 : i32 to index
        %parallel_loop3A_611 = arith.constant 64 : index
        %parallel_loop3A_612 = tpu.vector_load %arg11[%parallel_loop3A_610, %parallel_loop3A_611] {strides = array<i32>} : memref<32x128xf32, #tpu.memory_space<vmem>>, vector<1x16xf32>,
        %parallel_loop3A_613 = vector.shape_cast %parallel_loop3A_612 : vector<1x16xf32> to vector<16xf32>
        %parallel_loop3A_614 = arith.index_cast %parallel_loop3A_541 : i32 to index
        %parallel_loop3A_615 = arith.constant 64 : index
        %parallel_loop3A_616 = tpu.vector_load %arg12[%parallel_loop3A_614, %parallel_loop3A_615] {strides = array<i32>} : memref<32x128xf32, #tpu.memory_space<vmem>>, vector<1x16xf32>,
        %parallel_loop3A_617 = vector.shape_cast %parallel_loop3A_616 : vector<1x16xf32> to vector<16xf32>
        %parallel_loop3A_618 = arith.addf %parallel_loop3A_613, %parallel_loop3A_617 : vector<16xf32>
        %parallel_loop3A_619 = arith.constant 0.000000e+00 : f32
        %parallel_loop3A_620 = vector.broadcast %parallel_loop3A_619 : f32 to vector<16xf32>
        %parallel_loop3A_621 = arith.maximumf %parallel_loop3A_618, %parallel_loop3A_620 : vector<16xf32>
        %parallel_loop3A_622 = arith.index_cast %parallel_loop3A_541 : i32 to index
        %parallel_loop3A_623 = arith.constant 64 : index
        %parallel_loop3A_624 = tpu.vector_load %arg13[%parallel_loop3A_622, %parallel_loop3A_623] {strides = array<i32>} : memref<32x128xf32, #tpu.memory_space<vmem>>, vector<1x16xf32>,
        %parallel_loop3A_625 = vector.shape_cast %parallel_loop3A_624 : vector<1x16xf32> to vector<16xf32>
        %parallel_loop3A_626 = vector.shape_cast %parallel_loop3A_621 : vector<16xf32> to vector<1x16xf32>
        tpu.vector_store %arg13[%parallel_loop3A_622, %parallel_loop3A_623], %parallel_loop3A_626 {strides = array<i32>} : memref<32x128xf32, #tpu.memory_space<vmem>>, vector<1x16xf32>,
        %parallel_loop3A_627 = arith.index_cast %parallel_loop3A_541 : i32 to index
        %parallel_loop3A_628 = arith.constant 80 : index
        %parallel_loop3A_629 = tpu.vector_load %arg11[%parallel_loop3A_627, %parallel_loop3A_628] {strides = array<i32>} : memref<32x128xf32, #tpu.memory_space<vmem>>, vector<1x16xf32>,
        %parallel_loop3A_630 = vector.shape_cast %parallel_loop3A_629 : vector<1x16xf32> to vector<16xf32>
        %parallel_loop3A_631 = arith.index_cast %parallel_loop3A_541 : i32 to index
        %parallel_loop3A_632 = arith.constant 80 : index
        %parallel_loop3A_633 = tpu.vector_load %arg12[%parallel_loop3A_631, %parallel_loop3A_632] {strides = array<i32>} : memref<32x128xf32, #tpu.memory_space<vmem>>, vector<1x16xf32>,
        %parallel_loop3A_634 = vector.shape_cast %parallel_loop3A_633 : vector<1x16xf32> to vector<16xf32>
        %parallel_loop3A_635 = arith.addf %parallel_loop3A_630, %parallel_loop3A_634 : vector<16xf32>
        %parallel_loop3A_636 = arith.constant 0.000000e+00 : f32
        %parallel_loop3A_637 = vector.broadcast %parallel_loop3A_636 : f32 to vector<16xf32>
        %parallel_loop3A_638 = arith.maximumf %parallel_loop3A_635, %parallel_loop3A_637 : vector<16xf32>
        %parallel_loop3A_639 = arith.index_cast %parallel_loop3A_541 : i32 to index
        %parallel_loop3A_640 = arith.constant 80 : index
        %parallel_loop3A_641 = tpu.vector_load %arg13[%parallel_loop3A_639, %parallel_loop3A_640] {strides = array<i32>} : memref<32x128xf32, #tpu.memory_space<vmem>>, vector<1x16xf32>,
        %parallel_loop3A_642 = vector.shape_cast %parallel_loop3A_641 : vector<1x16xf32> to vector<16xf32>
        %parallel_loop3A_643 = vector.shape_cast %parallel_loop3A_638 : vector<16xf32> to vector<1x16xf32>
        tpu.vector_store %arg13[%parallel_loop3A_639, %parallel_loop3A_640], %parallel_loop3A_643 {strides = array<i32>} : memref<32x128xf32, #tpu.memory_space<vmem>>, vector<1x16xf32>,
        %parallel_loop3A_644 = arith.index_cast %parallel_loop3A_541 : i32 to index
        %parallel_loop3A_645 = arith.constant 96 : index
        %parallel_loop3A_646 = tpu.vector_load %arg11[%parallel_loop3A_644, %parallel_loop3A_645] {strides = array<i32>} : memref<32x128xf32, #tpu.memory_space<vmem>>, vector<1x16xf32>,
        %parallel_loop3A_647 = vector.shape_cast %parallel_loop3A_646 : vector<1x16xf32> to vector<16xf32>
        %parallel_loop3A_648 = arith.index_cast %parallel_loop3A_541 : i32 to index
        %parallel_loop3A_649 = arith.constant 96 : index
        %parallel_loop3A_650 = tpu.vector_load %arg12[%parallel_loop3A_648, %parallel_loop3A_649] {strides = array<i32>} : memref<32x128xf32, #tpu.memory_space<vmem>>, vector<1x16xf32>,
        %parallel_loop3A_651 = vector.shape_cast %parallel_loop3A_650 : vector<1x16xf32> to vector<16xf32>
        %parallel_loop3A_652 = arith.addf %parallel_loop3A_647, %parallel_loop3A_651 : vector<16xf32>
        %parallel_loop3A_653 = arith.constant 0.000000e+00 : f32
        %parallel_loop3A_654 = vector.broadcast %parallel_loop3A_653 : f32 to vector<16xf32>
        %parallel_loop3A_655 = arith.maximumf %parallel_loop3A_652, %parallel_loop3A_654 : vector<16xf32>
        %parallel_loop3A_656 = arith.index_cast %parallel_loop3A_541 : i32 to index
        %parallel_loop3A_657 = arith.constant 96 : index
        %parallel_loop3A_658 = tpu.vector_load %arg13[%parallel_loop3A_656, %parallel_loop3A_657] {strides = array<i32>} : memref<32x128xf32, #tpu.memory_space<vmem>>, vector<1x16xf32>,
        %parallel_loop3A_659 = vector.shape_cast %parallel_loop3A_658 : vector<1x16xf32> to vector<16xf32>
        %parallel_loop3A_660 = vector.shape_cast %parallel_loop3A_655 : vector<16xf32> to vector<1x16xf32>
        tpu.vector_store %arg13[%parallel_loop3A_656, %parallel_loop3A_657], %parallel_loop3A_660 {strides = array<i32>} : memref<32x128xf32, #tpu.memory_space<vmem>>, vector<1x16xf32>,
        %parallel_loop3A_661 = arith.index_cast %parallel_loop3A_541 : i32 to index
        %parallel_loop3A_662 = arith.constant 112 : index
        %parallel_loop3A_663 = tpu.vector_load %arg11[%parallel_loop3A_661, %parallel_loop3A_662] {strides = array<i32>} : memref<32x128xf32, #tpu.memory_space<vmem>>, vector<1x16xf32>,
        %parallel_loop3A_664 = vector.shape_cast %parallel_loop3A_663 : vector<1x16xf32> to vector<16xf32>
        %parallel_loop3A_665 = arith.index_cast %parallel_loop3A_541 : i32 to index
        %parallel_loop3A_666 = arith.constant 112 : index
        %parallel_loop3A_667 = tpu.vector_load %arg12[%parallel_loop3A_665, %parallel_loop3A_666] {strides = array<i32>} : memref<32x128xf32, #tpu.memory_space<vmem>>, vector<1x16xf32>,
        %parallel_loop3A_668 = vector.shape_cast %parallel_loop3A_667 : vector<1x16xf32> to vector<16xf32>
        %parallel_loop3A_669 = arith.addf %parallel_loop3A_664, %parallel_loop3A_668 : vector<16xf32>
        %parallel_loop3A_670 = arith.constant 0.000000e+00 : f32
        %parallel_loop3A_671 = vector.broadcast %parallel_loop3A_670 : f32 to vector<16xf32>
        %parallel_loop3A_672 = arith.maximumf %parallel_loop3A_669, %parallel_loop3A_671 : vector<16xf32>
        %parallel_loop3A_673 = arith.index_cast %parallel_loop3A_541 : i32 to index
        %parallel_loop3A_674 = arith.constant 112 : index
        %parallel_loop3A_675 = tpu.vector_load %arg13[%parallel_loop3A_673, %parallel_loop3A_674] {strides = array<i32>} : memref<32x128xf32, #tpu.memory_space<vmem>>, vector<1x16xf32>,
        %parallel_loop3A_676 = vector.shape_cast %parallel_loop3A_675 : vector<1x16xf32> to vector<16xf32>
        %parallel_loop3A_677 = vector.shape_cast %parallel_loop3A_672 : vector<16xf32> to vector<1x16xf32>
        tpu.vector_store %arg13[%parallel_loop3A_673, %parallel_loop3A_674], %parallel_loop3A_677 {strides = array<i32>} : memref<32x128xf32, #tpu.memory_space<vmem>>, vector<1x16xf32>,
      } {sc.loop_unroll_factor = 4 : i64, sc.parallel_access}
      %dma_start3A_442 = arith.constant 0 : i32
      %dma_start3A_443 = tpu.memref_slice %arg8[%select_n3A_402, %dma_start3A_442] : memref<3x32xi32, #tpu.memory_space<vmem>> -> memref<1x32xi32, #tpu.memory_space<vmem>>
      %dma_start3A_444 = tpu.memref_squeeze %dma_start3A_443 : memref<1x32xi32, #tpu.memory_space<vmem>> -> memref<32xi32, #tpu.memory_space<vmem>>
      %dma_start3A_445 = arith.constant 0 : i32
      %dma_start3A_446 = arith.constant 0 : i32
      %dma_start3A_447 = tpu.memref_slice %arg17[%dma_start3A_445, %dma_start3A_446] : memref<10240x128xf32, #tpu.memory_space<vmem_shared>> -> memref<10240x128xf32, #tpu.memory_space<vmem_shared>>
      tpu.enqueue_indirect_dma source(%arg13 : memref<32x128xf32, #tpu.memory_space<vmem>>) target(%dma_start3A_447 : memref<10240x128xf32, #tpu.memory_space<vmem_shared>>) offsets(%dma_start3A_444 : memref<32xi32, #tpu.memory_space<vmem>>) semaphore(%arg22 : memref<!tpu.dma_semaphore, #tpu.memory_space<semaphore_mem>>) {add = true}
      %add3A_448 = arith.constant 2 : i32
      %add3A_449 = arith.addi %mul3A_393, %add3A_448 : i32
      %lt3A_450 = arith.constant 313 : i32
      %lt3A_451 = arith.cmpi slt, %add3A_449, %lt3A_450 : i32
      %convert_element_type3A = arith.extui %lt3A_451 : i1 to i32
      %cond3A = arith.constant 0 : i32
      %cond3A_452 = arith.cmpi ne, %convert_element_type3A, %cond3A : i32
      scf.if %cond3A_452 {
        %add3A_541 = arith.constant 2 : i32
        %add3A_542 = arith.addi %mul3A_393, %add3A_541 : i32
        %add3A_543 = arith.constant 1 : i32
        %add3A_544 = arith.addi %scan3A_390, %add3A_543 : i32
        %jit3A_545 = arith.constant 3 : i32
        %eq3A_546 = arith.constant 0 : i32
        %eq3A_547 = arith.cmpi eq, %jit3A_545, %eq3A_546 : i32
        %jit3A_548 = arith.constant 1 : i32
        %select_n3A_549 = arith.select %eq3A_547, %jit3A_548, %jit3A_545 : i32
        %rem3A_550 = arith.remsi %add3A_544, %select_n3A_549 : i32
        %ne3A_551 = arith.constant 0 : i32
        %ne3A_552 = arith.cmpi ne, %rem3A_550, %ne3A_551 : i32
        %lt3A_553 = arith.constant 0 : i32
        %lt3A_554 = arith.cmpi slt, %rem3A_550, %lt3A_553 : i32
        %lt3A_555 = arith.constant 0 : i32
        %lt3A_556 = arith.cmpi slt, %select_n3A_549, %lt3A_555 : i32
        %ne3A_557 = arith.xori %lt3A_554, %lt3A_556 : i1
        %and3A_558 = arith.andi %ne3A_557, %ne3A_552 : i1
        %add3A_559 = arith.addi %rem3A_550, %select_n3A_549 : i32
        %select_n3A_560 = arith.select %and3A_558, %add3A_559, %rem3A_550 : i32
        %mul3A_561 = arith.constant 32 : i32
        %mul3A_562 = arith.muli %add3A_542, %mul3A_561 : i32
        %add3A_563 = arith.addi %mul3A_2, %mul3A_562 : i32
        %dma_wait3A_564 = arith.constant 0 : i32
        %dma_wait3A_565 = tpu.memref_slice %arg7[%select_n3A_560, %dma_wait3A_564] : memref<3x32xi32, #tpu.memory_space<vmem>> -> memref<1x32xi32, #tpu.memory_space<vmem>>
        %dma_wait3A_566 = tpu.memref_squeeze %dma_wait3A_565 : memref<1x32xi32, #tpu.memory_space<vmem>> -> memref<32xi32, #tpu.memory_space<vmem>>
        %dma_wait3A_567 = tpu.memref_slice %arg3[%add3A_563] : memref<320512xi32, #tpu.memory_space<hbm>> -> memref<32xi32, #tpu.memory_space<hbm>>
        %dma_wait3A_568 = arith.constant 0 : i32
        %dma_wait3A_569 = tpu.memref_slice %arg7[%select_n3A_560, %dma_wait3A_568] : memref<3x32xi32, #tpu.memory_space<vmem>> -> memref<1x32xi32, #tpu.memory_space<vmem>>
        %dma_wait3A_570 = tpu.memref_squeeze %dma_wait3A_569 : memref<1x32xi32, #tpu.memory_space<vmem>> -> memref<32xi32, #tpu.memory_space<vmem>>
        %dma_wait3A_571 = tpu.memref_slice %arg3[%add3A_563] : memref<320512xi32, #tpu.memory_space<hbm>> -> memref<32xi32, #tpu.memory_space<hbm>>
        tpu.wait_dma2 semaphore(%arg18 : memref<!tpu.dma_semaphore, #tpu.memory_space<semaphore_mem>>) src(%dma_wait3A_571 : memref<32xi32, #tpu.memory_space<hbm>>) dst(%dma_wait3A_570 : memref<32xi32, #tpu.memory_space<vmem>>)
        %mul3A_572 = arith.constant 32 : i32
        %mul3A_573 = arith.muli %add3A_542, %mul3A_572 : i32
        %add3A_574 = arith.addi %mul3A_2, %mul3A_573 : i32
        %dma_wait3A_575 = arith.constant 0 : i32
        %dma_wait3A_576 = tpu.memref_slice %arg8[%select_n3A_560, %dma_wait3A_575] : memref<3x32xi32, #tpu.memory_space<vmem>> -> memref<1x32xi32, #tpu.memory_space<vmem>>
        %dma_wait3A_577 = tpu.memref_squeeze %dma_wait3A_576 : memref<1x32xi32, #tpu.memory_space<vmem>> -> memref<32xi32, #tpu.memory_space<vmem>>
        %dma_wait3A_578 = tpu.memref_slice %arg4[%add3A_574] : memref<320512xi32, #tpu.memory_space<hbm>> -> memref<32xi32, #tpu.memory_space<hbm>>
        %dma_wait3A_579 = arith.constant 0 : i32
        %dma_wait3A_580 = tpu.memref_slice %arg8[%select_n3A_560, %dma_wait3A_579] : memref<3x32xi32, #tpu.memory_space<vmem>> -> memref<1x32xi32, #tpu.memory_space<vmem>>
        %dma_wait3A_581 = tpu.memref_squeeze %dma_wait3A_580 : memref<1x32xi32, #tpu.memory_space<vmem>> -> memref<32xi32, #tpu.memory_space<vmem>>
        %dma_wait3A_582 = tpu.memref_slice %arg4[%add3A_574] : memref<320512xi32, #tpu.memory_space<hbm>> -> memref<32xi32, #tpu.memory_space<hbm>>
        tpu.wait_dma2 semaphore(%arg18 : memref<!tpu.dma_semaphore, #tpu.memory_space<semaphore_mem>>) src(%dma_wait3A_582 : memref<32xi32, #tpu.memory_space<hbm>>) dst(%dma_wait3A_581 : memref<32xi32, #tpu.memory_space<vmem>>)
        %add3A_583 = arith.constant 2 : i32
        %add3A_584 = arith.addi %mul3A_393, %add3A_583 : i32
        %add3A_585 = arith.constant 1 : i32
        %add3A_586 = arith.addi %scan3A_390, %add3A_585 : i32
        %jit3A_587 = arith.constant 3 : i32
        %eq3A_588 = arith.constant 0 : i32
        %eq3A_589 = arith.cmpi eq, %jit3A_587, %eq3A_588 : i32
        %jit3A_590 = arith.constant 1 : i32
        %select_n3A_591 = arith.select %eq3A_589, %jit3A_590, %jit3A_587 : i32
        %rem3A_592 = arith.remsi %add3A_586, %select_n3A_591 : i32
        %ne3A_593 = arith.constant 0 : i32
        %ne3A_594 = arith.cmpi ne, %rem3A_592, %ne3A_593 : i32
        %lt3A_595 = arith.constant 0 : i32
        %lt3A_596 = arith.cmpi slt, %rem3A_592, %lt3A_595 : i32
        %lt3A_597 = arith.constant 0 : i32
        %lt3A_598 = arith.cmpi slt, %select_n3A_591, %lt3A_597 : i32
        %ne3A_599 = arith.xori %lt3A_596, %lt3A_598 : i1
        %and3A_600 = arith.andi %ne3A_599, %ne3A_594 : i1
        %add3A_601 = arith.addi %rem3A_592, %select_n3A_591 : i32
        %select_n3A_602 = arith.select %and3A_600, %add3A_601, %rem3A_592 : i32
        %dma_start3A_603 = arith.constant 0 : i32
        %dma_start3A_604 = tpu.memref_slice %arg7[%select_n3A_602, %dma_start3A_603] : memref<3x32xi32, #tpu.memory_space<vmem>> -> memref<1x32xi32, #tpu.memory_space<vmem>>
        %dma_start3A_605 = tpu.memref_squeeze %dma_start3A_604 : memref<1x32xi32, #tpu.memory_space<vmem>> -> memref<32xi32, #tpu.memory_space<vmem>>
        %dma_start3A_606 = arith.constant 0 : i32
        %dma_start3A_607 = arith.constant 0 : i32
        %dma_start3A_608 = tpu.memref_slice %arg2[%dma_start3A_606, %dma_start3A_607] : memref<10000x128xf32, #tpu.memory_space<hbm>> -> memref<10000x128xf32, #tpu.memory_space<hbm>>
        tpu.enqueue_indirect_dma source(%dma_start3A_608 : memref<10000x128xf32, #tpu.memory_space<hbm>>) target(%arg11 : memref<32x128xf32, #tpu.memory_space<vmem>>) offsets(%dma_start3A_605 : memref<32xi32, #tpu.memory_space<vmem>>) semaphore(%arg20 : memref<!tpu.dma_semaphore, #tpu.memory_space<semaphore_mem>>)
        %mul3A_609 = arith.constant 32 : i32
        %mul3A_610 = arith.muli %add3A_584, %mul3A_609 : i32
        %add3A_611 = arith.addi %mul3A_2, %mul3A_610 : i32
        %dma_start3A_612 = arith.constant 0 : i32
        %dma_start3A_613 = tpu.memref_slice %arg5[%add3A_611, %dma_start3A_612] : memref<320512x128xf32, #tpu.memory_space<hbm>> -> memref<32x128xf32, #tpu.memory_space<hbm>>
        %dma_start3A_614 = arith.constant 0 : i32
        %dma_start3A_615 = tpu.memref_slice %arg5[%add3A_611, %dma_start3A_614] : memref<320512x128xf32, #tpu.memory_space<hbm>> -> memref<32x128xf32, #tpu.memory_space<hbm>>
        tpu.enqueue_dma source(%dma_start3A_615 : memref<32x128xf32, #tpu.memory_space<hbm>>) target(%arg12 : memref<32x128xf32, #tpu.memory_space<vmem>>) target_semaphore(%arg20 : memref<!tpu.dma_semaphore, #tpu.memory_space<semaphore_mem>>)
      } else {
      }
      %add3A_453 = arith.constant 4 : i32
      %add3A_454 = arith.addi %mul3A_393, %add3A_453 : i32
      %lt3A_455 = arith.constant 313 : i32
      %lt3A_456 = arith.cmpi slt, %add3A_454, %lt3A_455 : i32
      %convert_element_type3A_457 = arith.extui %lt3A_456 : i1 to i32
      %cond3A_458 = arith.constant 0 : i32
      %cond3A_459 = arith.cmpi ne, %convert_element_type3A_457, %cond3A_458 : i32
      scf.if %cond3A_459 {
        %add3A_541 = arith.constant 4 : i32
        %add3A_542 = arith.addi %mul3A_393, %add3A_541 : i32
        %add3A_543 = arith.constant 2 : i32
        %add3A_544 = arith.addi %scan3A_390, %add3A_543 : i32
        %jit3A_545 = arith.constant 3 : i32
        %eq3A_546 = arith.constant 0 : i32
        %eq3A_547 = arith.cmpi eq, %jit3A_545, %eq3A_546 : i32
        %jit3A_548 = arith.constant 1 : i32
        %select_n3A_549 = arith.select %eq3A_547, %jit3A_548, %jit3A_545 : i32
        %rem3A_550 = arith.remsi %add3A_544, %select_n3A_549 : i32
        %ne3A_551 = arith.constant 0 : i32
        %ne3A_552 = arith.cmpi ne, %rem3A_550, %ne3A_551 : i32
        %lt3A_553 = arith.constant 0 : i32
        %lt3A_554 = arith.cmpi slt, %rem3A_550, %lt3A_553 : i32
        %lt3A_555 = arith.constant 0 : i32
        %lt3A_556 = arith.cmpi slt, %select_n3A_549, %lt3A_555 : i32
        %ne3A_557 = arith.xori %lt3A_554, %lt3A_556 : i1
        %and3A_558 = arith.andi %ne3A_557, %ne3A_552 : i1
        %add3A_559 = arith.addi %rem3A_550, %select_n3A_549 : i32
        %select_n3A_560 = arith.select %and3A_558, %add3A_559, %rem3A_550 : i32
        %mul3A_561 = arith.constant 32 : i32
        %mul3A_562 = arith.muli %add3A_542, %mul3A_561 : i32
        %add3A_563 = arith.addi %mul3A_2, %mul3A_562 : i32
        %dma_start3A_564 = arith.constant 0 : i32
        %dma_start3A_565 = tpu.memref_slice %arg7[%select_n3A_560, %dma_start3A_564] : memref<3x32xi32, #tpu.memory_space<vmem>> -> memref<1x32xi32, #tpu.memory_space<vmem>>
        %dma_start3A_566 = tpu.memref_squeeze %dma_start3A_565 : memref<1x32xi32, #tpu.memory_space<vmem>> -> memref<32xi32, #tpu.memory_space<vmem>>
        %dma_start3A_567 = tpu.memref_slice %arg3[%add3A_563] : memref<320512xi32, #tpu.memory_space<hbm>> -> memref<32xi32, #tpu.memory_space<hbm>>
        %dma_start3A_568 = arith.constant 0 : i32
        %dma_start3A_569 = tpu.memref_slice %arg7[%select_n3A_560, %dma_start3A_568] : memref<3x32xi32, #tpu.memory_space<vmem>> -> memref<1x32xi32, #tpu.memory_space<vmem>>
        %dma_start3A_570 = tpu.memref_squeeze %dma_start3A_569 : memref<1x32xi32, #tpu.memory_space<vmem>> -> memref<32xi32, #tpu.memory_space<vmem>>
        %dma_start3A_571 = tpu.memref_slice %arg3[%add3A_563] : memref<320512xi32, #tpu.memory_space<hbm>> -> memref<32xi32, #tpu.memory_space<hbm>>
        tpu.enqueue_dma source(%dma_start3A_571 : memref<32xi32, #tpu.memory_space<hbm>>) target(%dma_start3A_570 : memref<32xi32, #tpu.memory_space<vmem>>) target_semaphore(%arg18 : memref<!tpu.dma_semaphore, #tpu.memory_space<semaphore_mem>>)
        %mul3A_572 = arith.constant 32 : i32
        %mul3A_573 = arith.muli %add3A_542, %mul3A_572 : i32
        %add3A_574 = arith.addi %mul3A_2, %mul3A_573 : i32
        %dma_start3A_575 = arith.constant 0 : i32
        %dma_start3A_576 = tpu.memref_slice %arg8[%select_n3A_560, %dma_start3A_575] : memref<3x32xi32, #tpu.memory_space<vmem>> -> memref<1x32xi32, #tpu.memory_space<vmem>>
        %dma_start3A_577 = tpu.memref_squeeze %dma_start3A_576 : memref<1x32xi32, #tpu.memory_space<vmem>> -> memref<32xi32, #tpu.memory_space<vmem>>
        %dma_start3A_578 = tpu.memref_slice %arg4[%add3A_574] : memref<320512xi32, #tpu.memory_space<hbm>> -> memref<32xi32, #tpu.memory_space<hbm>>
        %dma_start3A_579 = arith.constant 0 : i32
        %dma_start3A_580 = tpu.memref_slice %arg8[%select_n3A_560, %dma_start3A_579] : memref<3x32xi32, #tpu.memory_space<vmem>> -> memref<1x32xi32, #tpu.memory_space<vmem>>
        %dma_start3A_581 = tpu.memref_squeeze %dma_start3A_580 : memref<1x32xi32, #tpu.memory_space<vmem>> -> memref<32xi32, #tpu.memory_space<vmem>>
        %dma_start3A_582 = tpu.memref_slice %arg4[%add3A_574] : memref<320512xi32, #tpu.memory_space<hbm>> -> memref<32xi32, #tpu.memory_space<hbm>>
        tpu.enqueue_dma source(%dma_start3A_582 : memref<32xi32, #tpu.memory_space<hbm>>) target(%dma_start3A_581 : memref<32xi32, #tpu.memory_space<vmem>>) target_semaphore(%arg18 : memref<!tpu.dma_semaphore, #tpu.memory_space<semaphore_mem>>)
      } else {
      }
      %mul3A_460 = arith.constant 2 : i32
      %mul3A_461 = arith.muli %mul3A_460, %scan3A_390 : i32
      %add3A_462 = arith.constant 1 : i32
      %add3A_463 = arith.addi %mul3A_461, %add3A_462 : i32
      %jit3A_464 = arith.constant 3 : i32
      %eq3A_465 = arith.constant 0 : i32
      %eq3A_466 = arith.cmpi eq, %jit3A_464, %eq3A_465 : i32
      %jit3A_467 = arith.constant 1 : i32
      %select_n3A_468 = arith.select %eq3A_466, %jit3A_467, %jit3A_464 : i32
      %rem3A_469 = arith.remsi %scan3A_390, %select_n3A_468 : i32
      %ne3A_470 = arith.constant 0 : i32
      %ne3A_471 = arith.cmpi ne, %rem3A_469, %ne3A_470 : i32
      %lt3A_472 = arith.constant 0 : i32
      %lt3A_473 = arith.cmpi slt, %rem3A_469, %lt3A_472 : i32
      %lt3A_474 = arith.constant 0 : i32
      %lt3A_475 = arith.cmpi slt, %select_n3A_468, %lt3A_474 : i32
      %ne3A_476 = arith.xori %lt3A_473, %lt3A_475 : i1
      %and3A_477 = arith.andi %ne3A_476, %ne3A_471 : i1
      %add3A_478 = arith.addi %rem3A_469, %select_n3A_468 : i32
      %select_n3A_479 = arith.select %and3A_477, %add3A_478, %rem3A_469 : i32
      %sub3A_480 = arith.constant 1 : i32
      %sub3A_481 = arith.subi %scan3A_390, %sub3A_480 : i32
      %jit3A_482 = arith.constant 3 : i32
      %eq3A_483 = arith.constant 0 : i32
      %eq3A_484 = arith.cmpi eq, %jit3A_482, %eq3A_483 : i32
      %jit3A_485 = arith.constant 1 : i32
      %select_n3A_486 = arith.select %eq3A_484, %jit3A_485, %jit3A_482 : i32
      %rem3A_487 = arith.remsi %sub3A_481, %select_n3A_486 : i32
      %ne3A_488 = arith.constant 0 : i32
      %ne3A_489 = arith.cmpi ne, %rem3A_487, %ne3A_488 : i32
      %lt3A_490 = arith.constant 0 : i32
      %lt3A_491 = arith.cmpi slt, %rem3A_487, %lt3A_490 : i32
      %lt3A_492 = arith.constant 0 : i32
      %lt3A_493 = arith.cmpi slt, %select_n3A_486, %lt3A_492 : i32
      %ne3A_494 = arith.xori %lt3A_491, %lt3A_493 : i1
      %and3A_495 = arith.andi %ne3A_494, %ne3A_489 : i1
      %add3A_496 = arith.addi %rem3A_487, %select_n3A_486 : i32
      %select_n3A_497 = arith.select %and3A_495, %add3A_496, %rem3A_487 : i32
      %dma_wait3A_498 = arith.constant 0 : i32
      %dma_wait3A_499 = tpu.memref_slice %arg10[%select_n3A_497, %dma_wait3A_498] : memref<3x32xi32, #tpu.memory_space<vmem>> -> memref<1x32xi32, #tpu.memory_space<vmem>>
      %dma_wait3A_500 = tpu.memref_squeeze %dma_wait3A_499 : memref<1x32xi32, #tpu.memory_space<vmem>> -> memref<32xi32, #tpu.memory_space<vmem>>
      %dma_wait3A_501 = arith.constant 0 : i32
      %dma_wait3A_502 = arith.constant 0 : i32
      %dma_wait3A_503 = tpu.memref_slice %arg17[%dma_wait3A_501, %dma_wait3A_502] : memref<10240x128xf32, #tpu.memory_space<vmem_shared>> -> memref<10240x128xf32, #tpu.memory_space<vmem_shared>>
      tpu.wait_indirect_dma semaphore(%arg23 : memref<!tpu.dma_semaphore, #tpu.memory_space<semaphore_mem>>) src(%arg16 : memref<32x128xf32, #tpu.memory_space<vmem>>) dst(%dma_wait3A_503 : memref<10240x128xf32, #tpu.memory_space<vmem_shared>>)
      %dma_wait3A_504 = arith.constant 0 : i32
      %dma_wait3A_505 = tpu.memref_slice %arg9[%select_n3A_479, %dma_wait3A_504] : memref<3x32xi32, #tpu.memory_space<vmem>> -> memref<1x32xi32, #tpu.memory_space<vmem>>
      %dma_wait3A_506 = tpu.memref_squeeze %dma_wait3A_505 : memref<1x32xi32, #tpu.memory_space<vmem>> -> memref<32xi32, #tpu.memory_space<vmem>>
      %dma_wait3A_507 = arith.constant 0 : i32
      %dma_wait3A_508 = arith.constant 0 : i32
      %dma_wait3A_509 = tpu.memref_slice %arg2[%dma_wait3A_507, %dma_wait3A_508] : memref<10000x128xf32, #tpu.memory_space<hbm>> -> memref<10000x128xf32, #tpu.memory_space<hbm>>
      tpu.wait_indirect_dma semaphore(%arg21 : memref<!tpu.dma_semaphore, #tpu.memory_space<semaphore_mem>>) src(%dma_wait3A_509 : memref<10000x128xf32, #tpu.memory_space<hbm>>) dst(%arg14 : memref<32x128xf32, #tpu.memory_space<vmem>>)
      %mul3A_510 = arith.constant 32 : i32
      %mul3A_511 = arith.muli %add3A_463, %mul3A_510 : i32
      %add3A_512 = arith.addi %mul3A_2, %mul3A_511 : i32
      %dma_wait3A_513 = arith.constant 0 : i32
      %dma_wait3A_514 = tpu.memref_slice %arg5[%add3A_512, %dma_wait3A_513] : memref<320512x128xf32, #tpu.memory_space<hbm>> -> memref<32x128xf32, #tpu.memory_space<hbm>>
      %dma_wait3A_515 = arith.constant 0 : i32
      %dma_wait3A_516 = tpu.memref_slice %arg5[%add3A_512, %dma_wait3A_515] : memref<320512x128xf32, #tpu.memory_space<hbm>> -> memref<32x128xf32, #tpu.memory_space<hbm>>
      tpu.wait_dma2 semaphore(%arg21 : memref<!tpu.dma_semaphore, #tpu.memory_space<semaphore_mem>>) src(%dma_wait3A_516 : memref<32x128xf32, #tpu.memory_space<hbm>>) dst(%arg15 : memref<32x128xf32, #tpu.memory_space<vmem>>)
      %parallel_loop3A_517 = arith.constant 0 : i32
      %parallel_loop3A_518 = arith.constant 32 : i32
      %parallel_loop3A_519 = arith.constant 1 : i32
      scf.for %parallel_loop3A_541 = %parallel_loop3A_517 to %parallel_loop3A_518 step %parallel_loop3A_519  : i32 {
        %parallel_loop3A_542 = arith.index_cast %parallel_loop3A_541 : i32 to index
        %parallel_loop3A_543 = arith.constant 0 : index
        %parallel_loop3A_544 = tpu.vector_load %arg14[%parallel_loop3A_542, %parallel_loop3A_543] {strides = array<i32>} : memref<32x128xf32, #tpu.memory_space<vmem>>, vector<1x16xf32>,
        %parallel_loop3A_545 = vector.shape_cast %parallel_loop3A_544 : vector<1x16xf32> to vector<16xf32>
        %parallel_loop3A_546 = arith.index_cast %parallel_loop3A_541 : i32 to index
        %parallel_loop3A_547 = arith.constant 0 : index
        %parallel_loop3A_548 = tpu.vector_load %arg15[%parallel_loop3A_546, %parallel_loop3A_547] {strides = array<i32>} : memref<32x128xf32, #tpu.memory_space<vmem>>, vector<1x16xf32>,
        %parallel_loop3A_549 = vector.shape_cast %parallel_loop3A_548 : vector<1x16xf32> to vector<16xf32>
        %parallel_loop3A_550 = arith.addf %parallel_loop3A_545, %parallel_loop3A_549 : vector<16xf32>
        %parallel_loop3A_551 = arith.constant 0.000000e+00 : f32
        %parallel_loop3A_552 = vector.broadcast %parallel_loop3A_551 : f32 to vector<16xf32>
        %parallel_loop3A_553 = arith.maximumf %parallel_loop3A_550, %parallel_loop3A_552 : vector<16xf32>
        %parallel_loop3A_554 = arith.index_cast %parallel_loop3A_541 : i32 to index
        %parallel_loop3A_555 = arith.constant 0 : index
        %parallel_loop3A_556 = tpu.vector_load %arg16[%parallel_loop3A_554, %parallel_loop3A_555] {strides = array<i32>} : memref<32x128xf32, #tpu.memory_space<vmem>>, vector<1x16xf32>,
        %parallel_loop3A_557 = vector.shape_cast %parallel_loop3A_556 : vector<1x16xf32> to vector<16xf32>
        %parallel_loop3A_558 = vector.shape_cast %parallel_loop3A_553 : vector<16xf32> to vector<1x16xf32>
        tpu.vector_store %arg16[%parallel_loop3A_554, %parallel_loop3A_555], %parallel_loop3A_558 {strides = array<i32>} : memref<32x128xf32, #tpu.memory_space<vmem>>, vector<1x16xf32>,
        %parallel_loop3A_559 = arith.index_cast %parallel_loop3A_541 : i32 to index
        %parallel_loop3A_560 = arith.constant 16 : index
        %parallel_loop3A_561 = tpu.vector_load %arg14[%parallel_loop3A_559, %parallel_loop3A_560] {strides = array<i32>} : memref<32x128xf32, #tpu.memory_space<vmem>>, vector<1x16xf32>,
        %parallel_loop3A_562 = vector.shape_cast %parallel_loop3A_561 : vector<1x16xf32> to vector<16xf32>
        %parallel_loop3A_563 = arith.index_cast %parallel_loop3A_541 : i32 to index
        %parallel_loop3A_564 = arith.constant 16 : index
        %parallel_loop3A_565 = tpu.vector_load %arg15[%parallel_loop3A_563, %parallel_loop3A_564] {strides = array<i32>} : memref<32x128xf32, #tpu.memory_space<vmem>>, vector<1x16xf32>,
        %parallel_loop3A_566 = vector.shape_cast %parallel_loop3A_565 : vector<1x16xf32> to vector<16xf32>
        %parallel_loop3A_567 = arith.addf %parallel_loop3A_562, %parallel_loop3A_566 : vector<16xf32>
        %parallel_loop3A_568 = arith.constant 0.000000e+00 : f32
        %parallel_loop3A_569 = vector.broadcast %parallel_loop3A_568 : f32 to vector<16xf32>
        %parallel_loop3A_570 = arith.maximumf %parallel_loop3A_567, %parallel_loop3A_569 : vector<16xf32>
        %parallel_loop3A_571 = arith.index_cast %parallel_loop3A_541 : i32 to index
        %parallel_loop3A_572 = arith.constant 16 : index
        %parallel_loop3A_573 = tpu.vector_load %arg16[%parallel_loop3A_571, %parallel_loop3A_572] {strides = array<i32>} : memref<32x128xf32, #tpu.memory_space<vmem>>, vector<1x16xf32>,
        %parallel_loop3A_574 = vector.shape_cast %parallel_loop3A_573 : vector<1x16xf32> to vector<16xf32>
        %parallel_loop3A_575 = vector.shape_cast %parallel_loop3A_570 : vector<16xf32> to vector<1x16xf32>
        tpu.vector_store %arg16[%parallel_loop3A_571, %parallel_loop3A_572], %parallel_loop3A_575 {strides = array<i32>} : memref<32x128xf32, #tpu.memory_space<vmem>>, vector<1x16xf32>,
        %parallel_loop3A_576 = arith.index_cast %parallel_loop3A_541 : i32 to index
        %parallel_loop3A_577 = arith.constant 32 : index
        %parallel_loop3A_578 = tpu.vector_load %arg14[%parallel_loop3A_576, %parallel_loop3A_577] {strides = array<i32>} : memref<32x128xf32, #tpu.memory_space<vmem>>, vector<1x16xf32>,
        %parallel_loop3A_579 = vector.shape_cast %parallel_loop3A_578 : vector<1x16xf32> to vector<16xf32>
        %parallel_loop3A_580 = arith.index_cast %parallel_loop3A_541 : i32 to index
        %parallel_loop3A_581 = arith.constant 32 : index
        %parallel_loop3A_582 = tpu.vector_load %arg15[%parallel_loop3A_580, %parallel_loop3A_581] {strides = array<i32>} : memref<32x128xf32, #tpu.memory_space<vmem>>, vector<1x16xf32>,
        %parallel_loop3A_583 = vector.shape_cast %parallel_loop3A_582 : vector<1x16xf32> to vector<16xf32>
        %parallel_loop3A_584 = arith.addf %parallel_loop3A_579, %parallel_loop3A_583 : vector<16xf32>
        %parallel_loop3A_585 = arith.constant 0.000000e+00 : f32
        %parallel_loop3A_586 = vector.broadcast %parallel_loop3A_585 : f32 to vector<16xf32>
        %parallel_loop3A_587 = arith.maximumf %parallel_loop3A_584, %parallel_loop3A_586 : vector<16xf32>
        %parallel_loop3A_588 = arith.index_cast %parallel_loop3A_541 : i32 to index
        %parallel_loop3A_589 = arith.constant 32 : index
        %parallel_loop3A_590 = tpu.vector_load %arg16[%parallel_loop3A_588, %parallel_loop3A_589] {strides = array<i32>} : memref<32x128xf32, #tpu.memory_space<vmem>>, vector<1x16xf32>,
        %parallel_loop3A_591 = vector.shape_cast %parallel_loop3A_590 : vector<1x16xf32> to vector<16xf32>
        %parallel_loop3A_592 = vector.shape_cast %parallel_loop3A_587 : vector<16xf32> to vector<1x16xf32>
        tpu.vector_store %arg16[%parallel_loop3A_588, %parallel_loop3A_589], %parallel_loop3A_592 {strides = array<i32>} : memref<32x128xf32, #tpu.memory_space<vmem>>, vector<1x16xf32>,
        %parallel_loop3A_593 = arith.index_cast %parallel_loop3A_541 : i32 to index
        %parallel_loop3A_594 = arith.constant 48 : index
        %parallel_loop3A_595 = tpu.vector_load %arg14[%parallel_loop3A_593, %parallel_loop3A_594] {strides = array<i32>} : memref<32x128xf32, #tpu.memory_space<vmem>>, vector<1x16xf32>,
        %parallel_loop3A_596 = vector.shape_cast %parallel_loop3A_595 : vector<1x16xf32> to vector<16xf32>
        %parallel_loop3A_597 = arith.index_cast %parallel_loop3A_541 : i32 to index
        %parallel_loop3A_598 = arith.constant 48 : index
        %parallel_loop3A_599 = tpu.vector_load %arg15[%parallel_loop3A_597, %parallel_loop3A_598] {strides = array<i32>} : memref<32x128xf32, #tpu.memory_space<vmem>>, vector<1x16xf32>,
        %parallel_loop3A_600 = vector.shape_cast %parallel_loop3A_599 : vector<1x16xf32> to vector<16xf32>
        %parallel_loop3A_601 = arith.addf %parallel_loop3A_596, %parallel_loop3A_600 : vector<16xf32>
        %parallel_loop3A_602 = arith.constant 0.000000e+00 : f32
        %parallel_loop3A_603 = vector.broadcast %parallel_loop3A_602 : f32 to vector<16xf32>
        %parallel_loop3A_604 = arith.maximumf %parallel_loop3A_601, %parallel_loop3A_603 : vector<16xf32>
        %parallel_loop3A_605 = arith.index_cast %parallel_loop3A_541 : i32 to index
        %parallel_loop3A_606 = arith.constant 48 : index
        %parallel_loop3A_607 = tpu.vector_load %arg16[%parallel_loop3A_605, %parallel_loop3A_606] {strides = array<i32>} : memref<32x128xf32, #tpu.memory_space<vmem>>, vector<1x16xf32>,
        %parallel_loop3A_608 = vector.shape_cast %parallel_loop3A_607 : vector<1x16xf32> to vector<16xf32>
        %parallel_loop3A_609 = vector.shape_cast %parallel_loop3A_604 : vector<16xf32> to vector<1x16xf32>
        tpu.vector_store %arg16[%parallel_loop3A_605, %parallel_loop3A_606], %parallel_loop3A_609 {strides = array<i32>} : memref<32x128xf32, #tpu.memory_space<vmem>>, vector<1x16xf32>,
        %parallel_loop3A_610 = arith.index_cast %parallel_loop3A_541 : i32 to index
        %parallel_loop3A_611 = arith.constant 64 : index
        %parallel_loop3A_612 = tpu.vector_load %arg14[%parallel_loop3A_610, %parallel_loop3A_611] {strides = array<i32>} : memref<32x128xf32, #tpu.memory_space<vmem>>, vector<1x16xf32>,
        %parallel_loop3A_613 = vector.shape_cast %parallel_loop3A_612 : vector<1x16xf32> to vector<16xf32>
        %parallel_loop3A_614 = arith.index_cast %parallel_loop3A_541 : i32 to index
        %parallel_loop3A_615 = arith.constant 64 : index
        %parallel_loop3A_616 = tpu.vector_load %arg15[%parallel_loop3A_614, %parallel_loop3A_615] {strides = array<i32>} : memref<32x128xf32, #tpu.memory_space<vmem>>, vector<1x16xf32>,
        %parallel_loop3A_617 = vector.shape_cast %parallel_loop3A_616 : vector<1x16xf32> to vector<16xf32>
        %parallel_loop3A_618 = arith.addf %parallel_loop3A_613, %parallel_loop3A_617 : vector<16xf32>
        %parallel_loop3A_619 = arith.constant 0.000000e+00 : f32
        %parallel_loop3A_620 = vector.broadcast %parallel_loop3A_619 : f32 to vector<16xf32>
        %parallel_loop3A_621 = arith.maximumf %parallel_loop3A_618, %parallel_loop3A_620 : vector<16xf32>
        %parallel_loop3A_622 = arith.index_cast %parallel_loop3A_541 : i32 to index
        %parallel_loop3A_623 = arith.constant 64 : index
        %parallel_loop3A_624 = tpu.vector_load %arg16[%parallel_loop3A_622, %parallel_loop3A_623] {strides = array<i32>} : memref<32x128xf32, #tpu.memory_space<vmem>>, vector<1x16xf32>,
        %parallel_loop3A_625 = vector.shape_cast %parallel_loop3A_624 : vector<1x16xf32> to vector<16xf32>
        %parallel_loop3A_626 = vector.shape_cast %parallel_loop3A_621 : vector<16xf32> to vector<1x16xf32>
        tpu.vector_store %arg16[%parallel_loop3A_622, %parallel_loop3A_623], %parallel_loop3A_626 {strides = array<i32>} : memref<32x128xf32, #tpu.memory_space<vmem>>, vector<1x16xf32>,
        %parallel_loop3A_627 = arith.index_cast %parallel_loop3A_541 : i32 to index
        %parallel_loop3A_628 = arith.constant 80 : index
        %parallel_loop3A_629 = tpu.vector_load %arg14[%parallel_loop3A_627, %parallel_loop3A_628] {strides = array<i32>} : memref<32x128xf32, #tpu.memory_space<vmem>>, vector<1x16xf32>,
        %parallel_loop3A_630 = vector.shape_cast %parallel_loop3A_629 : vector<1x16xf32> to vector<16xf32>
        %parallel_loop3A_631 = arith.index_cast %parallel_loop3A_541 : i32 to index
        %parallel_loop3A_632 = arith.constant 80 : index
        %parallel_loop3A_633 = tpu.vector_load %arg15[%parallel_loop3A_631, %parallel_loop3A_632] {strides = array<i32>} : memref<32x128xf32, #tpu.memory_space<vmem>>, vector<1x16xf32>,
        %parallel_loop3A_634 = vector.shape_cast %parallel_loop3A_633 : vector<1x16xf32> to vector<16xf32>
        %parallel_loop3A_635 = arith.addf %parallel_loop3A_630, %parallel_loop3A_634 : vector<16xf32>
        %parallel_loop3A_636 = arith.constant 0.000000e+00 : f32
        %parallel_loop3A_637 = vector.broadcast %parallel_loop3A_636 : f32 to vector<16xf32>
        %parallel_loop3A_638 = arith.maximumf %parallel_loop3A_635, %parallel_loop3A_637 : vector<16xf32>
        %parallel_loop3A_639 = arith.index_cast %parallel_loop3A_541 : i32 to index
        %parallel_loop3A_640 = arith.constant 80 : index
        %parallel_loop3A_641 = tpu.vector_load %arg16[%parallel_loop3A_639, %parallel_loop3A_640] {strides = array<i32>} : memref<32x128xf32, #tpu.memory_space<vmem>>, vector<1x16xf32>,
        %parallel_loop3A_642 = vector.shape_cast %parallel_loop3A_641 : vector<1x16xf32> to vector<16xf32>
        %parallel_loop3A_643 = vector.shape_cast %parallel_loop3A_638 : vector<16xf32> to vector<1x16xf32>
        tpu.vector_store %arg16[%parallel_loop3A_639, %parallel_loop3A_640], %parallel_loop3A_643 {strides = array<i32>} : memref<32x128xf32, #tpu.memory_space<vmem>>, vector<1x16xf32>,
        %parallel_loop3A_644 = arith.index_cast %parallel_loop3A_541 : i32 to index
        %parallel_loop3A_645 = arith.constant 96 : index
        %parallel_loop3A_646 = tpu.vector_load %arg14[%parallel_loop3A_644, %parallel_loop3A_645] {strides = array<i32>} : memref<32x128xf32, #tpu.memory_space<vmem>>, vector<1x16xf32>,
        %parallel_loop3A_647 = vector.shape_cast %parallel_loop3A_646 : vector<1x16xf32> to vector<16xf32>
        %parallel_loop3A_648 = arith.index_cast %parallel_loop3A_541 : i32 to index
        %parallel_loop3A_649 = arith.constant 96 : index
        %parallel_loop3A_650 = tpu.vector_load %arg15[%parallel_loop3A_648, %parallel_loop3A_649] {strides = array<i32>} : memref<32x128xf32, #tpu.memory_space<vmem>>, vector<1x16xf32>,
        %parallel_loop3A_651 = vector.shape_cast %parallel_loop3A_650 : vector<1x16xf32> to vector<16xf32>
        %parallel_loop3A_652 = arith.addf %parallel_loop3A_647, %parallel_loop3A_651 : vector<16xf32>
        %parallel_loop3A_653 = arith.constant 0.000000e+00 : f32
        %parallel_loop3A_654 = vector.broadcast %parallel_loop3A_653 : f32 to vector<16xf32>
        %parallel_loop3A_655 = arith.maximumf %parallel_loop3A_652, %parallel_loop3A_654 : vector<16xf32>
        %parallel_loop3A_656 = arith.index_cast %parallel_loop3A_541 : i32 to index
        %parallel_loop3A_657 = arith.constant 96 : index
        %parallel_loop3A_658 = tpu.vector_load %arg16[%parallel_loop3A_656, %parallel_loop3A_657] {strides = array<i32>} : memref<32x128xf32, #tpu.memory_space<vmem>>, vector<1x16xf32>,
        %parallel_loop3A_659 = vector.shape_cast %parallel_loop3A_658 : vector<1x16xf32> to vector<16xf32>
        %parallel_loop3A_660 = vector.shape_cast %parallel_loop3A_655 : vector<16xf32> to vector<1x16xf32>
        tpu.vector_store %arg16[%parallel_loop3A_656, %parallel_loop3A_657], %parallel_loop3A_660 {strides = array<i32>} : memref<32x128xf32, #tpu.memory_space<vmem>>, vector<1x16xf32>,
        %parallel_loop3A_661 = arith.index_cast %parallel_loop3A_541 : i32 to index
        %parallel_loop3A_662 = arith.constant 112 : index
        %parallel_loop3A_663 = tpu.vector_load %arg14[%parallel_loop3A_661, %parallel_loop3A_662] {strides = array<i32>} : memref<32x128xf32, #tpu.memory_space<vmem>>, vector<1x16xf32>,
        %parallel_loop3A_664 = vector.shape_cast %parallel_loop3A_663 : vector<1x16xf32> to vector<16xf32>
        %parallel_loop3A_665 = arith.index_cast %parallel_loop3A_541 : i32 to index
        %parallel_loop3A_666 = arith.constant 112 : index
        %parallel_loop3A_667 = tpu.vector_load %arg15[%parallel_loop3A_665, %parallel_loop3A_666] {strides = array<i32>} : memref<32x128xf32, #tpu.memory_space<vmem>>, vector<1x16xf32>,
        %parallel_loop3A_668 = vector.shape_cast %parallel_loop3A_667 : vector<1x16xf32> to vector<16xf32>
        %parallel_loop3A_669 = arith.addf %parallel_loop3A_664, %parallel_loop3A_668 : vector<16xf32>
        %parallel_loop3A_670 = arith.constant 0.000000e+00 : f32
        %parallel_loop3A_671 = vector.broadcast %parallel_loop3A_670 : f32 to vector<16xf32>
        %parallel_loop3A_672 = arith.maximumf %parallel_loop3A_669, %parallel_loop3A_671 : vector<16xf32>
        %parallel_loop3A_673 = arith.index_cast %parallel_loop3A_541 : i32 to index
        %parallel_loop3A_674 = arith.constant 112 : index
        %parallel_loop3A_675 = tpu.vector_load %arg16[%parallel_loop3A_673, %parallel_loop3A_674] {strides = array<i32>} : memref<32x128xf32, #tpu.memory_space<vmem>>, vector<1x16xf32>,
        %parallel_loop3A_676 = vector.shape_cast %parallel_loop3A_675 : vector<1x16xf32> to vector<16xf32>
        %parallel_loop3A_677 = vector.shape_cast %parallel_loop3A_672 : vector<16xf32> to vector<1x16xf32>
        tpu.vector_store %arg16[%parallel_loop3A_673, %parallel_loop3A_674], %parallel_loop3A_677 {strides = array<i32>} : memref<32x128xf32, #tpu.memory_space<vmem>>, vector<1x16xf32>,
      } {sc.loop_unroll_factor = 4 : i64, sc.parallel_access}
      %dma_start3A_520 = arith.constant 0 : i32
      %dma_start3A_521 = tpu.memref_slice %arg10[%select_n3A_479, %dma_start3A_520] : memref<3x32xi32, #tpu.memory_space<vmem>> -> memref<1x32xi32, #tpu.memory_space<vmem>>
      %dma_start3A_522 = tpu.memref_squeeze %dma_start3A_521 : memref<1x32xi32, #tpu.memory_space<vmem>> -> memref<32xi32, #tpu.memory_space<vmem>>
      %dma_start3A_523 = arith.constant 0 : i32
      %dma_start3A_524 = arith.constant 0 : i32
      %dma_start3A_525 = tpu.memref_slice %arg17[%dma_start3A_523, %dma_start3A_524] : memref<10240x128xf32, #tpu.memory_space<vmem_shared>> -> memref<10240x128xf32, #tpu.memory_space<vmem_shared>>
      tpu.enqueue_indirect_dma source(%arg16 : memref<32x128xf32, #tpu.memory_space<vmem>>) target(%dma_start3A_525 : memref<10240x128xf32, #tpu.memory_space<vmem_shared>>) offsets(%dma_start3A_522 : memref<32xi32, #tpu.memory_space<vmem>>) semaphore(%arg23 : memref<!tpu.dma_semaphore, #tpu.memory_space<semaphore_mem>>) {add = true}
      %add3A_526 = arith.constant 2 : i32
      %add3A_527 = arith.addi %add3A_463, %add3A_526 : i32
      %lt3A_528 = arith.constant 313 : i32
      %lt3A_529 = arith.cmpi slt, %add3A_527, %lt3A_528 : i32
      %convert_element_type3A_530 = arith.extui %lt3A_529 : i1 to i32
      %cond3A_531 = arith.constant 0 : i32
      %cond3A_532 = arith.cmpi ne, %convert_element_type3A_530, %cond3A_531 : i32
      scf.if %cond3A_532 {
        %add3A_541 = arith.constant 2 : i32
        %add3A_542 = arith.addi %add3A_463, %add3A_541 : i32
        %add3A_543 = arith.constant 1 : i32
        %add3A_544 = arith.addi %scan3A_390, %add3A_543 : i32
        %jit3A_545 = arith.constant 3 : i32
        %eq3A_546 = arith.constant 0 : i32
        %eq3A_547 = arith.cmpi eq, %jit3A_545, %eq3A_546 : i32
        %jit3A_548 = arith.constant 1 : i32
        %select_n3A_549 = arith.select %eq3A_547, %jit3A_548, %jit3A_545 : i32
        %rem3A_550 = arith.remsi %add3A_544, %select_n3A_549 : i32
        %ne3A_551 = arith.constant 0 : i32
        %ne3A_552 = arith.cmpi ne, %rem3A_550, %ne3A_551 : i32
        %lt3A_553 = arith.constant 0 : i32
        %lt3A_554 = arith.cmpi slt, %rem3A_550, %lt3A_553 : i32
        %lt3A_555 = arith.constant 0 : i32
        %lt3A_556 = arith.cmpi slt, %select_n3A_549, %lt3A_555 : i32
        %ne3A_557 = arith.xori %lt3A_554, %lt3A_556 : i1
        %and3A_558 = arith.andi %ne3A_557, %ne3A_552 : i1
        %add3A_559 = arith.addi %rem3A_550, %select_n3A_549 : i32
        %select_n3A_560 = arith.select %and3A_558, %add3A_559, %rem3A_550 : i32
        %mul3A_561 = arith.constant 32 : i32
        %mul3A_562 = arith.muli %add3A_542, %mul3A_561 : i32
        %add3A_563 = arith.addi %mul3A_2, %mul3A_562 : i32
        %dma_wait3A_564 = arith.constant 0 : i32
        %dma_wait3A_565 = tpu.memref_slice %arg9[%select_n3A_560, %dma_wait3A_564] : memref<3x32xi32, #tpu.memory_space<vmem>> -> memref<1x32xi32, #tpu.memory_space<vmem>>
        %dma_wait3A_566 = tpu.memref_squeeze %dma_wait3A_565 : memref<1x32xi32, #tpu.memory_space<vmem>> -> memref<32xi32, #tpu.memory_space<vmem>>
        %dma_wait3A_567 = tpu.memref_slice %arg3[%add3A_563] : memref<320512xi32, #tpu.memory_space<hbm>> -> memref<32xi32, #tpu.memory_space<hbm>>
        %dma_wait3A_568 = arith.constant 0 : i32
        %dma_wait3A_569 = tpu.memref_slice %arg9[%select_n3A_560, %dma_wait3A_568] : memref<3x32xi32, #tpu.memory_space<vmem>> -> memref<1x32xi32, #tpu.memory_space<vmem>>
        %dma_wait3A_570 = tpu.memref_squeeze %dma_wait3A_569 : memref<1x32xi32, #tpu.memory_space<vmem>> -> memref<32xi32, #tpu.memory_space<vmem>>
        %dma_wait3A_571 = tpu.memref_slice %arg3[%add3A_563] : memref<320512xi32, #tpu.memory_space<hbm>> -> memref<32xi32, #tpu.memory_space<hbm>>
        tpu.wait_dma2 semaphore(%arg19 : memref<!tpu.dma_semaphore, #tpu.memory_space<semaphore_mem>>) src(%dma_wait3A_571 : memref<32xi32, #tpu.memory_space<hbm>>) dst(%dma_wait3A_570 : memref<32xi32, #tpu.memory_space<vmem>>)
        %mul3A_572 = arith.constant 32 : i32
        %mul3A_573 = arith.muli %add3A_542, %mul3A_572 : i32
        %add3A_574 = arith.addi %mul3A_2, %mul3A_573 : i32
        %dma_wait3A_575 = arith.constant 0 : i32
        %dma_wait3A_576 = tpu.memref_slice %arg10[%select_n3A_560, %dma_wait3A_575] : memref<3x32xi32, #tpu.memory_space<vmem>> -> memref<1x32xi32, #tpu.memory_space<vmem>>
        %dma_wait3A_577 = tpu.memref_squeeze %dma_wait3A_576 : memref<1x32xi32, #tpu.memory_space<vmem>> -> memref<32xi32, #tpu.memory_space<vmem>>
        %dma_wait3A_578 = tpu.memref_slice %arg4[%add3A_574] : memref<320512xi32, #tpu.memory_space<hbm>> -> memref<32xi32, #tpu.memory_space<hbm>>
        %dma_wait3A_579 = arith.constant 0 : i32
        %dma_wait3A_580 = tpu.memref_slice %arg10[%select_n3A_560, %dma_wait3A_579] : memref<3x32xi32, #tpu.memory_space<vmem>> -> memref<1x32xi32, #tpu.memory_space<vmem>>
        %dma_wait3A_581 = tpu.memref_squeeze %dma_wait3A_580 : memref<1x32xi32, #tpu.memory_space<vmem>> -> memref<32xi32, #tpu.memory_space<vmem>>
        %dma_wait3A_582 = tpu.memref_slice %arg4[%add3A_574] : memref<320512xi32, #tpu.memory_space<hbm>> -> memref<32xi32, #tpu.memory_space<hbm>>
        tpu.wait_dma2 semaphore(%arg19 : memref<!tpu.dma_semaphore, #tpu.memory_space<semaphore_mem>>) src(%dma_wait3A_582 : memref<32xi32, #tpu.memory_space<hbm>>) dst(%dma_wait3A_581 : memref<32xi32, #tpu.memory_space<vmem>>)
        %add3A_583 = arith.constant 2 : i32
        %add3A_584 = arith.addi %add3A_463, %add3A_583 : i32
        %add3A_585 = arith.constant 1 : i32
        %add3A_586 = arith.addi %scan3A_390, %add3A_585 : i32
        %jit3A_587 = arith.constant 3 : i32
        %eq3A_588 = arith.constant 0 : i32
        %eq3A_589 = arith.cmpi eq, %jit3A_587, %eq3A_588 : i32
        %jit3A_590 = arith.constant 1 : i32
        %select_n3A_591 = arith.select %eq3A_589, %jit3A_590, %jit3A_587 : i32
        %rem3A_592 = arith.remsi %add3A_586, %select_n3A_591 : i32
        %ne3A_593 = arith.constant 0 : i32
        %ne3A_594 = arith.cmpi ne, %rem3A_592, %ne3A_593 : i32
        %lt3A_595 = arith.constant 0 : i32
        %lt3A_596 = arith.cmpi slt, %rem3A_592, %lt3A_595 : i32
        %lt3A_597 = arith.constant 0 : i32
        %lt3A_598 = arith.cmpi slt, %select_n3A_591, %lt3A_597 : i32
        %ne3A_599 = arith.xori %lt3A_596, %lt3A_598 : i1
        %and3A_600 = arith.andi %ne3A_599, %ne3A_594 : i1
        %add3A_601 = arith.addi %rem3A_592, %select_n3A_591 : i32
        %select_n3A_602 = arith.select %and3A_600, %add3A_601, %rem3A_592 : i32
        %dma_start3A_603 = arith.constant 0 : i32
        %dma_start3A_604 = tpu.memref_slice %arg9[%select_n3A_602, %dma_start3A_603] : memref<3x32xi32, #tpu.memory_space<vmem>> -> memref<1x32xi32, #tpu.memory_space<vmem>>
        %dma_start3A_605 = tpu.memref_squeeze %dma_start3A_604 : memref<1x32xi32, #tpu.memory_space<vmem>> -> memref<32xi32, #tpu.memory_space<vmem>>
        %dma_start3A_606 = arith.constant 0 : i32
        %dma_start3A_607 = arith.constant 0 : i32
        %dma_start3A_608 = tpu.memref_slice %arg2[%dma_start3A_606, %dma_start3A_607] : memref<10000x128xf32, #tpu.memory_space<hbm>> -> memref<10000x128xf32, #tpu.memory_space<hbm>>
        tpu.enqueue_indirect_dma source(%dma_start3A_608 : memref<10000x128xf32, #tpu.memory_space<hbm>>) target(%arg14 : memref<32x128xf32, #tpu.memory_space<vmem>>) offsets(%dma_start3A_605 : memref<32xi32, #tpu.memory_space<vmem>>) semaphore(%arg21 : memref<!tpu.dma_semaphore, #tpu.memory_space<semaphore_mem>>)
        %mul3A_609 = arith.constant 32 : i32
        %mul3A_610 = arith.muli %add3A_584, %mul3A_609 : i32
        %add3A_611 = arith.addi %mul3A_2, %mul3A_610 : i32
        %dma_start3A_612 = arith.constant 0 : i32
        %dma_start3A_613 = tpu.memref_slice %arg5[%add3A_611, %dma_start3A_612] : memref<320512x128xf32, #tpu.memory_space<hbm>> -> memref<32x128xf32, #tpu.memory_space<hbm>>
        %dma_start3A_614 = arith.constant 0 : i32
        %dma_start3A_615 = tpu.memref_slice %arg5[%add3A_611, %dma_start3A_614] : memref<320512x128xf32, #tpu.memory_space<hbm>> -> memref<32x128xf32, #tpu.memory_space<hbm>>
        tpu.enqueue_dma source(%dma_start3A_615 : memref<32x128xf32, #tpu.memory_space<hbm>>) target(%arg15 : memref<32x128xf32, #tpu.memory_space<vmem>>) target_semaphore(%arg21 : memref<!tpu.dma_semaphore, #tpu.memory_space<semaphore_mem>>)
      } else {
      }
      %add3A_533 = arith.constant 4 : i32
      %add3A_534 = arith.addi %add3A_463, %add3A_533 : i32
      %lt3A_535 = arith.constant 313 : i32
      %lt3A_536 = arith.cmpi slt, %add3A_534, %lt3A_535 : i32
      %convert_element_type3A_537 = arith.extui %lt3A_536 : i1 to i32
      %cond3A_538 = arith.constant 0 : i32
      %cond3A_539 = arith.cmpi ne, %convert_element_type3A_537, %cond3A_538 : i32
      scf.if %cond3A_539 {
        %add3A_541 = arith.constant 4 : i32
        %add3A_542 = arith.addi %add3A_463, %add3A_541 : i32
        %add3A_543 = arith.constant 2 : i32
        %add3A_544 = arith.addi %scan3A_390, %add3A_543 : i32
        %jit3A_545 = arith.constant 3 : i32
        %eq3A_546 = arith.constant 0 : i32
        %eq3A_547 = arith.cmpi eq, %jit3A_545, %eq3A_546 : i32
        %jit3A_548 = arith.constant 1 : i32
        %select_n3A_549 = arith.select %eq3A_547, %jit3A_548, %jit3A_545 : i32
        %rem3A_550 = arith.remsi %add3A_544, %select_n3A_549 : i32
        %ne3A_551 = arith.constant 0 : i32
        %ne3A_552 = arith.cmpi ne, %rem3A_550, %ne3A_551 : i32
        %lt3A_553 = arith.constant 0 : i32
        %lt3A_554 = arith.cmpi slt, %rem3A_550, %lt3A_553 : i32
        %lt3A_555 = arith.constant 0 : i32
        %lt3A_556 = arith.cmpi slt, %select_n3A_549, %lt3A_555 : i32
        %ne3A_557 = arith.xori %lt3A_554, %lt3A_556 : i1
        %and3A_558 = arith.andi %ne3A_557, %ne3A_552 : i1
        %add3A_559 = arith.addi %rem3A_550, %select_n3A_549 : i32
        %select_n3A_560 = arith.select %and3A_558, %add3A_559, %rem3A_550 : i32
        %mul3A_561 = arith.constant 32 : i32
        %mul3A_562 = arith.muli %add3A_542, %mul3A_561 : i32
        %add3A_563 = arith.addi %mul3A_2, %mul3A_562 : i32
        %dma_start3A_564 = arith.constant 0 : i32
        %dma_start3A_565 = tpu.memref_slice %arg9[%select_n3A_560, %dma_start3A_564] : memref<3x32xi32, #tpu.memory_space<vmem>> -> memref<1x32xi32, #tpu.memory_space<vmem>>
        %dma_start3A_566 = tpu.memref_squeeze %dma_start3A_565 : memref<1x32xi32, #tpu.memory_space<vmem>> -> memref<32xi32, #tpu.memory_space<vmem>>
        %dma_start3A_567 = tpu.memref_slice %arg3[%add3A_563] : memref<320512xi32, #tpu.memory_space<hbm>> -> memref<32xi32, #tpu.memory_space<hbm>>
        %dma_start3A_568 = arith.constant 0 : i32
        %dma_start3A_569 = tpu.memref_slice %arg9[%select_n3A_560, %dma_start3A_568] : memref<3x32xi32, #tpu.memory_space<vmem>> -> memref<1x32xi32, #tpu.memory_space<vmem>>
        %dma_start3A_570 = tpu.memref_squeeze %dma_start3A_569 : memref<1x32xi32, #tpu.memory_space<vmem>> -> memref<32xi32, #tpu.memory_space<vmem>>
        %dma_start3A_571 = tpu.memref_slice %arg3[%add3A_563] : memref<320512xi32, #tpu.memory_space<hbm>> -> memref<32xi32, #tpu.memory_space<hbm>>
        tpu.enqueue_dma source(%dma_start3A_571 : memref<32xi32, #tpu.memory_space<hbm>>) target(%dma_start3A_570 : memref<32xi32, #tpu.memory_space<vmem>>) target_semaphore(%arg19 : memref<!tpu.dma_semaphore, #tpu.memory_space<semaphore_mem>>)
        %mul3A_572 = arith.constant 32 : i32
        %mul3A_573 = arith.muli %add3A_542, %mul3A_572 : i32
        %add3A_574 = arith.addi %mul3A_2, %mul3A_573 : i32
        %dma_start3A_575 = arith.constant 0 : i32
        %dma_start3A_576 = tpu.memref_slice %arg10[%select_n3A_560, %dma_start3A_575] : memref<3x32xi32, #tpu.memory_space<vmem>> -> memref<1x32xi32, #tpu.memory_space<vmem>>
        %dma_start3A_577 = tpu.memref_squeeze %dma_start3A_576 : memref<1x32xi32, #tpu.memory_space<vmem>> -> memref<32xi32, #tpu.memory_space<vmem>>
        %dma_start3A_578 = tpu.memref_slice %arg4[%add3A_574] : memref<320512xi32, #tpu.memory_space<hbm>> -> memref<32xi32, #tpu.memory_space<hbm>>
        %dma_start3A_579 = arith.constant 0 : i32
        %dma_start3A_580 = tpu.memref_slice %arg10[%select_n3A_560, %dma_start3A_579] : memref<3x32xi32, #tpu.memory_space<vmem>> -> memref<1x32xi32, #tpu.memory_space<vmem>>
        %dma_start3A_581 = tpu.memref_squeeze %dma_start3A_580 : memref<1x32xi32, #tpu.memory_space<vmem>> -> memref<32xi32, #tpu.memory_space<vmem>>
        %dma_start3A_582 = tpu.memref_slice %arg4[%add3A_574] : memref<320512xi32, #tpu.memory_space<hbm>> -> memref<32xi32, #tpu.memory_space<hbm>>
        tpu.enqueue_dma source(%dma_start3A_582 : memref<32xi32, #tpu.memory_space<hbm>>) target(%dma_start3A_581 : memref<32xi32, #tpu.memory_space<vmem>>) target_semaphore(%arg19 : memref<!tpu.dma_semaphore, #tpu.memory_space<semaphore_mem>>)
      } else {
      }
      %scan3A_540 = arith.constant 0 : i32
      scf.yield %scan3A_540 : i32
    }
    %scan3A_337 = arith.constant 155 : i32
    %dma_wait3A_338 = arith.constant 2 : i32
    %dma_wait3A_339 = arith.constant 0 : i32
    %dma_wait3A_340 = tpu.memref_slice %arg8[%dma_wait3A_338, %dma_wait3A_339] : memref<3x32xi32, #tpu.memory_space<vmem>> -> memref<1x32xi32, #tpu.memory_space<vmem>>
    %dma_wait3A_341 = tpu.memref_squeeze %dma_wait3A_340 : memref<1x32xi32, #tpu.memory_space<vmem>> -> memref<32xi32, #tpu.memory_space<vmem>>
    %dma_wait3A_342 = arith.constant 0 : i32
    %dma_wait3A_343 = arith.constant 0 : i32
    %dma_wait3A_344 = tpu.memref_slice %arg17[%dma_wait3A_342, %dma_wait3A_343] : memref<10240x128xf32, #tpu.memory_space<vmem_shared>> -> memref<10240x128xf32, #tpu.memory_space<vmem_shared>>
    tpu.wait_indirect_dma semaphore(%arg22 : memref<!tpu.dma_semaphore, #tpu.memory_space<semaphore_mem>>) src(%arg13 : memref<32x128xf32, #tpu.memory_space<vmem>>) dst(%dma_wait3A_344 : memref<10240x128xf32, #tpu.memory_space<vmem_shared>>)
    %dma_wait3A_345 = arith.constant 0 : i32
    %dma_wait3A_346 = arith.constant 0 : i32
    %dma_wait3A_347 = tpu.memref_slice %arg7[%dma_wait3A_345, %dma_wait3A_346] : memref<3x32xi32, #tpu.memory_space<vmem>> -> memref<1x32xi32, #tpu.memory_space<vmem>>
    %dma_wait3A_348 = tpu.memref_squeeze %dma_wait3A_347 : memref<1x32xi32, #tpu.memory_space<vmem>> -> memref<32xi32, #tpu.memory_space<vmem>>
    %dma_wait3A_349 = arith.constant 0 : i32
    %dma_wait3A_350 = arith.constant 0 : i32
    %dma_wait3A_351 = tpu.memref_slice %arg2[%dma_wait3A_349, %dma_wait3A_350] : memref<10000x128xf32, #tpu.memory_space<hbm>> -> memref<10000x128xf32, #tpu.memory_space<hbm>>
    tpu.wait_indirect_dma semaphore(%arg20 : memref<!tpu.dma_semaphore, #tpu.memory_space<semaphore_mem>>) src(%dma_wait3A_351 : memref<10000x128xf32, #tpu.memory_space<hbm>>) dst(%arg11 : memref<32x128xf32, #tpu.memory_space<vmem>>)
    %add3A_352 = arith.constant 9984 : i32
    %add3A_353 = arith.addi %mul3A_2, %add3A_352 : i32
    %dma_wait3A_354 = arith.constant 0 : i32
    %dma_wait3A_355 = tpu.memref_slice %arg5[%add3A_353, %dma_wait3A_354] : memref<320512x128xf32, #tpu.memory_space<hbm>> -> memref<32x128xf32, #tpu.memory_space<hbm>>
    %dma_wait3A_356 = arith.constant 0 : i32
    %dma_wait3A_357 = tpu.memref_slice %arg5[%add3A_353, %dma_wait3A_356] : memref<320512x128xf32, #tpu.memory_space<hbm>> -> memref<32x128xf32, #tpu.memory_space<hbm>>
    tpu.wait_dma2 semaphore(%arg20 : memref<!tpu.dma_semaphore, #tpu.memory_space<semaphore_mem>>) src(%dma_wait3A_357 : memref<32x128xf32, #tpu.memory_space<hbm>>) dst(%arg12 : memref<32x128xf32, #tpu.memory_space<vmem>>)
    %parallel_loop3A_358 = arith.constant 0 : i32
    %parallel_loop3A_359 = arith.constant 32 : i32
    %parallel_loop3A_360 = arith.constant 1 : i32
    scf.for %parallel_loop3A_390 = %parallel_loop3A_358 to %parallel_loop3A_359 step %parallel_loop3A_360  : i32 {
      %parallel_loop3A_391 = arith.index_cast %parallel_loop3A_390 : i32 to index
      %parallel_loop3A_392 = arith.constant 0 : index
      %parallel_loop3A_393 = tpu.vector_load %arg11[%parallel_loop3A_391, %parallel_loop3A_392] {strides = array<i32>} : memref<32x128xf32, #tpu.memory_space<vmem>>, vector<1x16xf32>,
      %parallel_loop3A_394 = vector.shape_cast %parallel_loop3A_393 : vector<1x16xf32> to vector<16xf32>
      %parallel_loop3A_395 = arith.index_cast %parallel_loop3A_390 : i32 to index
      %parallel_loop3A_396 = arith.constant 0 : index
      %parallel_loop3A_397 = tpu.vector_load %arg12[%parallel_loop3A_395, %parallel_loop3A_396] {strides = array<i32>} : memref<32x128xf32, #tpu.memory_space<vmem>>, vector<1x16xf32>,
      %parallel_loop3A_398 = vector.shape_cast %parallel_loop3A_397 : vector<1x16xf32> to vector<16xf32>
      %parallel_loop3A_399 = arith.addf %parallel_loop3A_394, %parallel_loop3A_398 : vector<16xf32>
      %parallel_loop3A_400 = arith.constant 0.000000e+00 : f32
      %parallel_loop3A_401 = vector.broadcast %parallel_loop3A_400 : f32 to vector<16xf32>
      %parallel_loop3A_402 = arith.maximumf %parallel_loop3A_399, %parallel_loop3A_401 : vector<16xf32>
      %parallel_loop3A_403 = arith.index_cast %parallel_loop3A_390 : i32 to index
      %parallel_loop3A_404 = arith.constant 0 : index
      %parallel_loop3A_405 = tpu.vector_load %arg13[%parallel_loop3A_403, %parallel_loop3A_404] {strides = array<i32>} : memref<32x128xf32, #tpu.memory_space<vmem>>, vector<1x16xf32>,
      %parallel_loop3A_406 = vector.shape_cast %parallel_loop3A_405 : vector<1x16xf32> to vector<16xf32>
      %parallel_loop3A_407 = vector.shape_cast %parallel_loop3A_402 : vector<16xf32> to vector<1x16xf32>
      tpu.vector_store %arg13[%parallel_loop3A_403, %parallel_loop3A_404], %parallel_loop3A_407 {strides = array<i32>} : memref<32x128xf32, #tpu.memory_space<vmem>>, vector<1x16xf32>,
      %parallel_loop3A_408 = arith.index_cast %parallel_loop3A_390 : i32 to index
      %parallel_loop3A_409 = arith.constant 16 : index
      %parallel_loop3A_410 = tpu.vector_load %arg11[%parallel_loop3A_408, %parallel_loop3A_409] {strides = array<i32>} : memref<32x128xf32, #tpu.memory_space<vmem>>, vector<1x16xf32>,
      %parallel_loop3A_411 = vector.shape_cast %parallel_loop3A_410 : vector<1x16xf32> to vector<16xf32>
      %parallel_loop3A_412 = arith.index_cast %parallel_loop3A_390 : i32 to index
      %parallel_loop3A_413 = arith.constant 16 : index
      %parallel_loop3A_414 = tpu.vector_load %arg12[%parallel_loop3A_412, %parallel_loop3A_413] {strides = array<i32>} : memref<32x128xf32, #tpu.memory_space<vmem>>, vector<1x16xf32>,
      %parallel_loop3A_415 = vector.shape_cast %parallel_loop3A_414 : vector<1x16xf32> to vector<16xf32>
      %parallel_loop3A_416 = arith.addf %parallel_loop3A_411, %parallel_loop3A_415 : vector<16xf32>
      %parallel_loop3A_417 = arith.constant 0.000000e+00 : f32
      %parallel_loop3A_418 = vector.broadcast %parallel_loop3A_417 : f32 to vector<16xf32>
      %parallel_loop3A_419 = arith.maximumf %parallel_loop3A_416, %parallel_loop3A_418 : vector<16xf32>
      %parallel_loop3A_420 = arith.index_cast %parallel_loop3A_390 : i32 to index
      %parallel_loop3A_421 = arith.constant 16 : index
      %parallel_loop3A_422 = tpu.vector_load %arg13[%parallel_loop3A_420, %parallel_loop3A_421] {strides = array<i32>} : memref<32x128xf32, #tpu.memory_space<vmem>>, vector<1x16xf32>,
      %parallel_loop3A_423 = vector.shape_cast %parallel_loop3A_422 : vector<1x16xf32> to vector<16xf32>
      %parallel_loop3A_424 = vector.shape_cast %parallel_loop3A_419 : vector<16xf32> to vector<1x16xf32>
      tpu.vector_store %arg13[%parallel_loop3A_420, %parallel_loop3A_421], %parallel_loop3A_424 {strides = array<i32>} : memref<32x128xf32, #tpu.memory_space<vmem>>, vector<1x16xf32>,
      %parallel_loop3A_425 = arith.index_cast %parallel_loop3A_390 : i32 to index
      %parallel_loop3A_426 = arith.constant 32 : index
      %parallel_loop3A_427 = tpu.vector_load %arg11[%parallel_loop3A_425, %parallel_loop3A_426] {strides = array<i32>} : memref<32x128xf32, #tpu.memory_space<vmem>>, vector<1x16xf32>,
      %parallel_loop3A_428 = vector.shape_cast %parallel_loop3A_427 : vector<1x16xf32> to vector<16xf32>
      %parallel_loop3A_429 = arith.index_cast %parallel_loop3A_390 : i32 to index
      %parallel_loop3A_430 = arith.constant 32 : index
      %parallel_loop3A_431 = tpu.vector_load %arg12[%parallel_loop3A_429, %parallel_loop3A_430] {strides = array<i32>} : memref<32x128xf32, #tpu.memory_space<vmem>>, vector<1x16xf32>,
      %parallel_loop3A_432 = vector.shape_cast %parallel_loop3A_431 : vector<1x16xf32> to vector<16xf32>
      %parallel_loop3A_433 = arith.addf %parallel_loop3A_428, %parallel_loop3A_432 : vector<16xf32>
      %parallel_loop3A_434 = arith.constant 0.000000e+00 : f32
      %parallel_loop3A_435 = vector.broadcast %parallel_loop3A_434 : f32 to vector<16xf32>
      %parallel_loop3A_436 = arith.maximumf %parallel_loop3A_433, %parallel_loop3A_435 : vector<16xf32>
      %parallel_loop3A_437 = arith.index_cast %parallel_loop3A_390 : i32 to index
      %parallel_loop3A_438 = arith.constant 32 : index
      %parallel_loop3A_439 = tpu.vector_load %arg13[%parallel_loop3A_437, %parallel_loop3A_438] {strides = array<i32>} : memref<32x128xf32, #tpu.memory_space<vmem>>, vector<1x16xf32>,
      %parallel_loop3A_440 = vector.shape_cast %parallel_loop3A_439 : vector<1x16xf32> to vector<16xf32>
      %parallel_loop3A_441 = vector.shape_cast %parallel_loop3A_436 : vector<16xf32> to vector<1x16xf32>
      tpu.vector_store %arg13[%parallel_loop3A_437, %parallel_loop3A_438], %parallel_loop3A_441 {strides = array<i32>} : memref<32x128xf32, #tpu.memory_space<vmem>>, vector<1x16xf32>,
      %parallel_loop3A_442 = arith.index_cast %parallel_loop3A_390 : i32 to index
      %parallel_loop3A_443 = arith.constant 48 : index
      %parallel_loop3A_444 = tpu.vector_load %arg11[%parallel_loop3A_442, %parallel_loop3A_443] {strides = array<i32>} : memref<32x128xf32, #tpu.memory_space<vmem>>, vector<1x16xf32>,
      %parallel_loop3A_445 = vector.shape_cast %parallel_loop3A_444 : vector<1x16xf32> to vector<16xf32>
      %parallel_loop3A_446 = arith.index_cast %parallel_loop3A_390 : i32 to index
      %parallel_loop3A_447 = arith.constant 48 : index
      %parallel_loop3A_448 = tpu.vector_load %arg12[%parallel_loop3A_446, %parallel_loop3A_447] {strides = array<i32>} : memref<32x128xf32, #tpu.memory_space<vmem>>, vector<1x16xf32>,
      %parallel_loop3A_449 = vector.shape_cast %parallel_loop3A_448 : vector<1x16xf32> to vector<16xf32>
      %parallel_loop3A_450 = arith.addf %parallel_loop3A_445, %parallel_loop3A_449 : vector<16xf32>
      %parallel_loop3A_451 = arith.constant 0.000000e+00 : f32
      %parallel_loop3A_452 = vector.broadcast %parallel_loop3A_451 : f32 to vector<16xf32>
      %parallel_loop3A_453 = arith.maximumf %parallel_loop3A_450, %parallel_loop3A_452 : vector<16xf32>
      %parallel_loop3A_454 = arith.index_cast %parallel_loop3A_390 : i32 to index
      %parallel_loop3A_455 = arith.constant 48 : index
      %parallel_loop3A_456 = tpu.vector_load %arg13[%parallel_loop3A_454, %parallel_loop3A_455] {strides = array<i32>} : memref<32x128xf32, #tpu.memory_space<vmem>>, vector<1x16xf32>,
      %parallel_loop3A_457 = vector.shape_cast %parallel_loop3A_456 : vector<1x16xf32> to vector<16xf32>
      %parallel_loop3A_458 = vector.shape_cast %parallel_loop3A_453 : vector<16xf32> to vector<1x16xf32>
      tpu.vector_store %arg13[%parallel_loop3A_454, %parallel_loop3A_455], %parallel_loop3A_458 {strides = array<i32>} : memref<32x128xf32, #tpu.memory_space<vmem>>, vector<1x16xf32>,
      %parallel_loop3A_459 = arith.index_cast %parallel_loop3A_390 : i32 to index
      %parallel_loop3A_460 = arith.constant 64 : index
      %parallel_loop3A_461 = tpu.vector_load %arg11[%parallel_loop3A_459, %parallel_loop3A_460] {strides = array<i32>} : memref<32x128xf32, #tpu.memory_space<vmem>>, vector<1x16xf32>,
      %parallel_loop3A_462 = vector.shape_cast %parallel_loop3A_461 : vector<1x16xf32> to vector<16xf32>
      %parallel_loop3A_463 = arith.index_cast %parallel_loop3A_390 : i32 to index
      %parallel_loop3A_464 = arith.constant 64 : index
      %parallel_loop3A_465 = tpu.vector_load %arg12[%parallel_loop3A_463, %parallel_loop3A_464] {strides = array<i32>} : memref<32x128xf32, #tpu.memory_space<vmem>>, vector<1x16xf32>,
      %parallel_loop3A_466 = vector.shape_cast %parallel_loop3A_465 : vector<1x16xf32> to vector<16xf32>
      %parallel_loop3A_467 = arith.addf %parallel_loop3A_462, %parallel_loop3A_466 : vector<16xf32>
      %parallel_loop3A_468 = arith.constant 0.000000e+00 : f32
      %parallel_loop3A_469 = vector.broadcast %parallel_loop3A_468 : f32 to vector<16xf32>
      %parallel_loop3A_470 = arith.maximumf %parallel_loop3A_467, %parallel_loop3A_469 : vector<16xf32>
      %parallel_loop3A_471 = arith.index_cast %parallel_loop3A_390 : i32 to index
      %parallel_loop3A_472 = arith.constant 64 : index
      %parallel_loop3A_473 = tpu.vector_load %arg13[%parallel_loop3A_471, %parallel_loop3A_472] {strides = array<i32>} : memref<32x128xf32, #tpu.memory_space<vmem>>, vector<1x16xf32>,
      %parallel_loop3A_474 = vector.shape_cast %parallel_loop3A_473 : vector<1x16xf32> to vector<16xf32>
      %parallel_loop3A_475 = vector.shape_cast %parallel_loop3A_470 : vector<16xf32> to vector<1x16xf32>
      tpu.vector_store %arg13[%parallel_loop3A_471, %parallel_loop3A_472], %parallel_loop3A_475 {strides = array<i32>} : memref<32x128xf32, #tpu.memory_space<vmem>>, vector<1x16xf32>,
      %parallel_loop3A_476 = arith.index_cast %parallel_loop3A_390 : i32 to index
      %parallel_loop3A_477 = arith.constant 80 : index
      %parallel_loop3A_478 = tpu.vector_load %arg11[%parallel_loop3A_476, %parallel_loop3A_477] {strides = array<i32>} : memref<32x128xf32, #tpu.memory_space<vmem>>, vector<1x16xf32>,
      %parallel_loop3A_479 = vector.shape_cast %parallel_loop3A_478 : vector<1x16xf32> to vector<16xf32>
      %parallel_loop3A_480 = arith.index_cast %parallel_loop3A_390 : i32 to index
      %parallel_loop3A_481 = arith.constant 80 : index
      %parallel_loop3A_482 = tpu.vector_load %arg12[%parallel_loop3A_480, %parallel_loop3A_481] {strides = array<i32>} : memref<32x128xf32, #tpu.memory_space<vmem>>, vector<1x16xf32>,
      %parallel_loop3A_483 = vector.shape_cast %parallel_loop3A_482 : vector<1x16xf32> to vector<16xf32>
      %parallel_loop3A_484 = arith.addf %parallel_loop3A_479, %parallel_loop3A_483 : vector<16xf32>
      %parallel_loop3A_485 = arith.constant 0.000000e+00 : f32
      %parallel_loop3A_486 = vector.broadcast %parallel_loop3A_485 : f32 to vector<16xf32>
      %parallel_loop3A_487 = arith.maximumf %parallel_loop3A_484, %parallel_loop3A_486 : vector<16xf32>
      %parallel_loop3A_488 = arith.index_cast %parallel_loop3A_390 : i32 to index
      %parallel_loop3A_489 = arith.constant 80 : index
      %parallel_loop3A_490 = tpu.vector_load %arg13[%parallel_loop3A_488, %parallel_loop3A_489] {strides = array<i32>} : memref<32x128xf32, #tpu.memory_space<vmem>>, vector<1x16xf32>,
      %parallel_loop3A_491 = vector.shape_cast %parallel_loop3A_490 : vector<1x16xf32> to vector<16xf32>
      %parallel_loop3A_492 = vector.shape_cast %parallel_loop3A_487 : vector<16xf32> to vector<1x16xf32>
      tpu.vector_store %arg13[%parallel_loop3A_488, %parallel_loop3A_489], %parallel_loop3A_492 {strides = array<i32>} : memref<32x128xf32, #tpu.memory_space<vmem>>, vector<1x16xf32>,
      %parallel_loop3A_493 = arith.index_cast %parallel_loop3A_390 : i32 to index
      %parallel_loop3A_494 = arith.constant 96 : index
      %parallel_loop3A_495 = tpu.vector_load %arg11[%parallel_loop3A_493, %parallel_loop3A_494] {strides = array<i32>} : memref<32x128xf32, #tpu.memory_space<vmem>>, vector<1x16xf32>,
      %parallel_loop3A_496 = vector.shape_cast %parallel_loop3A_495 : vector<1x16xf32> to vector<16xf32>
      %parallel_loop3A_497 = arith.index_cast %parallel_loop3A_390 : i32 to index
      %parallel_loop3A_498 = arith.constant 96 : index
      %parallel_loop3A_499 = tpu.vector_load %arg12[%parallel_loop3A_497, %parallel_loop3A_498] {strides = array<i32>} : memref<32x128xf32, #tpu.memory_space<vmem>>, vector<1x16xf32>,
      %parallel_loop3A_500 = vector.shape_cast %parallel_loop3A_499 : vector<1x16xf32> to vector<16xf32>
      %parallel_loop3A_501 = arith.addf %parallel_loop3A_496, %parallel_loop3A_500 : vector<16xf32>
      %parallel_loop3A_502 = arith.constant 0.000000e+00 : f32
      %parallel_loop3A_503 = vector.broadcast %parallel_loop3A_502 : f32 to vector<16xf32>
      %parallel_loop3A_504 = arith.maximumf %parallel_loop3A_501, %parallel_loop3A_503 : vector<16xf32>
      %parallel_loop3A_505 = arith.index_cast %parallel_loop3A_390 : i32 to index
      %parallel_loop3A_506 = arith.constant 96 : index
      %parallel_loop3A_507 = tpu.vector_load %arg13[%parallel_loop3A_505, %parallel_loop3A_506] {strides = array<i32>} : memref<32x128xf32, #tpu.memory_space<vmem>>, vector<1x16xf32>,
      %parallel_loop3A_508 = vector.shape_cast %parallel_loop3A_507 : vector<1x16xf32> to vector<16xf32>
      %parallel_loop3A_509 = vector.shape_cast %parallel_loop3A_504 : vector<16xf32> to vector<1x16xf32>
      tpu.vector_store %arg13[%parallel_loop3A_505, %parallel_loop3A_506], %parallel_loop3A_509 {strides = array<i32>} : memref<32x128xf32, #tpu.memory_space<vmem>>, vector<1x16xf32>,
      %parallel_loop3A_510 = arith.index_cast %parallel_loop3A_390 : i32 to index
      %parallel_loop3A_511 = arith.constant 112 : index
      %parallel_loop3A_512 = tpu.vector_load %arg11[%parallel_loop3A_510, %parallel_loop3A_511] {strides = array<i32>} : memref<32x128xf32, #tpu.memory_space<vmem>>, vector<1x16xf32>,
      %parallel_loop3A_513 = vector.shape_cast %parallel_loop3A_512 : vector<1x16xf32> to vector<16xf32>
      %parallel_loop3A_514 = arith.index_cast %parallel_loop3A_390 : i32 to index
      %parallel_loop3A_515 = arith.constant 112 : index
      %parallel_loop3A_516 = tpu.vector_load %arg12[%parallel_loop3A_514, %parallel_loop3A_515] {strides = array<i32>} : memref<32x128xf32, #tpu.memory_space<vmem>>, vector<1x16xf32>,
      %parallel_loop3A_517 = vector.shape_cast %parallel_loop3A_516 : vector<1x16xf32> to vector<16xf32>
      %parallel_loop3A_518 = arith.addf %parallel_loop3A_513, %parallel_loop3A_517 : vector<16xf32>
      %parallel_loop3A_519 = arith.constant 0.000000e+00 : f32
      %parallel_loop3A_520 = vector.broadcast %parallel_loop3A_519 : f32 to vector<16xf32>
      %parallel_loop3A_521 = arith.maximumf %parallel_loop3A_518, %parallel_loop3A_520 : vector<16xf32>
      %parallel_loop3A_522 = arith.index_cast %parallel_loop3A_390 : i32 to index
      %parallel_loop3A_523 = arith.constant 112 : index
      %parallel_loop3A_524 = tpu.vector_load %arg13[%parallel_loop3A_522, %parallel_loop3A_523] {strides = array<i32>} : memref<32x128xf32, #tpu.memory_space<vmem>>, vector<1x16xf32>,
      %parallel_loop3A_525 = vector.shape_cast %parallel_loop3A_524 : vector<1x16xf32> to vector<16xf32>
      %parallel_loop3A_526 = vector.shape_cast %parallel_loop3A_521 : vector<16xf32> to vector<1x16xf32>
      tpu.vector_store %arg13[%parallel_loop3A_522, %parallel_loop3A_523], %parallel_loop3A_526 {strides = array<i32>} : memref<32x128xf32, #tpu.memory_space<vmem>>, vector<1x16xf32>,
    } {sc.loop_unroll_factor = 4 : i64, sc.parallel_access}
    %dma_start3A_361 = arith.constant 0 : i32
    %dma_start3A_362 = arith.constant 0 : i32
    %dma_start3A_363 = tpu.memref_slice %arg8[%dma_start3A_361, %dma_start3A_362] : memref<3x32xi32, #tpu.memory_space<vmem>> -> memref<1x32xi32, #tpu.memory_space<vmem>>
    %dma_start3A_364 = tpu.memref_squeeze %dma_start3A_363 : memref<1x32xi32, #tpu.memory_space<vmem>> -> memref<32xi32, #tpu.memory_space<vmem>>
    %dma_start3A_365 = arith.constant 0 : i32
    %dma_start3A_366 = arith.constant 0 : i32
    %dma_start3A_367 = tpu.memref_slice %arg17[%dma_start3A_365, %dma_start3A_366] : memref<10240x128xf32, #tpu.memory_space<vmem_shared>> -> memref<10240x128xf32, #tpu.memory_space<vmem_shared>>
    tpu.enqueue_indirect_dma source(%arg13 : memref<32x128xf32, #tpu.memory_space<vmem>>) target(%dma_start3A_367 : memref<10240x128xf32, #tpu.memory_space<vmem_shared>>) offsets(%dma_start3A_364 : memref<32xi32, #tpu.memory_space<vmem>>) semaphore(%arg22 : memref<!tpu.dma_semaphore, #tpu.memory_space<semaphore_mem>>) {add = true}
    %dma_wait3A_368 = arith.constant 0 : i32
    %dma_wait3A_369 = arith.constant 0 : i32
    %dma_wait3A_370 = tpu.memref_slice %arg8[%dma_wait3A_368, %dma_wait3A_369] : memref<3x32xi32, #tpu.memory_space<vmem>> -> memref<1x32xi32, #tpu.memory_space<vmem>>
    %dma_wait3A_371 = tpu.memref_squeeze %dma_wait3A_370 : memref<1x32xi32, #tpu.memory_space<vmem>> -> memref<32xi32, #tpu.memory_space<vmem>>
    %dma_wait3A_372 = arith.constant 0 : i32
    %dma_wait3A_373 = arith.constant 0 : i32
    %dma_wait3A_374 = tpu.memref_slice %arg17[%dma_wait3A_372, %dma_wait3A_373] : memref<10240x128xf32, #tpu.memory_space<vmem_shared>> -> memref<10240x128xf32, #tpu.memory_space<vmem_shared>>
    tpu.wait_indirect_dma semaphore(%arg22 : memref<!tpu.dma_semaphore, #tpu.memory_space<semaphore_mem>>) src(%arg13 : memref<32x128xf32, #tpu.memory_space<vmem>>) dst(%dma_wait3A_374 : memref<10240x128xf32, #tpu.memory_space<vmem_shared>>)
    %dma_wait3A_375 = arith.constant 2 : i32
    %dma_wait3A_376 = arith.constant 0 : i32
    %dma_wait3A_377 = tpu.memref_slice %arg10[%dma_wait3A_375, %dma_wait3A_376] : memref<3x32xi32, #tpu.memory_space<vmem>> -> memref<1x32xi32, #tpu.memory_space<vmem>>
    %dma_wait3A_378 = tpu.memref_squeeze %dma_wait3A_377 : memref<1x32xi32, #tpu.memory_space<vmem>> -> memref<32xi32, #tpu.memory_space<vmem>>
    %dma_wait3A_379 = arith.constant 0 : i32
    %dma_wait3A_380 = arith.constant 0 : i32
    %dma_wait3A_381 = tpu.memref_slice %arg17[%dma_wait3A_379, %dma_wait3A_380] : memref<10240x128xf32, #tpu.memory_space<vmem_shared>> -> memref<10240x128xf32, #tpu.memory_space<vmem_shared>>
    tpu.wait_indirect_dma semaphore(%arg23 : memref<!tpu.dma_semaphore, #tpu.memory_space<semaphore_mem>>) src(%arg16 : memref<32x128xf32, #tpu.memory_space<vmem>>) dst(%dma_wait3A_381 : memref<10240x128xf32, #tpu.memory_space<vmem_shared>>)
    %barrier3A_382 = arith.constant 0 : index
    tpu.barrier barrier_id(%barrier3A_382)
    %scan3A_383 = arith.constant 0 : i32
    %scan3A_384 = arith.constant 0 : i32
    %scan3A_385 = arith.constant 20 : i32
    %scan3A_386 = arith.addi %scan3A_384, %scan3A_385 : i32
    %scan3A_387 = arith.constant 1 : i32
    %scan3A_388 = scf.for %scan3A_390 = %scan3A_384 to %scan3A_386 step %scan3A_387 iter_args(%scan3A_391 = %scan3A_383) -> (i32)  : i32 {
      %mul3A_392 = arith.constant 640 : i32
      %mul3A_393 = arith.muli %arg1, %mul3A_392 : i32
      %mul3A_394 = arith.constant 32 : i32
      %mul3A_395 = arith.muli %scan3A_390, %mul3A_394 : i32
      %add3A_396 = arith.addi %mul3A_393, %mul3A_395 : i32
      "tpu.region"() ({
        %run_scoped3A = tpu.sem_alloc : memref<!tpu.dma_semaphore, #tpu.memory_space<semaphore_mem>>
        %dma_start3A_398 = arith.constant 0 : i32
        %dma_start3A_399 = tpu.memref_slice %arg17[%add3A_396, %dma_start3A_398] : memref<10240x128xf32, #tpu.memory_space<vmem_shared>> -> memref<32x128xf32, #tpu.memory_space<vmem_shared>>
        %dma_start3A_400 = arith.constant 0 : i32
        %dma_start3A_401 = tpu.memref_slice %arg17[%add3A_396, %dma_start3A_400] : memref<10240x128xf32, #tpu.memory_space<vmem_shared>> -> memref<32x128xf32, #tpu.memory_space<vmem_shared>>
        tpu.enqueue_dma source(%dma_start3A_401 : memref<32x128xf32, #tpu.memory_space<vmem_shared>>) target(%arg13 : memref<32x128xf32, #tpu.memory_space<vmem>>) target_semaphore(%run_scoped3A : memref<!tpu.dma_semaphore, #tpu.memory_space<semaphore_mem>>)
        %dma_wait3A_402 = arith.constant 0 : i32
        %dma_wait3A_403 = tpu.memref_slice %arg17[%add3A_396, %dma_wait3A_402] : memref<10240x128xf32, #tpu.memory_space<vmem_shared>> -> memref<32x128xf32, #tpu.memory_space<vmem_shared>>
        %dma_wait3A_404 = arith.constant 0 : i32
        %dma_wait3A_405 = tpu.memref_slice %arg17[%add3A_396, %dma_wait3A_404] : memref<10240x128xf32, #tpu.memory_space<vmem_shared>> -> memref<32x128xf32, #tpu.memory_space<vmem_shared>>
        tpu.wait_dma2 semaphore(%run_scoped3A : memref<!tpu.dma_semaphore, #tpu.memory_space<semaphore_mem>>) src(%dma_wait3A_405 : memref<32x128xf32, #tpu.memory_space<vmem_shared>>) dst(%arg13 : memref<32x128xf32, #tpu.memory_space<vmem>>)
        tpu.yield
      }) : () -> ()
      "tpu.region"() ({
        %run_scoped3A = tpu.sem_alloc : memref<!tpu.dma_semaphore, #tpu.memory_space<semaphore_mem>>
        %dma_start3A_398 = arith.constant 0 : i32
        %dma_start3A_399 = tpu.memref_slice %arg6[%arg0, %add3A_396, %dma_start3A_398] : memref<2x10240x128xf32, #tpu.memory_space<hbm>> -> memref<1x32x128xf32, #tpu.memory_space<hbm>>
        %dma_start3A_400 = tpu.memref_squeeze %dma_start3A_399 : memref<1x32x128xf32, #tpu.memory_space<hbm>> -> memref<32x128xf32, #tpu.memory_space<hbm>>
        %dma_start3A_401 = arith.constant 0 : i32
        %dma_start3A_402 = tpu.memref_slice %arg6[%arg0, %add3A_396, %dma_start3A_401] : memref<2x10240x128xf32, #tpu.memory_space<hbm>> -> memref<1x32x128xf32, #tpu.memory_space<hbm>>
        %dma_start3A_403 = tpu.memref_squeeze %dma_start3A_402 : memref<1x32x128xf32, #tpu.memory_space<hbm>> -> memref<32x128xf32, #tpu.memory_space<hbm>>
        tpu.enqueue_dma source(%arg13 : memref<32x128xf32, #tpu.memory_space<vmem>>) target(%dma_start3A_403 : memref<32x128xf32, #tpu.memory_space<hbm>>) target_semaphore(%run_scoped3A : memref<!tpu.dma_semaphore, #tpu.memory_space<semaphore_mem>>)
        %dma_wait3A_404 = arith.constant 0 : i32
        %dma_wait3A_405 = tpu.memref_slice %arg6[%arg0, %add3A_396, %dma_wait3A_404] : memref<2x10240x128xf32, #tpu.memory_space<hbm>> -> memref<1x32x128xf32, #tpu.memory_space<hbm>>
        %dma_wait3A_406 = tpu.memref_squeeze %dma_wait3A_405 : memref<1x32x128xf32, #tpu.memory_space<hbm>> -> memref<32x128xf32, #tpu.memory_space<hbm>>
        %dma_wait3A_407 = arith.constant 0 : i32
        %dma_wait3A_408 = tpu.memref_slice %arg6[%arg0, %add3A_396, %dma_wait3A_407] : memref<2x10240x128xf32, #tpu.memory_space<hbm>> -> memref<1x32x128xf32, #tpu.memory_space<hbm>>
        %dma_wait3A_409 = tpu.memref_squeeze %dma_wait3A_408 : memref<1x32x128xf32, #tpu.memory_space<hbm>> -> memref<32x128xf32, #tpu.memory_space<hbm>>
        tpu.wait_dma2 semaphore(%run_scoped3A : memref<!tpu.dma_semaphore, #tpu.memory_space<semaphore_mem>>) src(%arg13 : memref<32x128xf32, #tpu.memory_space<vmem>>) dst(%dma_wait3A_409 : memref<32x128xf32, #tpu.memory_space<hbm>>)
        tpu.yield
      }) : () -> ()
      %scan3A_397 = arith.constant 0 : i32
      scf.yield %scan3A_397 : i32
    }
    %scan3A_389 = arith.constant 20 : i32
    return
  }
}

module attributes {stable_mosaic.version = 14 : i64} {
  func.func @_encode_body(%arg0: i32, %arg1: memref<16x16000xf32, #tpu.memory_space<vmem>>, %arg2: memref<16x128xf32, #tpu.memory_space<vmem>>, %arg3: memref<16000x128xf32, #tpu.memory_space<vmem>>) attributes {dimension_semantics = [#tpu.dimension_semantics<arbitrary>], iteration_bounds = array<i64: 20>, scalar_prefetch = 0 : i64, scratch_operands = 0 : i64, tpu.core_type = #tpu.core_type<tc>, window_params = [{transform_indices = @transform_0, window_bounds = array<i64: 16, 16000>}, {pipeline_mode = #tpu.pipeline_mode<synchronous>, transform_indices = @transform_1, window_bounds = array<i64: 16, 128>}, {transform_indices = @transform_2, window_bounds = array<i64: 16000, 128>}]} {
    %get3A = arith.constant 0 : index
    %get3A_0 = arith.constant 0 : index
    %get3A_1 = vector.load %arg1[%get3A, %get3A_0] : memref<16x16000xf32, #tpu.memory_space<vmem>>, vector<16x16000xf32>
    %get3A_2 = arith.constant 0 : index
    %get3A_3 = arith.constant 0 : index
    %get3A_4 = vector.load %arg2[%get3A_2, %get3A_3] : memref<16x128xf32, #tpu.memory_space<vmem>>, vector<16x128xf32>
    %dot_general3A = arith.constant dense<0.000000e+00> : vector<16000x128xf32>
    %dot_general3A_5 = tpu.matmul %get3A_1, %get3A_4, %dot_general3A {dimension_numbers = #tpu.dot_dimension_numbers<[0], [0], [1], [1], [0, 1, 1, 1], [], []>, transpose_lhs_hint = false} : vector<16x16000xf32>, vector<16x128xf32>, vector<16000x128xf32> -> vector<16000x128xf32>
    %swap3A = arith.constant 0 : index
    %swap3A_6 = arith.constant 0 : index
    %swap3A_7 = vector.load %arg3[%swap3A, %swap3A_6] : memref<16000x128xf32, #tpu.memory_space<vmem>>, vector<16000x128xf32>
    tpu.vector_store %arg3[%swap3A, %swap3A_6], %dot_general3A_5 {strides = array<i32>} : memref<16000x128xf32, #tpu.memory_space<vmem>>, vector<16000x128xf32>,
    return
  }
  func.func @transform_0(%arg0: i32) -> (i32, i32) {
    %c0_i32 = arith.constant 0 : i32
    %c0_i32_0 = arith.constant 0 : i32
    return %c0_i32, %arg0 : i32, i32
  }
  func.func @transform_1(%arg0: i32) -> (i32, i32) {
    %c0_i32 = arith.constant 0 : i32
    %c0_i32_0 = arith.constant 0 : i32
    %c0_i32_1 = arith.constant 0 : i32
    return %c0_i32, %c0_i32_0 : i32, i32
  }
  func.func @transform_2(%arg0: i32) -> (i32, i32) {
    %c0_i32 = arith.constant 0 : i32
    %c0_i32_0 = arith.constant 0 : i32
    return %arg0, %c0_i32 : i32, i32
  }
}

module attributes {stable_mosaic.version = 14 : i64} {
  func.func @_finish_body(%arg0: i32, %arg1: memref<2x2000x128xf32, #tpu.memory_space<vmem>>, %arg2: memref<2000x128xf32, #tpu.memory_space<vmem>>, %arg3: memref<1x1x2000xi32, #tpu.memory_space<vmem>>, %arg4: memref<128x128xf32, #tpu.memory_space<vmem>>, %arg5: memref<1x128xf32, #tpu.memory_space<vmem>>, %arg6: memref<128x10xf32, #tpu.memory_space<vmem>>, %arg7: memref<1x10xf32, #tpu.memory_space<vmem>>, %arg8: memref<512x10xf32, #tpu.memory_space<vmem>>, %arg9: memref<512x128xf32, #tpu.memory_space<vmem>>, %arg10: memref<1x512xf32, #tpu.memory_space<vmem>>) attributes {dimension_semantics = [#tpu.dimension_semantics<arbitrary>], iteration_bounds = array<i64: 5>, scalar_prefetch = 0 : i64, scratch_operands = 2 : i64, tpu.core_type = #tpu.core_type<tc>, window_params = [{transform_indices = @transform_0, window_bounds = array<i64: 2, 2000, 128>}, {transform_indices = @transform_1, window_bounds = array<i64: 2000, 128>}, {transform_indices = @transform_2, window_bounds = array<i64: 1, 1, 2000>}, {pipeline_mode = #tpu.pipeline_mode<synchronous>, transform_indices = @transform_3, window_bounds = array<i64: 128, 128>}, {pipeline_mode = #tpu.pipeline_mode<synchronous>, transform_indices = @transform_4, window_bounds = array<i64: 1, 128>}, {pipeline_mode = #tpu.pipeline_mode<synchronous>, transform_indices = @transform_5, window_bounds = array<i64: 128, 10>}, {pipeline_mode = #tpu.pipeline_mode<synchronous>, transform_indices = @transform_6, window_bounds = array<i64: 1, 10>}, {pipeline_mode = #tpu.pipeline_mode<synchronous>, transform_indices = @transform_7, window_bounds = array<i64: 512, 10>}]} {
    %eq3A = arith.constant 0 : i32
    %eq3A_0 = arith.cmpi eq, %arg0, %eq3A : i32
    %convert_element_type3A = arith.extui %eq3A_0 : i1 to i32
    %cond3A = arith.constant 0 : i32
    %cond3A_1 = arith.cmpi ne, %convert_element_type3A, %cond3A : i32
    scf.if %cond3A_1 {
      %broadcast_in_dim3A_57 = arith.constant 0.000000e+00 : f32
      %broadcast_in_dim3A_58 = vector.broadcast %broadcast_in_dim3A_57 : f32 to vector<512x128xf32>
      %swap3A_59 = arith.constant 0 : index
      %swap3A_60 = arith.constant 0 : index
      %swap3A_61 = vector.load %arg9[%swap3A_59, %swap3A_60] : memref<512x128xf32, #tpu.memory_space<vmem>>, vector<512x128xf32>
      tpu.vector_store %arg9[%swap3A_59, %swap3A_60], %broadcast_in_dim3A_58 {strides = array<i32>} : memref<512x128xf32, #tpu.memory_space<vmem>>, vector<512x128xf32>,
      %broadcast_in_dim3A_62 = arith.constant 0.000000e+00 : f32
      %broadcast_in_dim3A_63 = vector.broadcast %broadcast_in_dim3A_62 : f32 to vector<1x512xf32>
      %swap3A_64 = arith.constant 0 : index
      %swap3A_65 = arith.constant 0 : index
      %swap3A_66 = vector.load %arg10[%swap3A_64, %swap3A_65] : memref<1x512xf32, #tpu.memory_space<vmem>>, vector<1x512xf32>
      tpu.vector_store %arg10[%swap3A_64, %swap3A_65], %broadcast_in_dim3A_63 {strides = array<i32>} : memref<1x512xf32, #tpu.memory_space<vmem>>, vector<1x512xf32>,
    } else {
    }
    %get3A = arith.constant 0 : index
    %get3A_2 = arith.constant 0 : index
    %get3A_3 = arith.constant 0 : index
    %get3A_4 = vector.load %arg1[%get3A, %get3A_2, %get3A_3] : memref<2x2000x128xf32, #tpu.memory_space<vmem>>, vector<1x2000x128xf32>
    %get3A_5 = vector.shape_cast %get3A_4 : vector<1x2000x128xf32> to vector<2000x128xf32>
    %get3A_6 = arith.constant 1 : index
    %get3A_7 = arith.constant 0 : index
    %get3A_8 = arith.constant 0 : index
    %get3A_9 = vector.load %arg1[%get3A_6, %get3A_7, %get3A_8] : memref<2x2000x128xf32, #tpu.memory_space<vmem>>, vector<1x2000x128xf32>
    %get3A_10 = vector.shape_cast %get3A_9 : vector<1x2000x128xf32> to vector<2000x128xf32>
    %add3A = arith.addf %get3A_5, %get3A_10 : vector<2000x128xf32>
    %get3A_11 = arith.constant 0 : index
    %get3A_12 = arith.constant 0 : index
    %get3A_13 = vector.load %arg2[%get3A_11, %get3A_12] : memref<2000x128xf32, #tpu.memory_space<vmem>>, vector<2000x128xf32>
    %add3A_14 = arith.addf %add3A, %get3A_13 : vector<2000x128xf32>
    %get3A_15 = arith.constant 0 : index
    %get3A_16 = arith.constant 0 : index
    %get3A_17 = vector.load %arg4[%get3A_15, %get3A_16] : memref<128x128xf32, #tpu.memory_space<vmem>>, vector<128x128xf32>
    %dot_general3A = arith.constant dense<0.000000e+00> : vector<2000x128xf32>
    %dot_general3A_18 = tpu.matmul %add3A_14, %get3A_17, %dot_general3A {dimension_numbers = #tpu.dot_dimension_numbers<[1], [0], [0], [1], [0, 0, 1, 1], [], []>, transpose_lhs_hint = false} : vector<2000x128xf32>, vector<128x128xf32>, vector<2000x128xf32> -> vector<2000x128xf32>
    %get3A_19 = arith.constant 0 : index
    %get3A_20 = arith.constant 0 : index
    %get3A_21 = vector.load %arg5[%get3A_19, %get3A_20] : memref<1x128xf32, #tpu.memory_space<vmem>>, vector<1x128xf32>
    %add3A_22 = vector.broadcast %get3A_21 : vector<1x128xf32> to vector<2000x128xf32>
    %add3A_23 = arith.addf %dot_general3A_18, %add3A_22 : vector<2000x128xf32>
    %max3A = arith.constant 0.000000e+00 : f32
    %max3A_24 = vector.broadcast %max3A : f32 to vector<2000x128xf32>
    %max3A_25 = arith.maximumf %add3A_23, %max3A_24 : vector<2000x128xf32>
    %get3A_26 = arith.constant 0 : index
    %get3A_27 = arith.constant 0 : index
    %get3A_28 = arith.constant 0 : index
    %get3A_29 = vector.load %arg3[%get3A_26, %get3A_27, %get3A_28] : memref<1x1x2000xi32, #tpu.memory_space<vmem>>, vector<1x1x2000xi32>
    %get3A_30 = vector.shape_cast %get3A_29 : vector<1x1x2000xi32> to vector<2000xi32>
    %iota3A = tpu.iota {dimensions = array<i32: 0>} : vector<512x2000xi32>
    %broadcast_in_dim3A = vector.shape_cast %get3A_30 : vector<2000xi32> to vector<1x2000xi32>
    %eq3A_31 = vector.broadcast %broadcast_in_dim3A : vector<1x2000xi32> to vector<512x2000xi32>
    %eq3A_32 = arith.cmpi eq, %iota3A, %eq3A_31 : vector<512x2000xi32>
    %convert_element_type3A_33 = arith.extui %eq3A_32 : vector<512x2000xi1> to vector<512x2000xi32>
    %convert_element_type3A_34 = arith.sitofp %convert_element_type3A_33 : vector<512x2000xi32> to vector<512x2000xf32>
    %get3A_35 = arith.constant 0 : index
    %get3A_36 = arith.constant 0 : index
    %get3A_37 = vector.load %arg9[%get3A_35, %get3A_36] : memref<512x128xf32, #tpu.memory_space<vmem>>, vector<512x128xf32>
    %dot_general3A_38 = arith.constant dense<0.000000e+00> : vector<512x128xf32>
    %dot_general3A_39 = tpu.matmul %convert_element_type3A_34, %max3A_25, %dot_general3A_38 {dimension_numbers = #tpu.dot_dimension_numbers<[1], [0], [0], [1], [0, 0, 1, 1], [], []>, transpose_lhs_hint = false} : vector<512x2000xf32>, vector<2000x128xf32>, vector<512x128xf32> -> vector<512x128xf32>
    %add3A_40 = arith.addf %get3A_37, %dot_general3A_39 : vector<512x128xf32>
    %swap3A = arith.constant 0 : index
    %swap3A_41 = arith.constant 0 : index
    %swap3A_42 = vector.load %arg9[%swap3A, %swap3A_41] : memref<512x128xf32, #tpu.memory_space<vmem>>, vector<512x128xf32>
    tpu.vector_store %arg9[%swap3A, %swap3A_41], %add3A_40 {strides = array<i32>} : memref<512x128xf32, #tpu.memory_space<vmem>>, vector<512x128xf32>,
    %get3A_43 = arith.constant 0 : index
    %get3A_44 = arith.constant 0 : index
    %get3A_45 = vector.load %arg10[%get3A_43, %get3A_44] : memref<1x512xf32, #tpu.memory_space<vmem>>, vector<1x512xf32>
    %reduce_sum3A = arith.constant dense<0.000000e+00> : vector<512xf32>
    %reduce_sum3A_46 = vector.multi_reduction <add>, %convert_element_type3A_34, %reduce_sum3A [1] : vector<512x2000xf32> to vector<512xf32>
    %broadcast_in_dim3A_47 = vector.shape_cast %reduce_sum3A_46 : vector<512xf32> to vector<1x512xf32>
    %add3A_48 = arith.addf %get3A_45, %broadcast_in_dim3A_47 : vector<1x512xf32>
    %swap3A_49 = arith.constant 0 : index
    %swap3A_50 = arith.constant 0 : index
    %swap3A_51 = vector.load %arg10[%swap3A_49, %swap3A_50] : memref<1x512xf32, #tpu.memory_space<vmem>>, vector<1x512xf32>
    tpu.vector_store %arg10[%swap3A_49, %swap3A_50], %add3A_48 {strides = array<i32>} : memref<1x512xf32, #tpu.memory_space<vmem>>, vector<1x512xf32>,
    %eq3A_52 = arith.constant 4 : i32
    %eq3A_53 = arith.cmpi eq, %arg0, %eq3A_52 : i32
    %convert_element_type3A_54 = arith.extui %eq3A_53 : i1 to i32
    %cond3A_55 = arith.constant 0 : i32
    %cond3A_56 = arith.cmpi ne, %convert_element_type3A_54, %cond3A_55 : i32
    scf.if %cond3A_56 {
      %get3A_57 = arith.constant 0 : index
      %get3A_58 = arith.constant 0 : index
      %get3A_59 = vector.load %arg9[%get3A_57, %get3A_58] : memref<512x128xf32, #tpu.memory_space<vmem>>, vector<512x128xf32>
      %get3A_60 = arith.constant 0 : index
      %get3A_61 = arith.constant 0 : index
      %get3A_62 = vector.load %arg10[%get3A_60, %get3A_61] : memref<1x512xf32, #tpu.memory_space<vmem>>, vector<1x512xf32>
      %get3A_63 = vector.shape_cast %get3A_62 : vector<1x512xf32> to vector<512xf32>
      %max3A_64 = arith.constant 1.000000e+00 : f32
      %max3A_65 = vector.broadcast %max3A_64 : f32 to vector<512xf32>
      %max3A_66 = arith.maximumf %get3A_63, %max3A_65 : vector<512xf32>
      %broadcast_in_dim3A_67 = vector.shape_cast %max3A_66 : vector<512xf32> to vector<512x1xf32>
      %div3A = vector.broadcast %broadcast_in_dim3A_67 : vector<512x1xf32> to vector<512x128xf32>
      %div3A_68 = arith.divf %get3A_59, %div3A : vector<512x128xf32>
      %get3A_69 = arith.constant 0 : index
      %get3A_70 = arith.constant 0 : index
      %get3A_71 = vector.load %arg6[%get3A_69, %get3A_70] : memref<128x10xf32, #tpu.memory_space<vmem>>, vector<128x10xf32>
      %dot_general3A_72 = arith.constant dense<0.000000e+00> : vector<512x10xf32>
      %dot_general3A_73 = tpu.matmul %div3A_68, %get3A_71, %dot_general3A_72 {dimension_numbers = #tpu.dot_dimension_numbers<[1], [0], [0], [1], [0, 0, 1, 1], [], []>, transpose_lhs_hint = false} : vector<512x128xf32>, vector<128x10xf32>, vector<512x10xf32> -> vector<512x10xf32>
      %get3A_74 = arith.constant 0 : index
      %get3A_75 = arith.constant 0 : index
      %get3A_76 = vector.load %arg7[%get3A_74, %get3A_75] : memref<1x10xf32, #tpu.memory_space<vmem>>, vector<1x10xf32>
      %add3A_77 = vector.broadcast %get3A_76 : vector<1x10xf32> to vector<512x10xf32>
      %add3A_78 = arith.addf %dot_general3A_73, %add3A_77 : vector<512x10xf32>
      %swap3A_79 = arith.constant 0 : index
      %swap3A_80 = arith.constant 0 : index
      %swap3A_81 = vector.load %arg8[%swap3A_79, %swap3A_80] : memref<512x10xf32, #tpu.memory_space<vmem>>, vector<512x10xf32>
      tpu.vector_store %arg8[%swap3A_79, %swap3A_80], %add3A_78 {strides = array<i32>} : memref<512x10xf32, #tpu.memory_space<vmem>>, vector<512x10xf32>,
    } else {
    }
    return
  }
  func.func @transform_0(%arg0: i32) -> (i32, i32, i32) {
    %c0_i32 = arith.constant 0 : i32
    %c0_i32_0 = arith.constant 0 : i32
    %c0_i32_1 = arith.constant 0 : i32
    return %c0_i32, %arg0, %c0_i32_0 : i32, i32, i32
  }
  func.func @transform_1(%arg0: i32) -> (i32, i32) {
    %c0_i32 = arith.constant 0 : i32
    %c0_i32_0 = arith.constant 0 : i32
    return %arg0, %c0_i32 : i32, i32
  }
  func.func @transform_2(%arg0: i32) -> (i32, i32, i32) {
    %c0_i32 = arith.constant 0 : i32
    %c0_i32_0 = arith.constant 0 : i32
    %c0_i32_1 = arith.constant 0 : i32
    return %arg0, %c0_i32, %c0_i32_0 : i32, i32, i32
  }
  func.func @transform_3(%arg0: i32) -> (i32, i32) {
    %c0_i32 = arith.constant 0 : i32
    %c0_i32_0 = arith.constant 0 : i32
    %c0_i32_1 = arith.constant 0 : i32
    return %c0_i32, %c0_i32_0 : i32, i32
  }
  func.func @transform_4(%arg0: i32) -> (i32, i32) {
    %c0_i32 = arith.constant 0 : i32
    %c0_i32_0 = arith.constant 0 : i32
    %c0_i32_1 = arith.constant 0 : i32
    return %c0_i32, %c0_i32_0 : i32, i32
  }
  func.func @transform_5(%arg0: i32) -> (i32, i32) {
    %c0_i32 = arith.constant 0 : i32
    %c0_i32_0 = arith.constant 0 : i32
    %c0_i32_1 = arith.constant 0 : i32
    return %c0_i32, %c0_i32_0 : i32, i32
  }
  func.func @transform_6(%arg0: i32) -> (i32, i32) {
    %c0_i32 = arith.constant 0 : i32
    %c0_i32_0 = arith.constant 0 : i32
    %c0_i32_1 = arith.constant 0 : i32
    return %c0_i32, %c0_i32_0 : i32, i32
  }
  func.func @transform_7(%arg0: i32) -> (i32, i32) {
    %c0_i32 = arith.constant 0 : i32
    %c0_i32_0 = arith.constant 0 : i32
    %c0_i32_1 = arith.constant 0 : i32
    return %c0_i32, %c0_i32_0 : i32, i32
  }
}

</mosaic_0001>

<sc_bundles>
// kernel: kernel.5.cloned.1.call-start
scs
__scs_entry_jumppad:
0x0: {  	(pc) =	sbr.rel $0x88, $3  }
0x1: {  	(tag) =	ssettag $0x0;
	lr =	simm.s32 $0x1  }
0x2: {  	[smem:$0x3F98] =	sst lr;
	_ =	strace $0xD0000000  }
0x3: {  	_ = 	snop  }
0x4: {  	_ = 	snop  }
0x5: {  	_ = 	snop  }
0x6: {  	_ = 	snop  }
0x7: {  	_ = 	snop  }
__scs_overlays_trampoline_lowered:
0x8: {  	[smem:$0x3FA7] =	sst s0  }
0x9: {  	[smem:$0x3FA8] =	sst s1  }
0xa: {  	[smem:$0x3FA9] =	sst s2  }
0xb: {  	[smem:$0x3FAA] =	sst s3  }
0xc: {  	[smem:$0x3FAB] =	sst s4  }
0xd: {  	[smem:$0x3FAC] =	sst s5  }
0xe: {  	[smem:$0x3FAD] =	sst s6  }
0xf: {  	[smem:$0x3FAE] =	sst s7  }
0x10: {  	[smem:$0x3FAF] =	sst s8  }
0x11: {  	[smem:$0x3FB0] =	sst s9;
	s0 =	simm.s32 @!p0 $0x0  }
0x12: {  	s1 =	sld [smem:$0x3F96];
	s0 =	simm.s32 @p0 $0x1  }
0x13: {  	[smem:$0x3FB1] =	sst s0;
	s0 =	simm.s32 @!p1 $0x0  }
0x14: {  	s2 =	sld [smem:$0x3F95];
	s0 =	simm.s32 @p1 $0x1  }
0x15: {  	[smem:$0x3FB2] =	sst s0;
	s0 =	simm.s32 @!p2 $0x0  }
0x16: {  	s3 =	sld [smem:$0x3FDB];
	s0 =	simm.s32 @p2 $0x1  }
0x17: {  	s4 =	simm.s32 $0x1BF5;
	[smem:$0x3FB4] =	sst s0  }
0x18: {  	s0 =	sld [smem:$0x3F97];
	_ =	swait.ge [sflag:s4], $0x0  }
0x19: {  	s7 =	sld [smem:$0x3F98]  }
0x1a: {  	s8 =	sadd.s32 $0xFFFFE003, lr  }
0x1b: {  	s9 =	sadd.s32 $0xFFFFFEF7, lr;
	s5 =	simm.s32 $0xFFFFFFFF;
	p2 =	slt.u32 s8, $0xFFFFF086  }
0x1c: {  	p1 =	slt.u32 s9, $0xF7A;
	s5 =	simm.s32 @!p2 $0x0  }
0x1d: {  	s5 =	simm.s32 @p1 $0x1;
	p0 =	seq.s32 s7, s2  }
0x1e: {  	s7 =	smul.u32 @!p0 $0xF7A, s2;
	p2 =	seq.s32 @!p0 s5, $0x0  }
0x1f: {  	s9 =	smul.u32 $0xF7A, s1;
	s8 =	simm.s32 @!p0 $0x1BF5;
	p2 =	por !p2, p0  }
0x20: {  	[sflag:s8] =	ssyncset.s32 @!p0 $0xFFFFF086;
	s6 =	sadd.s32 @!p0 s3, s7;
	s7 =	simm.s32 @!p0 $0x108  }
0x21: {  	s3 =	sadd.s32 s3, s9;
	s6 =	sadd.s32 @!p0 $0x88, s6;
	s7 =	simm.s32 @p2 $0x1082  }
0x22: {  	[simem:s7], [sflag:s8] =	dma.local @!p0 [hbm:s6], $0xF7A  }
0x23: {  	s9 =	sor.u32 $0xD0000000, s2;
	s6 =	simm.s32 $0x108;
	_ =	swait.ge @!p0 [sflag:s8], $0x0  }
0x24: {  	s3 =	sadd.s32 $0x88, s3;
	s6 =	simm.s32 @!p1 $0x1082;
	[sflag:s4] =	ssyncset.s32 $0xFFFFF086  }
0x25: {  	[simem:s6], [sflag:s4] =	dma.local [hbm:s3], $0xF7A  }
0x26: {  	[smem:$0x3F98] =	sst s1;
	(tag) =	ssettag s2;
	_ =	strace s9  }
0x27: {  	s1 =	sld [smem:$0x3FA8]  }
0x28: {  	s2 =	sld [smem:$0x3FA9]  }
0x29: {  	s4 =	sld [smem:$0x3FAB]  }
0x2a: {  	p0 =	seq.s32 s5, $0x0;
	s5 =	sld [smem:$0x3FAC]  }
0x2b: {  	s6 =	sld [smem:$0x3FAD]  }
0x2c: {  	s7 =	sld [smem:$0x3FAE]  }
0x2d: {  	s3 =	simm.s32 $0x108;
	s8 =	sld [smem:$0x3FAF]  }
0x2e: {  	s3 =	simm.s32 @!p0 $0x1082;
	s9 =	sld [smem:$0x3FB0]  }
0x2f: {  	lr =	sadd.s32 s0, s3;
	s0 =	sld [smem:$0x3FA7]  }
0x30: {  	s3 =	sld [smem:$0x3FAA]  }
0x31: {  	[smem:$0x3FB3] =	sst s10  }
0x32: {  	s10 =	sld [smem:$0x3FB1];
	_ =	sdelay $0x3  }
0x33: {  	p0 =	seq.s32 s10, $0x1;
	s10 =	sld [smem:$0x3FB3];
	_ =	sdelay $0x3  }
0x34: {  	[smem:$0x3FB3] =	sst s10  }
0x35: {  	s10 =	sld [smem:$0x3FB2];
	_ =	sdelay $0x3  }
0x36: {  	p1 =	seq.s32 s10, $0x1;
	s10 =	sld [smem:$0x3FB3];
	_ =	sdelay $0x3  }
0x37: {  	[smem:$0x3FB3] =	sst s10  }
0x38: {  	s10 =	sld [smem:$0x3FB4]  }
0x39: {  	_ = 	snop;
	(pc) =	sbr.ind lr, $3  }
0x3a: {  	_ = 	snop  }
0x3b: {  	_ = 	snop  }
0x3c: {  	p2 =	seq.s32 s10, $0x1;
	s10 =	sld [smem:$0x3FB3]  }
0x3d: {  	_ =	shalt  }
0x3e: {  	_ =	shalt  }
0x3f: {  	_ =	shalt  }
0x40: {  	_ =	shalt  }
0x41: {  	_ =	shalt  }
0x42: {  	_ =	shalt  }
0x43: {  	_ =	shalt  }
0x44: {  	_ =	shalt  }
0x45: {  	_ =	shalt  }
0x46: {  	_ =	shalt  }
0x47: {  	_ =	shalt  }
0x48: {  	_ =	shalt  }
0x49: {  	_ =	shalt  }
0x4a: {  	_ =	shalt  }
0x4b: {  	_ =	shalt  }
0x4c: {  	_ =	shalt  }
0x4d: {  	_ =	shalt  }
0x4e: {  	_ =	shalt  }
0x4f: {  	_ =	shalt  }
0x50: {  	_ =	shalt  }
0x51: {  	_ =	shalt  }
0x52: {  	_ =	shalt  }
0x53: {  	_ =	shalt  }
0x54: {  	_ =	shalt  }
0x55: {  	_ =	shalt  }
0x56: {  	_ =	shalt  }
0x57: {  	_ =	shalt  }
0x58: {  	_ =	shalt  }
0x59: {  	_ =	shalt  }
0x5a: {  	_ =	shalt  }
0x5b: {  	_ =	shalt  }
0x5c: {  	_ =	shalt  }
0x5d: {  	_ =	shalt  }
0x5e: {  	_ =	shalt  }
0x5f: {  	_ =	shalt  }
0x60: {  	_ =	shalt  }
0x61: {  	_ =	shalt  }
0x62: {  	_ =	shalt  }
0x63: {  	_ =	shalt  }
0x64: {  	_ =	shalt  }
0x65: {  	_ =	shalt  }
0x66: {  	_ =	shalt  }
0x67: {  	_ =	shalt  }
0x68: {  	_ =	shalt  }
0x69: {  	_ =	shalt  }
0x6a: {  	_ =	shalt  }
0x6b: {  	_ =	shalt  }
0x6c: {  	_ =	shalt  }
0x6d: {  	_ =	shalt  }
0x6e: {  	_ =	shalt  }
0x6f: {  	_ =	shalt  }
0x70: {  	_ =	shalt  }
0x71: {  	_ =	shalt  }
0x72: {  	_ =	shalt  }
0x73: {  	_ =	shalt  }
0x74: {  	_ =	shalt  }
0x75: {  	_ =	shalt  }
0x76: {  	_ =	shalt  }
0x77: {  	_ =	shalt  }
0x78: {  	_ =	shalt  }
0x79: {  	_ =	shalt  }
0x7a: {  	_ =	shalt  }
0x7b: {  	_ =	shalt  }
0x7c: {  	_ =	shalt  }
0x7d: {  	_ =	shalt  }
0x7e: {  	_ =	shalt  }
0x7f: {  	_ =	shalt  }
0x80: {  	_ =	shalt  }
0x81: {  	_ =	shalt  }
0x82: {  	_ =	shalt  }
0x83: {  	_ =	shalt  }
0x84: {  	_ =	shalt  }
0x85: {  	_ =	shalt  }
0x86: {  	_ =	shalt  }
0x87: {  	_ =	shalt  }
.Lfunc_end0:
.L_simem_size_0:
called_computation_lowered:
.L_overlay_start_0:
0x88: {  	s2 =	sld [smem:$0x3FD9]  }
0x89: {  	s3 =	sld [smem:$0x3FFE];
	_ =	sdelay $0x1  }
0x8a: {  	s1 =	srdreg.scid  }
0x8b: {  	s0 =	sand.u32 $0x1, s1  }
0x8c: {  	s17 =	sshll.u32 s0, $0xA;
	s2 =	sadd.s32 s3, s2  }
0x8d: {  	s2 =	sadd.s32 s2, s17  }
0x8e: {  	[smem:$0x3FBF] =	sst s2  }
0x8f: {  	_ = 	snop  }
0x90: {  	s2 =	sld [smem:$0x3FC9];
	(tm) =	ssettm $0x1  }
0x91: {  	s18 =	sld [smem:$0x3FFB];
	_ =	sdelay $0x3  }
0x92: {  	_ =	strace s18  }
0x93: {  	s3 =	sld [smem:$0x3FFC];
	_ =	sdelay $0x3  }
0x94: {  	_ =	strace s3  }
0x95: {  	s3 =	sld [smem:$0x3FFD];
	_ =	sdelay $0x3  }
0x96: {  	_ =	strace s3  }
0x97: {  	_ =	strace $0x8FFFFFFF  }
0x98: {  	s19 =	sld [smem:$0x3FDB];
	_ =	sdelay $0x1  }
0x99: {  	s4 =	simm.s32 $_scs_section_size  }
0x9a: {  	s5 =	simm.s32 $_size__tile_overlayer_lowered;
	s6 =	simm.s32 $_tile_overlayer_lowered  }
0x9b: {  	s22 =	simm.s32 $0x1BFF;
	s21 =	sshll.u32 s6, $0x1;
	s3 =	sadd.s32 s4, s19  }
0x9c: {  	s7 =	simm.s32 $0x0;
	s20 =	sshll.u32 s5, $0x1;
	s5 =	sadd.s32 s21, s3  }
0x9d: {  	[timem:s7], [sflag:s22] =	dma.local [hbm:s5], s20  }
0x9e: {  	_ =	swait.ge [sflag:s22], s20  }
0x9f: {  	s4 =	ssub.s32 $0x0, s20;
	[sflag:s22] =	ssyncset.done $0x0  }
0xa0: {  	[sflag:s22] =	ssyncadd.s32 s4;
	_ =	sdelay $0x1  }
0xa1: {  	s23 =	simm.s32 $0x1B8B  }
0xa2: {  	_ =	swait.ge [sflag:s23], $0x1  }
0xa3: {  	[sflag:s23] =	ssyncset.done $0x0  }
0xa4: {  	s25 =	simm.s32 $0x1B8E;
	s24 =	sld [smem:$0x3FFE];
	[sflag:s23] =	ssyncadd.s32 $0xFFFFFFFF  }
0xa5: {  	s26 =	simm.s32 $execute0_lowered;
	[smem:$0x3FD2] =	sst s25  }
0xa6: {  	s5 =	sshll.u32 s26, $0x1;
	_ =	strace $0x80000046;
	[dreg:$0x1] =	wrdreg $0xFFFFFFFF  }
0xa7: {  	s28 =	simm.s32 $_size_execute0_lowered;
	s3 =	sadd.s32 s3, s5;
	[dreg:$0x0] =	wrdreg $0x0  }
0xa8: {  	s5 =	sshll.u32 s28, $0x1;
	[dreg:$0x2] =	wrdreg s3  }
0xa9: {  	[dreg:$0x3] =	wrdreg s5  }
0xaa: {  	[dreg:$0x4] =	wrdreg $0xC0  }
0xab: {  	_ =	task [dreg:s7], $0x5FFFF  }
0xac: {  	[dreg:$0x1] =	wrdreg $0xFFFFFFFF  }
0xad: {  	[dreg:$0x0] =	wrdreg $0x60  }
0xae: {  	[dreg:$0x2] =	wrdreg s2  }
0xaf: {  	[dreg:$0x3] =	wrdreg s24  }
0xb0: {  	[dreg:$0x4] =	wrdreg $0x68000  }
0xb1: {  	[dreg:$0x5] =	wrdreg $0x9  }
0xb2: {  	_ =	task.clear_ibuf [dreg:s7], $0x6FFFF;
	_ =	strace $0x90000046  }
0xb3: {  	s29 =	simm.s32 $0x9;
	_ =	strace $0x80000048  }
0xb4: {  	_ =	swait.ge [sflag:s29], $0x1  }
0xb5: {  	[sflag:s29] =	ssyncadd.s32 $0xFFFFFFFF  }
0xb6: {  	_ =	strace $0x90000048  }
0xb7: {  	_ =	sfence  }
0xb8: {  	s30 =	sld [smem:$0x0];
	_ =	sdelay $0x2  }
0xb9: {  	s31 =	sshll.u32 s1, $0xD;
	s1 =	sshrl.u32 s1, $0x2  }
0xba: {  	s3 =	sand.u32 $0x4000, s31;
	s1 =	sadd.s32 s1, s30  }
0xbb: {  	s0 =	sor.u32 s3, s0;
	s1 =	sshll.u32 s1, $0x11  }
0xbc: {  	s0 =	sor.u32 s1, s0  }
0xbd: {  	s0 =	sadd.s32 $0x8F2B, s0  }
0xbe: {  	[sflag:s0] =	ssyncadd.remote.s32 $0x1  }
0xbf: {  	_ =	sfence.sel $0xFFFF  }
0xc0: {  	[dreg:$0x0] =	wrdreg $0xFFFFFFFF;
	(pc) =	sbr.abs _section_cstart, $3  }
0xc1: {  	[dreg:$0x1] =	wrdreg $0xFFFFFFFF  }
0xc2: {  	_ =	task.clear_ibuf [dreg:s7], $0x2FFFF;
	_ =	strace $0x9FFFFFFF  }
0xc3: {  	(tm) =	ssettm $0x7FFFFFFF  }
tec
execute0_lowered:
.L_overlay_start_1:
0x0: {  	(tag) =	ssettag $0x1  }
0x1: {  	s1 =	rddreg [dreg:$0x0]  }
0x2: {  	s0 =	rddreg [dreg:$0x1]  }
0x3: {  	s2 =	rddreg [dreg:$0x2]  }
0x4: {  	s4 =	simm.s32 $0x0;
	s3 =	srdreg.scid;
	s12 =	stileid.u32  }
0x5: {  	[smem:$0x7FF] =	sst s4;
	s3 =	sand.u32 $0x1, s3;
	s8 =	smul.u32 $0x14000, s12  }
0x6: {  	s5 =	sadd.s32 $0xE00, s0;
	s6 =	sadd.s32 $0xAC00, s0;
	s9 =	sshll.u32 s12, $0x1  }
0x7: {  	s7 =	smul.u32 $0x140000, s3;
	s25 =	ssub.s32 $0x2, s3;
	s3 =	sor.u32 s3, s9  }
0x8: {  	_ =	strace $0x80000047;
	s10 =	sshrl.u32 s25, $0x1;
	s11 =	smul.u32 $0x2720, s3  }
0x9: {  	s14 =	smul.u32 $0x27200, s3;
	s7 =	sadd.s32 s8, s7;
	s8 =	ssub.s32 s25, s10  }
0xa: {  	s26 =	sshrl.u32 s7, $0x3;
	s7 =	sadd.s32 $0x14A00, s0;
	s10 =	sshrl.u32 s11, $0x3  }
0xb: {  	s15 =	sadd.s32 $0x20, s11;
	s22 =	sadd.s32 $0x40, s11;
	s13 =	sadd.s32 s5, s10  }
0xc: {  	s23 =	sadd.s32 $0x60, s11;
	s9 =	sadd.s32 s6, s10;
	[dreg:$0x4] =	wrdreg s13  }
0xd: {  	s16 =	sshrl.u32 s15, $0x3;
	s20 =	sadd.s32 s7, s14;
	[dreg:$0x5] =	wrdreg s9  }
0xe: {  	s0 =	sadd.s32 s26, s0;
	s17 =	sadd.s32 s5, s16;
	[dreg:$0x9] =	wrdreg s20  }
0xf: {  	s21 =	sshll.u32 s15, $0x4;
	s19 =	sadd.s32 s6, s16;
	[dreg:$0x6] =	wrdreg s17  }
0x10: {  	s24 =	sshrl.u32 s22, $0x3;
	s9 =	sadd.s32 s7, s21;
	[dreg:$0x7] =	wrdreg s19  }
0x11: {  	s25 =	sshrl.u32 s23, $0x3;
	s26 =	sadd.s32 s5, s24;
	[dreg:$0xa] =	wrdreg s9  }
0x12: {  	s14 =	sadd.s32 s5, s25;
	[dreg:$0xb] =	wrdreg s26  }
0x13: {  	s12 =	smul.u32 $0x50000, s12;
	s15 =	sadd.s32 s6, s25;
	[dreg:$0xd] =	wrdreg s14  }
0x14: {  	s3 =	smul.u32 $0x139000, s3;
	s25 =	smax.u32 s8, $0x1;
	[dreg:$0xe] =	wrdreg s15  }
0x15: {  	s9 =	sadd.s32 s6, s24;
	[dreg:$0x16] =	wrdreg s25  }
0x16: {  	s18 =	sshrl.u32 s12, $0x2;
	s24 =	sadd.s32 $0x2000, s3;
	[dreg:$0xc] =	wrdreg s9  }
0x17: {  	s16 =	sshll.u32 s22, $0x4;
	s17 =	sadd.s32 s18, s2;
	[dreg:$0x15] =	wrdreg s24  }
0x18: {  	s29 =	sadd.s32 $0x3000, s3;
	s9 =	sadd.s32 s7, s16;
	[dreg:$0x8] =	wrdreg s17  }
0x19: {  	s18 =	sadd.s32 $0x80, s11;
	s26 =	sadd.s32 $0x1000, s17;
	[dreg:$0xf] =	wrdreg s9  }
0x1a: {  	s11 =	sadd.s32 $0xA0, s11;
	s3 =	sadd.s32 $0x2000, s17;
	[dreg:$0x17] =	wrdreg s26  }
0x1b: {  	s28 =	smov.u32 s11;
	s8 =	sadd.s32 $0x3000, s17;
	[dreg:$0x18] =	wrdreg s3  }
0x1c: {  	s22 =	sshrl.u32 s11, $0x3;
	s11 =	sadd.s32 $0x6000, s17;
	[dreg:$0x19] =	wrdreg s8  }
0x1d: {  	s12 =	sadd.s32 $0x7000, s17;
	[dreg:$0x1c] =	wrdreg s11  }
0x1e: {  	s13 =	sadd.s32 $0x8000, s17;
	[dreg:$0x1d] =	wrdreg s12  }
0x1f: {  	s30 =	simm.s32 $0x80;
	s14 =	sadd.s32 $0x9000, s17;
	[dreg:$0x1e] =	wrdreg s13  }
0x20: {  	s31 =	sadd.s32 $0x4F8A00, s0;
	s15 =	sadd.s32 $0xA000, s17;
	[dreg:$0x1f] =	wrdreg s14  }
0x21: {  	s21 =	smov.u32 s18;
	s16 =	sadd.s32 $0xB000, s17;
	[smem:$0x7F4] =	sst s15  }
0x22: {  	s10 =	sshrl.u32 s18, $0x3;
	s18 =	sadd.s32 $0xC000, s17;
	[smem:$0x7F5] =	sst s16  }
0x23: {  	s19 =	sshll.u32 s23, $0x4;
	s24 =	sadd.s32 $0x11000, s17;
	[smem:$0x7F6] =	sst s18  }
0x24: {  	s25 =	sadd.s32 $0x12000, s17;
	s20 =	sadd.s32 s5, s10;
	[smem:$0x7FB] =	sst s24  }
0x25: {  	s10 =	sadd.s32 s6, s10;
	s9 =	sadd.s32 s7, s19;
	[smem:$0x7FC] =	sst s25  }
0x26: {  	s23 =	sadd.s32 s5, s22;
	s19 =	sadd.s32 $0xD000, s17;
	[dreg:$0x10] =	wrdreg s20  }
0x27: {  	s26 =	sadd.s32 $0x13000, s17;
	s12 =	simm.s32 $0x400;
	[dreg:$0x11] =	wrdreg s10  }
0x28: {  	s3 =	simm.s32 $0x2800;
	s8 =	simm.s32 $0x7;
	[dreg:$0x12] =	wrdreg s9  }
0x29: {  	s24 =	simm.s32 $0x2;
	s25 =	simm.s32 $0x3800;
	[dreg:$0x13] =	wrdreg s23  }
0x2a: {  	s15 =	simm.s32 $0x3;
	s16 =	simm.s32 $0x4;
	[smem:$0x7F7] =	sst s19  }
0x2b: {  	s18 =	simm.s32 $0x5;
	s9 =	sadd.s32 s6, s22;
	[smem:$0x7FD] =	sst s26  }
0x2c: {  	s11 =	simm.s32 $0x0;
	s10 =	sadd.s32 $0x5000, s17;
	[dreg:$0x14] =	wrdreg s9  }
0x2d: {  	s20 =	sadd.s32 $0xE000, s17;
	s22 =	sadd.s32 $0xF000, s17;
	[dreg:$0x1b] =	wrdreg s10  }
0x2e: {  	s23 =	sadd.s32 $0x10000, s17;
	s19 =	simm.s32 $0x200;
	[smem:$0x7F8] =	sst s20  }
0x2f: {  	s26 =	simm.s32 $0x4800;
	s9 =	sadd.s32 $0x4000, s17;
	[smem:$0x7F9] =	sst s22  }
0x30: {  	[smem:$0x7FA] =	sst s23;
	s23 =	simm.s32 $0x600;
	s10 =	simm.s32 $0x20  }
0x31: {  	v0 =	vimm.f32 $0.0e+00;
	s20 =	simm.s32 $0x6;
	[dreg:$0x1a] =	wrdreg s9;
	s9 =	simm.s32 $0x1  }
.LBB2_1:
0x32: {  	[smem:$0x7F3] =	sst s11  }
0x33: {  	s0 =	rddreg [dreg:$0x4]  }
0x34: {  	[tilespmem:s4], [sflag:$0x1] =	stream.linear.gather [hbm4b:s0+s4], $0x20, $0x38;
	[tilespmem:$0x1A800] =	vst v63  }
0x35: {  	s13 =	rddreg [dreg:$0x5]  }
0x36: {  	[tilespmem:s19], [sflag:$0x1] =	stream.linear.gather [hbm4b:s13+s4], $0x20, $0x38;
	[tilespmem:$0x1A800] =	vst v63  }
0x37: {  	s14 =	rddreg [dreg:$0x6]  }
0x38: {  	[tilespmem:s12], [sflag:$0x2] =	stream.linear.gather [hbm4b:s14+s4], $0x20, $0x38;
	[tilespmem:$0x1A800] =	vst v63  }
0x39: {  	s22 =	rddreg [dreg:$0x7];
	s11 =	simm.s32 $0x200;
	s0 =	simm.s32 $0x0  }
0x3a: {  	[tilespmem:s23], [sflag:$0x2] =	stream.linear.gather [hbm4b:s22+s4], $0x20, $0x38;
	[tilespmem:$0x1A800] =	vst v63  }
.LBB2_2:
0x3b: {  	p0 =	sne.s32 s11, $0x3E00;
	[tilespmem:s0+$0x2870] =	vst v0  }
0x3c: {  	[tilespmem:s0+$0x2800] =	vst v0  }
0x3d: {  	[tilespmem:s0+$0x2810] =	vst v0  }
.Ltmp0:
0x3e: {  	[tilespmem:s0+$0x2820] =	vst v0;
	(pc) =	sbr.rel @p0 .LBB2_2-.Ltmp0, $4  }
0x3f: {  	[tilespmem:s0+$0x2830] =	vst v0  }
0x40: {  	[tilespmem:s0+$0x2840] =	vst v0  }
0x41: {  	[tilespmem:s0+$0x2850] =	vst v0  }
0x42: {  	[tilespmem:s0+$0x2860] =	vst v0;
	s0 =	sshra.s32 s11, $0x2;
	s11 =	sadd.s32 $0x200, s11  }
0x43: {  	[tilespmem:s0+$0x2870] =	vst v0  }
0x44: {  	[tilespmem:s0+$0x2800] =	vst v0  }
0x45: {  	[tilespmem:s0+$0x2810] =	vst v0  }
0x46: {  	[tilespmem:s0+$0x2820] =	vst v0  }
0x47: {  	[tilespmem:s0+$0x2830] =	vst v0  }
0x48: {  	[tilespmem:s0+$0x2840] =	vst v0  }
0x49: {  	[tilespmem:s0+$0x2850] =	vst v0  }
0x4a: {  	[tilespmem:s0+$0x2860] =	vst v0  }
0x4b: {  	[spmem:s17] =	stream.linear.scatter [tilespmem:s3], [sflag:$0x7], $0x1000, $0x38;
	[tilespmem:$0x1A800] =	vst v63  }
0x4c: {  	_ =	swait.ge [sflag:s8], $0x1000  }
0x4d: {  	[sflag:s8] =	ssyncset.done $0x0  }
0x4e: {  	s14 =	rddreg [dreg:$0x17];
	[sflag:s8] =	ssyncadd.s32 $0xFFFFF000  }
0x4f: {  	[spmem:s14] =	stream.linear.scatter [tilespmem:s3], [sflag:$0x7], $0x1000, $0x38;
	[tilespmem:$0x1A800] =	vst v63  }
0x50: {  	_ =	swait.ge [sflag:s8], $0x1000  }
0x51: {  	[sflag:s8] =	ssyncset.done $0x0  }
0x52: {  	s17 =	rddreg [dreg:$0x18];
	[sflag:s8] =	ssyncadd.s32 $0xFFFFF000  }
0x53: {  	[spmem:s17] =	stream.linear.scatter [tilespmem:s3], [sflag:$0x7], $0x1000, $0x38;
	[tilespmem:$0x1A800] =	vst v63  }
0x54: {  	_ =	swait.ge [sflag:s8], $0x1000  }
0x55: {  	[sflag:s8] =	ssyncset.done $0x0  }
0x56: {  	s22 =	rddreg [dreg:$0x19];
	[sflag:s8] =	ssyncadd.s32 $0xFFFFF000  }
0x57: {  	[spmem:s22] =	stream.linear.scatter [tilespmem:s3], [sflag:$0x7], $0x1000, $0x38;
	[tilespmem:$0x1A800] =	vst v63  }
0x58: {  	_ =	swait.ge [sflag:s8], $0x1000  }
0x59: {  	[sflag:s8] =	ssyncset.done $0x0  }
0x5a: {  	s11 =	rddreg [dreg:$0x1a];
	[sflag:s8] =	ssyncadd.s32 $0xFFFFF000  }
0x5b: {  	[spmem:s11] =	stream.linear.scatter [tilespmem:s3], [sflag:$0x7], $0x1000, $0x38;
	[tilespmem:$0x1A800] =	vst v63  }
0x5c: {  	_ =	swait.ge [sflag:s8], $0x1000  }
0x5d: {  	[sflag:s8] =	ssyncset.done $0x0  }
0x5e: {  	s13 =	rddreg [dreg:$0x1b];
	[sflag:s8] =	ssyncadd.s32 $0xFFFFF000  }
0x5f: {  	[spmem:s13] =	stream.linear.scatter [tilespmem:s3], [sflag:$0x7], $0x1000, $0x38;
	[tilespmem:$0x1A800] =	vst v63  }
0x60: {  	_ =	swait.ge [sflag:s8], $0x1000  }
0x61: {  	[sflag:s8] =	ssyncset.done $0x0  }
0x62: {  	s14 =	rddreg [dreg:$0x1c];
	[sflag:s8] =	ssyncadd.s32 $0xFFFFF000  }
0x63: {  	[spmem:s14] =	stream.linear.scatter [tilespmem:s3], [sflag:$0x7], $0x1000, $0x38;
	[tilespmem:$0x1A800] =	vst v63  }
0x64: {  	_ =	swait.ge [sflag:s8], $0x1000  }
0x65: {  	[sflag:s8] =	ssyncset.done $0x0  }
0x66: {  	s17 =	rddreg [dreg:$0x1d];
	[sflag:s8] =	ssyncadd.s32 $0xFFFFF000  }
0x67: {  	[spmem:s17] =	stream.linear.scatter [tilespmem:s3], [sflag:$0x7], $0x1000, $0x38;
	[tilespmem:$0x1A800] =	vst v63  }
0x68: {  	_ =	swait.ge [sflag:s8], $0x1000  }
0x69: {  	[sflag:s8] =	ssyncset.done $0x0  }
0x6a: {  	s22 =	rddreg [dreg:$0x1e];
	[sflag:s8] =	ssyncadd.s32 $0xFFFFF000  }
0x6b: {  	[spmem:s22] =	stream.linear.scatter [tilespmem:s3], [sflag:$0x7], $0x1000, $0x38;
	[tilespmem:$0x1A800] =	vst v63  }
0x6c: {  	_ =	swait.ge [sflag:s8], $0x1000  }
0x6d: {  	[sflag:s8] =	ssyncset.done $0x0  }
0x6e: {  	s11 =	rddreg [dreg:$0x1f];
	[sflag:s8] =	ssyncadd.s32 $0xFFFFF000  }
0x6f: {  	[spmem:s11] =	stream.linear.scatter [tilespmem:s3], [sflag:$0x7], $0x1000, $0x38;
	[tilespmem:$0x1A800] =	vst v63  }
0x70: {  	_ =	swait.ge [sflag:s8], $0x1000  }
0x71: {  	s13 =	sld [smem:$0x7F4]  }
0x72: {  	[sflag:s8] =	ssyncset.done $0x0  }
0x73: {  	[sflag:s8] =	ssyncadd.s32 $0xFFFFF000  }
0x74: {  	[spmem:s13] =	stream.linear.scatter [tilespmem:s3], [sflag:$0x7], $0x1000, $0x38;
	[tilespmem:$0x1A800] =	vst v63  }
0x75: {  	_ =	swait.ge [sflag:s8], $0x1000  }
0x76: {  	s14 =	sld [smem:$0x7F5]  }
0x77: {  	[sflag:s8] =	ssyncset.done $0x0  }
0x78: {  	[sflag:s8] =	ssyncadd.s32 $0xFFFFF000  }
0x79: {  	[spmem:s14] =	stream.linear.scatter [tilespmem:s3], [sflag:$0x7], $0x1000, $0x38;
	[tilespmem:$0x1A800] =	vst v63  }
0x7a: {  	_ =	swait.ge [sflag:s8], $0x1000  }
0x7b: {  	s17 =	sld [smem:$0x7F6]  }
0x7c: {  	[sflag:s8] =	ssyncset.done $0x0  }
0x7d: {  	[sflag:s8] =	ssyncadd.s32 $0xFFFFF000  }
0x7e: {  	[spmem:s17] =	stream.linear.scatter [tilespmem:s3], [sflag:$0x7], $0x1000, $0x38;
	[tilespmem:$0x1A800] =	vst v63  }
0x7f: {  	_ =	swait.ge [sflag:s8], $0x1000  }
0x80: {  	s22 =	sld [smem:$0x7F7]  }
0x81: {  	[sflag:s8] =	ssyncset.done $0x0  }
0x82: {  	[sflag:s8] =	ssyncadd.s32 $0xFFFFF000  }
0x83: {  	[spmem:s22] =	stream.linear.scatter [tilespmem:s3], [sflag:$0x7], $0x1000, $0x38;
	[tilespmem:$0x1A800] =	vst v63  }
0x84: {  	_ =	swait.ge [sflag:s8], $0x1000  }
0x85: {  	s11 =	sld [smem:$0x7F8]  }
0x86: {  	[sflag:s8] =	ssyncset.done $0x0  }
0x87: {  	[sflag:s8] =	ssyncadd.s32 $0xFFFFF000  }
0x88: {  	[spmem:s11] =	stream.linear.scatter [tilespmem:s3], [sflag:$0x7], $0x1000, $0x38;
	[tilespmem:$0x1A800] =	vst v63  }
0x89: {  	_ =	swait.ge [sflag:s8], $0x1000  }
0x8a: {  	s13 =	sld [smem:$0x7F9]  }
0x8b: {  	[sflag:s8] =	ssyncset.done $0x0  }
0x8c: {  	[sflag:s8] =	ssyncadd.s32 $0xFFFFF000  }
0x8d: {  	[spmem:s13] =	stream.linear.scatter [tilespmem:s3], [sflag:$0x7], $0x1000, $0x38;
	[tilespmem:$0x1A800] =	vst v63  }
0x8e: {  	_ =	swait.ge [sflag:s8], $0x1000  }
0x8f: {  	s14 =	sld [smem:$0x7FA]  }
0x90: {  	[sflag:s8] =	ssyncset.done $0x0  }
0x91: {  	[sflag:s8] =	ssyncadd.s32 $0xFFFFF000  }
0x92: {  	[spmem:s14] =	stream.linear.scatter [tilespmem:s3], [sflag:$0x7], $0x1000, $0x38;
	[tilespmem:$0x1A800] =	vst v63  }
0x93: {  	_ =	swait.ge [sflag:s8], $0x1000  }
0x94: {  	s17 =	sld [smem:$0x7FB]  }
0x95: {  	[sflag:s8] =	ssyncset.done $0x0  }
0x96: {  	[sflag:s8] =	ssyncadd.s32 $0xFFFFF000  }
0x97: {  	[spmem:s17] =	stream.linear.scatter [tilespmem:s3], [sflag:$0x7], $0x1000, $0x38;
	[tilespmem:$0x1A800] =	vst v63  }
0x98: {  	_ =	swait.ge [sflag:s8], $0x1000  }
0x99: {  	s22 =	sld [smem:$0x7FC]  }
0x9a: {  	[sflag:s8] =	ssyncset.done $0x0  }
0x9b: {  	[sflag:s8] =	ssyncadd.s32 $0xFFFFF000  }
0x9c: {  	[spmem:s22] =	stream.linear.scatter [tilespmem:s3], [sflag:$0x7], $0x1000, $0x38;
	[tilespmem:$0x1A800] =	vst v63  }
0x9d: {  	_ =	swait.ge [sflag:s8], $0x1000  }
0x9e: {  	s11 =	sld [smem:$0x7FD]  }
0x9f: {  	[sflag:s8] =	ssyncset.done $0x0  }
0xa0: {  	[sflag:s8] =	ssyncadd.s32 $0xFFFFF000  }
0xa1: {  	[spmem:s11] =	stream.linear.scatter [tilespmem:s3], [sflag:$0x7], $0x1000, $0x38;
	[tilespmem:$0x1A800] =	vst v63  }
0xa2: {  	_ =	swait.ge [sflag:s8], $0x1000  }
0xa3: {  	[sflag:s8] =	ssyncset.done $0x0  }
0xa4: {  	[sflag:s8] =	ssyncadd.s32 $0xFFFFF000  }
0xa5: {  	_ =	swait.ge [sflag:s9], $0x20  }
0xa6: {  	[sflag:s9] =	ssyncset.done $0x0  }
0xa7: {  	[sflag:s9] =	ssyncadd.s32 $0xFFFFFFE0  }
0xa8: {  	_ =	swait.ge [sflag:s9], $0x20  }
0xa9: {  	[sflag:s9] =	ssyncset.done $0x0  }
0xaa: {  	s13 =	simm.s32 $0x800;
	[sflag:s9] =	ssyncadd.s32 $0xFFFFFFE0  }
0xab: {  	[tilespmem:s13], [sflag:$0x3] =	stream.indirect.gather [hbm4b:s1+s10], $0x80, s4, s10, $0xb8;
	[tilespmem:$0x1A800] =	vst v63  }
0xac: {  	s11 =	simm.s32 $0x1800;
	s14 =	rddreg [dreg:$0x9]  }
0xad: {  	[tilespmem:s11], [sflag:$0x3] =	stream.linear.gather [hbm4b:s14+s4], $0x1000, $0x38;
	[tilespmem:$0x1A800] =	vst v63  }
0xae: {  	_ =	swait.ge [sflag:s24], $0x20  }
0xaf: {  	[sflag:s24] =	ssyncset.done $0x0  }
0xb0: {  	[sflag:s24] =	ssyncadd.s32 $0xFFFFFFE0  }
0xb1: {  	_ =	swait.ge [sflag:s24], $0x20  }
0xb2: {  	[sflag:s24] =	ssyncset.done $0x0  }
0xb3: {  	[sflag:s24] =	ssyncadd.s32 $0xFFFFFFE0  }
0xb4: {  	[tilespmem:s25], [sflag:$0x4] =	stream.indirect.gather [hbm4b:s1+s10], $0x80, s12, s10, $0xb8;
	[tilespmem:$0x1A800] =	vst v63  }
0xb5: {  	s17 =	rddreg [dreg:$0xa]  }
0xb6: {  	[tilespmem:s26], [sflag:$0x4] =	stream.linear.gather [hbm4b:s17+s4], $0x1000, $0x38;
	[tilespmem:$0x1A800] =	vst v63  }
0xb7: {  	s22 =	rddreg [dreg:$0xb]  }
0xb8: {  	[tilespmem:s30], [sflag:$0x1] =	stream.linear.gather [hbm4b:s22+s4], $0x20, $0x38;
	[tilespmem:$0x1A800] =	vst v63  }
0xb9: {  	s11 =	rddreg [dreg:$0xc];
	s12 =	simm.s32 $0x280  }
0xba: {  	[tilespmem:s12], [sflag:$0x1] =	stream.linear.gather [hbm4b:s11+s4], $0x20, $0x38;
	[tilespmem:$0x1A800] =	vst v63  }
0xbb: {  	s14 =	simm.s32 $0x480;
	s13 =	rddreg [dreg:$0xd]  }
0xbc: {  	[tilespmem:s14], [sflag:$0x2] =	stream.linear.gather [hbm4b:s13+s4], $0x20, $0x38;
	[tilespmem:$0x1A800] =	vst v63  }
0xbd: {  	s17 =	rddreg [dreg:$0xe];
	s22 =	simm.s32 $0x680  }
0xbe: {  	[tilespmem:s22], [sflag:$0x2] =	stream.linear.gather [hbm4b:s17+s4], $0x20, $0x38;
	[tilespmem:$0x1A800] =	vst v63  }
0xbf: {  	[bflag:$0x0] =	sbarrier.arrive $0xFFFF  }
0xc0: {  	_ =	swait.ge [sflag:s15], $0x1000  }
0xc1: {  	[sflag:s15] =	ssyncset.done $0x0  }
0xc2: {  	[sflag:s15] =	ssyncadd.s32 $0xFFFFF000  }
0xc3: {  	_ =	swait.ge [sflag:s15], $0x1000  }
0xc4: {  	[sflag:s15] =	ssyncset.done $0x0  }
0xc5: {  	s11 =	simm.s32 $0x900;
	[sflag:s15] =	ssyncadd.s32 $0xFFFFF000  }
0xc6: {  	s13 =	simm.s32 $0x1900;
	v1 =	vld [tilespmem:s11+$0x80]  }
0xc7: {  	v2 =	vld [tilespmem:s13+$0x80];
	_ =	sdelay $0x4  }
0xc8: {  	v3 =	vld [tilespmem:s11+$0xFFFFFF80];
	v1 =	vadd.f32 v2, v1  }
0xc9: {  	v2 =	vld [tilespmem:s13+$0xFFFFFF80]  }
0xca: {  	s0 =	simm.s32 $0x2900;
	v4 =	vld [tilespmem:s13+$0xFFFFFF00];
	v1 =	vmax.f32 v1, $0.0e+00  }
0xcb: {  	v5 =	vld [tilespmem:s11+$0xFFFFFF00];
	[tilespmem:s0+$0x80] =	vst v1  }
0xcc: {  	v1 =	vld [tilespmem:s11+$0x90]  }
0xcd: {  	v6 =	vld [tilespmem:s13+$0x90]  }
0xce: {  	v7 =	vld [tilespmem:s11+$0x0];
	v2 =	vadd.f32 v2, v3  }
0xcf: {  	v3 =	vld [tilespmem:s13+$0x0]  }
0xd0: {  	v4 =	vadd.f32 v4, v5;
	v2 =	vmax.f32 v2, $0.0e+00  }
0xd1: {  	[tilespmem:s0+$0xFFFFFF80] =	vst v2  }
0xd2: {  	v4 =	vmax.f32 v4, $0.0e+00;
	v2 =	vld [tilespmem:s11+$0xFFFFFF90];
	v1 =	vadd.f32 v6, v1  }
0xd3: {  	[tilespmem:s0+$0xFFFFFF00] =	vst v4;
	v5 =	vld [tilespmem:s13+$0xFFFFFF90]  }
0xd4: {  	v4 =	vld [tilespmem:s11+$0xFFFFFF10];
	v3 =	vadd.f32 v3, v7;
	v1 =	vmax.f32 v1, $0.0e+00  }
0xd5: {  	v6 =	vld [tilespmem:s13+$0xFFFFFF10];
	[tilespmem:s0+$0x90] =	vst v1  }
0xd6: {  	v1 =	vmax.f32 v3, $0.0e+00;
	v3 =	vld [tilespmem:s11+$0xA0]  }
0xd7: {  	[tilespmem:s0+$0x0] =	vst v1;
	v1 =	vld [tilespmem:s13+$0xA0]  }
0xd8: {  	v7 =	vld [tilespmem:s11+$0x10];
	v2 =	vadd.f32 v5, v2  }
0xd9: {  	v5 =	vld [tilespmem:s13+$0x10]  }
0xda: {  	v2 =	vmax.f32 v2, $0.0e+00  }
0xdb: {  	v4 =	vadd.f32 v6, v4;
	[tilespmem:s0+$0xFFFFFF90] =	vst v2  }
0xdc: {  	v2 =	vld [tilespmem:s11+$0xFFFFFFA0];
	v1 =	vadd.f32 v1, v3  }
0xdd: {  	v4 =	vmax.f32 v4, $0.0e+00;
	v3 =	vld [tilespmem:s13+$0xFFFFFFA0]  }
0xde: {  	[tilespmem:s0+$0xFFFFFF10] =	vst v4;
	v4 =	vadd.f32 v5, v7;
	v1 =	vmax.f32 v1, $0.0e+00  }
0xdf: {  	[tilespmem:s0+$0xA0] =	vst v1  }
0xe0: {  	v1 =	vmax.f32 v4, $0.0e+00;
	v4 =	vld [tilespmem:s11+$0xB0]  }
0xe1: {  	[tilespmem:s0+$0x10] =	vst v1;
	v1 =	vld [tilespmem:s13+$0xB0]  }
0xe2: {  	v2 =	vadd.f32 v3, v2;
	v3 =	vld [tilespmem:s11+$0x20]  }
0xe3: {  	v7 =	vld [tilespmem:s13+$0x20]  }
0xe4: {  	v6 =	vld [tilespmem:s13+$0xFFFFFF20];
	v2 =	vmax.f32 v2, $0.0e+00  }
0xe5: {  	v5 =	vld [tilespmem:s11+$0xFFFFFF20];
	[tilespmem:s0+$0xFFFFFFA0] =	vst v2  }
0xe6: {  	v2 =	vld [tilespmem:s11+$0xFFFFFFB0];
	v1 =	vadd.f32 v1, v4  }
0xe7: {  	v4 =	vld [tilespmem:s13+$0xFFFFFFB0]  }
0xe8: {  	v3 =	vadd.f32 v7, v3;
	v1 =	vmax.f32 v1, $0.0e+00  }
0xe9: {  	[tilespmem:s0+$0xB0] =	vst v1  }
0xea: {  	v5 =	vadd.f32 v6, v5;
	v1 =	vmax.f32 v3, $0.0e+00;
	v3 =	vld [tilespmem:s11+$0xC0]  }
0xeb: {  	[tilespmem:s0+$0x20] =	vst v1;
	v1 =	vld [tilespmem:s13+$0xC0]  }
0xec: {  	v5 =	vmax.f32 v5, $0.0e+00;
	v2 =	vadd.f32 v4, v2;
	v4 =	vld [tilespmem:s11+$0x30]  }
0xed: {  	[tilespmem:s0+$0xFFFFFF20] =	vst v5;
	v7 =	vld [tilespmem:s13+$0x30]  }
0xee: {  	v5 =	vld [tilespmem:s11+$0xFFFFFF30];
	v2 =	vmax.f32 v2, $0.0e+00  }
0xef: {  	v6 =	vld [tilespmem:s13+$0xFFFFFF30];
	[tilespmem:s0+$0xFFFFFFB0] =	vst v2  }
0xf0: {  	v2 =	vld [tilespmem:s11+$0xFFFFFFC0];
	v1 =	vadd.f32 v1, v3  }
0xf1: {  	v3 =	vld [tilespmem:s13+$0xFFFFFFC0]  }
0xf2: {  	s22 =	simm.s32 $0x1B00;
	v4 =	vadd.f32 v7, v4;
	v1 =	vmax.f32 v1, $0.0e+00  }
0xf3: {  	v11 =	vld [tilespmem:s22+$0xFFFFFF00];
	[tilespmem:s0+$0xC0] =	vst v1  }
0xf4: {  	v1 =	vmax.f32 v4, $0.0e+00;
	v4 =	vld [tilespmem:s11+$0xD0]  }
0xf5: {  	v5 =	vadd.f32 v6, v5;
	[tilespmem:s0+$0x30] =	vst v1;
	v1 =	vld [tilespmem:s13+$0xD0]  }
0xf6: {  	v2 =	vadd.f32 v3, v2;
	v3 =	vld [tilespmem:s11+$0x40]  }
0xf7: {  	s12 =	simm.s32 $0xB00;
	v5 =	vmax.f32 v5, $0.0e+00;
	v7 =	vld [tilespmem:s13+$0x40]  }
0xf8: {  	v52 =	vld [tilespmem:s12+$0xFFFFFF00];
	[tilespmem:s0+$0xFFFFFF30] =	vst v5  }
0xf9: {  	v5 =	vld [tilespmem:s11+$0xFFFFFF40]  }
0xfa: {  	v6 =	vld [tilespmem:s13+$0xFFFFFF40];
	v1 =	vadd.f32 v1, v4  }
0xfb: {  	v9 =	vld [tilespmem:s12+$0x80]  }
0xfc: {  	v10 =	vld [tilespmem:s22+$0x80];
	v3 =	vadd.f32 v7, v3;
	v1 =	vmax.f32 v1, $0.0e+00  }
0xfd: {  	v12 =	vld [tilespmem:s22+$0xFFFFFF80];
	v11 =	vadd.f32 v11, v52;
	[tilespmem:s0+$0xD0] =	vst v1  }
0xfe: {  	v1 =	vmax.f32 v3, $0.0e+00;
	v3 =	vld [tilespmem:s11+$0xE0]  }
0xff: {  	s14 =	simm.s32 $0x2B00;
	v11 =	vmax.f32 v11, $0.0e+00;
	v5 =	vadd.f32 v6, v5;
	[tilespmem:s0+$0x40] =	vst v1;
	v1 =	vld [tilespmem:s13+$0xE0]  }
0x100: {  	v13 =	vld [tilespmem:s12+$0x0];
	[tilespmem:s14+$0xFFFFFF00] =	vst v11;
	v2 =	vmax.f32 v2, $0.0e+00  }
0x101: {  	v11 =	vld [tilespmem:s12+$0xFFFFFF10];
	[tilespmem:s0+$0xFFFFFFC0] =	vst v2;
	v5 =	vmax.f32 v5, $0.0e+00  }
0x102: {  	v2 =	vld [tilespmem:s11+$0xFFFFFFD0];
	[tilespmem:s0+$0xFFFFFF40] =	vst v5  }
0x103: {  	v5 =	vld [tilespmem:s11+$0xFFFFFF50]  }
0x104: {  	v6 =	vld [tilespmem:s13+$0xFFFFFF50];
	v1 =	vadd.f32 v1, v3  }
0x105: {  	v3 =	vld [tilespmem:s12+$0xFFFFFF80]  }
0x106: {  	v4 =	vld [tilespmem:s13+$0xFFFFFFD0];
	v1 =	vmax.f32 v1, $0.0e+00  }
0x107: {  	v7 =	vld [tilespmem:s11+$0x50];
	[tilespmem:s0+$0xE0] =	vst v1;
	v1 =	vadd.f32 v10, v9  }
0x108: {  	v8 =	vld [tilespmem:s13+$0x50]  }
0x109: {  	v5 =	vadd.f32 v6, v5;
	v6 =	vld [tilespmem:s22+$0x0];
	v1 =	vmax.f32 v1, $0.0e+00  }
0x10a: {  	v54 =	vld [tilespmem:s22+$0xFFFFFF10];
	v3 =	vadd.f32 v12, v3;
	[tilespmem:s14+$0x80] =	vst v1  }
0x10b: {  	v1 =	vmax.f32 v5, $0.0e+00;
	v5 =	vld [tilespmem:s12+$0x90]  }
0x10c: {  	v2 =	vadd.f32 v4, v2;
	[tilespmem:s0+$0xFFFFFF50] =	vst v1;
	v1 =	vmax.f32 v3, $0.0e+00;
	v3 =	vld [tilespmem:s22+$0x90]  }
0x10d: {  	v7 =	vadd.f32 v8, v7;
	v50 =	vld [tilespmem:s11+$0xF0]  }
0x10e: {  	v2 =	vmax.f32 v2, $0.0e+00;
	v6 =	vadd.f32 v6, v13;
	v51 =	vld [tilespmem:s13+$0xF0];
	[tilespmem:s14+$0xFFFFFF80] =	vst v1  }
0x10f: {  	[tilespmem:s0+$0xFFFFFFD0] =	vst v2;
	v7 =	vmax.f32 v7, $0.0e+00;
	v4 =	vld [tilespmem:s12+$0xFFFFFF90]  }
0x110: {  	v2 =	vmax.f32 v6, $0.0e+00;
	[tilespmem:s0+$0x50] =	vst v7;
	v53 =	vld [tilespmem:s22+$0xFFFFFF90]  }
0x111: {  	v7 =	vld [tilespmem:s13+$0xFFFFFFE0];
	[tilespmem:s14+$0x0] =	vst v2;
	v2 =	vadd.f32 v3, v5  }
0x112: {  	v57 =	vld [tilespmem:s11+$0x60]  }
0x113: {  	v58 =	vld [tilespmem:s13+$0x60];
	v2 =	vmax.f32 v2, $0.0e+00  }
0x114: {  	v1 =	vld [tilespmem:s11+$0xFFFFFF60];
	[tilespmem:s14+$0x90] =	vst v2  }
0x115: {  	v4 =	vadd.f32 v53, v4;
	v2 =	vld [tilespmem:s12+$0xA0]  }
0x116: {  	v55 =	vld [tilespmem:s22+$0xA0]  }
0x117: {  	v5 =	vld [tilespmem:s12+$0x10];
	v4 =	vmax.f32 v4, $0.0e+00  }
0x118: {  	[tilespmem:s14+$0xFFFFFF90] =	vst v4;
	v4 =	vld [tilespmem:s22+$0x10]  }
0x119: {  	v11 =	vadd.f32 v54, v11;
	v8 =	vld [tilespmem:s12+$0xFFFFFFA0]  }
0x11a: {  	v56 =	vld [tilespmem:s22+$0xFFFFFFA0]  }
0x11b: {  	v11 =	vmax.f32 v11, $0.0e+00;
	v6 =	vld [tilespmem:s13+$0xFFFFFF60];
	v2 =	vadd.f32 v55, v2  }
0x11c: {  	[tilespmem:s14+$0xFFFFFF10] =	vst v11;
	v3 =	vld [tilespmem:s11+$0xFFFFFFE0]  }
0x11d: {  	v4 =	vadd.f32 v4, v5;
	v5 =	vld [tilespmem:s12+$0xFFFFFF20];
	v2 =	vmax.f32 v2, $0.0e+00  }
0x11e: {  	[tilespmem:s14+$0xA0] =	vst v2;
	v2 =	vld [tilespmem:s22+$0xFFFFFF20]  }
0x11f: {  	v8 =	vadd.f32 v56, v8;
	v4 =	vmax.f32 v4, $0.0e+00;
	v59 =	vld [tilespmem:s12+$0xB0]  }
0x120: {  	v1 =	vadd.f32 v6, v1;
	[tilespmem:s14+$0x10] =	vst v4;
	v4 =	vld [tilespmem:s22+$0xB0]  }
0x121: {  	v6 =	vmax.f32 v8, $0.0e+00;
	v8 =	vld [tilespmem:s12+$0x20]  }
0x122: {  	v1 =	vmax.f32 v1, $0.0e+00;
	[tilespmem:s14+$0xFFFFFFA0] =	vst v6;
	v6 =	vld [tilespmem:s22+$0x20]  }
0x123: {  	[tilespmem:s0+$0xFFFFFF60] =	vst v1;
	v1 =	vld [tilespmem:s22+$0xFFFFFFB0];
	v2 =	vadd.f32 v2, v5  }
0x124: {  	v5 =	vld [tilespmem:s12+$0xFFFFFFB0]  }
0x125: {  	v60 =	vld [tilespmem:s11+$0xFFFFFF70];
	v4 =	vadd.f32 v4, v59;
	v2 =	vmax.f32 v2, $0.0e+00  }
0x126: {  	[tilespmem:s14+$0xFFFFFF20] =	vst v2;
	v2 =	vld [tilespmem:s13+$0xFFFFFF70]  }
0x127: {  	v6 =	vadd.f32 v6, v8;
	v4 =	vmax.f32 v4, $0.0e+00;
	v8 =	vld [tilespmem:s12+$0xFFFFFF30]  }
0x128: {  	[tilespmem:s14+$0xB0] =	vst v4;
	v4 =	vld [tilespmem:s22+$0xFFFFFF30]  }
0x129: {  	v1 =	vadd.f32 v1, v5;
	v5 =	vmax.f32 v6, $0.0e+00;
	v6 =	vld [tilespmem:s12+$0xC0]  }
0x12a: {  	[tilespmem:s14+$0x20] =	vst v5;
	v5 =	vld [tilespmem:s22+$0xC0]  }
0x12b: {  	v3 =	vadd.f32 v7, v3;
	v1 =	vmax.f32 v1, $0.0e+00;
	v7 =	vld [tilespmem:s12+$0x30]  }
0x12c: {  	[tilespmem:s14+$0xFFFFFFB0] =	vst v1;
	v1 =	vld [tilespmem:s22+$0x30]  }
0x12d: {  	v3 =	vmax.f32 v3, $0.0e+00;
	v4 =	vadd.f32 v4, v8;
	v8 =	vld [tilespmem:s12+$0xFFFFFFC0]  }
0x12e: {  	[tilespmem:s0+$0xFFFFFFE0] =	vst v3;
	v3 =	vld [tilespmem:s22+$0xFFFFFFC0]  }
0x12f: {  	v4 =	vmax.f32 v4, $0.0e+00;
	v5 =	vadd.f32 v5, v6;
	v6 =	vld [tilespmem:s11+$0xFFFFFFF0]  }
0x130: {  	[tilespmem:s14+$0xFFFFFF30] =	vst v4;
	v4 =	vld [tilespmem:s13+$0xFFFFFFF0]  }
0x131: {  	v1 =	vadd.f32 v1, v7;
	v7 =	vld [tilespmem:s12+$0xFFFFFF40];
	v5 =	vmax.f32 v5, $0.0e+00  }
0x132: {  	[tilespmem:s14+$0xC0] =	vst v5;
	v5 =	vld [tilespmem:s22+$0xFFFFFF40]  }
0x133: {  	v3 =	vadd.f32 v3, v8;
	v1 =	vmax.f32 v1, $0.0e+00;
	v8 =	vld [tilespmem:s12+$0xD0]  }
0x134: {  	[tilespmem:s14+$0x30] =	vst v1;
	v1 =	vld [tilespmem:s22+$0xD0]  }
0x135: {  	v11 =	vadd.f32 v58, v57;
	v3 =	vmax.f32 v3, $0.0e+00;
	v61 =	vld [tilespmem:s12+$0x40]  }
0x136: {  	[tilespmem:s14+$0xFFFFFFC0] =	vst v3;
	v3 =	vld [tilespmem:s22+$0x40]  }
0x137: {  	v11 =	vmax.f32 v11, $0.0e+00;
	v62 =	vld [tilespmem:s22+$0xFFFFFFD0];
	v5 =	vadd.f32 v5, v7  }
0x138: {  	v9 =	vadd.f32 v51, v50;
	[tilespmem:s0+$0x60] =	vst v11;
	v7 =	vld [tilespmem:s12+$0xFFFFFFD0]  }
0x139: {  	v11 =	vld [tilespmem:s13+$0x70];
	v5 =	vmax.f32 v5, $0.0e+00;
	v1 =	vadd.f32 v1, v8  }
0x13a: {  	v9 =	vmax.f32 v9, $0.0e+00;
	v2 =	vadd.f32 v2, v60;
	v8 =	vld [tilespmem:s11+$0x70];
	[tilespmem:s14+$0xFFFFFF40] =	vst v5  }
0x13b: {  	[tilespmem:s0+$0xF0] =	vst v9;
	v63 =	vadd.f32 v3, v61;
	v3 =	vld [tilespmem:s12+$0xFFFFFF50];
	v1 =	vmax.f32 v1, $0.0e+00  }
0x13c: {  	v2 =	vmax.f32 v2, $0.0e+00;
	v4 =	vadd.f32 v4, v6;
	v5 =	vld [tilespmem:s22+$0xFFFFFF50];
	[tilespmem:s14+$0xD0] =	vst v1  }
0x13d: {  	[tilespmem:s0+$0xFFFFFF70] =	vst v2;
	v1 =	vadd.f32 v62, v7;
	v6 =	vmax.f32 v63, $0.0e+00;
	v2 =	vld [tilespmem:s12+$0xE0]  }
0x13e: {  	v7 =	vmax.f32 v4, $0.0e+00;
	[tilespmem:s14+$0x40] =	vst v6;
	v4 =	vld [tilespmem:s22+$0xE0]  }
0x13f: {  	[tilespmem:s0+$0xFFFFFFF0] =	vst v7;
	v7 =	vmax.f32 v1, $0.0e+00;
	v6 =	vld [tilespmem:s12+$0x50];
	v1 =	vadd.f32 v11, v8  }
0x140: {  	s17 =	simm.s32 $0x1B00;
	s13 =	simm.s32 $0xD00;
	s11 =	simm.s32 $0x4;
	[tilespmem:s14+$0xFFFFFFD0] =	vst v7;
	v7 =	vld [tilespmem:s22+$0x50]  }
.LBB2_4:
0x141: {  	v8 =	vld [tilespmem:s13+$0x80];
	v3 =	vadd.f32 v5, v3;
	s22 =	sadd.s32 $0x200, s22;
	v1 =	vmax.f32 v1, $0.0e+00  }
0x142: {  	v5 =	vld [tilespmem:s22+$0x80];
	[tilespmem:s0+$0x70] =	vst v1;
	s0 =	smov.u32 s14  }
0x143: {  	v1 =	vld [tilespmem:s22+$0xFFFFFF00];
	v3 =	vmax.f32 v3, $0.0e+00;
	v2 =	vadd.f32 v4, v2  }
0x144: {  	v4 =	vld [tilespmem:s13+$0xFFFFFF80];
	[tilespmem:s14+$0xFFFFFF50] =	vst v3  }
0x145: {  	v3 =	vld [tilespmem:s22+$0xFFFFFF80];
	v6 =	vadd.f32 v7, v6;
	v2 =	vmax.f32 v2, $0.0e+00  }
0x146: {  	v7 =	vld [tilespmem:s13+$0x0];
	[tilespmem:s14+$0xE0] =	vst v2  }
0x147: {  	v2 =	vadd.f32 v5, v8;
	v5 =	vmax.f32 v6, $0.0e+00;
	v6 =	vld [tilespmem:s12+$0xF0]  }
0x148: {  	[tilespmem:s14+$0x50] =	vst v5;
	v5 =	vld [tilespmem:s17+$0xF0]  }
0x149: {  	s11 =	sadd.s32 $0x4, s11;
	s14 =	sadd.s32 $0x200, s14;
	v8 =	vld [tilespmem:s22+$0x0];
	v2 =	vmax.f32 v2, $0.0e+00  }
0x14a: {  	p0 =	slt.u32 s11, $0x1C;
	v9 =	vld [tilespmem:s13+$0xFFFFFF00];
	v3 =	vadd.f32 v3, v4;
	[tilespmem:s14+$0x80] =	vst v2  }
0x14b: {  	v2 =	vld [tilespmem:s13+$0x90]  }
0x14c: {  	v3 =	vmax.f32 v3, $0.0e+00;
	v4 =	vld [tilespmem:s22+$0x90]  }
0x14d: {  	[tilespmem:s14+$0xFFFFFF80] =	vst v3;
	v3 =	vld [tilespmem:s12+$0xFFFFFF60];
	v5 =	vadd.f32 v5, v6  }
0x14e: {  	v6 =	vld [tilespmem:s13+$0xFFFFFF90];
	v7 =	vadd.f32 v8, v7  }
0x14f: {  	v1 =	vadd.f32 v1, v9;
	v8 =	vld [tilespmem:s22+$0xFFFFFF90];
	v5 =	vmax.f32 v5, $0.0e+00  }
0x150: {  	v7 =	vmax.f32 v7, $0.0e+00;
	v9 =	vld [tilespmem:s17+$0xFFFFFF60];
	[tilespmem:s0+$0xF0] =	vst v5  }
0x151: {  	v1 =	vmax.f32 v1, $0.0e+00;
	[tilespmem:s14+$0x0] =	vst v7;
	v2 =	vadd.f32 v4, v2;
	v4 =	vld [tilespmem:s12+$0xFFFFFFE0]  }
0x152: {  	[tilespmem:s14+$0xFFFFFF00] =	vst v1;
	v1 =	vld [tilespmem:s13+$0x10]  }
0x153: {  	v5 =	vld [tilespmem:s13+$0xFFFFFF10];
	v2 =	vmax.f32 v2, $0.0e+00  }
0x154: {  	v7 =	vld [tilespmem:s22+$0xFFFFFF10];
	v6 =	vadd.f32 v8, v6;
	[tilespmem:s14+$0x90] =	vst v2  }
0x155: {  	v2 =	vld [tilespmem:s13+$0xA0];
	v3 =	vadd.f32 v9, v3  }
0x156: {  	v6 =	vmax.f32 v6, $0.0e+00;
	v8 =	vld [tilespmem:s22+$0xA0]  }
0x157: {  	[tilespmem:s14+$0xFFFFFF90] =	vst v6;
	v6 =	vld [tilespmem:s22+$0x10];
	v3 =	vmax.f32 v3, $0.0e+00  }
0x158: {  	v9 =	vld [tilespmem:s13+$0xFFFFFFA0];
	[tilespmem:s0+$0xFFFFFF60] =	vst v3  }
0x159: {  	v3 =	vadd.f32 v7, v5;
	v5 =	vld [tilespmem:s22+$0xFFFFFFA0]  }
0x15a: {  	v7 =	vld [tilespmem:s17+$0xFFFFFFE0]  }
0x15b: {  	v3 =	vmax.f32 v3, $0.0e+00;
	v2 =	vadd.f32 v8, v2;
	v8 =	vld [tilespmem:s12+$0x60]  }
0x15c: {  	[tilespmem:s14+$0xFFFFFF10] =	vst v3;
	v1 =	vadd.f32 v6, v1;
	v3 =	vld [tilespmem:s17+$0x60]  }
0x15d: {  	v6 =	vld [tilespmem:s13+$0xFFFFFF20];
	v2 =	vmax.f32 v2, $0.0e+00  }
0x15e: {  	v10 =	vld [tilespmem:s22+$0xFFFFFF20];
	v5 =	vadd.f32 v5, v9;
	v1 =	vmax.f32 v1, $0.0e+00;
	[tilespmem:s14+$0xA0] =	vst v2  }
0x15f: {  	[tilespmem:s14+$0x10] =	vst v1;
	v1 =	vld [tilespmem:s13+$0xB0];
	v2 =	vadd.f32 v7, v4  }
0x160: {  	v4 =	vmax.f32 v5, $0.0e+00;
	v5 =	vld [tilespmem:s22+$0xB0]  }
0x161: {  	[tilespmem:s14+$0xFFFFFFA0] =	vst v4;
	v4 =	vld [tilespmem:s13+$0x20];
	v2 =	vmax.f32 v2, $0.0e+00;
	v3 =	vadd.f32 v3, v8  }
0x162: {  	v7 =	vld [tilespmem:s22+$0x20];
	[tilespmem:s0+$0xFFFFFFE0] =	vst v2  }
0x163: {  	v2 =	vadd.f32 v10, v6;
	v6 =	vld [tilespmem:s13+$0xFFFFFFB0];
	v3 =	vmax.f32 v3, $0.0e+00  }
0x164: {  	v8 =	vld [tilespmem:s22+$0xFFFFFFB0];
	[tilespmem:s0+$0x60] =	vst v3  }
0x165: {  	v2 =	vmax.f32 v2, $0.0e+00;
	v1 =	vadd.f32 v5, v1;
	v3 =	vld [tilespmem:s12+$0xFFFFFF70]  }
0x166: {  	[tilespmem:s14+$0xFFFFFF20] =	vst v2;
	v2 =	vld [tilespmem:s17+$0xFFFFFF70]  }
0x167: {  	v5 =	vld [tilespmem:s13+$0xFFFFFF30];
	v4 =	vadd.f32 v7, v4;
	v1 =	vmax.f32 v1, $0.0e+00  }
0x168: {  	v7 =	vld [tilespmem:s22+$0xFFFFFF30];
	[tilespmem:s14+$0xB0] =	vst v1  }
0x169: {  	v1 =	vadd.f32 v8, v6;
	v4 =	vmax.f32 v4, $0.0e+00;
	v6 =	vld [tilespmem:s13+$0xC0]  }
0x16a: {  	[tilespmem:s14+$0x20] =	vst v4;
	v4 =	vld [tilespmem:s22+$0xC0]  }
0x16b: {  	v1 =	vmax.f32 v1, $0.0e+00;
	v8 =	vld [tilespmem:s13+$0x30];
	v2 =	vadd.f32 v2, v3  }
0x16c: {  	[tilespmem:s14+$0xFFFFFFB0] =	vst v1;
	v1 =	vld [tilespmem:s22+$0x30]  }
0x16d: {  	v3 =	vadd.f32 v7, v5;
	v5 =	vld [tilespmem:s13+$0xFFFFFFC0];
	v2 =	vmax.f32 v2, $0.0e+00  }
0x16e: {  	v7 =	vld [tilespmem:s22+$0xFFFFFFC0];
	[tilespmem:s0+$0xFFFFFF70] =	vst v2  }
0x16f: {  	v2 =	vmax.f32 v3, $0.0e+00;
	v3 =	vadd.f32 v4, v6;
	v4 =	vld [tilespmem:s12+$0xFFFFFFF0]  }
0x170: {  	[tilespmem:s14+$0xFFFFFF30] =	vst v2;
	v2 =	vld [tilespmem:s17+$0xFFFFFFF0]  }
0x171: {  	v6 =	vld [tilespmem:s13+$0xFFFFFF40];
	v1 =	vadd.f32 v1, v8;
	v3 =	vmax.f32 v3, $0.0e+00  }
0x172: {  	v8 =	vld [tilespmem:s22+$0xFFFFFF40];
	[tilespmem:s14+$0xC0] =	vst v3  }
0x173: {  	v3 =	vadd.f32 v7, v5;
	v1 =	vmax.f32 v1, $0.0e+00;
	v5 =	vld [tilespmem:s13+$0xD0]  }
0x174: {  	[tilespmem:s14+$0x30] =	vst v1;
	v1 =	vld [tilespmem:s22+$0xD0]  }
0x175: {  	v3 =	vmax.f32 v3, $0.0e+00;
	v7 =	vld [tilespmem:s13+$0x40];
	v2 =	vadd.f32 v2, v4  }
0x176: {  	[tilespmem:s14+$0xFFFFFFC0] =	vst v3;
	v4 =	vld [tilespmem:s22+$0x40]  }
0x177: {  	v3 =	vadd.f32 v8, v6;
	v6 =	vld [tilespmem:s13+$0xFFFFFFD0];
	v2 =	vmax.f32 v2, $0.0e+00  }
0x178: {  	v8 =	vld [tilespmem:s22+$0xFFFFFFD0];
	[tilespmem:s0+$0xFFFFFFF0] =	vst v2  }
0x179: {  	v2 =	vmax.f32 v3, $0.0e+00;
	v1 =	vadd.f32 v1, v5;
	v9 =	vld [tilespmem:s12+$0x70];
	s12 =	smov.u32 s13  }
0x17a: {  	[tilespmem:s14+$0xFFFFFF40] =	vst v2;
	v10 =	vld [tilespmem:s17+$0x70];
	s17 =	smov.u32 s22  }
0x17b: {  	v3 =	vld [tilespmem:s13+$0xFFFFFF50];
	v2 =	vadd.f32 v4, v7;
	v1 =	vmax.f32 v1, $0.0e+00  }
.Ltmp1:
0x17c: {  	v5 =	vld [tilespmem:s22+$0xFFFFFF50];
	[tilespmem:s14+$0xD0] =	vst v1;
	(pc) =	sbr.rel @p0 .LBB2_4-.Ltmp1, $4  }
0x17d: {  	v1 =	vadd.f32 v8, v6;
	v4 =	vmax.f32 v2, $0.0e+00;
	v2 =	vld [tilespmem:s13+$0xE0]  }
0x17e: {  	[tilespmem:s14+$0x40] =	vst v4;
	v4 =	vld [tilespmem:s22+$0xE0]  }
0x17f: {  	v7 =	vmax.f32 v1, $0.0e+00;
	v6 =	vld [tilespmem:s13+$0x50];
	v1 =	vadd.f32 v10, v9  }
0x180: {  	s13 =	sadd.s32 $0x200, s13;
	[tilespmem:s14+$0xFFFFFFD0] =	vst v7;
	v7 =	vld [tilespmem:s22+$0x50]  }
0x181: {  	v3 =	vadd.f32 v5, v3;
	_ =	sdelay $0x1  }
0x182: {  	v3 =	vmax.f32 v3, $0.0e+00  }
0x183: {  	[tilespmem:s14+$0xFFFFFF50] =	vst v3  }
0x184: {  	v3 =	vadd.f32 v7, v6;
	v5 =	vld [tilespmem:s12+$0xFFFFFF60]  }
0x185: {  	v6 =	vld [tilespmem:s17+$0xFFFFFF60]  }
0x186: {  	v7 =	vld [tilespmem:s12+$0xFFFFFFE0];
	v3 =	vmax.f32 v3, $0.0e+00  }
0x187: {  	[tilespmem:s14+$0x50] =	vst v3;
	v3 =	vld [tilespmem:s17+$0xFFFFFFE0]  }
0x188: {  	v2 =	vadd.f32 v4, v2;
	v4 =	vld [tilespmem:s12+$0x60]  }
0x189: {  	v8 =	vld [tilespmem:s17+$0x60]  }
0x18a: {  	v2 =	vmax.f32 v2, $0.0e+00;
	v5 =	vadd.f32 v6, v5  }
0x18b: {  	[tilespmem:s14+$0xE0] =	vst v2  }
0x18c: {  	v2 =	vld [tilespmem:s12+$0xF0];
	v5 =	vmax.f32 v5, $0.0e+00;
	v3 =	vadd.f32 v3, v7  }
0x18d: {  	v6 =	vld [tilespmem:s17+$0xF0];
	[tilespmem:s14+$0xFFFFFF60] =	vst v5  }
0x18e: {  	v4 =	vadd.f32 v8, v4;
	v5 =	vld [tilespmem:s12+$0xFFFFFF70];
	v3 =	vmax.f32 v3, $0.0e+00  }
0x18f: {  	[tilespmem:s14+$0xFFFFFFE0] =	vst v3;
	v3 =	vld [tilespmem:s17+$0xFFFFFF70]  }
0x190: {  	v4 =	vmax.f32 v4, $0.0e+00;
	v7 =	vld [tilespmem:s12+$0xFFFFFFF0]  }
0x191: {  	[tilespmem:s14+$0x60] =	vst v4;
	v4 =	vld [tilespmem:s17+$0xFFFFFFF0]  }
0x192: {  	v8 =	vld [tilespmem:s12+$0x70]  }
0x193: {  	v9 =	vld [tilespmem:s17+$0x70];
	_ =	sdelay $0x1  }
0x194: {  	v2 =	vadd.f32 v6, v2  }
0x195: {  	v1 =	vmax.f32 v1, $0.0e+00;
	v3 =	vadd.f32 v3, v5  }
0x196: {  	[tilespmem:s0+$0x70] =	vst v1;
	v1 =	vmax.f32 v2, $0.0e+00;
	v2 =	vadd.f32 v4, v7  }
0x197: {  	[tilespmem:s14+$0xF0] =	vst v1;
	v1 =	vmax.f32 v3, $0.0e+00;
	v3 =	vadd.f32 v9, v8  }
0x198: {  	[tilespmem:s14+$0xFFFFFF70] =	vst v1;
	v1 =	vmax.f32 v2, $0.0e+00  }
0x199: {  	[tilespmem:s14+$0xFFFFFFF0] =	vst v1;
	v1 =	vmax.f32 v3, $0.0e+00  }
0x19a: {  	[tilespmem:s14+$0x70] =	vst v1  }
0x19b: {  	[spmem:s2] =	stream.indirect.scatter.add.f32 [tilespmem:s3], [sflag:$0x5], $0x80, s19, s10, $0xb8;
	[tilespmem:$0x1A800] =	vst v63  }
0x19c: {  	_ =	swait.ge [sflag:s9], $0x20  }
0x19d: {  	[sflag:s9] =	ssyncset.done $0x0  }
0x19e: {  	[sflag:s9] =	ssyncadd.s32 $0xFFFFFFE0  }
0x19f: {  	_ =	swait.ge [sflag:s9], $0x20  }
0x1a0: {  	[sflag:s9] =	ssyncset.done $0x0  }
0x1a1: {  	s22 =	simm.s32 $0x800;
	[sflag:s9] =	ssyncadd.s32 $0xFFFFFFE0  }
0x1a2: {  	[tilespmem:s22], [sflag:$0x3] =	stream.indirect.gather [hbm4b:s1+s10], $0x80, s30, s10, $0xb8;
	[tilespmem:$0x1A800] =	vst v63  }
0x1a3: {  	s11 =	simm.s32 $0x1800;
	s30 =	rddreg [dreg:$0xf]  }
0x1a4: {  	[tilespmem:s11], [sflag:$0x3] =	stream.linear.gather [hbm4b:s30+s4], $0x1000, $0x38;
	[tilespmem:$0x1A800] =	vst v63  }
0x1a5: {  	s13 =	simm.s32 $0x100;
	s12 =	rddreg [dreg:$0x10]  }
0x1a6: {  	[tilespmem:s13], [sflag:$0x1] =	stream.linear.gather [hbm4b:s12+s4], $0x20, $0x38;
	[tilespmem:$0x1A800] =	vst v63  }
0x1a7: {  	s17 =	simm.s32 $0x300;
	s14 =	rddreg [dreg:$0x11]  }
0x1a8: {  	[tilespmem:s17], [sflag:$0x1] =	stream.linear.gather [hbm4b:s14+s4], $0x20, $0x38;
	[tilespmem:$0x1A800] =	vst v63  }
0x1a9: {  	_ =	swait.ge [sflag:s16], $0x1000  }
0x1aa: {  	[sflag:s16] =	ssyncset.done $0x0  }
0x1ab: {  	[sflag:s16] =	ssyncadd.s32 $0xFFFFF000  }
0x1ac: {  	_ =	swait.ge [sflag:s16], $0x1000  }
0x1ad: {  	[sflag:s16] =	ssyncset.done $0x0  }
0x1ae: {  	s19 =	simm.s32 $0x3900;
	[sflag:s16] =	ssyncadd.s32 $0xFFFFF000  }
0x1af: {  	s30 =	simm.s32 $0x4900;
	v1 =	vld [tilespmem:s19+$0x80]  }
0x1b0: {  	v2 =	vld [tilespmem:s30+$0x80];
	_ =	sdelay $0x4  }
0x1b1: {  	v3 =	vld [tilespmem:s19+$0xFFFFFF80];
	v1 =	vadd.f32 v2, v1  }
0x1b2: {  	v2 =	vld [tilespmem:s30+$0xFFFFFF80]  }
0x1b3: {  	s0 =	simm.s32 $0x5900;
	v4 =	vld [tilespmem:s30+$0xFFFFFF00];
	v1 =	vmax.f32 v1, $0.0e+00  }
0x1b4: {  	v5 =	vld [tilespmem:s19+$0xFFFFFF00];
	[tilespmem:s0+$0x80] =	vst v1  }
0x1b5: {  	v1 =	vld [tilespmem:s19+$0x90]  }
0x1b6: {  	v6 =	vld [tilespmem:s30+$0x90]  }
0x1b7: {  	v7 =	vld [tilespmem:s19+$0x0];
	v2 =	vadd.f32 v2, v3  }
0x1b8: {  	v3 =	vld [tilespmem:s30+$0x0]  }
0x1b9: {  	v4 =	vadd.f32 v4, v5;
	v2 =	vmax.f32 v2, $0.0e+00  }
0x1ba: {  	[tilespmem:s0+$0xFFFFFF80] =	vst v2  }
0x1bb: {  	v4 =	vmax.f32 v4, $0.0e+00;
	v2 =	vld [tilespmem:s19+$0xFFFFFF90];
	v1 =	vadd.f32 v6, v1  }
0x1bc: {  	[tilespmem:s0+$0xFFFFFF00] =	vst v4;
	v5 =	vld [tilespmem:s30+$0xFFFFFF90]  }
0x1bd: {  	v4 =	vld [tilespmem:s19+$0xFFFFFF10];
	v3 =	vadd.f32 v3, v7;
	v1 =	vmax.f32 v1, $0.0e+00  }
0x1be: {  	v6 =	vld [tilespmem:s30+$0xFFFFFF10];
	[tilespmem:s0+$0x90] =	vst v1  }
0x1bf: {  	v1 =	vmax.f32 v3, $0.0e+00;
	v3 =	vld [tilespmem:s19+$0xA0]  }
0x1c0: {  	[tilespmem:s0+$0x0] =	vst v1;
	v1 =	vld [tilespmem:s30+$0xA0]  }
0x1c1: {  	v7 =	vld [tilespmem:s19+$0x10];
	v2 =	vadd.f32 v5, v2  }
0x1c2: {  	v5 =	vld [tilespmem:s30+$0x10]  }
0x1c3: {  	v2 =	vmax.f32 v2, $0.0e+00  }
0x1c4: {  	v4 =	vadd.f32 v6, v4;
	[tilespmem:s0+$0xFFFFFF90] =	vst v2  }
0x1c5: {  	v2 =	vld [tilespmem:s19+$0xFFFFFFA0];
	v1 =	vadd.f32 v1, v3  }
0x1c6: {  	v4 =	vmax.f32 v4, $0.0e+00;
	v3 =	vld [tilespmem:s30+$0xFFFFFFA0]  }
0x1c7: {  	[tilespmem:s0+$0xFFFFFF10] =	vst v4;
	v4 =	vadd.f32 v5, v7;
	v1 =	vmax.f32 v1, $0.0e+00  }
0x1c8: {  	[tilespmem:s0+$0xA0] =	vst v1  }
0x1c9: {  	v1 =	vmax.f32 v4, $0.0e+00;
	v4 =	vld [tilespmem:s19+$0xB0]  }
0x1ca: {  	[tilespmem:s0+$0x10] =	vst v1;
	v1 =	vld [tilespmem:s30+$0xB0]  }
0x1cb: {  	v2 =	vadd.f32 v3, v2;
	v3 =	vld [tilespmem:s19+$0x20]  }
0x1cc: {  	v7 =	vld [tilespmem:s30+$0x20]  }
0x1cd: {  	v6 =	vld [tilespmem:s30+$0xFFFFFF20];
	v2 =	vmax.f32 v2, $0.0e+00  }
0x1ce: {  	v5 =	vld [tilespmem:s19+$0xFFFFFF20];
	[tilespmem:s0+$0xFFFFFFA0] =	vst v2  }
0x1cf: {  	v2 =	vld [tilespmem:s19+$0xFFFFFFB0];
	v1 =	vadd.f32 v1, v4  }
0x1d0: {  	v4 =	vld [tilespmem:s30+$0xFFFFFFB0]  }
0x1d1: {  	v3 =	vadd.f32 v7, v3;
	v1 =	vmax.f32 v1, $0.0e+00  }
0x1d2: {  	[tilespmem:s0+$0xB0] =	vst v1  }
0x1d3: {  	v5 =	vadd.f32 v6, v5;
	v1 =	vmax.f32 v3, $0.0e+00;
	v3 =	vld [tilespmem:s19+$0xC0]  }
0x1d4: {  	[tilespmem:s0+$0x20] =	vst v1;
	v1 =	vld [tilespmem:s30+$0xC0]  }
0x1d5: {  	v5 =	vmax.f32 v5, $0.0e+00;
	v2 =	vadd.f32 v4, v2;
	v4 =	vld [tilespmem:s19+$0x30]  }
0x1d6: {  	[tilespmem:s0+$0xFFFFFF20] =	vst v5;
	v7 =	vld [tilespmem:s30+$0x30]  }
0x1d7: {  	v5 =	vld [tilespmem:s19+$0xFFFFFF30];
	v2 =	vmax.f32 v2, $0.0e+00  }
0x1d8: {  	v6 =	vld [tilespmem:s30+$0xFFFFFF30];
	[tilespmem:s0+$0xFFFFFFB0] =	vst v2  }
0x1d9: {  	v2 =	vld [tilespmem:s19+$0xFFFFFFC0];
	v1 =	vadd.f32 v1, v3  }
0x1da: {  	v3 =	vld [tilespmem:s30+$0xFFFFFFC0]  }
0x1db: {  	s22 =	simm.s32 $0x4B00;
	v4 =	vadd.f32 v7, v4;
	v1 =	vmax.f32 v1, $0.0e+00  }
0x1dc: {  	v11 =	vld [tilespmem:s22+$0xFFFFFF00];
	[tilespmem:s0+$0xC0] =	vst v1  }
0x1dd: {  	v1 =	vmax.f32 v4, $0.0e+00;
	v4 =	vld [tilespmem:s19+$0xD0]  }
0x1de: {  	v5 =	vadd.f32 v6, v5;
	[tilespmem:s0+$0x30] =	vst v1;
	v1 =	vld [tilespmem:s30+$0xD0]  }
0x1df: {  	v2 =	vadd.f32 v3, v2;
	v3 =	vld [tilespmem:s19+$0x40]  }
0x1e0: {  	s12 =	simm.s32 $0x3B00;
	v5 =	vmax.f32 v5, $0.0e+00;
	v7 =	vld [tilespmem:s30+$0x40]  }
0x1e1: {  	v52 =	vld [tilespmem:s12+$0xFFFFFF00];
	[tilespmem:s0+$0xFFFFFF30] =	vst v5  }
0x1e2: {  	v5 =	vld [tilespmem:s19+$0xFFFFFF40]  }
0x1e3: {  	v6 =	vld [tilespmem:s30+$0xFFFFFF40];
	v1 =	vadd.f32 v1, v4  }
0x1e4: {  	v49 =	vld [tilespmem:s12+$0x80]  }
0x1e5: {  	v10 =	vld [tilespmem:s22+$0x80];
	v3 =	vadd.f32 v7, v3;
	v1 =	vmax.f32 v1, $0.0e+00  }
0x1e6: {  	v12 =	vld [tilespmem:s22+$0xFFFFFF80];
	v11 =	vadd.f32 v11, v52;
	[tilespmem:s0+$0xD0] =	vst v1  }
0x1e7: {  	v1 =	vmax.f32 v3, $0.0e+00;
	v3 =	vld [tilespmem:s19+$0xE0]  }
0x1e8: {  	s14 =	simm.s32 $0x5B00;
	v11 =	vmax.f32 v11, $0.0e+00;
	v5 =	vadd.f32 v6, v5;
	[tilespmem:s0+$0x40] =	vst v1;
	v1 =	vld [tilespmem:s30+$0xE0]  }
0x1e9: {  	v13 =	vld [tilespmem:s12+$0x0];
	[tilespmem:s14+$0xFFFFFF00] =	vst v11;
	v2 =	vmax.f32 v2, $0.0e+00  }
0x1ea: {  	v11 =	vld [tilespmem:s12+$0xFFFFFF10];
	[tilespmem:s0+$0xFFFFFFC0] =	vst v2;
	v5 =	vmax.f32 v5, $0.0e+00  }
0x1eb: {  	v2 =	vld [tilespmem:s19+$0xFFFFFFD0];
	[tilespmem:s0+$0xFFFFFF40] =	vst v5  }
0x1ec: {  	v5 =	vld [tilespmem:s19+$0xFFFFFF50]  }
0x1ed: {  	v6 =	vld [tilespmem:s30+$0xFFFFFF50];
	v1 =	vadd.f32 v1, v3  }
0x1ee: {  	v3 =	vld [tilespmem:s12+$0xFFFFFF80]  }
0x1ef: {  	v4 =	vld [tilespmem:s30+$0xFFFFFFD0];
	v1 =	vmax.f32 v1, $0.0e+00  }
0x1f0: {  	v7 =	vld [tilespmem:s19+$0x50];
	[tilespmem:s0+$0xE0] =	vst v1;
	v1 =	vadd.f32 v10, v49  }
0x1f1: {  	v8 =	vld [tilespmem:s30+$0x50]  }
0x1f2: {  	v5 =	vadd.f32 v6, v5;
	v6 =	vld [tilespmem:s22+$0x0];
	v1 =	vmax.f32 v1, $0.0e+00  }
0x1f3: {  	v54 =	vld [tilespmem:s22+$0xFFFFFF10];
	v3 =	vadd.f32 v12, v3;
	[tilespmem:s14+$0x80] =	vst v1  }
0x1f4: {  	v1 =	vmax.f32 v5, $0.0e+00;
	v5 =	vld [tilespmem:s12+$0x90]  }
0x1f5: {  	v2 =	vadd.f32 v4, v2;
	[tilespmem:s0+$0xFFFFFF50] =	vst v1;
	v1 =	vmax.f32 v3, $0.0e+00;
	v3 =	vld [tilespmem:s22+$0x90]  }
0x1f6: {  	v7 =	vadd.f32 v8, v7;
	v50 =	vld [tilespmem:s19+$0xF0]  }
0x1f7: {  	v2 =	vmax.f32 v2, $0.0e+00;
	v6 =	vadd.f32 v6, v13;
	v51 =	vld [tilespmem:s30+$0xF0];
	[tilespmem:s14+$0xFFFFFF80] =	vst v1  }
0x1f8: {  	[tilespmem:s0+$0xFFFFFFD0] =	vst v2;
	v7 =	vmax.f32 v7, $0.0e+00;
	v4 =	vld [tilespmem:s12+$0xFFFFFF90]  }
0x1f9: {  	v2 =	vmax.f32 v6, $0.0e+00;
	[tilespmem:s0+$0x50] =	vst v7;
	v53 =	vld [tilespmem:s22+$0xFFFFFF90]  }
0x1fa: {  	v7 =	vld [tilespmem:s30+$0xFFFFFFE0];
	[tilespmem:s14+$0x0] =	vst v2;
	v2 =	vadd.f32 v3, v5  }
0x1fb: {  	v57 =	vld [tilespmem:s19+$0x60]  }
0x1fc: {  	v58 =	vld [tilespmem:s30+$0x60];
	v2 =	vmax.f32 v2, $0.0e+00  }
0x1fd: {  	v1 =	vld [tilespmem:s19+$0xFFFFFF60];
	[tilespmem:s14+$0x90] =	vst v2  }
0x1fe: {  	v4 =	vadd.f32 v53, v4;
	v2 =	vld [tilespmem:s12+$0xA0]  }
0x1ff: {  	v55 =	vld [tilespmem:s22+$0xA0]  }
0x200: {  	v5 =	vld [tilespmem:s12+$0x10];
	v4 =	vmax.f32 v4, $0.0e+00  }
0x201: {  	[tilespmem:s14+$0xFFFFFF90] =	vst v4;
	v4 =	vld [tilespmem:s22+$0x10]  }
0x202: {  	v11 =	vadd.f32 v54, v11;
	v8 =	vld [tilespmem:s12+$0xFFFFFFA0]  }
0x203: {  	v56 =	vld [tilespmem:s22+$0xFFFFFFA0]  }
0x204: {  	v11 =	vmax.f32 v11, $0.0e+00;
	v6 =	vld [tilespmem:s30+$0xFFFFFF60];
	v2 =	vadd.f32 v55, v2  }
0x205: {  	[tilespmem:s14+$0xFFFFFF10] =	vst v11;
	v3 =	vld [tilespmem:s19+$0xFFFFFFE0]  }
0x206: {  	v4 =	vadd.f32 v4, v5;
	v5 =	vld [tilespmem:s12+$0xFFFFFF20];
	v2 =	vmax.f32 v2, $0.0e+00  }
0x207: {  	[tilespmem:s14+$0xA0] =	vst v2;
	v2 =	vld [tilespmem:s22+$0xFFFFFF20]  }
0x208: {  	v8 =	vadd.f32 v56, v8;
	v4 =	vmax.f32 v4, $0.0e+00;
	v59 =	vld [tilespmem:s12+$0xB0]  }
0x209: {  	v1 =	vadd.f32 v6, v1;
	[tilespmem:s14+$0x10] =	vst v4;
	v4 =	vld [tilespmem:s22+$0xB0]  }
0x20a: {  	v6 =	vmax.f32 v8, $0.0e+00;
	v8 =	vld [tilespmem:s12+$0x20]  }
0x20b: {  	v1 =	vmax.f32 v1, $0.0e+00;
	[tilespmem:s14+$0xFFFFFFA0] =	vst v6;
	v6 =	vld [tilespmem:s22+$0x20]  }
0x20c: {  	[tilespmem:s0+$0xFFFFFF60] =	vst v1;
	v1 =	vld [tilespmem:s22+$0xFFFFFFB0];
	v2 =	vadd.f32 v2, v5  }
0x20d: {  	v5 =	vld [tilespmem:s12+$0xFFFFFFB0]  }
0x20e: {  	v60 =	vld [tilespmem:s19+$0xFFFFFF70];
	v4 =	vadd.f32 v4, v59;
	v2 =	vmax.f32 v2, $0.0e+00  }
0x20f: {  	[tilespmem:s14+$0xFFFFFF20] =	vst v2;
	v2 =	vld [tilespmem:s30+$0xFFFFFF70]  }
0x210: {  	v6 =	vadd.f32 v6, v8;
	v4 =	vmax.f32 v4, $0.0e+00;
	v8 =	vld [tilespmem:s12+$0xFFFFFF30]  }
0x211: {  	[tilespmem:s14+$0xB0] =	vst v4;
	v4 =	vld [tilespmem:s22+$0xFFFFFF30]  }
0x212: {  	v1 =	vadd.f32 v1, v5;
	v5 =	vmax.f32 v6, $0.0e+00;
	v6 =	vld [tilespmem:s12+$0xC0]  }
0x213: {  	[tilespmem:s14+$0x20] =	vst v5;
	v5 =	vld [tilespmem:s22+$0xC0]  }
0x214: {  	v3 =	vadd.f32 v7, v3;
	v1 =	vmax.f32 v1, $0.0e+00;
	v7 =	vld [tilespmem:s12+$0x30]  }
0x215: {  	[tilespmem:s14+$0xFFFFFFB0] =	vst v1;
	v1 =	vld [tilespmem:s22+$0x30]  }
0x216: {  	v3 =	vmax.f32 v3, $0.0e+00;
	v4 =	vadd.f32 v4, v8;
	v8 =	vld [tilespmem:s12+$0xFFFFFFC0]  }
0x217: {  	[tilespmem:s0+$0xFFFFFFE0] =	vst v3;
	v3 =	vld [tilespmem:s22+$0xFFFFFFC0]  }
0x218: {  	v4 =	vmax.f32 v4, $0.0e+00;
	v5 =	vadd.f32 v5, v6;
	v6 =	vld [tilespmem:s19+$0xFFFFFFF0]  }
0x219: {  	[tilespmem:s14+$0xFFFFFF30] =	vst v4;
	v4 =	vld [tilespmem:s30+$0xFFFFFFF0]  }
0x21a: {  	v1 =	vadd.f32 v1, v7;
	v7 =	vld [tilespmem:s12+$0xFFFFFF40];
	v5 =	vmax.f32 v5, $0.0e+00  }
0x21b: {  	[tilespmem:s14+$0xC0] =	vst v5;
	v5 =	vld [tilespmem:s22+$0xFFFFFF40]  }
0x21c: {  	v3 =	vadd.f32 v3, v8;
	v1 =	vmax.f32 v1, $0.0e+00;
	v8 =	vld [tilespmem:s12+$0xD0]  }
0x21d: {  	[tilespmem:s14+$0x30] =	vst v1;
	v1 =	vld [tilespmem:s22+$0xD0]  }
0x21e: {  	v11 =	vadd.f32 v58, v57;
	v3 =	vmax.f32 v3, $0.0e+00;
	v61 =	vld [tilespmem:s12+$0x40]  }
0x21f: {  	[tilespmem:s14+$0xFFFFFFC0] =	vst v3;
	v3 =	vld [tilespmem:s22+$0x40]  }
0x220: {  	v11 =	vmax.f32 v11, $0.0e+00;
	v62 =	vld [tilespmem:s22+$0xFFFFFFD0];
	v5 =	vadd.f32 v5, v7  }
0x221: {  	v9 =	vadd.f32 v51, v50;
	[tilespmem:s0+$0x60] =	vst v11;
	v7 =	vld [tilespmem:s12+$0xFFFFFFD0]  }
0x222: {  	v11 =	vld [tilespmem:s30+$0x70];
	v5 =	vmax.f32 v5, $0.0e+00;
	v1 =	vadd.f32 v1, v8  }
0x223: {  	v9 =	vmax.f32 v9, $0.0e+00;
	v2 =	vadd.f32 v2, v60;
	v8 =	vld [tilespmem:s19+$0x70];
	[tilespmem:s14+$0xFFFFFF40] =	vst v5  }
0x224: {  	[tilespmem:s0+$0xF0] =	vst v9;
	v63 =	vadd.f32 v3, v61;
	v3 =	vld [tilespmem:s12+$0xFFFFFF50];
	v1 =	vmax.f32 v1, $0.0e+00  }
0x225: {  	v2 =	vmax.f32 v2, $0.0e+00;
	v4 =	vadd.f32 v4, v6;
	v5 =	vld [tilespmem:s22+$0xFFFFFF50];
	[tilespmem:s14+$0xD0] =	vst v1  }
0x226: {  	[tilespmem:s0+$0xFFFFFF70] =	vst v2;
	v1 =	vadd.f32 v62, v7;
	v6 =	vmax.f32 v63, $0.0e+00;
	v2 =	vld [tilespmem:s12+$0xE0]  }
0x227: {  	v7 =	vmax.f32 v4, $0.0e+00;
	[tilespmem:s14+$0x40] =	vst v6;
	v4 =	vld [tilespmem:s22+$0xE0]  }
0x228: {  	[tilespmem:s0+$0xFFFFFFF0] =	vst v7;
	v7 =	vmax.f32 v1, $0.0e+00;
	v6 =	vld [tilespmem:s12+$0x50];
	v1 =	vadd.f32 v11, v8  }
0x229: {  	s11 =	simm.s32 $0x4;
	s13 =	simm.s32 $0x3D00;
	s17 =	simm.s32 $0x4B00;
	[tilespmem:s14+$0xFFFFFFD0] =	vst v7;
	v7 =	vld [tilespmem:s22+$0x50]  }
.LBB2_6:
0x22a: {  	v8 =	vld [tilespmem:s13+$0x80];
	v3 =	vadd.f32 v5, v3;
	s22 =	sadd.s32 $0x200, s22;
	v1 =	vmax.f32 v1, $0.0e+00  }
0x22b: {  	v5 =	vld [tilespmem:s22+$0x80];
	[tilespmem:s0+$0x70] =	vst v1;
	s0 =	smov.u32 s14  }
0x22c: {  	v1 =	vld [tilespmem:s22+$0xFFFFFF00];
	v3 =	vmax.f32 v3, $0.0e+00;
	v2 =	vadd.f32 v4, v2  }
0x22d: {  	v4 =	vld [tilespmem:s13+$0xFFFFFF80];
	[tilespmem:s14+$0xFFFFFF50] =	vst v3  }
0x22e: {  	v3 =	vld [tilespmem:s22+$0xFFFFFF80];
	v6 =	vadd.f32 v7, v6;
	v2 =	vmax.f32 v2, $0.0e+00  }
0x22f: {  	v7 =	vld [tilespmem:s13+$0x0];
	[tilespmem:s14+$0xE0] =	vst v2  }
0x230: {  	v2 =	vadd.f32 v5, v8;
	v5 =	vmax.f32 v6, $0.0e+00;
	v6 =	vld [tilespmem:s12+$0xF0]  }
0x231: {  	[tilespmem:s14+$0x50] =	vst v5;
	v5 =	vld [tilespmem:s17+$0xF0]  }
0x232: {  	s11 =	sadd.s32 $0x4, s11;
	s14 =	sadd.s32 $0x200, s14;
	v8 =	vld [tilespmem:s22+$0x0];
	v2 =	vmax.f32 v2, $0.0e+00  }
0x233: {  	p0 =	slt.u32 s11, $0x1C;
	v9 =	vld [tilespmem:s13+$0xFFFFFF00];
	v3 =	vadd.f32 v3, v4;
	[tilespmem:s14+$0x80] =	vst v2  }
0x234: {  	v2 =	vld [tilespmem:s13+$0x90]  }
0x235: {  	v3 =	vmax.f32 v3, $0.0e+00;
	v4 =	vld [tilespmem:s22+$0x90]  }
0x236: {  	[tilespmem:s14+$0xFFFFFF80] =	vst v3;
	v3 =	vld [tilespmem:s12+$0xFFFFFF60];
	v5 =	vadd.f32 v5, v6  }
0x237: {  	v6 =	vld [tilespmem:s13+$0xFFFFFF90];
	v7 =	vadd.f32 v8, v7  }
0x238: {  	v1 =	vadd.f32 v1, v9;
	v8 =	vld [tilespmem:s22+$0xFFFFFF90];
	v5 =	vmax.f32 v5, $0.0e+00  }
0x239: {  	v7 =	vmax.f32 v7, $0.0e+00;
	v9 =	vld [tilespmem:s17+$0xFFFFFF60];
	[tilespmem:s0+$0xF0] =	vst v5  }
0x23a: {  	v1 =	vmax.f32 v1, $0.0e+00;
	[tilespmem:s14+$0x0] =	vst v7;
	v2 =	vadd.f32 v4, v2;
	v4 =	vld [tilespmem:s12+$0xFFFFFFE0]  }
0x23b: {  	[tilespmem:s14+$0xFFFFFF00] =	vst v1;
	v1 =	vld [tilespmem:s13+$0x10]  }
0x23c: {  	v5 =	vld [tilespmem:s13+$0xFFFFFF10];
	v2 =	vmax.f32 v2, $0.0e+00  }
0x23d: {  	v7 =	vld [tilespmem:s22+$0xFFFFFF10];
	v6 =	vadd.f32 v8, v6;
	[tilespmem:s14+$0x90] =	vst v2  }
0x23e: {  	v2 =	vld [tilespmem:s13+$0xA0];
	v3 =	vadd.f32 v9, v3  }
0x23f: {  	v6 =	vmax.f32 v6, $0.0e+00;
	v8 =	vld [tilespmem:s22+$0xA0]  }
0x240: {  	[tilespmem:s14+$0xFFFFFF90] =	vst v6;
	v6 =	vld [tilespmem:s22+$0x10];
	v3 =	vmax.f32 v3, $0.0e+00  }
0x241: {  	v9 =	vld [tilespmem:s13+$0xFFFFFFA0];
	[tilespmem:s0+$0xFFFFFF60] =	vst v3  }
0x242: {  	v3 =	vadd.f32 v7, v5;
	v5 =	vld [tilespmem:s22+$0xFFFFFFA0]  }
0x243: {  	v7 =	vld [tilespmem:s17+$0xFFFFFFE0]  }
0x244: {  	v3 =	vmax.f32 v3, $0.0e+00;
	v2 =	vadd.f32 v8, v2;
	v8 =	vld [tilespmem:s12+$0x60]  }
0x245: {  	[tilespmem:s14+$0xFFFFFF10] =	vst v3;
	v1 =	vadd.f32 v6, v1;
	v3 =	vld [tilespmem:s17+$0x60]  }
0x246: {  	v6 =	vld [tilespmem:s13+$0xFFFFFF20];
	v2 =	vmax.f32 v2, $0.0e+00  }
0x247: {  	v10 =	vld [tilespmem:s22+$0xFFFFFF20];
	v5 =	vadd.f32 v5, v9;
	v1 =	vmax.f32 v1, $0.0e+00;
	[tilespmem:s14+$0xA0] =	vst v2  }
0x248: {  	[tilespmem:s14+$0x10] =	vst v1;
	v1 =	vld [tilespmem:s13+$0xB0];
	v2 =	vadd.f32 v7, v4  }
0x249: {  	v4 =	vmax.f32 v5, $0.0e+00;
	v5 =	vld [tilespmem:s22+$0xB0]  }
0x24a: {  	[tilespmem:s14+$0xFFFFFFA0] =	vst v4;
	v4 =	vld [tilespmem:s13+$0x20];
	v2 =	vmax.f32 v2, $0.0e+00;
	v3 =	vadd.f32 v3, v8  }
0x24b: {  	v7 =	vld [tilespmem:s22+$0x20];
	[tilespmem:s0+$0xFFFFFFE0] =	vst v2  }
0x24c: {  	v2 =	vadd.f32 v10, v6;
	v6 =	vld [tilespmem:s13+$0xFFFFFFB0];
	v3 =	vmax.f32 v3, $0.0e+00  }
0x24d: {  	v8 =	vld [tilespmem:s22+$0xFFFFFFB0];
	[tilespmem:s0+$0x60] =	vst v3  }
0x24e: {  	v2 =	vmax.f32 v2, $0.0e+00;
	v1 =	vadd.f32 v5, v1;
	v3 =	vld [tilespmem:s12+$0xFFFFFF70]  }
0x24f: {  	[tilespmem:s14+$0xFFFFFF20] =	vst v2;
	v2 =	vld [tilespmem:s17+$0xFFFFFF70]  }
0x250: {  	v5 =	vld [tilespmem:s13+$0xFFFFFF30];
	v4 =	vadd.f32 v7, v4;
	v1 =	vmax.f32 v1, $0.0e+00  }
0x251: {  	v7 =	vld [tilespmem:s22+$0xFFFFFF30];
	[tilespmem:s14+$0xB0] =	vst v1  }
0x252: {  	v1 =	vadd.f32 v8, v6;
	v4 =	vmax.f32 v4, $0.0e+00;
	v6 =	vld [tilespmem:s13+$0xC0]  }
0x253: {  	[tilespmem:s14+$0x20] =	vst v4;
	v4 =	vld [tilespmem:s22+$0xC0]  }
0x254: {  	v1 =	vmax.f32 v1, $0.0e+00;
	v8 =	vld [tilespmem:s13+$0x30];
	v2 =	vadd.f32 v2, v3  }
0x255: {  	[tilespmem:s14+$0xFFFFFFB0] =	vst v1;
	v1 =	vld [tilespmem:s22+$0x30]  }
0x256: {  	v3 =	vadd.f32 v7, v5;
	v5 =	vld [tilespmem:s13+$0xFFFFFFC0];
	v2 =	vmax.f32 v2, $0.0e+00  }
0x257: {  	v7 =	vld [tilespmem:s22+$0xFFFFFFC0];
	[tilespmem:s0+$0xFFFFFF70] =	vst v2  }
0x258: {  	v2 =	vmax.f32 v3, $0.0e+00;
	v3 =	vadd.f32 v4, v6;
	v4 =	vld [tilespmem:s12+$0xFFFFFFF0]  }
0x259: {  	[tilespmem:s14+$0xFFFFFF30] =	vst v2;
	v2 =	vld [tilespmem:s17+$0xFFFFFFF0]  }
0x25a: {  	v6 =	vld [tilespmem:s13+$0xFFFFFF40];
	v1 =	vadd.f32 v1, v8;
	v3 =	vmax.f32 v3, $0.0e+00  }
0x25b: {  	v8 =	vld [tilespmem:s22+$0xFFFFFF40];
	[tilespmem:s14+$0xC0] =	vst v3  }
0x25c: {  	v3 =	vadd.f32 v7, v5;
	v1 =	vmax.f32 v1, $0.0e+00;
	v5 =	vld [tilespmem:s13+$0xD0]  }
0x25d: {  	[tilespmem:s14+$0x30] =	vst v1;
	v1 =	vld [tilespmem:s22+$0xD0]  }
0x25e: {  	v3 =	vmax.f32 v3, $0.0e+00;
	v7 =	vld [tilespmem:s13+$0x40];
	v2 =	vadd.f32 v2, v4  }
0x25f: {  	[tilespmem:s14+$0xFFFFFFC0] =	vst v3;
	v4 =	vld [tilespmem:s22+$0x40]  }
0x260: {  	v3 =	vadd.f32 v8, v6;
	v6 =	vld [tilespmem:s13+$0xFFFFFFD0];
	v2 =	vmax.f32 v2, $0.0e+00  }
0x261: {  	v8 =	vld [tilespmem:s22+$0xFFFFFFD0];
	[tilespmem:s0+$0xFFFFFFF0] =	vst v2  }
0x262: {  	v2 =	vmax.f32 v3, $0.0e+00;
	v1 =	vadd.f32 v1, v5;
	v9 =	vld [tilespmem:s12+$0x70];
	s12 =	smov.u32 s13  }
0x263: {  	[tilespmem:s14+$0xFFFFFF40] =	vst v2;
	v10 =	vld [tilespmem:s17+$0x70];
	s17 =	smov.u32 s22  }
0x264: {  	v3 =	vld [tilespmem:s13+$0xFFFFFF50];
	v2 =	vadd.f32 v4, v7;
	v1 =	vmax.f32 v1, $0.0e+00  }
.Ltmp2:
0x265: {  	v5 =	vld [tilespmem:s22+$0xFFFFFF50];
	[tilespmem:s14+$0xD0] =	vst v1;
	(pc) =	sbr.rel @p0 .LBB2_6-.Ltmp2, $4  }
0x266: {  	v1 =	vadd.f32 v8, v6;
	v4 =	vmax.f32 v2, $0.0e+00;
	v2 =	vld [tilespmem:s13+$0xE0]  }
0x267: {  	[tilespmem:s14+$0x40] =	vst v4;
	v4 =	vld [tilespmem:s22+$0xE0]  }
0x268: {  	v7 =	vmax.f32 v1, $0.0e+00;
	v6 =	vld [tilespmem:s13+$0x50];
	v1 =	vadd.f32 v10, v9  }
0x269: {  	s13 =	sadd.s32 $0x200, s13;
	[tilespmem:s14+$0xFFFFFFD0] =	vst v7;
	v7 =	vld [tilespmem:s22+$0x50]  }
0x26a: {  	v3 =	vadd.f32 v5, v3;
	_ =	sdelay $0x1  }
0x26b: {  	v3 =	vmax.f32 v3, $0.0e+00  }
0x26c: {  	[tilespmem:s14+$0xFFFFFF50] =	vst v3  }
0x26d: {  	v3 =	vadd.f32 v7, v6;
	v56 =	vld [tilespmem:s12+$0xFFFFFF60]  }
0x26e: {  	v57 =	vld [tilespmem:s17+$0xFFFFFF60]  }
0x26f: {  	v58 =	vld [tilespmem:s12+$0xFFFFFFE0];
	v3 =	vmax.f32 v3, $0.0e+00  }
0x270: {  	[tilespmem:s14+$0x50] =	vst v3;
	v3 =	vld [tilespmem:s17+$0xFFFFFFE0]  }
0x271: {  	v2 =	vadd.f32 v4, v2;
	v59 =	vld [tilespmem:s12+$0x60]  }
0x272: {  	v8 =	vld [tilespmem:s17+$0x60]  }
0x273: {  	v2 =	vmax.f32 v2, $0.0e+00;
	v5 =	vadd.f32 v57, v56  }
0x274: {  	[tilespmem:s14+$0xE0] =	vst v2  }
0x275: {  	v2 =	vld [tilespmem:s12+$0xF0];
	v5 =	vmax.f32 v5, $0.0e+00;
	v3 =	vadd.f32 v3, v58  }
0x276: {  	v60 =	vld [tilespmem:s17+$0xF0];
	[tilespmem:s14+$0xFFFFFF60] =	vst v5  }
0x277: {  	v4 =	vadd.f32 v8, v59;
	v5 =	vld [tilespmem:s12+$0xFFFFFF70];
	v3 =	vmax.f32 v3, $0.0e+00  }
0x278: {  	[tilespmem:s14+$0xFFFFFFE0] =	vst v3;
	v3 =	vld [tilespmem:s17+$0xFFFFFF70]  }
0x279: {  	v4 =	vmax.f32 v4, $0.0e+00;
	v61 =	vld [tilespmem:s12+$0xFFFFFFF0]  }
0x27a: {  	[tilespmem:s14+$0x60] =	vst v4;
	v62 =	vld [tilespmem:s17+$0xFFFFFFF0]  }
0x27b: {  	v63 =	vld [tilespmem:s12+$0x70]  }
0x27c: {  	v9 =	vld [tilespmem:s17+$0x70];
	_ =	sdelay $0x1  }
0x27d: {  	v2 =	vadd.f32 v60, v2  }
0x27e: {  	v1 =	vmax.f32 v1, $0.0e+00;
	v3 =	vadd.f32 v3, v5  }
0x27f: {  	[tilespmem:s0+$0x70] =	vst v1;
	v1 =	vmax.f32 v2, $0.0e+00;
	v2 =	vadd.f32 v62, v61  }
0x280: {  	[tilespmem:s14+$0xF0] =	vst v1;
	v1 =	vmax.f32 v3, $0.0e+00;
	v3 =	vadd.f32 v9, v63  }
0x281: {  	[tilespmem:s14+$0xFFFFFF70] =	vst v1;
	v1 =	vmax.f32 v2, $0.0e+00  }
0x282: {  	[tilespmem:s14+$0xFFFFFFF0] =	vst v1;
	v1 =	vmax.f32 v3, $0.0e+00  }
0x283: {  	s22 =	simm.s32 $0x5800;
	[tilespmem:s14+$0x70] =	vst v1  }
0x284: {  	[spmem:s2] =	stream.indirect.scatter.add.f32 [tilespmem:s22], [sflag:$0x6], $0x80, s23, s10, $0xb8;
	[tilespmem:$0x1A800] =	vst v63  }
0x285: {  	_ =	swait.ge [sflag:s24], $0x20  }
0x286: {  	[sflag:s24] =	ssyncset.done $0x0  }
0x287: {  	[sflag:s24] =	ssyncadd.s32 $0xFFFFFFE0  }
0x288: {  	_ =	swait.ge [sflag:s24], $0x20  }
0x289: {  	[sflag:s24] =	ssyncset.done $0x0  }
0x28a: {  	s23 =	simm.s32 $0x480;
	[sflag:s24] =	ssyncadd.s32 $0xFFFFFFE0  }
0x28b: {  	[tilespmem:s25], [sflag:$0x4] =	stream.indirect.gather [hbm4b:s1+s10], $0x80, s23, s10, $0xb8;
	[tilespmem:$0x1A800] =	vst v63  }
0x28c: {  	s24 =	rddreg [dreg:$0x12]  }
0x28d: {  	[tilespmem:s26], [sflag:$0x4] =	stream.linear.gather [hbm4b:s24+s4], $0x1000, $0x38;
	[tilespmem:$0x1A800] =	vst v63  }
0x28e: {  	s11 =	simm.s32 $0x500;
	s25 =	rddreg [dreg:$0x13]  }
0x28f: {  	[tilespmem:s11], [sflag:$0x2] =	stream.linear.gather [hbm4b:s25+s4], $0x20, $0x38;
	[tilespmem:$0x1A800] =	vst v63  }
0x290: {  	s30 =	simm.s32 $0x700;
	s23 =	simm.s32 $0x1;
	s26 =	rddreg [dreg:$0x14]  }
0x291: {  	[tilespmem:s30], [sflag:$0x2] =	stream.linear.gather [hbm4b:s26+s4], $0x20, $0x38;
	[tilespmem:$0x1A800] =	vst v63  }
.LBB2_8:
0x292: {  	_ =	swait.ge [sflag:s18], $0x1000  }
0x293: {  	[sflag:s18] =	ssyncset.done $0x0  }
0x294: {  	[sflag:s18] =	ssyncadd.s32 $0xFFFFF000  }
0x295: {  	_ =	swait.ge [sflag:s15], $0x1000  }
0x296: {  	[sflag:s15] =	ssyncset.done $0x0  }
0x297: {  	[sflag:s15] =	ssyncadd.s32 $0xFFFFF000  }
0x298: {  	_ =	swait.ge [sflag:s15], $0x1000  }
0x299: {  	[sflag:s15] =	ssyncset.done $0x0  }
0x29a: {  	s17 =	simm.s32 $0x900;
	[sflag:s15] =	ssyncadd.s32 $0xFFFFF000  }
0x29b: {  	s11 =	simm.s32 $0x1900;
	v1 =	vld [tilespmem:s17+$0x80]  }
0x29c: {  	v2 =	vld [tilespmem:s11+$0x80];
	_ =	sdelay $0x4  }
0x29d: {  	v3 =	vld [tilespmem:s17+$0xFFFFFF80];
	v1 =	vadd.f32 v2, v1  }
0x29e: {  	v2 =	vld [tilespmem:s11+$0xFFFFFF80]  }
0x29f: {  	s0 =	simm.s32 $0x2900;
	v4 =	vld [tilespmem:s11+$0xFFFFFF00];
	v1 =	vmax.f32 v1, $0.0e+00  }
0x2a0: {  	v5 =	vld [tilespmem:s17+$0xFFFFFF00];
	[tilespmem:s0+$0x80] =	vst v1  }
0x2a1: {  	v1 =	vld [tilespmem:s17+$0x90]  }
0x2a2: {  	v6 =	vld [tilespmem:s11+$0x90]  }
0x2a3: {  	v7 =	vld [tilespmem:s17+$0x0];
	v2 =	vadd.f32 v2, v3  }
0x2a4: {  	v3 =	vld [tilespmem:s11+$0x0]  }
0x2a5: {  	v4 =	vadd.f32 v4, v5;
	v2 =	vmax.f32 v2, $0.0e+00  }
0x2a6: {  	[tilespmem:s0+$0xFFFFFF80] =	vst v2  }
0x2a7: {  	v4 =	vmax.f32 v4, $0.0e+00;
	v2 =	vld [tilespmem:s17+$0xFFFFFF90];
	v1 =	vadd.f32 v6, v1  }
0x2a8: {  	[tilespmem:s0+$0xFFFFFF00] =	vst v4;
	v5 =	vld [tilespmem:s11+$0xFFFFFF90]  }
0x2a9: {  	v4 =	vld [tilespmem:s17+$0xFFFFFF10];
	v3 =	vadd.f32 v3, v7;
	v1 =	vmax.f32 v1, $0.0e+00  }
0x2aa: {  	v6 =	vld [tilespmem:s11+$0xFFFFFF10];
	[tilespmem:s0+$0x90] =	vst v1  }
0x2ab: {  	v1 =	vmax.f32 v3, $0.0e+00;
	v3 =	vld [tilespmem:s17+$0xA0]  }
0x2ac: {  	[tilespmem:s0+$0x0] =	vst v1;
	v1 =	vld [tilespmem:s11+$0xA0]  }
0x2ad: {  	v7 =	vld [tilespmem:s17+$0x10];
	v2 =	vadd.f32 v5, v2  }
0x2ae: {  	v5 =	vld [tilespmem:s11+$0x10]  }
0x2af: {  	v2 =	vmax.f32 v2, $0.0e+00  }
0x2b0: {  	v4 =	vadd.f32 v6, v4;
	[tilespmem:s0+$0xFFFFFF90] =	vst v2  }
0x2b1: {  	v2 =	vld [tilespmem:s17+$0xFFFFFFA0];
	v1 =	vadd.f32 v1, v3  }
0x2b2: {  	v4 =	vmax.f32 v4, $0.0e+00;
	v3 =	vld [tilespmem:s11+$0xFFFFFFA0]  }
0x2b3: {  	[tilespmem:s0+$0xFFFFFF10] =	vst v4;
	v4 =	vadd.f32 v5, v7;
	v1 =	vmax.f32 v1, $0.0e+00  }
0x2b4: {  	[tilespmem:s0+$0xA0] =	vst v1  }
0x2b5: {  	v1 =	vmax.f32 v4, $0.0e+00;
	v4 =	vld [tilespmem:s17+$0xB0]  }
0x2b6: {  	[tilespmem:s0+$0x10] =	vst v1;
	v1 =	vld [tilespmem:s11+$0xB0]  }
0x2b7: {  	v2 =	vadd.f32 v3, v2;
	v3 =	vld [tilespmem:s17+$0x20]  }
0x2b8: {  	v7 =	vld [tilespmem:s11+$0x20]  }
0x2b9: {  	v6 =	vld [tilespmem:s11+$0xFFFFFF20];
	v2 =	vmax.f32 v2, $0.0e+00  }
0x2ba: {  	v5 =	vld [tilespmem:s17+$0xFFFFFF20];
	[tilespmem:s0+$0xFFFFFFA0] =	vst v2  }
0x2bb: {  	v2 =	vld [tilespmem:s17+$0xFFFFFFB0];
	v1 =	vadd.f32 v1, v4  }
0x2bc: {  	v4 =	vld [tilespmem:s11+$0xFFFFFFB0]  }
0x2bd: {  	v3 =	vadd.f32 v7, v3;
	v1 =	vmax.f32 v1, $0.0e+00  }
0x2be: {  	[tilespmem:s0+$0xB0] =	vst v1  }
0x2bf: {  	v5 =	vadd.f32 v6, v5;
	v1 =	vmax.f32 v3, $0.0e+00;
	v3 =	vld [tilespmem:s17+$0xC0]  }
0x2c0: {  	[tilespmem:s0+$0x20] =	vst v1;
	v1 =	vld [tilespmem:s11+$0xC0]  }
0x2c1: {  	v5 =	vmax.f32 v5, $0.0e+00;
	v2 =	vadd.f32 v4, v2;
	v4 =	vld [tilespmem:s17+$0x30]  }
0x2c2: {  	[tilespmem:s0+$0xFFFFFF20] =	vst v5;
	v7 =	vld [tilespmem:s11+$0x30]  }
0x2c3: {  	v5 =	vld [tilespmem:s17+$0xFFFFFF30];
	v2 =	vmax.f32 v2, $0.0e+00  }
0x2c4: {  	v6 =	vld [tilespmem:s11+$0xFFFFFF30];
	[tilespmem:s0+$0xFFFFFFB0] =	vst v2  }
0x2c5: {  	v2 =	vld [tilespmem:s17+$0xFFFFFFC0];
	v1 =	vadd.f32 v1, v3  }
0x2c6: {  	v3 =	vld [tilespmem:s11+$0xFFFFFFC0]  }
0x2c7: {  	s14 =	simm.s32 $0x1B00;
	v4 =	vadd.f32 v7, v4;
	v1 =	vmax.f32 v1, $0.0e+00  }
0x2c8: {  	v11 =	vld [tilespmem:s14+$0xFFFFFF00];
	[tilespmem:s0+$0xC0] =	vst v1  }
0x2c9: {  	v1 =	vmax.f32 v4, $0.0e+00;
	v4 =	vld [tilespmem:s17+$0xD0]  }
0x2ca: {  	v5 =	vadd.f32 v6, v5;
	[tilespmem:s0+$0x30] =	vst v1;
	v1 =	vld [tilespmem:s11+$0xD0]  }
0x2cb: {  	v2 =	vadd.f32 v3, v2;
	v3 =	vld [tilespmem:s17+$0x40]  }
0x2cc: {  	s24 =	simm.s32 $0xB00;
	v5 =	vmax.f32 v5, $0.0e+00;
	v7 =	vld [tilespmem:s11+$0x40]  }
0x2cd: {  	v52 =	vld [tilespmem:s24+$0xFFFFFF00];
	[tilespmem:s0+$0xFFFFFF30] =	vst v5  }
0x2ce: {  	v5 =	vld [tilespmem:s17+$0xFFFFFF40]  }
0x2cf: {  	v6 =	vld [tilespmem:s11+$0xFFFFFF40];
	v1 =	vadd.f32 v1, v4  }
0x2d0: {  	v9 =	vld [tilespmem:s24+$0x80]  }
0x2d1: {  	v10 =	vld [tilespmem:s14+$0x80];
	v3 =	vadd.f32 v7, v3;
	v1 =	vmax.f32 v1, $0.0e+00  }
0x2d2: {  	v12 =	vld [tilespmem:s14+$0xFFFFFF80];
	v11 =	vadd.f32 v11, v52;
	[tilespmem:s0+$0xD0] =	vst v1  }
0x2d3: {  	v1 =	vmax.f32 v3, $0.0e+00;
	v3 =	vld [tilespmem:s17+$0xE0]  }
0x2d4: {  	s12 =	simm.s32 $0x2B00;
	v11 =	vmax.f32 v11, $0.0e+00;
	v5 =	vadd.f32 v6, v5;
	[tilespmem:s0+$0x40] =	vst v1;
	v1 =	vld [tilespmem:s11+$0xE0]  }
0x2d5: {  	v13 =	vld [tilespmem:s24+$0x0];
	[tilespmem:s12+$0xFFFFFF00] =	vst v11;
	v2 =	vmax.f32 v2, $0.0e+00  }
0x2d6: {  	v11 =	vld [tilespmem:s24+$0xFFFFFF10];
	[tilespmem:s0+$0xFFFFFFC0] =	vst v2;
	v5 =	vmax.f32 v5, $0.0e+00  }
0x2d7: {  	v2 =	vld [tilespmem:s17+$0xFFFFFFD0];
	[tilespmem:s0+$0xFFFFFF40] =	vst v5  }
0x2d8: {  	v5 =	vld [tilespmem:s17+$0xFFFFFF50]  }
0x2d9: {  	v6 =	vld [tilespmem:s11+$0xFFFFFF50];
	v1 =	vadd.f32 v1, v3  }
0x2da: {  	v3 =	vld [tilespmem:s24+$0xFFFFFF80]  }
0x2db: {  	v4 =	vld [tilespmem:s11+$0xFFFFFFD0];
	v1 =	vmax.f32 v1, $0.0e+00  }
0x2dc: {  	v7 =	vld [tilespmem:s17+$0x50];
	[tilespmem:s0+$0xE0] =	vst v1;
	v1 =	vadd.f32 v10, v9  }
0x2dd: {  	v8 =	vld [tilespmem:s11+$0x50]  }
0x2de: {  	v5 =	vadd.f32 v6, v5;
	v6 =	vld [tilespmem:s14+$0x0];
	v1 =	vmax.f32 v1, $0.0e+00  }
0x2df: {  	v54 =	vld [tilespmem:s14+$0xFFFFFF10];
	v3 =	vadd.f32 v12, v3;
	[tilespmem:s12+$0x80] =	vst v1  }
0x2e0: {  	v1 =	vmax.f32 v5, $0.0e+00;
	v5 =	vld [tilespmem:s24+$0x90]  }
0x2e1: {  	v2 =	vadd.f32 v4, v2;
	[tilespmem:s0+$0xFFFFFF50] =	vst v1;
	v1 =	vmax.f32 v3, $0.0e+00;
	v3 =	vld [tilespmem:s14+$0x90]  }
0x2e2: {  	v7 =	vadd.f32 v8, v7;
	v50 =	vld [tilespmem:s17+$0xF0]  }
0x2e3: {  	v2 =	vmax.f32 v2, $0.0e+00;
	v6 =	vadd.f32 v6, v13;
	v51 =	vld [tilespmem:s11+$0xF0];
	[tilespmem:s12+$0xFFFFFF80] =	vst v1  }
0x2e4: {  	[tilespmem:s0+$0xFFFFFFD0] =	vst v2;
	v7 =	vmax.f32 v7, $0.0e+00;
	v4 =	vld [tilespmem:s24+$0xFFFFFF90]  }
0x2e5: {  	v2 =	vmax.f32 v6, $0.0e+00;
	[tilespmem:s0+$0x50] =	vst v7;
	v53 =	vld [tilespmem:s14+$0xFFFFFF90]  }
0x2e6: {  	v7 =	vld [tilespmem:s11+$0xFFFFFFE0];
	[tilespmem:s12+$0x0] =	vst v2;
	v2 =	vadd.f32 v3, v5  }
0x2e7: {  	v57 =	vld [tilespmem:s17+$0x60]  }
0x2e8: {  	v58 =	vld [tilespmem:s11+$0x60];
	v2 =	vmax.f32 v2, $0.0e+00  }
0x2e9: {  	v1 =	vld [tilespmem:s17+$0xFFFFFF60];
	[tilespmem:s12+$0x90] =	vst v2  }
0x2ea: {  	v4 =	vadd.f32 v53, v4;
	v2 =	vld [tilespmem:s24+$0xA0]  }
0x2eb: {  	v55 =	vld [tilespmem:s14+$0xA0]  }
0x2ec: {  	v5 =	vld [tilespmem:s24+$0x10];
	v4 =	vmax.f32 v4, $0.0e+00  }
0x2ed: {  	[tilespmem:s12+$0xFFFFFF90] =	vst v4;
	v4 =	vld [tilespmem:s14+$0x10]  }
0x2ee: {  	v11 =	vadd.f32 v54, v11;
	v8 =	vld [tilespmem:s24+$0xFFFFFFA0]  }
0x2ef: {  	v56 =	vld [tilespmem:s14+$0xFFFFFFA0]  }
0x2f0: {  	v11 =	vmax.f32 v11, $0.0e+00;
	v6 =	vld [tilespmem:s11+$0xFFFFFF60];
	v2 =	vadd.f32 v55, v2  }
0x2f1: {  	[tilespmem:s12+$0xFFFFFF10] =	vst v11;
	v3 =	vld [tilespmem:s17+$0xFFFFFFE0]  }
0x2f2: {  	v4 =	vadd.f32 v4, v5;
	v5 =	vld [tilespmem:s24+$0xFFFFFF20];
	v2 =	vmax.f32 v2, $0.0e+00  }
0x2f3: {  	[tilespmem:s12+$0xA0] =	vst v2;
	v2 =	vld [tilespmem:s14+$0xFFFFFF20]  }
0x2f4: {  	v8 =	vadd.f32 v56, v8;
	v4 =	vmax.f32 v4, $0.0e+00;
	v59 =	vld [tilespmem:s24+$0xB0]  }
0x2f5: {  	v1 =	vadd.f32 v6, v1;
	[tilespmem:s12+$0x10] =	vst v4;
	v4 =	vld [tilespmem:s14+$0xB0]  }
0x2f6: {  	v6 =	vmax.f32 v8, $0.0e+00;
	v8 =	vld [tilespmem:s24+$0x20]  }
0x2f7: {  	v1 =	vmax.f32 v1, $0.0e+00;
	[tilespmem:s12+$0xFFFFFFA0] =	vst v6;
	v6 =	vld [tilespmem:s14+$0x20]  }
0x2f8: {  	[tilespmem:s0+$0xFFFFFF60] =	vst v1;
	v1 =	vld [tilespmem:s14+$0xFFFFFFB0];
	v2 =	vadd.f32 v2, v5  }
0x2f9: {  	v5 =	vld [tilespmem:s24+$0xFFFFFFB0]  }
0x2fa: {  	v60 =	vld [tilespmem:s17+$0xFFFFFF70];
	v4 =	vadd.f32 v4, v59;
	v2 =	vmax.f32 v2, $0.0e+00  }
0x2fb: {  	[tilespmem:s12+$0xFFFFFF20] =	vst v2;
	v2 =	vld [tilespmem:s11+$0xFFFFFF70]  }
0x2fc: {  	v6 =	vadd.f32 v6, v8;
	v4 =	vmax.f32 v4, $0.0e+00;
	v8 =	vld [tilespmem:s24+$0xFFFFFF30]  }
0x2fd: {  	[tilespmem:s12+$0xB0] =	vst v4;
	v4 =	vld [tilespmem:s14+$0xFFFFFF30]  }
0x2fe: {  	v1 =	vadd.f32 v1, v5;
	v5 =	vmax.f32 v6, $0.0e+00;
	v6 =	vld [tilespmem:s24+$0xC0]  }
0x2ff: {  	[tilespmem:s12+$0x20] =	vst v5;
	v5 =	vld [tilespmem:s14+$0xC0]  }
0x300: {  	v3 =	vadd.f32 v7, v3;
	v1 =	vmax.f32 v1, $0.0e+00;
	v7 =	vld [tilespmem:s24+$0x30]  }
0x301: {  	[tilespmem:s12+$0xFFFFFFB0] =	vst v1;
	v1 =	vld [tilespmem:s14+$0x30]  }
0x302: {  	v3 =	vmax.f32 v3, $0.0e+00;
	v4 =	vadd.f32 v4, v8;
	v8 =	vld [tilespmem:s24+$0xFFFFFFC0]  }
0x303: {  	[tilespmem:s0+$0xFFFFFFE0] =	vst v3;
	v3 =	vld [tilespmem:s14+$0xFFFFFFC0]  }
0x304: {  	v4 =	vmax.f32 v4, $0.0e+00;
	v5 =	vadd.f32 v5, v6;
	v6 =	vld [tilespmem:s17+$0xFFFFFFF0]  }
0x305: {  	[tilespmem:s12+$0xFFFFFF30] =	vst v4;
	v4 =	vld [tilespmem:s11+$0xFFFFFFF0]  }
0x306: {  	v1 =	vadd.f32 v1, v7;
	v7 =	vld [tilespmem:s24+$0xFFFFFF40];
	v5 =	vmax.f32 v5, $0.0e+00  }
0x307: {  	[tilespmem:s12+$0xC0] =	vst v5;
	v5 =	vld [tilespmem:s14+$0xFFFFFF40]  }
0x308: {  	v3 =	vadd.f32 v3, v8;
	v1 =	vmax.f32 v1, $0.0e+00;
	v8 =	vld [tilespmem:s24+$0xD0]  }
0x309: {  	[tilespmem:s12+$0x30] =	vst v1;
	v1 =	vld [tilespmem:s14+$0xD0]  }
0x30a: {  	v11 =	vadd.f32 v58, v57;
	v3 =	vmax.f32 v3, $0.0e+00;
	v61 =	vld [tilespmem:s24+$0x40]  }
0x30b: {  	[tilespmem:s12+$0xFFFFFFC0] =	vst v3;
	v3 =	vld [tilespmem:s14+$0x40]  }
0x30c: {  	v11 =	vmax.f32 v11, $0.0e+00;
	v62 =	vld [tilespmem:s14+$0xFFFFFFD0];
	v5 =	vadd.f32 v5, v7  }
0x30d: {  	v9 =	vadd.f32 v51, v50;
	[tilespmem:s0+$0x60] =	vst v11;
	v7 =	vld [tilespmem:s24+$0xFFFFFFD0]  }
0x30e: {  	v11 =	vld [tilespmem:s11+$0x70];
	v5 =	vmax.f32 v5, $0.0e+00;
	v1 =	vadd.f32 v1, v8  }
0x30f: {  	v9 =	vmax.f32 v9, $0.0e+00;
	v2 =	vadd.f32 v2, v60;
	v8 =	vld [tilespmem:s17+$0x70];
	[tilespmem:s12+$0xFFFFFF40] =	vst v5  }
0x310: {  	[tilespmem:s0+$0xF0] =	vst v9;
	v63 =	vadd.f32 v3, v61;
	v3 =	vld [tilespmem:s24+$0xFFFFFF50];
	v1 =	vmax.f32 v1, $0.0e+00  }
0x311: {  	v2 =	vmax.f32 v2, $0.0e+00;
	v4 =	vadd.f32 v4, v6;
	v5 =	vld [tilespmem:s14+$0xFFFFFF50];
	[tilespmem:s12+$0xD0] =	vst v1  }
0x312: {  	[tilespmem:s0+$0xFFFFFF70] =	vst v2;
	v1 =	vadd.f32 v62, v7;
	v6 =	vmax.f32 v63, $0.0e+00;
	v2 =	vld [tilespmem:s24+$0xE0]  }
0x313: {  	v7 =	vmax.f32 v4, $0.0e+00;
	[tilespmem:s12+$0x40] =	vst v6;
	v4 =	vld [tilespmem:s14+$0xE0]  }
0x314: {  	[tilespmem:s0+$0xFFFFFFF0] =	vst v7;
	v7 =	vmax.f32 v1, $0.0e+00;
	v6 =	vld [tilespmem:s24+$0x50];
	v1 =	vadd.f32 v11, v8  }
0x315: {  	s13 =	simm.s32 $0xD00;
	s11 =	simm.s32 $0x4;
	s17 =	simm.s32 $0x1B00;
	[tilespmem:s12+$0xFFFFFFD0] =	vst v7;
	v7 =	vld [tilespmem:s14+$0x50]  }
.LBB2_9:
0x316: {  	v8 =	vld [tilespmem:s13+$0x80];
	v3 =	vadd.f32 v5, v3;
	s14 =	sadd.s32 $0x200, s14;
	v1 =	vmax.f32 v1, $0.0e+00  }
0x317: {  	v5 =	vld [tilespmem:s14+$0x80];
	[tilespmem:s0+$0x70] =	vst v1;
	s0 =	smov.u32 s12  }
0x318: {  	v1 =	vld [tilespmem:s14+$0xFFFFFF00];
	v3 =	vmax.f32 v3, $0.0e+00;
	v2 =	vadd.f32 v4, v2  }
0x319: {  	v4 =	vld [tilespmem:s13+$0xFFFFFF80];
	[tilespmem:s12+$0xFFFFFF50] =	vst v3  }
0x31a: {  	v3 =	vld [tilespmem:s14+$0xFFFFFF80];
	v6 =	vadd.f32 v7, v6;
	v2 =	vmax.f32 v2, $0.0e+00  }
0x31b: {  	v7 =	vld [tilespmem:s13+$0x0];
	[tilespmem:s12+$0xE0] =	vst v2  }
0x31c: {  	v2 =	vadd.f32 v5, v8;
	v5 =	vmax.f32 v6, $0.0e+00;
	v6 =	vld [tilespmem:s24+$0xF0]  }
0x31d: {  	[tilespmem:s12+$0x50] =	vst v5;
	v5 =	vld [tilespmem:s17+$0xF0]  }
0x31e: {  	s11 =	sadd.s32 $0x4, s11;
	s12 =	sadd.s32 $0x200, s12;
	v8 =	vld [tilespmem:s14+$0x0];
	v2 =	vmax.f32 v2, $0.0e+00  }
0x31f: {  	p0 =	slt.u32 s11, $0x1C;
	v9 =	vld [tilespmem:s13+$0xFFFFFF00];
	v3 =	vadd.f32 v3, v4;
	[tilespmem:s12+$0x80] =	vst v2  }
0x320: {  	v2 =	vld [tilespmem:s13+$0x90]  }
0x321: {  	v3 =	vmax.f32 v3, $0.0e+00;
	v4 =	vld [tilespmem:s14+$0x90]  }
0x322: {  	[tilespmem:s12+$0xFFFFFF80] =	vst v3;
	v3 =	vld [tilespmem:s24+$0xFFFFFF60];
	v5 =	vadd.f32 v5, v6  }
0x323: {  	v6 =	vld [tilespmem:s13+$0xFFFFFF90];
	v7 =	vadd.f32 v8, v7  }
0x324: {  	v1 =	vadd.f32 v1, v9;
	v8 =	vld [tilespmem:s14+$0xFFFFFF90];
	v5 =	vmax.f32 v5, $0.0e+00  }
0x325: {  	v7 =	vmax.f32 v7, $0.0e+00;
	v9 =	vld [tilespmem:s17+$0xFFFFFF60];
	[tilespmem:s0+$0xF0] =	vst v5  }
0x326: {  	v1 =	vmax.f32 v1, $0.0e+00;
	[tilespmem:s12+$0x0] =	vst v7;
	v2 =	vadd.f32 v4, v2;
	v4 =	vld [tilespmem:s24+$0xFFFFFFE0]  }
0x327: {  	[tilespmem:s12+$0xFFFFFF00] =	vst v1;
	v1 =	vld [tilespmem:s13+$0x10]  }
0x328: {  	v5 =	vld [tilespmem:s13+$0xFFFFFF10];
	v2 =	vmax.f32 v2, $0.0e+00  }
0x329: {  	v7 =	vld [tilespmem:s14+$0xFFFFFF10];
	v6 =	vadd.f32 v8, v6;
	[tilespmem:s12+$0x90] =	vst v2  }
0x32a: {  	v2 =	vld [tilespmem:s13+$0xA0];
	v3 =	vadd.f32 v9, v3  }
0x32b: {  	v6 =	vmax.f32 v6, $0.0e+00;
	v8 =	vld [tilespmem:s14+$0xA0]  }
0x32c: {  	[tilespmem:s12+$0xFFFFFF90] =	vst v6;
	v6 =	vld [tilespmem:s14+$0x10];
	v3 =	vmax.f32 v3, $0.0e+00  }
0x32d: {  	v9 =	vld [tilespmem:s13+$0xFFFFFFA0];
	[tilespmem:s0+$0xFFFFFF60] =	vst v3  }
0x32e: {  	v3 =	vadd.f32 v7, v5;
	v5 =	vld [tilespmem:s14+$0xFFFFFFA0]  }
0x32f: {  	v7 =	vld [tilespmem:s17+$0xFFFFFFE0]  }
0x330: {  	v3 =	vmax.f32 v3, $0.0e+00;
	v2 =	vadd.f32 v8, v2;
	v8 =	vld [tilespmem:s24+$0x60]  }
0x331: {  	[tilespmem:s12+$0xFFFFFF10] =	vst v3;
	v1 =	vadd.f32 v6, v1;
	v3 =	vld [tilespmem:s17+$0x60]  }
0x332: {  	v6 =	vld [tilespmem:s13+$0xFFFFFF20];
	v2 =	vmax.f32 v2, $0.0e+00  }
0x333: {  	v10 =	vld [tilespmem:s14+$0xFFFFFF20];
	v5 =	vadd.f32 v5, v9;
	v1 =	vmax.f32 v1, $0.0e+00;
	[tilespmem:s12+$0xA0] =	vst v2  }
0x334: {  	[tilespmem:s12+$0x10] =	vst v1;
	v1 =	vld [tilespmem:s13+$0xB0];
	v2 =	vadd.f32 v7, v4  }
0x335: {  	v4 =	vmax.f32 v5, $0.0e+00;
	v5 =	vld [tilespmem:s14+$0xB0]  }
0x336: {  	[tilespmem:s12+$0xFFFFFFA0] =	vst v4;
	v4 =	vld [tilespmem:s13+$0x20];
	v2 =	vmax.f32 v2, $0.0e+00;
	v3 =	vadd.f32 v3, v8  }
0x337: {  	v7 =	vld [tilespmem:s14+$0x20];
	[tilespmem:s0+$0xFFFFFFE0] =	vst v2  }
0x338: {  	v2 =	vadd.f32 v10, v6;
	v6 =	vld [tilespmem:s13+$0xFFFFFFB0];
	v3 =	vmax.f32 v3, $0.0e+00  }
0x339: {  	v8 =	vld [tilespmem:s14+$0xFFFFFFB0];
	[tilespmem:s0+$0x60] =	vst v3  }
0x33a: {  	v2 =	vmax.f32 v2, $0.0e+00;
	v1 =	vadd.f32 v5, v1;
	v3 =	vld [tilespmem:s24+$0xFFFFFF70]  }
0x33b: {  	[tilespmem:s12+$0xFFFFFF20] =	vst v2;
	v2 =	vld [tilespmem:s17+$0xFFFFFF70]  }
0x33c: {  	v5 =	vld [tilespmem:s13+$0xFFFFFF30];
	v4 =	vadd.f32 v7, v4;
	v1 =	vmax.f32 v1, $0.0e+00  }
0x33d: {  	v7 =	vld [tilespmem:s14+$0xFFFFFF30];
	[tilespmem:s12+$0xB0] =	vst v1  }
0x33e: {  	v1 =	vadd.f32 v8, v6;
	v4 =	vmax.f32 v4, $0.0e+00;
	v6 =	vld [tilespmem:s13+$0xC0]  }
0x33f: {  	[tilespmem:s12+$0x20] =	vst v4;
	v4 =	vld [tilespmem:s14+$0xC0]  }
0x340: {  	v1 =	vmax.f32 v1, $0.0e+00;
	v8 =	vld [tilespmem:s13+$0x30];
	v2 =	vadd.f32 v2, v3  }
0x341: {  	[tilespmem:s12+$0xFFFFFFB0] =	vst v1;
	v1 =	vld [tilespmem:s14+$0x30]  }
0x342: {  	v3 =	vadd.f32 v7, v5;
	v5 =	vld [tilespmem:s13+$0xFFFFFFC0];
	v2 =	vmax.f32 v2, $0.0e+00  }
0x343: {  	v7 =	vld [tilespmem:s14+$0xFFFFFFC0];
	[tilespmem:s0+$0xFFFFFF70] =	vst v2  }
0x344: {  	v2 =	vmax.f32 v3, $0.0e+00;
	v3 =	vadd.f32 v4, v6;
	v4 =	vld [tilespmem:s24+$0xFFFFFFF0]  }
0x345: {  	[tilespmem:s12+$0xFFFFFF30] =	vst v2;
	v2 =	vld [tilespmem:s17+$0xFFFFFFF0]  }
0x346: {  	v6 =	vld [tilespmem:s13+$0xFFFFFF40];
	v1 =	vadd.f32 v1, v8;
	v3 =	vmax.f32 v3, $0.0e+00  }
0x347: {  	v8 =	vld [tilespmem:s14+$0xFFFFFF40];
	[tilespmem:s12+$0xC0] =	vst v3  }
0x348: {  	v3 =	vadd.f32 v7, v5;
	v1 =	vmax.f32 v1, $0.0e+00;
	v5 =	vld [tilespmem:s13+$0xD0]  }
0x349: {  	[tilespmem:s12+$0x30] =	vst v1;
	v1 =	vld [tilespmem:s14+$0xD0]  }
0x34a: {  	v3 =	vmax.f32 v3, $0.0e+00;
	v7 =	vld [tilespmem:s13+$0x40];
	v2 =	vadd.f32 v2, v4  }
0x34b: {  	[tilespmem:s12+$0xFFFFFFC0] =	vst v3;
	v4 =	vld [tilespmem:s14+$0x40]  }
0x34c: {  	v3 =	vadd.f32 v8, v6;
	v6 =	vld [tilespmem:s13+$0xFFFFFFD0];
	v2 =	vmax.f32 v2, $0.0e+00  }
0x34d: {  	v8 =	vld [tilespmem:s14+$0xFFFFFFD0];
	[tilespmem:s0+$0xFFFFFFF0] =	vst v2  }
0x34e: {  	v2 =	vmax.f32 v3, $0.0e+00;
	v1 =	vadd.f32 v1, v5;
	v9 =	vld [tilespmem:s24+$0x70];
	s24 =	smov.u32 s13  }
0x34f: {  	[tilespmem:s12+$0xFFFFFF40] =	vst v2;
	v10 =	vld [tilespmem:s17+$0x70];
	s17 =	smov.u32 s14  }
0x350: {  	v3 =	vld [tilespmem:s13+$0xFFFFFF50];
	v2 =	vadd.f32 v4, v7;
	v1 =	vmax.f32 v1, $0.0e+00  }
.Ltmp3:
0x351: {  	v5 =	vld [tilespmem:s14+$0xFFFFFF50];
	[tilespmem:s12+$0xD0] =	vst v1;
	(pc) =	sbr.rel @p0 .LBB2_9-.Ltmp3, $4  }
0x352: {  	v1 =	vadd.f32 v8, v6;
	v4 =	vmax.f32 v2, $0.0e+00;
	v2 =	vld [tilespmem:s13+$0xE0]  }
0x353: {  	[tilespmem:s12+$0x40] =	vst v4;
	v4 =	vld [tilespmem:s14+$0xE0]  }
0x354: {  	v7 =	vmax.f32 v1, $0.0e+00;
	v6 =	vld [tilespmem:s13+$0x50];
	v1 =	vadd.f32 v10, v9  }
0x355: {  	s13 =	sadd.s32 $0x200, s13;
	[tilespmem:s12+$0xFFFFFFD0] =	vst v7;
	v7 =	vld [tilespmem:s14+$0x50]  }
0x356: {  	v3 =	vadd.f32 v5, v3;
	_ =	sdelay $0x1  }
0x357: {  	v3 =	vmax.f32 v3, $0.0e+00  }
0x358: {  	[tilespmem:s12+$0xFFFFFF50] =	vst v3  }
0x359: {  	v3 =	vadd.f32 v7, v6;
	v5 =	vld [tilespmem:s24+$0xFFFFFF60]  }
0x35a: {  	v6 =	vld [tilespmem:s17+$0xFFFFFF60]  }
0x35b: {  	v7 =	vld [tilespmem:s24+$0xFFFFFFE0];
	v3 =	vmax.f32 v3, $0.0e+00  }
0x35c: {  	[tilespmem:s12+$0x50] =	vst v3;
	v3 =	vld [tilespmem:s17+$0xFFFFFFE0]  }
0x35d: {  	v2 =	vadd.f32 v4, v2;
	v4 =	vld [tilespmem:s24+$0x60]  }
0x35e: {  	v8 =	vld [tilespmem:s17+$0x60]  }
0x35f: {  	v2 =	vmax.f32 v2, $0.0e+00;
	v5 =	vadd.f32 v6, v5  }
0x360: {  	[tilespmem:s12+$0xE0] =	vst v2  }
0x361: {  	v2 =	vld [tilespmem:s24+$0xF0];
	v5 =	vmax.f32 v5, $0.0e+00;
	v3 =	vadd.f32 v3, v7  }
0x362: {  	v6 =	vld [tilespmem:s17+$0xF0];
	[tilespmem:s12+$0xFFFFFF60] =	vst v5  }
0x363: {  	v4 =	vadd.f32 v8, v4;
	v5 =	vld [tilespmem:s24+$0xFFFFFF70];
	v3 =	vmax.f32 v3, $0.0e+00  }
0x364: {  	[tilespmem:s12+$0xFFFFFFE0] =	vst v3;
	v3 =	vld [tilespmem:s17+$0xFFFFFF70]  }
0x365: {  	v4 =	vmax.f32 v4, $0.0e+00;
	v7 =	vld [tilespmem:s24+$0xFFFFFFF0]  }
0x366: {  	[tilespmem:s12+$0x60] =	vst v4;
	v4 =	vld [tilespmem:s17+$0xFFFFFFF0]  }
0x367: {  	s11 =	smul.u32 $0xAB, s23;
	v8 =	vld [tilespmem:s24+$0x70]  }
0x368: {  	v9 =	vld [tilespmem:s17+$0x70]  }
0x369: {  	s11 =	sshrl.u32 s11, $0x9  }
0x36a: {  	s11 =	sand.u32 $0x7F, s11;
	v2 =	vadd.f32 v6, v2  }
0x36b: {  	v1 =	vmax.f32 v1, $0.0e+00;
	s11 =	smul.u32 $0x3, s11;
	v3 =	vadd.f32 v3, v5  }
0x36c: {  	[tilespmem:s0+$0x70] =	vst v1;
	v1 =	vmax.f32 v2, $0.0e+00;
	v2 =	vadd.f32 v4, v7  }
0x36d: {  	s13 =	ssub.s32 s23, s11;
	[tilespmem:s12+$0xF0] =	vst v1;
	v1 =	vmax.f32 v3, $0.0e+00;
	v3 =	vadd.f32 v9, v8  }
0x36e: {  	s0 =	sand.u32 $0xFF, s13;
	[tilespmem:s12+$0xFFFFFF70] =	vst v1;
	v1 =	vmax.f32 v2, $0.0e+00  }
0x36f: {  	s26 =	sshll.u32 s0, $0x7;
	s24 =	sadd.s32 $0x1, s23;
	[tilespmem:s12+$0xFFFFFFF0] =	vst v1;
	v1 =	vmax.f32 v3, $0.0e+00  }
0x370: {  	s0 =	sor.u32 $0x200, s26;
	s14 =	smulhi.u32 $0xAAAAAAAB, s24;
	[tilespmem:s12+$0x70] =	vst v1  }
0x371: {  	[spmem:s2] =	stream.indirect.scatter.add.f32 [tilespmem:s3], [sflag:$0x5], $0x80, s0, s10, $0xb8;
	[tilespmem:$0x1A800] =	vst v63  }
0x372: {  	s17 =	sshrl.u32 s14, $0x1;
	_ =	swait.ge [sflag:s9], $0x20  }
0x373: {  	s0 =	smul.u32 $0x3, s17;
	[sflag:s9] =	ssyncset.done $0x0  }
0x374: {  	s22 =	simm.s32 $0x800;
	s30 =	sshll.u32 s23, $0xD;
	[sflag:s9] =	ssyncadd.s32 $0xFFFFFFE0  }
0x375: {  	p0 =	seq.s32 s23, $0x9B;
	s0 =	ssub.s32 s24, s0;
	_ =	swait.ge [sflag:s9], $0x20  }
0x376: {  	s0 =	sshll.u32 s0, $0x9;
	[sflag:s9] =	ssyncset.done $0x0;
	s25 =	rddreg [dreg:$0x15]  }
0x377: {  	s19 =	sshrl.u32 s0, $0x2;
	[sflag:s9] =	ssyncadd.s32 $0xFFFFFFE0;
	s11 =	sadd.s32 s25, s30  }
0x378: {  	[tilespmem:s22], [sflag:$0x3] =	stream.indirect.gather [hbm4b:s1+s10], $0x80, s19, s10, $0xb8;
	[tilespmem:$0x1A800] =	vst v63  }
0x379: {  	s12 =	sadd.s32 @!p0 $0x2, s23;
	s11 =	sshrl.u32 s11, $0x3  }
0x37a: {  	s14 =	simm.s32 $0x1800;
	s13 =	smulhi.u32 @!p0 $0xAAAAAAAB, s12;
	s11 =	sadd.s32 s7, s11  }
0x37b: {  	[tilespmem:s14], [sflag:$0x3] =	stream.linear.gather [hbm4b:s11+s4], $0x1000, $0x38;
	[tilespmem:$0x1A800] =	vst v63  }
0x37c: {  	s11 =	sshrl.u32 @!p0 s13, $0x1  }
0x37d: {  	s25 =	sshll.u32 s23, $0x6;
	s11 =	smul.u32 @!p0 $0x3, s11  }
0x37e: {  	s13 =	sadd.s32 @!p0 s25, s21  }
0x37f: {  	s11 =	ssub.s32 @!p0 s12, s11;
	s12 =	sshrl.u32 @!p0 s13, $0x3  }
0x380: {  	s14 =	simm.s32 @!p0 $0x0;
	s11 =	sshll.u32 @!p0 s11, $0x7;
	s13 =	sadd.s32 @!p0 s5, s12  }
0x381: {  	[tilespmem:s11], [sflag:$0x1] =	stream.linear.gather @!p0 [hbm4b:s13+s14], $0x20, $0x38;
	[tilespmem:$0x1A800] =	vst v63  }
0x382: {  	s12 =	sadd.s32 @!p0 s6, s12;
	s11 =	sor.u32 @!p0 $0x200, s11  }
0x383: {  	[tilespmem:s11], [sflag:$0x1] =	stream.linear.gather @!p0 [hbm4b:s12+s14], $0x20, $0x38;
	[tilespmem:$0x1A800] =	vst v63  }
0x384: {  	_ =	swait.ge [sflag:s20], $0x1000  }
0x385: {  	[sflag:s20] =	ssyncset.done $0x0  }
0x386: {  	[sflag:s20] =	ssyncadd.s32 $0xFFFFF000  }
0x387: {  	_ =	swait.ge [sflag:s16], $0x1000  }
0x388: {  	[sflag:s16] =	ssyncset.done $0x0  }
0x389: {  	[sflag:s16] =	ssyncadd.s32 $0xFFFFF000  }
0x38a: {  	_ =	swait.ge [sflag:s16], $0x1000  }
0x38b: {  	[sflag:s16] =	ssyncset.done $0x0  }
0x38c: {  	s11 =	simm.s32 $0x3900;
	[sflag:s16] =	ssyncadd.s32 $0xFFFFF000  }
0x38d: {  	s19 =	simm.s32 $0x4900;
	v1 =	vld [tilespmem:s11+$0x80]  }
0x38e: {  	v2 =	vld [tilespmem:s19+$0x80];
	_ =	sdelay $0x4  }
0x38f: {  	v3 =	vld [tilespmem:s11+$0xFFFFFF80];
	v1 =	vadd.f32 v2, v1  }
0x390: {  	v2 =	vld [tilespmem:s19+$0xFFFFFF80]  }
0x391: {  	s12 =	simm.s32 $0x5900;
	v4 =	vld [tilespmem:s19+$0xFFFFFF00];
	v1 =	vmax.f32 v1, $0.0e+00  }
0x392: {  	v5 =	vld [tilespmem:s11+$0xFFFFFF00];
	[tilespmem:s12+$0x80] =	vst v1  }
0x393: {  	v1 =	vld [tilespmem:s11+$0x90]  }
0x394: {  	v6 =	vld [tilespmem:s19+$0x90]  }
0x395: {  	v7 =	vld [tilespmem:s11+$0x0];
	v2 =	vadd.f32 v2, v3  }
0x396: {  	v3 =	vld [tilespmem:s19+$0x0]  }
0x397: {  	v4 =	vadd.f32 v4, v5;
	v2 =	vmax.f32 v2, $0.0e+00  }
0x398: {  	[tilespmem:s12+$0xFFFFFF80] =	vst v2  }
0x399: {  	v4 =	vmax.f32 v4, $0.0e+00;
	v2 =	vld [tilespmem:s11+$0xFFFFFF90];
	v1 =	vadd.f32 v6, v1  }
0x39a: {  	[tilespmem:s12+$0xFFFFFF00] =	vst v4;
	v5 =	vld [tilespmem:s19+$0xFFFFFF90]  }
0x39b: {  	v4 =	vld [tilespmem:s11+$0xFFFFFF10];
	v3 =	vadd.f32 v3, v7;
	v1 =	vmax.f32 v1, $0.0e+00  }
0x39c: {  	v6 =	vld [tilespmem:s19+$0xFFFFFF10];
	[tilespmem:s12+$0x90] =	vst v1  }
0x39d: {  	v1 =	vmax.f32 v3, $0.0e+00;
	v3 =	vld [tilespmem:s11+$0xA0]  }
0x39e: {  	[tilespmem:s12+$0x0] =	vst v1;
	v1 =	vld [tilespmem:s19+$0xA0]  }
0x39f: {  	v7 =	vld [tilespmem:s11+$0x10];
	v2 =	vadd.f32 v5, v2  }
0x3a0: {  	v5 =	vld [tilespmem:s19+$0x10]  }
0x3a1: {  	v2 =	vmax.f32 v2, $0.0e+00  }
0x3a2: {  	v4 =	vadd.f32 v6, v4;
	[tilespmem:s12+$0xFFFFFF90] =	vst v2  }
0x3a3: {  	v2 =	vld [tilespmem:s11+$0xFFFFFFA0];
	v1 =	vadd.f32 v1, v3  }
0x3a4: {  	v4 =	vmax.f32 v4, $0.0e+00;
	v3 =	vld [tilespmem:s19+$0xFFFFFFA0]  }
0x3a5: {  	[tilespmem:s12+$0xFFFFFF10] =	vst v4;
	v4 =	vadd.f32 v5, v7;
	v1 =	vmax.f32 v1, $0.0e+00  }
0x3a6: {  	[tilespmem:s12+$0xA0] =	vst v1  }
0x3a7: {  	v1 =	vmax.f32 v4, $0.0e+00;
	v4 =	vld [tilespmem:s11+$0xB0]  }
0x3a8: {  	[tilespmem:s12+$0x10] =	vst v1;
	v1 =	vld [tilespmem:s19+$0xB0]  }
0x3a9: {  	v2 =	vadd.f32 v3, v2;
	v3 =	vld [tilespmem:s11+$0x20]  }
0x3aa: {  	v7 =	vld [tilespmem:s19+$0x20]  }
0x3ab: {  	v6 =	vld [tilespmem:s19+$0xFFFFFF20];
	v2 =	vmax.f32 v2, $0.0e+00  }
0x3ac: {  	v5 =	vld [tilespmem:s11+$0xFFFFFF20];
	[tilespmem:s12+$0xFFFFFFA0] =	vst v2  }
0x3ad: {  	v2 =	vld [tilespmem:s11+$0xFFFFFFB0];
	v1 =	vadd.f32 v1, v4  }
0x3ae: {  	v4 =	vld [tilespmem:s19+$0xFFFFFFB0]  }
0x3af: {  	v3 =	vadd.f32 v7, v3;
	v1 =	vmax.f32 v1, $0.0e+00  }
0x3b0: {  	[tilespmem:s12+$0xB0] =	vst v1  }
0x3b1: {  	v5 =	vadd.f32 v6, v5;
	v1 =	vmax.f32 v3, $0.0e+00;
	v3 =	vld [tilespmem:s11+$0xC0]  }
0x3b2: {  	[tilespmem:s12+$0x20] =	vst v1;
	v1 =	vld [tilespmem:s19+$0xC0]  }
0x3b3: {  	v5 =	vmax.f32 v5, $0.0e+00;
	v2 =	vadd.f32 v4, v2;
	v4 =	vld [tilespmem:s11+$0x30]  }
0x3b4: {  	[tilespmem:s12+$0xFFFFFF20] =	vst v5;
	v7 =	vld [tilespmem:s19+$0x30]  }
0x3b5: {  	v5 =	vld [tilespmem:s11+$0xFFFFFF30];
	v2 =	vmax.f32 v2, $0.0e+00  }
0x3b6: {  	v6 =	vld [tilespmem:s19+$0xFFFFFF30];
	[tilespmem:s12+$0xFFFFFFB0] =	vst v2  }
0x3b7: {  	v2 =	vld [tilespmem:s11+$0xFFFFFFC0];
	v1 =	vadd.f32 v1, v3  }
0x3b8: {  	v3 =	vld [tilespmem:s19+$0xFFFFFFC0]  }
0x3b9: {  	s17 =	simm.s32 $0x4B00;
	v4 =	vadd.f32 v7, v4;
	v1 =	vmax.f32 v1, $0.0e+00  }
0x3ba: {  	v11 =	vld [tilespmem:s17+$0xFFFFFF00];
	[tilespmem:s12+$0xC0] =	vst v1  }
0x3bb: {  	v1 =	vmax.f32 v4, $0.0e+00;
	v4 =	vld [tilespmem:s11+$0xD0]  }
0x3bc: {  	v5 =	vadd.f32 v6, v5;
	[tilespmem:s12+$0x30] =	vst v1;
	v1 =	vld [tilespmem:s19+$0xD0]  }
0x3bd: {  	v2 =	vadd.f32 v3, v2;
	v3 =	vld [tilespmem:s11+$0x40]  }
0x3be: {  	s14 =	simm.s32 $0x3B00;
	v5 =	vmax.f32 v5, $0.0e+00;
	v7 =	vld [tilespmem:s19+$0x40]  }
0x3bf: {  	v52 =	vld [tilespmem:s14+$0xFFFFFF00];
	[tilespmem:s12+$0xFFFFFF30] =	vst v5  }
0x3c0: {  	v5 =	vld [tilespmem:s11+$0xFFFFFF40]  }
0x3c1: {  	v6 =	vld [tilespmem:s19+$0xFFFFFF40];
	v1 =	vadd.f32 v1, v4  }
0x3c2: {  	v49 =	vld [tilespmem:s14+$0x80]  }
0x3c3: {  	v10 =	vld [tilespmem:s17+$0x80];
	v3 =	vadd.f32 v7, v3;
	v1 =	vmax.f32 v1, $0.0e+00  }
0x3c4: {  	v12 =	vld [tilespmem:s17+$0xFFFFFF80];
	v11 =	vadd.f32 v11, v52;
	[tilespmem:s12+$0xD0] =	vst v1  }
0x3c5: {  	v1 =	vmax.f32 v3, $0.0e+00;
	v3 =	vld [tilespmem:s11+$0xE0]  }
0x3c6: {  	s22 =	simm.s32 $0x5B00;
	v11 =	vmax.f32 v11, $0.0e+00;
	v5 =	vadd.f32 v6, v5;
	[tilespmem:s12+$0x40] =	vst v1;
	v1 =	vld [tilespmem:s19+$0xE0]  }
0x3c7: {  	v13 =	vld [tilespmem:s14+$0x0];
	[tilespmem:s22+$0xFFFFFF00] =	vst v11;
	v2 =	vmax.f32 v2, $0.0e+00  }
0x3c8: {  	v11 =	vld [tilespmem:s14+$0xFFFFFF10];
	[tilespmem:s12+$0xFFFFFFC0] =	vst v2;
	v5 =	vmax.f32 v5, $0.0e+00  }
0x3c9: {  	v2 =	vld [tilespmem:s11+$0xFFFFFFD0];
	[tilespmem:s12+$0xFFFFFF40] =	vst v5  }
0x3ca: {  	v5 =	vld [tilespmem:s11+$0xFFFFFF50]  }
0x3cb: {  	v6 =	vld [tilespmem:s19+$0xFFFFFF50];
	v1 =	vadd.f32 v1, v3  }
0x3cc: {  	v3 =	vld [tilespmem:s14+$0xFFFFFF80]  }
0x3cd: {  	v4 =	vld [tilespmem:s19+$0xFFFFFFD0];
	v1 =	vmax.f32 v1, $0.0e+00  }
0x3ce: {  	v7 =	vld [tilespmem:s11+$0x50];
	[tilespmem:s12+$0xE0] =	vst v1;
	v1 =	vadd.f32 v10, v49  }
0x3cf: {  	v8 =	vld [tilespmem:s19+$0x50]  }
0x3d0: {  	v5 =	vadd.f32 v6, v5;
	v6 =	vld [tilespmem:s17+$0x0];
	v1 =	vmax.f32 v1, $0.0e+00  }
0x3d1: {  	v54 =	vld [tilespmem:s17+$0xFFFFFF10];
	v3 =	vadd.f32 v12, v3;
	[tilespmem:s22+$0x80] =	vst v1  }
0x3d2: {  	v1 =	vmax.f32 v5, $0.0e+00;
	v5 =	vld [tilespmem:s14+$0x90]  }
0x3d3: {  	v2 =	vadd.f32 v4, v2;
	[tilespmem:s12+$0xFFFFFF50] =	vst v1;
	v1 =	vmax.f32 v3, $0.0e+00;
	v3 =	vld [tilespmem:s17+$0x90]  }
0x3d4: {  	v7 =	vadd.f32 v8, v7;
	v50 =	vld [tilespmem:s11+$0xF0]  }
0x3d5: {  	v2 =	vmax.f32 v2, $0.0e+00;
	v6 =	vadd.f32 v6, v13;
	v51 =	vld [tilespmem:s19+$0xF0];
	[tilespmem:s22+$0xFFFFFF80] =	vst v1  }
0x3d6: {  	[tilespmem:s12+$0xFFFFFFD0] =	vst v2;
	v7 =	vmax.f32 v7, $0.0e+00;
	v4 =	vld [tilespmem:s14+$0xFFFFFF90]  }
0x3d7: {  	v2 =	vmax.f32 v6, $0.0e+00;
	[tilespmem:s12+$0x50] =	vst v7;
	v53 =	vld [tilespmem:s17+$0xFFFFFF90]  }
0x3d8: {  	v7 =	vld [tilespmem:s19+$0xFFFFFFE0];
	[tilespmem:s22+$0x0] =	vst v2;
	v2 =	vadd.f32 v3, v5  }
0x3d9: {  	v57 =	vld [tilespmem:s11+$0x60]  }
0x3da: {  	v58 =	vld [tilespmem:s19+$0x60];
	v2 =	vmax.f32 v2, $0.0e+00  }
0x3db: {  	v1 =	vld [tilespmem:s11+$0xFFFFFF60];
	[tilespmem:s22+$0x90] =	vst v2  }
0x3dc: {  	v4 =	vadd.f32 v53, v4;
	v2 =	vld [tilespmem:s14+$0xA0]  }
0x3dd: {  	v55 =	vld [tilespmem:s17+$0xA0]  }
0x3de: {  	v5 =	vld [tilespmem:s14+$0x10];
	v4 =	vmax.f32 v4, $0.0e+00  }
0x3df: {  	[tilespmem:s22+$0xFFFFFF90] =	vst v4;
	v4 =	vld [tilespmem:s17+$0x10]  }
0x3e0: {  	v11 =	vadd.f32 v54, v11;
	v8 =	vld [tilespmem:s14+$0xFFFFFFA0]  }
0x3e1: {  	v56 =	vld [tilespmem:s17+$0xFFFFFFA0]  }
0x3e2: {  	v11 =	vmax.f32 v11, $0.0e+00;
	v6 =	vld [tilespmem:s19+$0xFFFFFF60];
	v2 =	vadd.f32 v55, v2  }
0x3e3: {  	[tilespmem:s22+$0xFFFFFF10] =	vst v11;
	v3 =	vld [tilespmem:s11+$0xFFFFFFE0]  }
0x3e4: {  	v4 =	vadd.f32 v4, v5;
	v5 =	vld [tilespmem:s14+$0xFFFFFF20];
	v2 =	vmax.f32 v2, $0.0e+00  }
0x3e5: {  	[tilespmem:s22+$0xA0] =	vst v2;
	v2 =	vld [tilespmem:s17+$0xFFFFFF20]  }
0x3e6: {  	v8 =	vadd.f32 v56, v8;
	v4 =	vmax.f32 v4, $0.0e+00;
	v59 =	vld [tilespmem:s14+$0xB0]  }
0x3e7: {  	v1 =	vadd.f32 v6, v1;
	[tilespmem:s22+$0x10] =	vst v4;
	v4 =	vld [tilespmem:s17+$0xB0]  }
0x3e8: {  	v6 =	vmax.f32 v8, $0.0e+00;
	v8 =	vld [tilespmem:s14+$0x20]  }
0x3e9: {  	v1 =	vmax.f32 v1, $0.0e+00;
	[tilespmem:s22+$0xFFFFFFA0] =	vst v6;
	v6 =	vld [tilespmem:s17+$0x20]  }
0x3ea: {  	[tilespmem:s12+$0xFFFFFF60] =	vst v1;
	v1 =	vld [tilespmem:s17+$0xFFFFFFB0];
	v2 =	vadd.f32 v2, v5  }
0x3eb: {  	v5 =	vld [tilespmem:s14+$0xFFFFFFB0]  }
0x3ec: {  	v60 =	vld [tilespmem:s11+$0xFFFFFF70];
	v4 =	vadd.f32 v4, v59;
	v2 =	vmax.f32 v2, $0.0e+00  }
0x3ed: {  	[tilespmem:s22+$0xFFFFFF20] =	vst v2;
	v2 =	vld [tilespmem:s19+$0xFFFFFF70]  }
0x3ee: {  	v6 =	vadd.f32 v6, v8;
	v4 =	vmax.f32 v4, $0.0e+00;
	v8 =	vld [tilespmem:s14+$0xFFFFFF30]  }
0x3ef: {  	[tilespmem:s22+$0xB0] =	vst v4;
	v4 =	vld [tilespmem:s17+$0xFFFFFF30]  }
0x3f0: {  	v1 =	vadd.f32 v1, v5;
	v5 =	vmax.f32 v6, $0.0e+00;
	v6 =	vld [tilespmem:s14+$0xC0]  }
0x3f1: {  	[tilespmem:s22+$0x20] =	vst v5;
	v5 =	vld [tilespmem:s17+$0xC0]  }
0x3f2: {  	v3 =	vadd.f32 v7, v3;
	v1 =	vmax.f32 v1, $0.0e+00;
	v7 =	vld [tilespmem:s14+$0x30]  }
0x3f3: {  	[tilespmem:s22+$0xFFFFFFB0] =	vst v1;
	v1 =	vld [tilespmem:s17+$0x30]  }
0x3f4: {  	v3 =	vmax.f32 v3, $0.0e+00;
	v4 =	vadd.f32 v4, v8;
	v8 =	vld [tilespmem:s14+$0xFFFFFFC0]  }
0x3f5: {  	[tilespmem:s12+$0xFFFFFFE0] =	vst v3;
	v3 =	vld [tilespmem:s17+$0xFFFFFFC0]  }
0x3f6: {  	v4 =	vmax.f32 v4, $0.0e+00;
	v5 =	vadd.f32 v5, v6;
	v6 =	vld [tilespmem:s11+$0xFFFFFFF0]  }
0x3f7: {  	[tilespmem:s22+$0xFFFFFF30] =	vst v4;
	v4 =	vld [tilespmem:s19+$0xFFFFFFF0]  }
0x3f8: {  	v1 =	vadd.f32 v1, v7;
	v7 =	vld [tilespmem:s14+$0xFFFFFF40];
	v5 =	vmax.f32 v5, $0.0e+00  }
0x3f9: {  	[tilespmem:s22+$0xC0] =	vst v5;
	v5 =	vld [tilespmem:s17+$0xFFFFFF40]  }
0x3fa: {  	v3 =	vadd.f32 v3, v8;
	v1 =	vmax.f32 v1, $0.0e+00;
	v8 =	vld [tilespmem:s14+$0xD0]  }
0x3fb: {  	[tilespmem:s22+$0x30] =	vst v1;
	v1 =	vld [tilespmem:s17+$0xD0]  }
0x3fc: {  	v11 =	vadd.f32 v58, v57;
	v3 =	vmax.f32 v3, $0.0e+00;
	v61 =	vld [tilespmem:s14+$0x40]  }
0x3fd: {  	[tilespmem:s22+$0xFFFFFFC0] =	vst v3;
	v3 =	vld [tilespmem:s17+$0x40]  }
0x3fe: {  	v11 =	vmax.f32 v11, $0.0e+00;
	v62 =	vld [tilespmem:s17+$0xFFFFFFD0];
	v5 =	vadd.f32 v5, v7  }
0x3ff: {  	v9 =	vadd.f32 v51, v50;
	[tilespmem:s12+$0x60] =	vst v11;
	v7 =	vld [tilespmem:s14+$0xFFFFFFD0]  }
0x400: {  	v11 =	vld [tilespmem:s19+$0x70];
	v5 =	vmax.f32 v5, $0.0e+00;
	v1 =	vadd.f32 v1, v8  }
0x401: {  	v9 =	vmax.f32 v9, $0.0e+00;
	v2 =	vadd.f32 v2, v60;
	v8 =	vld [tilespmem:s11+$0x70];
	[tilespmem:s22+$0xFFFFFF40] =	vst v5  }
0x402: {  	[tilespmem:s12+$0xF0] =	vst v9;
	v63 =	vadd.f32 v3, v61;
	v3 =	vld [tilespmem:s14+$0xFFFFFF50];
	v1 =	vmax.f32 v1, $0.0e+00  }
0x403: {  	v2 =	vmax.f32 v2, $0.0e+00;
	v4 =	vadd.f32 v4, v6;
	v5 =	vld [tilespmem:s17+$0xFFFFFF50];
	[tilespmem:s22+$0xD0] =	vst v1  }
0x404: {  	[tilespmem:s12+$0xFFFFFF70] =	vst v2;
	v1 =	vadd.f32 v62, v7;
	v6 =	vmax.f32 v63, $0.0e+00;
	v2 =	vld [tilespmem:s14+$0xE0]  }
0x405: {  	v7 =	vmax.f32 v4, $0.0e+00;
	[tilespmem:s22+$0x40] =	vst v6;
	v4 =	vld [tilespmem:s17+$0xE0]  }
0x406: {  	[tilespmem:s12+$0xFFFFFFF0] =	vst v7;
	v7 =	vmax.f32 v1, $0.0e+00;
	v6 =	vld [tilespmem:s14+$0x50];
	v1 =	vadd.f32 v11, v8  }
0x407: {  	s13 =	simm.s32 $0x4;
	s19 =	simm.s32 $0x3D00;
	s11 =	simm.s32 $0x4B00;
	[tilespmem:s22+$0xFFFFFFD0] =	vst v7;
	v7 =	vld [tilespmem:s17+$0x50]  }
.LBB2_11:
0x408: {  	v8 =	vld [tilespmem:s19+$0x80];
	v3 =	vadd.f32 v5, v3;
	s17 =	sadd.s32 $0x200, s17;
	v1 =	vmax.f32 v1, $0.0e+00  }
0x409: {  	v5 =	vld [tilespmem:s17+$0x80];
	[tilespmem:s12+$0x70] =	vst v1;
	s12 =	smov.u32 s22  }
0x40a: {  	v1 =	vld [tilespmem:s17+$0xFFFFFF00];
	v3 =	vmax.f32 v3, $0.0e+00;
	v2 =	vadd.f32 v4, v2  }
0x40b: {  	v4 =	vld [tilespmem:s19+$0xFFFFFF80];
	[tilespmem:s22+$0xFFFFFF50] =	vst v3  }
0x40c: {  	v3 =	vld [tilespmem:s17+$0xFFFFFF80];
	v6 =	vadd.f32 v7, v6;
	v2 =	vmax.f32 v2, $0.0e+00  }
0x40d: {  	v7 =	vld [tilespmem:s19+$0x0];
	[tilespmem:s22+$0xE0] =	vst v2  }
0x40e: {  	v2 =	vadd.f32 v5, v8;
	v5 =	vmax.f32 v6, $0.0e+00;
	v6 =	vld [tilespmem:s14+$0xF0]  }
0x40f: {  	[tilespmem:s22+$0x50] =	vst v5;
	v5 =	vld [tilespmem:s11+$0xF0]  }
0x410: {  	s13 =	sadd.s32 $0x4, s13;
	s22 =	sadd.s32 $0x200, s22;
	v8 =	vld [tilespmem:s17+$0x0];
	v2 =	vmax.f32 v2, $0.0e+00  }
0x411: {  	p1 =	slt.u32 s13, $0x1C;
	v9 =	vld [tilespmem:s19+$0xFFFFFF00];
	v3 =	vadd.f32 v3, v4;
	[tilespmem:s22+$0x80] =	vst v2  }
0x412: {  	v2 =	vld [tilespmem:s19+$0x90]  }
0x413: {  	v3 =	vmax.f32 v3, $0.0e+00;
	v4 =	vld [tilespmem:s17+$0x90]  }
0x414: {  	[tilespmem:s22+$0xFFFFFF80] =	vst v3;
	v3 =	vld [tilespmem:s14+$0xFFFFFF60];
	v5 =	vadd.f32 v5, v6  }
0x415: {  	v6 =	vld [tilespmem:s19+$0xFFFFFF90];
	v7 =	vadd.f32 v8, v7  }
0x416: {  	v1 =	vadd.f32 v1, v9;
	v8 =	vld [tilespmem:s17+$0xFFFFFF90];
	v5 =	vmax.f32 v5, $0.0e+00  }
0x417: {  	v7 =	vmax.f32 v7, $0.0e+00;
	v9 =	vld [tilespmem:s11+$0xFFFFFF60];
	[tilespmem:s12+$0xF0] =	vst v5  }
0x418: {  	v1 =	vmax.f32 v1, $0.0e+00;
	[tilespmem:s22+$0x0] =	vst v7;
	v2 =	vadd.f32 v4, v2;
	v4 =	vld [tilespmem:s14+$0xFFFFFFE0]  }
0x419: {  	[tilespmem:s22+$0xFFFFFF00] =	vst v1;
	v1 =	vld [tilespmem:s19+$0x10]  }
0x41a: {  	v5 =	vld [tilespmem:s19+$0xFFFFFF10];
	v2 =	vmax.f32 v2, $0.0e+00  }
0x41b: {  	v7 =	vld [tilespmem:s17+$0xFFFFFF10];
	v6 =	vadd.f32 v8, v6;
	[tilespmem:s22+$0x90] =	vst v2  }
0x41c: {  	v2 =	vld [tilespmem:s19+$0xA0];
	v3 =	vadd.f32 v9, v3  }
0x41d: {  	v6 =	vmax.f32 v6, $0.0e+00;
	v8 =	vld [tilespmem:s17+$0xA0]  }
0x41e: {  	[tilespmem:s22+$0xFFFFFF90] =	vst v6;
	v6 =	vld [tilespmem:s17+$0x10];
	v3 =	vmax.f32 v3, $0.0e+00  }
0x41f: {  	v9 =	vld [tilespmem:s19+$0xFFFFFFA0];
	[tilespmem:s12+$0xFFFFFF60] =	vst v3  }
0x420: {  	v3 =	vadd.f32 v7, v5;
	v5 =	vld [tilespmem:s17+$0xFFFFFFA0]  }
0x421: {  	v7 =	vld [tilespmem:s11+$0xFFFFFFE0]  }
0x422: {  	v3 =	vmax.f32 v3, $0.0e+00;
	v2 =	vadd.f32 v8, v2;
	v8 =	vld [tilespmem:s14+$0x60]  }
0x423: {  	[tilespmem:s22+$0xFFFFFF10] =	vst v3;
	v1 =	vadd.f32 v6, v1;
	v3 =	vld [tilespmem:s11+$0x60]  }
0x424: {  	v6 =	vld [tilespmem:s19+$0xFFFFFF20];
	v2 =	vmax.f32 v2, $0.0e+00  }
0x425: {  	v10 =	vld [tilespmem:s17+$0xFFFFFF20];
	v5 =	vadd.f32 v5, v9;
	v1 =	vmax.f32 v1, $0.0e+00;
	[tilespmem:s22+$0xA0] =	vst v2  }
0x426: {  	[tilespmem:s22+$0x10] =	vst v1;
	v1 =	vld [tilespmem:s19+$0xB0];
	v2 =	vadd.f32 v7, v4  }
0x427: {  	v4 =	vmax.f32 v5, $0.0e+00;
	v5 =	vld [tilespmem:s17+$0xB0]  }
0x428: {  	[tilespmem:s22+$0xFFFFFFA0] =	vst v4;
	v4 =	vld [tilespmem:s19+$0x20];
	v2 =	vmax.f32 v2, $0.0e+00;
	v3 =	vadd.f32 v3, v8  }
0x429: {  	v7 =	vld [tilespmem:s17+$0x20];
	[tilespmem:s12+$0xFFFFFFE0] =	vst v2  }
0x42a: {  	v2 =	vadd.f32 v10, v6;
	v6 =	vld [tilespmem:s19+$0xFFFFFFB0];
	v3 =	vmax.f32 v3, $0.0e+00  }
0x42b: {  	v8 =	vld [tilespmem:s17+$0xFFFFFFB0];
	[tilespmem:s12+$0x60] =	vst v3  }
0x42c: {  	v2 =	vmax.f32 v2, $0.0e+00;
	v1 =	vadd.f32 v5, v1;
	v3 =	vld [tilespmem:s14+$0xFFFFFF70]  }
0x42d: {  	[tilespmem:s22+$0xFFFFFF20] =	vst v2;
	v2 =	vld [tilespmem:s11+$0xFFFFFF70]  }
0x42e: {  	v5 =	vld [tilespmem:s19+$0xFFFFFF30];
	v4 =	vadd.f32 v7, v4;
	v1 =	vmax.f32 v1, $0.0e+00  }
0x42f: {  	v7 =	vld [tilespmem:s17+$0xFFFFFF30];
	[tilespmem:s22+$0xB0] =	vst v1  }
0x430: {  	v1 =	vadd.f32 v8, v6;
	v4 =	vmax.f32 v4, $0.0e+00;
	v6 =	vld [tilespmem:s19+$0xC0]  }
0x431: {  	[tilespmem:s22+$0x20] =	vst v4;
	v4 =	vld [tilespmem:s17+$0xC0]  }
0x432: {  	v1 =	vmax.f32 v1, $0.0e+00;
	v8 =	vld [tilespmem:s19+$0x30];
	v2 =	vadd.f32 v2, v3  }
0x433: {  	[tilespmem:s22+$0xFFFFFFB0] =	vst v1;
	v1 =	vld [tilespmem:s17+$0x30]  }
0x434: {  	v3 =	vadd.f32 v7, v5;
	v5 =	vld [tilespmem:s19+$0xFFFFFFC0];
	v2 =	vmax.f32 v2, $0.0e+00  }
0x435: {  	v7 =	vld [tilespmem:s17+$0xFFFFFFC0];
	[tilespmem:s12+$0xFFFFFF70] =	vst v2  }
0x436: {  	v2 =	vmax.f32 v3, $0.0e+00;
	v3 =	vadd.f32 v4, v6;
	v4 =	vld [tilespmem:s14+$0xFFFFFFF0]  }
0x437: {  	[tilespmem:s22+$0xFFFFFF30] =	vst v2;
	v2 =	vld [tilespmem:s11+$0xFFFFFFF0]  }
0x438: {  	v6 =	vld [tilespmem:s19+$0xFFFFFF40];
	v1 =	vadd.f32 v1, v8;
	v3 =	vmax.f32 v3, $0.0e+00  }
0x439: {  	v8 =	vld [tilespmem:s17+$0xFFFFFF40];
	[tilespmem:s22+$0xC0] =	vst v3  }
0x43a: {  	v3 =	vadd.f32 v7, v5;
	v1 =	vmax.f32 v1, $0.0e+00;
	v5 =	vld [tilespmem:s19+$0xD0]  }
0x43b: {  	[tilespmem:s22+$0x30] =	vst v1;
	v1 =	vld [tilespmem:s17+$0xD0]  }
0x43c: {  	v3 =	vmax.f32 v3, $0.0e+00;
	v7 =	vld [tilespmem:s19+$0x40];
	v2 =	vadd.f32 v2, v4  }
0x43d: {  	[tilespmem:s22+$0xFFFFFFC0] =	vst v3;
	v4 =	vld [tilespmem:s17+$0x40]  }
0x43e: {  	v3 =	vadd.f32 v8, v6;
	v6 =	vld [tilespmem:s19+$0xFFFFFFD0];
	v2 =	vmax.f32 v2, $0.0e+00  }
0x43f: {  	v8 =	vld [tilespmem:s17+$0xFFFFFFD0];
	[tilespmem:s12+$0xFFFFFFF0] =	vst v2  }
0x440: {  	v2 =	vmax.f32 v3, $0.0e+00;
	v1 =	vadd.f32 v1, v5;
	v9 =	vld [tilespmem:s14+$0x70];
	s14 =	smov.u32 s19  }
0x441: {  	[tilespmem:s22+$0xFFFFFF40] =	vst v2;
	v10 =	vld [tilespmem:s11+$0x70];
	s11 =	smov.u32 s17  }
0x442: {  	v3 =	vld [tilespmem:s19+$0xFFFFFF50];
	v2 =	vadd.f32 v4, v7;
	v1 =	vmax.f32 v1, $0.0e+00  }
.Ltmp4:
0x443: {  	v5 =	vld [tilespmem:s17+$0xFFFFFF50];
	[tilespmem:s22+$0xD0] =	vst v1;
	(pc) =	sbr.rel @p1 .LBB2_11-.Ltmp4, $4  }
0x444: {  	v1 =	vadd.f32 v8, v6;
	v4 =	vmax.f32 v2, $0.0e+00;
	v2 =	vld [tilespmem:s19+$0xE0]  }
0x445: {  	[tilespmem:s22+$0x40] =	vst v4;
	v4 =	vld [tilespmem:s17+$0xE0]  }
0x446: {  	v7 =	vmax.f32 v1, $0.0e+00;
	v6 =	vld [tilespmem:s19+$0x50];
	v1 =	vadd.f32 v10, v9  }
0x447: {  	s19 =	sadd.s32 $0x200, s19;
	[tilespmem:s22+$0xFFFFFFD0] =	vst v7;
	v7 =	vld [tilespmem:s17+$0x50]  }
0x448: {  	v3 =	vadd.f32 v5, v3;
	_ =	sdelay $0x1  }
0x449: {  	v3 =	vmax.f32 v3, $0.0e+00  }
0x44a: {  	[tilespmem:s22+$0xFFFFFF50] =	vst v3  }
0x44b: {  	v3 =	vadd.f32 v7, v6;
	v56 =	vld [tilespmem:s14+$0xFFFFFF60]  }
0x44c: {  	v57 =	vld [tilespmem:s11+$0xFFFFFF60]  }
0x44d: {  	v58 =	vld [tilespmem:s14+$0xFFFFFFE0];
	v3 =	vmax.f32 v3, $0.0e+00  }
0x44e: {  	[tilespmem:s22+$0x50] =	vst v3;
	v3 =	vld [tilespmem:s11+$0xFFFFFFE0]  }
0x44f: {  	v2 =	vadd.f32 v4, v2;
	v59 =	vld [tilespmem:s14+$0x60]  }
0x450: {  	v8 =	vld [tilespmem:s11+$0x60]  }
0x451: {  	v2 =	vmax.f32 v2, $0.0e+00;
	v5 =	vadd.f32 v57, v56  }
0x452: {  	[tilespmem:s22+$0xE0] =	vst v2  }
0x453: {  	v2 =	vld [tilespmem:s14+$0xF0];
	v5 =	vmax.f32 v5, $0.0e+00;
	v3 =	vadd.f32 v3, v58  }
0x454: {  	v60 =	vld [tilespmem:s11+$0xF0];
	[tilespmem:s22+$0xFFFFFF60] =	vst v5  }
0x455: {  	v4 =	vadd.f32 v8, v59;
	v5 =	vld [tilespmem:s14+$0xFFFFFF70];
	v3 =	vmax.f32 v3, $0.0e+00  }
0x456: {  	[tilespmem:s22+$0xFFFFFFE0] =	vst v3;
	v3 =	vld [tilespmem:s11+$0xFFFFFF70]  }
0x457: {  	v4 =	vmax.f32 v4, $0.0e+00;
	v61 =	vld [tilespmem:s14+$0xFFFFFFF0]  }
0x458: {  	[tilespmem:s22+$0x60] =	vst v4;
	v62 =	vld [tilespmem:s11+$0xFFFFFFF0]  }
0x459: {  	v63 =	vld [tilespmem:s14+$0x70]  }
0x45a: {  	v9 =	vld [tilespmem:s11+$0x70];
	_ =	sdelay $0x1  }
0x45b: {  	v2 =	vadd.f32 v60, v2  }
0x45c: {  	v1 =	vmax.f32 v1, $0.0e+00;
	v3 =	vadd.f32 v3, v5  }
0x45d: {  	[tilespmem:s12+$0x70] =	vst v1;
	v1 =	vmax.f32 v2, $0.0e+00;
	v2 =	vadd.f32 v62, v61  }
0x45e: {  	[tilespmem:s22+$0xF0] =	vst v1;
	v1 =	vmax.f32 v3, $0.0e+00;
	v3 =	vadd.f32 v9, v63  }
0x45f: {  	[tilespmem:s22+$0xFFFFFF70] =	vst v1;
	v1 =	vmax.f32 v2, $0.0e+00  }
0x460: {  	[tilespmem:s22+$0xFFFFFFF0] =	vst v1;
	v1 =	vmax.f32 v3, $0.0e+00  }
0x461: {  	s11 =	simm.s32 @!p0 $0x2;
	[tilespmem:s22+$0x70] =	vst v1;
	s22 =	sadd.s32 $0x600, s26;
	s26 =	simm.s32 $0x5800  }
0x462: {  	[spmem:s2] =	stream.indirect.scatter.add.f32 [tilespmem:s26], [sflag:$0x6], $0x80, s22, s10, $0xb8;
	[tilespmem:$0x1A800] =	vst v63  }
0x463: {  	_ =	swait.ge @!p0 [sflag:s11], $0x20  }
0x464: {  	[sflag:s11] =	ssyncset.done @!p0 $0x0  }
0x465: {  	[sflag:s11] =	ssyncadd.s32 @!p0 $0xFFFFFFE0  }
0x466: {  	s0 =	sshrl.u32 @!p0 s0, $0x2;
	p1 =	sgt.u32 @!p0 s23, $0x99;
	_ =	swait.ge @!p0 [sflag:s11], $0x20  }
0x467: {  	s0 =	sadd.s32 @!p0 $0x400, s0;
	s12 =	simm.s32 @!p0 $0x3800;
	[sflag:s11] =	ssyncset.done @!p0 $0x0  }
0x468: {  	p1 =	por p1, p0;
	[sflag:s11] =	ssyncadd.s32 @!p0 $0xFFFFFFE0;
	s11 =	simm.s32 @!p0 $0x20  }
0x469: {  	[tilespmem:s12], [sflag:$0x4] =	stream.indirect.gather @!p0 [hbm4b:s1+s11], $0x80, s0, s11, $0xb8;
	[tilespmem:$0x1A800] =	vst v63  }
0x46a: {  	s0 =	sadd.s32 @!p1 $0x2, s23  }
0x46b: {  	s11 =	sand.u32 @!p1 $0xFF, s0  }
0x46c: {  	s11 =	smul.u32 @!p1 $0xAB, s11  }
0x46d: {  	s12 =	sadd.s32 @!p0 s29, s30  }
0x46e: {  	s13 =	simm.s32 @!p0 $0x0;
	s12 =	sshrl.u32 @!p0 s12, $0x3;
	s11 =	sshrl.u32 @!p1 s11, $0x9  }
0x46f: {  	s14 =	simm.s32 @!p0 $0x4800;
	s12 =	sadd.s32 @!p0 s7, s12;
	s11 =	smul.u32 @!p1 $0x3, s11  }
0x470: {  	[tilespmem:s14], [sflag:$0x4] =	stream.linear.gather @!p0 [hbm4b:s12+s13], $0x1000, $0x38;
	[tilespmem:$0x1A800] =	vst v63  }
0x471: {  	s0 =	ssub.s32 @!p1 s0, s11  }
0x472: {  	s11 =	sadd.s32 @!p1 s25, s28;
	s0 =	sand.u32 @!p1 $0xFF, s0  }
0x473: {  	s11 =	sshrl.u32 @!p1 s11, $0x3;
	s0 =	sshll.u32 @!p1 s0, $0x7  }
0x474: {  	s14 =	simm.s32 @!p1 $0x0;
	s13 =	sadd.s32 @!p1 s5, s11;
	s12 =	sor.u32 @!p1 $0x400, s0  }
0x475: {  	[tilespmem:s12], [sflag:$0x2] =	stream.linear.gather @!p1 [hbm4b:s13+s14], $0x20, $0x38;
	[tilespmem:$0x1A800] =	vst v63  }
0x476: {  	s11 =	sadd.s32 @!p1 s6, s11;
	s0 =	sor.u32 @!p1 $0x600, s0  }
0x477: {  	[tilespmem:s0], [sflag:$0x2] =	stream.linear.gather @!p1 [hbm4b:s11+s14], $0x20, $0x38;
	[tilespmem:$0x1A800] =	vst v63  }
0x478: {  	p1 =	sne.s32 @!p0 s24, $0x9C  }
0x479: {  	p0 =	por p0, !p1  }
.Ltmp5:
0x47a: {  	_ = 	snop;
	(pc) =	sbr.rel @!p0 .LBB2_8-.Ltmp5, $2  }
0x47b: {  	_ =	sdelay $0x2  }
0x47c: {  	s23 =	smov.u32 s24  }
0x47d: {  	_ =	swait.ge [sflag:s18], $0x1000  }
0x47e: {  	[sflag:s18] =	ssyncset.done $0x0  }
0x47f: {  	[sflag:s18] =	ssyncadd.s32 $0xFFFFF000  }
0x480: {  	_ =	swait.ge [sflag:s15], $0x1000  }
0x481: {  	[sflag:s15] =	ssyncset.done $0x0  }
0x482: {  	[sflag:s15] =	ssyncadd.s32 $0xFFFFF000  }
0x483: {  	_ =	swait.ge [sflag:s15], $0x1000  }
0x484: {  	[sflag:s15] =	ssyncset.done $0x0  }
0x485: {  	s13 =	simm.s32 $0x900;
	[sflag:s15] =	ssyncadd.s32 $0xFFFFF000  }
0x486: {  	s11 =	simm.s32 $0x1900;
	v1 =	vld [tilespmem:s13+$0x80]  }
0x487: {  	v2 =	vld [tilespmem:s11+$0x80];
	_ =	sdelay $0x4  }
0x488: {  	v3 =	vld [tilespmem:s13+$0xFFFFFF80];
	v1 =	vadd.f32 v2, v1  }
0x489: {  	v2 =	vld [tilespmem:s11+$0xFFFFFF80]  }
0x48a: {  	s0 =	simm.s32 $0x2900;
	v4 =	vld [tilespmem:s11+$0xFFFFFF00];
	v1 =	vmax.f32 v1, $0.0e+00  }
0x48b: {  	v5 =	vld [tilespmem:s13+$0xFFFFFF00];
	[tilespmem:s0+$0x80] =	vst v1  }
0x48c: {  	v1 =	vld [tilespmem:s13+$0x90]  }
0x48d: {  	v6 =	vld [tilespmem:s11+$0x90]  }
0x48e: {  	v7 =	vld [tilespmem:s13+$0x0];
	v2 =	vadd.f32 v2, v3  }
0x48f: {  	v3 =	vld [tilespmem:s11+$0x0]  }
0x490: {  	v4 =	vadd.f32 v4, v5;
	v2 =	vmax.f32 v2, $0.0e+00  }
0x491: {  	[tilespmem:s0+$0xFFFFFF80] =	vst v2  }
0x492: {  	v4 =	vmax.f32 v4, $0.0e+00;
	v2 =	vld [tilespmem:s13+$0xFFFFFF90];
	v1 =	vadd.f32 v6, v1  }
0x493: {  	[tilespmem:s0+$0xFFFFFF00] =	vst v4;
	v5 =	vld [tilespmem:s11+$0xFFFFFF90]  }
0x494: {  	v4 =	vld [tilespmem:s13+$0xFFFFFF10];
	v3 =	vadd.f32 v3, v7;
	v1 =	vmax.f32 v1, $0.0e+00  }
0x495: {  	v6 =	vld [tilespmem:s11+$0xFFFFFF10];
	[tilespmem:s0+$0x90] =	vst v1  }
0x496: {  	v1 =	vmax.f32 v3, $0.0e+00;
	v3 =	vld [tilespmem:s13+$0xA0]  }
0x497: {  	[tilespmem:s0+$0x0] =	vst v1;
	v1 =	vld [tilespmem:s11+$0xA0]  }
0x498: {  	v7 =	vld [tilespmem:s13+$0x10];
	v2 =	vadd.f32 v5, v2  }
0x499: {  	v5 =	vld [tilespmem:s11+$0x10]  }
0x49a: {  	v2 =	vmax.f32 v2, $0.0e+00  }
0x49b: {  	v4 =	vadd.f32 v6, v4;
	[tilespmem:s0+$0xFFFFFF90] =	vst v2  }
0x49c: {  	v2 =	vld [tilespmem:s13+$0xFFFFFFA0];
	v1 =	vadd.f32 v1, v3  }
0x49d: {  	v4 =	vmax.f32 v4, $0.0e+00;
	v3 =	vld [tilespmem:s11+$0xFFFFFFA0]  }
0x49e: {  	[tilespmem:s0+$0xFFFFFF10] =	vst v4;
	v4 =	vadd.f32 v5, v7;
	v1 =	vmax.f32 v1, $0.0e+00  }
0x49f: {  	[tilespmem:s0+$0xA0] =	vst v1  }
0x4a0: {  	v1 =	vmax.f32 v4, $0.0e+00;
	v4 =	vld [tilespmem:s13+$0xB0]  }
0x4a1: {  	[tilespmem:s0+$0x10] =	vst v1;
	v1 =	vld [tilespmem:s11+$0xB0]  }
0x4a2: {  	v2 =	vadd.f32 v3, v2;
	v3 =	vld [tilespmem:s13+$0x20]  }
0x4a3: {  	v7 =	vld [tilespmem:s11+$0x20]  }
0x4a4: {  	v6 =	vld [tilespmem:s11+$0xFFFFFF20];
	v2 =	vmax.f32 v2, $0.0e+00  }
0x4a5: {  	v5 =	vld [tilespmem:s13+$0xFFFFFF20];
	[tilespmem:s0+$0xFFFFFFA0] =	vst v2  }
0x4a6: {  	v2 =	vld [tilespmem:s13+$0xFFFFFFB0];
	v1 =	vadd.f32 v1, v4  }
0x4a7: {  	v4 =	vld [tilespmem:s11+$0xFFFFFFB0]  }
0x4a8: {  	v3 =	vadd.f32 v7, v3;
	v1 =	vmax.f32 v1, $0.0e+00  }
0x4a9: {  	[tilespmem:s0+$0xB0] =	vst v1  }
0x4aa: {  	v5 =	vadd.f32 v6, v5;
	v1 =	vmax.f32 v3, $0.0e+00;
	v3 =	vld [tilespmem:s13+$0xC0]  }
0x4ab: {  	[tilespmem:s0+$0x20] =	vst v1;
	v1 =	vld [tilespmem:s11+$0xC0]  }
0x4ac: {  	v5 =	vmax.f32 v5, $0.0e+00;
	v2 =	vadd.f32 v4, v2;
	v4 =	vld [tilespmem:s13+$0x30]  }
0x4ad: {  	[tilespmem:s0+$0xFFFFFF20] =	vst v5;
	v7 =	vld [tilespmem:s11+$0x30]  }
0x4ae: {  	v5 =	vld [tilespmem:s13+$0xFFFFFF30];
	v2 =	vmax.f32 v2, $0.0e+00  }
0x4af: {  	v6 =	vld [tilespmem:s11+$0xFFFFFF30];
	[tilespmem:s0+$0xFFFFFFB0] =	vst v2  }
0x4b0: {  	v2 =	vld [tilespmem:s13+$0xFFFFFFC0];
	v1 =	vadd.f32 v1, v3  }
0x4b1: {  	v3 =	vld [tilespmem:s11+$0xFFFFFFC0]  }
0x4b2: {  	s17 =	simm.s32 $0x1B00;
	v4 =	vadd.f32 v7, v4;
	v1 =	vmax.f32 v1, $0.0e+00  }
0x4b3: {  	v11 =	vld [tilespmem:s17+$0xFFFFFF00];
	[tilespmem:s0+$0xC0] =	vst v1  }
0x4b4: {  	v1 =	vmax.f32 v4, $0.0e+00;
	v4 =	vld [tilespmem:s13+$0xD0]  }
0x4b5: {  	v5 =	vadd.f32 v6, v5;
	[tilespmem:s0+$0x30] =	vst v1;
	v1 =	vld [tilespmem:s11+$0xD0]  }
0x4b6: {  	v2 =	vadd.f32 v3, v2;
	v3 =	vld [tilespmem:s13+$0x40]  }
0x4b7: {  	s12 =	simm.s32 $0xB00;
	v5 =	vmax.f32 v5, $0.0e+00;
	v7 =	vld [tilespmem:s11+$0x40]  }
0x4b8: {  	v52 =	vld [tilespmem:s12+$0xFFFFFF00];
	[tilespmem:s0+$0xFFFFFF30] =	vst v5  }
0x4b9: {  	v5 =	vld [tilespmem:s13+$0xFFFFFF40]  }
0x4ba: {  	v6 =	vld [tilespmem:s11+$0xFFFFFF40];
	v1 =	vadd.f32 v1, v4  }
0x4bb: {  	v9 =	vld [tilespmem:s12+$0x80]  }
0x4bc: {  	v10 =	vld [tilespmem:s17+$0x80];
	v3 =	vadd.f32 v7, v3;
	v1 =	vmax.f32 v1, $0.0e+00  }
0x4bd: {  	v12 =	vld [tilespmem:s17+$0xFFFFFF80];
	v11 =	vadd.f32 v11, v52;
	[tilespmem:s0+$0xD0] =	vst v1  }
0x4be: {  	v1 =	vmax.f32 v3, $0.0e+00;
	v3 =	vld [tilespmem:s13+$0xE0]  }
0x4bf: {  	s14 =	simm.s32 $0x2B00;
	v11 =	vmax.f32 v11, $0.0e+00;
	v5 =	vadd.f32 v6, v5;
	[tilespmem:s0+$0x40] =	vst v1;
	v1 =	vld [tilespmem:s11+$0xE0]  }
0x4c0: {  	v13 =	vld [tilespmem:s12+$0x0];
	[tilespmem:s14+$0xFFFFFF00] =	vst v11;
	v2 =	vmax.f32 v2, $0.0e+00  }
0x4c1: {  	v11 =	vld [tilespmem:s12+$0xFFFFFF10];
	[tilespmem:s0+$0xFFFFFFC0] =	vst v2;
	v5 =	vmax.f32 v5, $0.0e+00  }
0x4c2: {  	v2 =	vld [tilespmem:s13+$0xFFFFFFD0];
	[tilespmem:s0+$0xFFFFFF40] =	vst v5  }
0x4c3: {  	v5 =	vld [tilespmem:s13+$0xFFFFFF50]  }
0x4c4: {  	v6 =	vld [tilespmem:s11+$0xFFFFFF50];
	v1 =	vadd.f32 v1, v3  }
0x4c5: {  	v3 =	vld [tilespmem:s12+$0xFFFFFF80]  }
0x4c6: {  	v4 =	vld [tilespmem:s11+$0xFFFFFFD0];
	v1 =	vmax.f32 v1, $0.0e+00  }
0x4c7: {  	v7 =	vld [tilespmem:s13+$0x50];
	[tilespmem:s0+$0xE0] =	vst v1;
	v1 =	vadd.f32 v10, v9  }
0x4c8: {  	v8 =	vld [tilespmem:s11+$0x50]  }
0x4c9: {  	v5 =	vadd.f32 v6, v5;
	v6 =	vld [tilespmem:s17+$0x0];
	v1 =	vmax.f32 v1, $0.0e+00  }
0x4ca: {  	v54 =	vld [tilespmem:s17+$0xFFFFFF10];
	v3 =	vadd.f32 v12, v3;
	[tilespmem:s14+$0x80] =	vst v1  }
0x4cb: {  	v1 =	vmax.f32 v5, $0.0e+00;
	v5 =	vld [tilespmem:s12+$0x90]  }
0x4cc: {  	v2 =	vadd.f32 v4, v2;
	[tilespmem:s0+$0xFFFFFF50] =	vst v1;
	v1 =	vmax.f32 v3, $0.0e+00;
	v3 =	vld [tilespmem:s17+$0x90]  }
0x4cd: {  	v7 =	vadd.f32 v8, v7;
	v50 =	vld [tilespmem:s13+$0xF0]  }
0x4ce: {  	v2 =	vmax.f32 v2, $0.0e+00;
	v6 =	vadd.f32 v6, v13;
	v51 =	vld [tilespmem:s11+$0xF0];
	[tilespmem:s14+$0xFFFFFF80] =	vst v1  }
0x4cf: {  	[tilespmem:s0+$0xFFFFFFD0] =	vst v2;
	v7 =	vmax.f32 v7, $0.0e+00;
	v4 =	vld [tilespmem:s12+$0xFFFFFF90]  }
0x4d0: {  	v2 =	vmax.f32 v6, $0.0e+00;
	[tilespmem:s0+$0x50] =	vst v7;
	v53 =	vld [tilespmem:s17+$0xFFFFFF90]  }
0x4d1: {  	v7 =	vld [tilespmem:s11+$0xFFFFFFE0];
	[tilespmem:s14+$0x0] =	vst v2;
	v2 =	vadd.f32 v3, v5  }
0x4d2: {  	v57 =	vld [tilespmem:s13+$0x60]  }
0x4d3: {  	v58 =	vld [tilespmem:s11+$0x60];
	v2 =	vmax.f32 v2, $0.0e+00  }
0x4d4: {  	v1 =	vld [tilespmem:s13+$0xFFFFFF60];
	[tilespmem:s14+$0x90] =	vst v2  }
0x4d5: {  	v4 =	vadd.f32 v53, v4;
	v2 =	vld [tilespmem:s12+$0xA0]  }
0x4d6: {  	v55 =	vld [tilespmem:s17+$0xA0]  }
0x4d7: {  	v5 =	vld [tilespmem:s12+$0x10];
	v4 =	vmax.f32 v4, $0.0e+00  }
0x4d8: {  	[tilespmem:s14+$0xFFFFFF90] =	vst v4;
	v4 =	vld [tilespmem:s17+$0x10]  }
0x4d9: {  	v11 =	vadd.f32 v54, v11;
	v8 =	vld [tilespmem:s12+$0xFFFFFFA0]  }
0x4da: {  	v56 =	vld [tilespmem:s17+$0xFFFFFFA0]  }
0x4db: {  	v11 =	vmax.f32 v11, $0.0e+00;
	v6 =	vld [tilespmem:s11+$0xFFFFFF60];
	v2 =	vadd.f32 v55, v2  }
0x4dc: {  	[tilespmem:s14+$0xFFFFFF10] =	vst v11;
	v3 =	vld [tilespmem:s13+$0xFFFFFFE0]  }
0x4dd: {  	v4 =	vadd.f32 v4, v5;
	v5 =	vld [tilespmem:s12+$0xFFFFFF20];
	v2 =	vmax.f32 v2, $0.0e+00  }
0x4de: {  	[tilespmem:s14+$0xA0] =	vst v2;
	v2 =	vld [tilespmem:s17+$0xFFFFFF20]  }
0x4df: {  	v8 =	vadd.f32 v56, v8;
	v4 =	vmax.f32 v4, $0.0e+00;
	v59 =	vld [tilespmem:s12+$0xB0]  }
0x4e0: {  	v1 =	vadd.f32 v6, v1;
	[tilespmem:s14+$0x10] =	vst v4;
	v4 =	vld [tilespmem:s17+$0xB0]  }
0x4e1: {  	v6 =	vmax.f32 v8, $0.0e+00;
	v8 =	vld [tilespmem:s12+$0x20]  }
0x4e2: {  	v1 =	vmax.f32 v1, $0.0e+00;
	[tilespmem:s14+$0xFFFFFFA0] =	vst v6;
	v6 =	vld [tilespmem:s17+$0x20]  }
0x4e3: {  	[tilespmem:s0+$0xFFFFFF60] =	vst v1;
	v1 =	vld [tilespmem:s17+$0xFFFFFFB0];
	v2 =	vadd.f32 v2, v5  }
0x4e4: {  	v5 =	vld [tilespmem:s12+$0xFFFFFFB0]  }
0x4e5: {  	v60 =	vld [tilespmem:s13+$0xFFFFFF70];
	v4 =	vadd.f32 v4, v59;
	v2 =	vmax.f32 v2, $0.0e+00  }
0x4e6: {  	[tilespmem:s14+$0xFFFFFF20] =	vst v2;
	v2 =	vld [tilespmem:s11+$0xFFFFFF70]  }
0x4e7: {  	v6 =	vadd.f32 v6, v8;
	v4 =	vmax.f32 v4, $0.0e+00;
	v8 =	vld [tilespmem:s12+$0xFFFFFF30]  }
0x4e8: {  	[tilespmem:s14+$0xB0] =	vst v4;
	v4 =	vld [tilespmem:s17+$0xFFFFFF30]  }
0x4e9: {  	v1 =	vadd.f32 v1, v5;
	v5 =	vmax.f32 v6, $0.0e+00;
	v6 =	vld [tilespmem:s12+$0xC0]  }
0x4ea: {  	[tilespmem:s14+$0x20] =	vst v5;
	v5 =	vld [tilespmem:s17+$0xC0]  }
0x4eb: {  	v3 =	vadd.f32 v7, v3;
	v1 =	vmax.f32 v1, $0.0e+00;
	v7 =	vld [tilespmem:s12+$0x30]  }
0x4ec: {  	[tilespmem:s14+$0xFFFFFFB0] =	vst v1;
	v1 =	vld [tilespmem:s17+$0x30]  }
0x4ed: {  	v3 =	vmax.f32 v3, $0.0e+00;
	v4 =	vadd.f32 v4, v8;
	v8 =	vld [tilespmem:s12+$0xFFFFFFC0]  }
0x4ee: {  	[tilespmem:s0+$0xFFFFFFE0] =	vst v3;
	v3 =	vld [tilespmem:s17+$0xFFFFFFC0]  }
0x4ef: {  	v4 =	vmax.f32 v4, $0.0e+00;
	v5 =	vadd.f32 v5, v6;
	v6 =	vld [tilespmem:s13+$0xFFFFFFF0]  }
0x4f0: {  	[tilespmem:s14+$0xFFFFFF30] =	vst v4;
	v4 =	vld [tilespmem:s11+$0xFFFFFFF0]  }
0x4f1: {  	v1 =	vadd.f32 v1, v7;
	v7 =	vld [tilespmem:s12+$0xFFFFFF40];
	v5 =	vmax.f32 v5, $0.0e+00  }
0x4f2: {  	[tilespmem:s14+$0xC0] =	vst v5;
	v5 =	vld [tilespmem:s17+$0xFFFFFF40]  }
0x4f3: {  	v3 =	vadd.f32 v3, v8;
	v1 =	vmax.f32 v1, $0.0e+00;
	v8 =	vld [tilespmem:s12+$0xD0]  }
0x4f4: {  	[tilespmem:s14+$0x30] =	vst v1;
	v1 =	vld [tilespmem:s17+$0xD0]  }
0x4f5: {  	v11 =	vadd.f32 v58, v57;
	v3 =	vmax.f32 v3, $0.0e+00;
	v61 =	vld [tilespmem:s12+$0x40]  }
0x4f6: {  	[tilespmem:s14+$0xFFFFFFC0] =	vst v3;
	v3 =	vld [tilespmem:s17+$0x40]  }
0x4f7: {  	v11 =	vmax.f32 v11, $0.0e+00;
	v62 =	vld [tilespmem:s17+$0xFFFFFFD0];
	v5 =	vadd.f32 v5, v7  }
0x4f8: {  	v9 =	vadd.f32 v51, v50;
	[tilespmem:s0+$0x60] =	vst v11;
	v7 =	vld [tilespmem:s12+$0xFFFFFFD0]  }
0x4f9: {  	v11 =	vld [tilespmem:s11+$0x70];
	v5 =	vmax.f32 v5, $0.0e+00;
	v1 =	vadd.f32 v1, v8  }
0x4fa: {  	v9 =	vmax.f32 v9, $0.0e+00;
	v2 =	vadd.f32 v2, v60;
	v8 =	vld [tilespmem:s13+$0x70];
	[tilespmem:s14+$0xFFFFFF40] =	vst v5  }
0x4fb: {  	[tilespmem:s0+$0xF0] =	vst v9;
	v63 =	vadd.f32 v3, v61;
	v3 =	vld [tilespmem:s12+$0xFFFFFF50];
	v1 =	vmax.f32 v1, $0.0e+00  }
0x4fc: {  	v2 =	vmax.f32 v2, $0.0e+00;
	v4 =	vadd.f32 v4, v6;
	v5 =	vld [tilespmem:s17+$0xFFFFFF50];
	[tilespmem:s14+$0xD0] =	vst v1  }
0x4fd: {  	[tilespmem:s0+$0xFFFFFF70] =	vst v2;
	v1 =	vadd.f32 v62, v7;
	v6 =	vmax.f32 v63, $0.0e+00;
	v2 =	vld [tilespmem:s12+$0xE0]  }
0x4fe: {  	v7 =	vmax.f32 v4, $0.0e+00;
	[tilespmem:s14+$0x40] =	vst v6;
	v4 =	vld [tilespmem:s17+$0xE0]  }
0x4ff: {  	[tilespmem:s0+$0xFFFFFFF0] =	vst v7;
	v7 =	vmax.f32 v1, $0.0e+00;
	v6 =	vld [tilespmem:s12+$0x50];
	v1 =	vadd.f32 v11, v8  }
0x500: {  	s19 =	simm.s32 $0xD00;
	s11 =	simm.s32 $0x1B00;
	s13 =	simm.s32 $0x4;
	[tilespmem:s14+$0xFFFFFFD0] =	vst v7;
	v7 =	vld [tilespmem:s17+$0x50]  }
.LBB2_14:
0x501: {  	v8 =	vld [tilespmem:s19+$0x80];
	v3 =	vadd.f32 v5, v3;
	s17 =	sadd.s32 $0x200, s17;
	v1 =	vmax.f32 v1, $0.0e+00  }
0x502: {  	v5 =	vld [tilespmem:s17+$0x80];
	[tilespmem:s0+$0x70] =	vst v1;
	s0 =	smov.u32 s14  }
0x503: {  	v1 =	vld [tilespmem:s17+$0xFFFFFF00];
	v3 =	vmax.f32 v3, $0.0e+00;
	v2 =	vadd.f32 v4, v2  }
0x504: {  	v4 =	vld [tilespmem:s19+$0xFFFFFF80];
	[tilespmem:s14+$0xFFFFFF50] =	vst v3  }
0x505: {  	v3 =	vld [tilespmem:s17+$0xFFFFFF80];
	v6 =	vadd.f32 v7, v6;
	v2 =	vmax.f32 v2, $0.0e+00  }
0x506: {  	v7 =	vld [tilespmem:s19+$0x0];
	[tilespmem:s14+$0xE0] =	vst v2  }
0x507: {  	v2 =	vadd.f32 v5, v8;
	v5 =	vmax.f32 v6, $0.0e+00;
	v6 =	vld [tilespmem:s12+$0xF0]  }
0x508: {  	[tilespmem:s14+$0x50] =	vst v5;
	v5 =	vld [tilespmem:s11+$0xF0]  }
0x509: {  	s13 =	sadd.s32 $0x4, s13;
	s14 =	sadd.s32 $0x200, s14;
	v8 =	vld [tilespmem:s17+$0x0];
	v2 =	vmax.f32 v2, $0.0e+00  }
0x50a: {  	p0 =	slt.u32 s13, $0x1C;
	v9 =	vld [tilespmem:s19+$0xFFFFFF00];
	v3 =	vadd.f32 v3, v4;
	[tilespmem:s14+$0x80] =	vst v2  }
0x50b: {  	v2 =	vld [tilespmem:s19+$0x90]  }
0x50c: {  	v3 =	vmax.f32 v3, $0.0e+00;
	v4 =	vld [tilespmem:s17+$0x90]  }
0x50d: {  	[tilespmem:s14+$0xFFFFFF80] =	vst v3;
	v3 =	vld [tilespmem:s12+$0xFFFFFF60];
	v5 =	vadd.f32 v5, v6  }
0x50e: {  	v6 =	vld [tilespmem:s19+$0xFFFFFF90];
	v7 =	vadd.f32 v8, v7  }
0x50f: {  	v1 =	vadd.f32 v1, v9;
	v8 =	vld [tilespmem:s17+$0xFFFFFF90];
	v5 =	vmax.f32 v5, $0.0e+00  }
0x510: {  	v7 =	vmax.f32 v7, $0.0e+00;
	v9 =	vld [tilespmem:s11+$0xFFFFFF60];
	[tilespmem:s0+$0xF0] =	vst v5  }
0x511: {  	v1 =	vmax.f32 v1, $0.0e+00;
	[tilespmem:s14+$0x0] =	vst v7;
	v2 =	vadd.f32 v4, v2;
	v4 =	vld [tilespmem:s12+$0xFFFFFFE0]  }
0x512: {  	[tilespmem:s14+$0xFFFFFF00] =	vst v1;
	v1 =	vld [tilespmem:s19+$0x10]  }
0x513: {  	v5 =	vld [tilespmem:s19+$0xFFFFFF10];
	v2 =	vmax.f32 v2, $0.0e+00  }
0x514: {  	v7 =	vld [tilespmem:s17+$0xFFFFFF10];
	v6 =	vadd.f32 v8, v6;
	[tilespmem:s14+$0x90] =	vst v2  }
0x515: {  	v2 =	vld [tilespmem:s19+$0xA0];
	v3 =	vadd.f32 v9, v3  }
0x516: {  	v6 =	vmax.f32 v6, $0.0e+00;
	v8 =	vld [tilespmem:s17+$0xA0]  }
0x517: {  	[tilespmem:s14+$0xFFFFFF90] =	vst v6;
	v6 =	vld [tilespmem:s17+$0x10];
	v3 =	vmax.f32 v3, $0.0e+00  }
0x518: {  	v9 =	vld [tilespmem:s19+$0xFFFFFFA0];
	[tilespmem:s0+$0xFFFFFF60] =	vst v3  }
0x519: {  	v3 =	vadd.f32 v7, v5;
	v5 =	vld [tilespmem:s17+$0xFFFFFFA0]  }
0x51a: {  	v7 =	vld [tilespmem:s11+$0xFFFFFFE0]  }
0x51b: {  	v3 =	vmax.f32 v3, $0.0e+00;
	v2 =	vadd.f32 v8, v2;
	v8 =	vld [tilespmem:s12+$0x60]  }
0x51c: {  	[tilespmem:s14+$0xFFFFFF10] =	vst v3;
	v1 =	vadd.f32 v6, v1;
	v3 =	vld [tilespmem:s11+$0x60]  }
0x51d: {  	v6 =	vld [tilespmem:s19+$0xFFFFFF20];
	v2 =	vmax.f32 v2, $0.0e+00  }
0x51e: {  	v10 =	vld [tilespmem:s17+$0xFFFFFF20];
	v5 =	vadd.f32 v5, v9;
	v1 =	vmax.f32 v1, $0.0e+00;
	[tilespmem:s14+$0xA0] =	vst v2  }
0x51f: {  	[tilespmem:s14+$0x10] =	vst v1;
	v1 =	vld [tilespmem:s19+$0xB0];
	v2 =	vadd.f32 v7, v4  }
0x520: {  	v4 =	vmax.f32 v5, $0.0e+00;
	v5 =	vld [tilespmem:s17+$0xB0]  }
0x521: {  	[tilespmem:s14+$0xFFFFFFA0] =	vst v4;
	v4 =	vld [tilespmem:s19+$0x20];
	v2 =	vmax.f32 v2, $0.0e+00;
	v3 =	vadd.f32 v3, v8  }
0x522: {  	v7 =	vld [tilespmem:s17+$0x20];
	[tilespmem:s0+$0xFFFFFFE0] =	vst v2  }
0x523: {  	v2 =	vadd.f32 v10, v6;
	v6 =	vld [tilespmem:s19+$0xFFFFFFB0];
	v3 =	vmax.f32 v3, $0.0e+00  }
0x524: {  	v8 =	vld [tilespmem:s17+$0xFFFFFFB0];
	[tilespmem:s0+$0x60] =	vst v3  }
0x525: {  	v2 =	vmax.f32 v2, $0.0e+00;
	v1 =	vadd.f32 v5, v1;
	v3 =	vld [tilespmem:s12+$0xFFFFFF70]  }
0x526: {  	[tilespmem:s14+$0xFFFFFF20] =	vst v2;
	v2 =	vld [tilespmem:s11+$0xFFFFFF70]  }
0x527: {  	v5 =	vld [tilespmem:s19+$0xFFFFFF30];
	v4 =	vadd.f32 v7, v4;
	v1 =	vmax.f32 v1, $0.0e+00  }
0x528: {  	v7 =	vld [tilespmem:s17+$0xFFFFFF30];
	[tilespmem:s14+$0xB0] =	vst v1  }
0x529: {  	v1 =	vadd.f32 v8, v6;
	v4 =	vmax.f32 v4, $0.0e+00;
	v6 =	vld [tilespmem:s19+$0xC0]  }
0x52a: {  	[tilespmem:s14+$0x20] =	vst v4;
	v4 =	vld [tilespmem:s17+$0xC0]  }
0x52b: {  	v1 =	vmax.f32 v1, $0.0e+00;
	v8 =	vld [tilespmem:s19+$0x30];
	v2 =	vadd.f32 v2, v3  }
0x52c: {  	[tilespmem:s14+$0xFFFFFFB0] =	vst v1;
	v1 =	vld [tilespmem:s17+$0x30]  }
0x52d: {  	v3 =	vadd.f32 v7, v5;
	v5 =	vld [tilespmem:s19+$0xFFFFFFC0];
	v2 =	vmax.f32 v2, $0.0e+00  }
0x52e: {  	v7 =	vld [tilespmem:s17+$0xFFFFFFC0];
	[tilespmem:s0+$0xFFFFFF70] =	vst v2  }
0x52f: {  	v2 =	vmax.f32 v3, $0.0e+00;
	v3 =	vadd.f32 v4, v6;
	v4 =	vld [tilespmem:s12+$0xFFFFFFF0]  }
0x530: {  	[tilespmem:s14+$0xFFFFFF30] =	vst v2;
	v2 =	vld [tilespmem:s11+$0xFFFFFFF0]  }
0x531: {  	v6 =	vld [tilespmem:s19+$0xFFFFFF40];
	v1 =	vadd.f32 v1, v8;
	v3 =	vmax.f32 v3, $0.0e+00  }
0x532: {  	v8 =	vld [tilespmem:s17+$0xFFFFFF40];
	[tilespmem:s14+$0xC0] =	vst v3  }
0x533: {  	v3 =	vadd.f32 v7, v5;
	v1 =	vmax.f32 v1, $0.0e+00;
	v5 =	vld [tilespmem:s19+$0xD0]  }
0x534: {  	[tilespmem:s14+$0x30] =	vst v1;
	v1 =	vld [tilespmem:s17+$0xD0]  }
0x535: {  	v3 =	vmax.f32 v3, $0.0e+00;
	v7 =	vld [tilespmem:s19+$0x40];
	v2 =	vadd.f32 v2, v4  }
0x536: {  	[tilespmem:s14+$0xFFFFFFC0] =	vst v3;
	v4 =	vld [tilespmem:s17+$0x40]  }
0x537: {  	v3 =	vadd.f32 v8, v6;
	v6 =	vld [tilespmem:s19+$0xFFFFFFD0];
	v2 =	vmax.f32 v2, $0.0e+00  }
0x538: {  	v8 =	vld [tilespmem:s17+$0xFFFFFFD0];
	[tilespmem:s0+$0xFFFFFFF0] =	vst v2  }
0x539: {  	v2 =	vmax.f32 v3, $0.0e+00;
	v1 =	vadd.f32 v1, v5;
	v9 =	vld [tilespmem:s12+$0x70];
	s12 =	smov.u32 s19  }
0x53a: {  	[tilespmem:s14+$0xFFFFFF40] =	vst v2;
	v10 =	vld [tilespmem:s11+$0x70];
	s11 =	smov.u32 s17  }
0x53b: {  	v3 =	vld [tilespmem:s19+$0xFFFFFF50];
	v2 =	vadd.f32 v4, v7;
	v1 =	vmax.f32 v1, $0.0e+00  }
.Ltmp6:
0x53c: {  	v5 =	vld [tilespmem:s17+$0xFFFFFF50];
	[tilespmem:s14+$0xD0] =	vst v1;
	(pc) =	sbr.rel @p0 .LBB2_14-.Ltmp6, $4  }
0x53d: {  	v1 =	vadd.f32 v8, v6;
	v4 =	vmax.f32 v2, $0.0e+00;
	v2 =	vld [tilespmem:s19+$0xE0]  }
0x53e: {  	[tilespmem:s14+$0x40] =	vst v4;
	v4 =	vld [tilespmem:s17+$0xE0]  }
0x53f: {  	v7 =	vmax.f32 v1, $0.0e+00;
	v6 =	vld [tilespmem:s19+$0x50];
	v1 =	vadd.f32 v10, v9  }
0x540: {  	s19 =	sadd.s32 $0x200, s19;
	[tilespmem:s14+$0xFFFFFFD0] =	vst v7;
	v7 =	vld [tilespmem:s17+$0x50]  }
0x541: {  	v3 =	vadd.f32 v5, v3;
	_ =	sdelay $0x1  }
0x542: {  	v3 =	vmax.f32 v3, $0.0e+00  }
0x543: {  	[tilespmem:s14+$0xFFFFFF50] =	vst v3  }
0x544: {  	v3 =	vadd.f32 v7, v6;
	v56 =	vld [tilespmem:s12+$0xFFFFFF60]  }
0x545: {  	v57 =	vld [tilespmem:s11+$0xFFFFFF60]  }
0x546: {  	v58 =	vld [tilespmem:s12+$0xFFFFFFE0];
	v3 =	vmax.f32 v3, $0.0e+00  }
0x547: {  	[tilespmem:s14+$0x50] =	vst v3;
	v3 =	vld [tilespmem:s11+$0xFFFFFFE0]  }
0x548: {  	v2 =	vadd.f32 v4, v2;
	v59 =	vld [tilespmem:s12+$0x60]  }
0x549: {  	v8 =	vld [tilespmem:s11+$0x60]  }
0x54a: {  	v2 =	vmax.f32 v2, $0.0e+00;
	v5 =	vadd.f32 v57, v56  }
0x54b: {  	[tilespmem:s14+$0xE0] =	vst v2  }
0x54c: {  	v2 =	vld [tilespmem:s12+$0xF0];
	v5 =	vmax.f32 v5, $0.0e+00;
	v3 =	vadd.f32 v3, v58  }
0x54d: {  	v60 =	vld [tilespmem:s11+$0xF0];
	[tilespmem:s14+$0xFFFFFF60] =	vst v5  }
0x54e: {  	v4 =	vadd.f32 v8, v59;
	v5 =	vld [tilespmem:s12+$0xFFFFFF70];
	v3 =	vmax.f32 v3, $0.0e+00  }
0x54f: {  	[tilespmem:s14+$0xFFFFFFE0] =	vst v3;
	v3 =	vld [tilespmem:s11+$0xFFFFFF70]  }
0x550: {  	v4 =	vmax.f32 v4, $0.0e+00;
	v61 =	vld [tilespmem:s12+$0xFFFFFFF0]  }
0x551: {  	[tilespmem:s14+$0x60] =	vst v4;
	v62 =	vld [tilespmem:s11+$0xFFFFFFF0]  }
0x552: {  	v63 =	vld [tilespmem:s12+$0x70]  }
0x553: {  	v9 =	vld [tilespmem:s11+$0x70];
	_ =	sdelay $0x1  }
0x554: {  	v2 =	vadd.f32 v60, v2  }
0x555: {  	v1 =	vmax.f32 v1, $0.0e+00;
	v3 =	vadd.f32 v3, v5  }
0x556: {  	[tilespmem:s0+$0x70] =	vst v1;
	v1 =	vmax.f32 v2, $0.0e+00;
	v2 =	vadd.f32 v62, v61  }
0x557: {  	[tilespmem:s14+$0xF0] =	vst v1;
	v1 =	vmax.f32 v3, $0.0e+00;
	v3 =	vadd.f32 v9, v63  }
0x558: {  	[tilespmem:s14+$0xFFFFFF70] =	vst v1;
	v1 =	vmax.f32 v2, $0.0e+00  }
0x559: {  	[tilespmem:s14+$0xFFFFFFF0] =	vst v1;
	v1 =	vmax.f32 v3, $0.0e+00  }
0x55a: {  	s19 =	simm.s32 $0x200;
	[tilespmem:s14+$0x70] =	vst v1  }
0x55b: {  	[spmem:s2] =	stream.indirect.scatter.add.f32 [tilespmem:s3], [sflag:$0x5], $0x80, s19, s10, $0xb8;
	[tilespmem:$0x1A800] =	vst v63  }
0x55c: {  	_ =	swait.ge [sflag:s18], $0x1000  }
0x55d: {  	[sflag:s18] =	ssyncset.done $0x0  }
0x55e: {  	[sflag:s18] =	ssyncadd.s32 $0xFFFFF000  }
0x55f: {  	_ =	swait.ge [sflag:s20], $0x1000  }
0x560: {  	[sflag:s20] =	ssyncset.done $0x0  }
0x561: {  	[sflag:s20] =	ssyncadd.s32 $0xFFFFF000  }
0x562: {  	[bflag:$0x0] =	sbarrier.arrive $0xFFFF  }
0x563: {  	s17 =	rddreg [dreg:$0x8]  }
0x564: {  	[tilespmem:s3], [sflag:$0x7] =	stream.linear.gather [spmem:s17], $0x1000, $0x38;
	[tilespmem:$0x1A800] =	vst v63  }
0x565: {  	_ =	swait.ge [sflag:s8], $0x1000  }
0x566: {  	s26 =	sadd.s32 $0x0, s31;
	[sflag:s8] =	ssyncset.done $0x0  }
0x567: {  	s23 =	simm.s32 $0x600;
	s25 =	simm.s32 $0x3800;
	[sflag:s8] =	ssyncadd.s32 $0xFFFFF000  }
0x568: {  	[hbm4b:s26+s4] =	stream.linear.scatter [tilespmem:s3], [sflag:$0x7], $0x1000, $0x38;
	[tilespmem:$0x1A800] =	vst v63  }
0x569: {  	s30 =	simm.s32 $0x80;
	s0 =	simm.s32 $0x200;
	_ =	swait.ge [sflag:s8], $0x1000  }
0x56a: {  	s11 =	smov.u32 s17;
	s26 =	simm.s32 $0x4800;
	[sflag:s8] =	ssyncset.done $0x0  }
.LBB2_16:
0x56b: {  	p0 =	sne.s32 s0, $0x2600;
	[sflag:s8] =	ssyncadd.s32 $0xFFFFF000;
	s11 =	sadd.s32 $0x1000, s11  }
0x56c: {  	[tilespmem:s3], [sflag:$0x7] =	stream.linear.gather [spmem:s11], $0x1000, $0x38;
	[tilespmem:$0x1A800] =	vst v63  }
0x56d: {  	s12 =	smov.u32 s0;
	s0 =	sadd.s32 $0x200, s0;
	_ =	swait.ge [sflag:s8], $0x1000  }
.Ltmp7:
0x56e: {  	[sflag:s8] =	ssyncset.done $0x0;
	(pc) =	sbr.rel @p0 .LBB2_16-.Ltmp7, $4  }
0x56f: {  	s12 =	sadd.s32 s12, s31;
	[sflag:s8] =	ssyncadd.s32 $0xFFFFF000  }
0x570: {  	[hbm4b:s12+s4] =	stream.linear.scatter [tilespmem:s3], [sflag:$0x7], $0x1000, $0x38;
	[tilespmem:$0x1A800] =	vst v63  }
0x571: {  	_ =	swait.ge [sflag:s8], $0x1000  }
0x572: {  	[sflag:s8] =	ssyncset.done $0x0  }
0x573: {  	s11 =	sld [smem:$0x7F3];
	_ =	sdelay $0x2  }
0x574: {  	s0 =	rddreg [dreg:$0x16];
	s11 =	sadd.s32 $0x1, s11  }
0x575: {  	p0 =	sne.s32 s11, s0  }
.Ltmp8:
0x576: {  	_ = 	snop;
	(pc) =	sbr.rel @p0 .LBB2_1-.Ltmp8, $2  }
0x577: {  	_ =	sdelay $0x2  }
0x578: {  	[sflag:s8] =	ssyncadd.s32 $0xFFFFF000;
	s12 =	simm.s32 $0x400;
	s24 =	simm.s32 $0x2  }
0x579: {  	_ =	sfence.sel $0x180000  }
0x57a: {  	[bflag:$0x0] =	sbarrier.arrive $0xFFFF  }
0x57b: {  	_ =	strace $0x90000047  }
0x57c: {  	s0 =	stileid.u32;
	[bflag:$0x2] =	sbarrier.arrive $0xFFFF  }
0x57d: {  	p0 =	sne.s32 s0, $0x0;
	s0 =	rddreg [dreg:$0x3]  }
0x57e: {  	s0 =	sadd.s32 @!p0 $0x100000, s0  }
0x57f: {  	[sflag:s0] =	ssyncadd.tile.s32 @!p0 $0x1;
	_ =	shalt  }
.Lfunc_end2:
_tile_overlayer_lowered:
.L_overlay_start_2:
0x580: {  	(tag) =	ssettag $0x2  }
0x581: {  	s0 =	rddreg [dreg:$0x0];
	s2 =	stileid.u32  }
0x582: {  	s1 =	rddreg [dreg:$0x1];
	p0 =	sne.s32 s2, $0x0  }
0x583: {  	s3 =	rddreg [dreg:$0x2];
	[bflag:$0x3] =	sbarrier.arrive $0xFFFF;
	s2 =	simm.s32 @!p0 $0x1C07  }
0x584: {  	[timem:s3], [sflag:s2] =	dma.local @!p0 [hbm:s0], s1  }
0x585: {  	s0 =	simm.s32 @!p0 $0x7  }
0x586: {  	_ =	swait.ge @!p0 [sflag:s0], s1  }
0x587: {  	s1 =	ssub.s32 @!p0 $0x0, s1;
	[sflag:s0] =	ssyncset.done @!p0 $0x0  }
0x588: {  	[sflag:s0] =	ssyncadd.s32 @!p0 s1  }
0x589: {  	[bflag:$0x3] =	sbarrier.arrive $0xFFFF  }
0x58a: {  	_ =	shalt  }

</sc_bundles>
